<compile_context>
chip_gen: v7x
topology: tpu7x:2x2x1
jax: 0.10.2.dev20260603
libtpu: 0.0.44.dev20260713+nightly
codegen_flags: <defaults>
</compile_context>

<pallas_src>
import functools

import jax
import jax.numpy as jnp
from jax import lax
from jax.experimental import pallas as pl
from jax.experimental.pallas import tpu as pltpu
from jax.experimental.pallas import tpu_sc as plsc

N = 10000
NPAD = 10240
NFEAT = 128
HEADS = 8
NHID = 64
H1 = HEADS * NHID
NCLASS = 40
C2 = 48
BN = 1024
BNE = 4096
F32 = jnp.float32
PREC = lax.Precision.HIGHEST



def _dot3(a, b):
    bf = jnp.bfloat16
    return jnp.dot(a.astype(bf), b.astype(bf), preferred_element_type=F32)


def _tc1_body(x_ref, w_ref, afs_ref, afd_ref, h_ref, as_ref, ad_ref):
    h = _dot3(x_ref[...], w_ref[...])
    as_ref[...] = _dot3(h, afs_ref[...])
    ad_ref[...] = _dot3(h, afd_ref[...])
    for ci in range(8):
        h_ref[ci] = h[:, ci * 64:(ci + 1) * 64]


def _tcx_body(e_ref, x_ref):
    e = e_ref[...]
    e = jnp.where(e >= 0.0, e, 0.2 * e)
    x_ref[...] = jnp.exp(e)


def _tc2_body(h_ref, b1_ref, w2_ref, afs_ref, afd_ref,
              g_ref, as_ref, ad_ref):
    hc = h_ref[...] + b1_ref[...]
    hc = jnp.where(hc > 0.0, hc, jnp.exp(hc) - 1.0)
    acc = _dot3(hc, w2_ref[...])
    g_ref[...] = acc
    as_ref[...] = _dot3(acc, afs_ref[...])
    ad_ref[...] = _dot3(acc, afd_ref[...])


def _tc3_body(pa_ref, pb_ref, b2_ref, o_ref):
    z = pa_ref[...] + pb_ref[...]
    z = z[:, :NCLASS] + b2_ref[...]
    m = jnp.max(z, axis=1, keepdims=True)
    o_ref[...] = z - m - jnp.log(jnp.sum(jnp.exp(z - m), axis=1,
                                         keepdims=True))



_GDN = lax.GatherDimensionNumbers(offset_dims=(), collapsed_slice_dims=(0,),
                                  start_index_map=(0,))


def _splat(vec, lane):
    idx = jnp.full((16, 1), lane, dtype=jnp.int32)
    return lax.gather(vec, idx, _GDN, (1,),
                      mode=lax.GatherScatterMode.PROMISE_IN_BOUNDS)


def _load_rows(hbm, vbuf, ria, rib, base, nrows):
    iota = lax.iota(jnp.int32, 16)
    n1 = min(nrows, 128)
    for v in range((n1 + 15) // 16):
        ria[pl.ds(v * 16, 16)] = iota + (base + v * 16)
    pltpu.sync_copy(hbm.at[ria.at[pl.ds(0, n1)]], vbuf.at[pl.ds(0, n1)])
    if nrows > 128:
        n2 = nrows - 128
        for v in range((n2 + 15) // 16):
            rib[pl.ds(v * 16, 16)] = iota + (base + 128 + v * 16)
        pltpu.sync_copy(hbm.at[rib.at[pl.ds(0, n2)]],
                        vbuf.at[pl.ds(128, n2)])


def _recip(d):
    r0 = 1.0 / d
    return r0 * (2.0 - d * r0)



def _sce_body(RW, asrc_hbm, adst_hbm, src_hbm, dst_hbm, e_hbm,
              srcw, dstw, arow, brow, erow, ria, rib):
    c = lax.axis_index("c")
    t = lax.axis_index("s")
    w = c * 16 + t
    _load_rows(src_hbm, srcw, ria, rib, w * RW, RW)
    _load_rows(dst_hbm, dstw, ria, rib, w * RW, RW)

    def _pe(b, carry):
        pltpu.sync_copy(asrc_hbm.at[srcw.at[b]], arow)
        pltpu.sync_copy(adst_hbm.at[dstw.at[b]], brow)

        def _cmp(i, cc):
            erow[i] = arow[i] + brow[i]
            return cc
        lax.fori_loop(0, 128, _cmp, 0)
        pltpu.sync_copy(erow, e_hbm.at[pl.ds((w * RW + b) * 128, 128)])
        return carry
    lax.fori_loop(0, RW, _pe, 0)


def _scm1_body(RT, hflat_hbm, ex_hbm, src_hbm, dst_hbm, z16_hbm, z64_hbm,
               out_hbm, denom_sp, acc_sp, srcv, dstv, exv, dnv, rowsv,
               gidxv, ria, rib):
    c = lax.axis_index("c")
    t = lax.axis_index("s")

    def _zd(j, carry):
        pltpu.sync_copy(z16_hbm, denom_sp.at[pl.ds(t * 640 + j * 128, 128)])
        return carry
    lax.fori_loop(0, 5, _zd, 0)

    _load_rows(src_hbm, srcv, ria, rib, t * RT, RT)
    _load_rows(dst_hbm, dstv, ria, rib, t * RT, RT)
    plsc.subcore_barrier()

    def _pa(b, carry):
        pltpu.sync_copy(ex_hbm.at[pl.ds((t * RT + b) * 128, 128)], exv)
        pltpu.sync_copy(exv, denom_sp.at[dstv.at[b]], add=True)
        return carry
    lax.fori_loop(0, RT, _pa, 0)
    plsc.subcore_barrier()

    for k in range(4):
        g = 4 * c + k

        def _za(j, carry):
            pltpu.sync_copy(z64_hbm, acc_sp.at[pl.ds(t * 640 + j * 128, 128)])
            return carry
        lax.fori_loop(0, 5, _za, 0)
        plsc.subcore_barrier()

        def _pb(b, carry):
            def _gi(i, cc):
                gidxv[pl.ds(i * 16, 16)] = (
                    srcv[b, pl.ds(i * 16, 16)] + g * NPAD)
                return cc
            lax.fori_loop(0, 8, _gi, 0)
            pltpu.sync_copy(hflat_hbm.at[gidxv], rowsv)
            pltpu.sync_copy(ex_hbm.at[pl.ds((t * RT + b) * 128, 128)], exv)
            pltpu.sync_copy(denom_sp.at[dstv.at[b]], dnv)

            def _sc(i, cc):
                al = exv[i] * _recip(dnv[i] + 1e-16)
                s0 = _splat(al, g)
                for v in range(4):
                    rowsv[i, pl.ds(v * 16, 16)] = (
                        rowsv[i, pl.ds(v * 16, 16)] * s0)
                return cc
            lax.fori_loop(0, 128, _sc, 0)
            pltpu.sync_copy(rowsv, acc_sp.at[dstv.at[b]], add=True)
            return carry
        lax.fori_loop(0, RT, _pb, 0)
        plsc.subcore_barrier()

        def _wr(j, carry):
            r0 = t * 640 + j * 128
            pltpu.sync_copy(acc_sp.at[pl.ds(r0, 128)],
                            out_hbm.at[g, pl.ds(r0, 128)])
            return carry
        lax.fori_loop(0, 5, _wr, 0)
        if k < 3:
            plsc.subcore_barrier()


def _scm2_body(RT, RW, g_hbm, ex_hbm, src_hbm, dst_hbm, z16_hbm, z48_hbm,
               out_hbm, denom_sp, acc_sp, dstv, srcw, dstw, exv, dnv,
               rowsv, ria, rib):
    c = lax.axis_index("c")
    t = lax.axis_index("s")
    w = c * 16 + t

    def _zd(j, carry):
        pltpu.sync_copy(z16_hbm, denom_sp.at[pl.ds(t * 640 + j * 128, 128)])
        return carry
    lax.fori_loop(0, 5, _zd, 0)

    def _za(j, carry):
        pltpu.sync_copy(z48_hbm, acc_sp.at[pl.ds(t * 640 + j * 128, 128)])
        return carry
    lax.fori_loop(0, 5, _za, 0)

    _load_rows(dst_hbm, dstv, ria, rib, t * RT, RT)
    _load_rows(src_hbm, srcw, ria, rib, w * RW, RW)
    _load_rows(dst_hbm, dstw, ria, rib, w * RW, RW)
    plsc.subcore_barrier()

    def _pa(b, carry):
        pltpu.sync_copy(ex_hbm.at[pl.ds((t * RT + b) * 128, 128)], exv)
        pltpu.sync_copy(exv, denom_sp.at[dstv.at[b]], add=True)
        return carry
    lax.fori_loop(0, RT, _pa, 0)
    plsc.subcore_barrier()

    def _pb(b, carry):
        pltpu.sync_copy(g_hbm.at[srcw.at[b]], rowsv)
        pltpu.sync_copy(ex_hbm.at[pl.ds((w * RW + b) * 128, 128)], exv)
        pltpu.sync_copy(denom_sp.at[dstw.at[b]], dnv)

        def _sc(i, cc):
            al = exv[i] * _recip(dnv[i] + 1e-16)
            s0 = _splat(al, 0)
            for v in range(3):
                rowsv[i, pl.ds(v * 16, 16)] = (
                    rowsv[i, pl.ds(v * 16, 16)] * s0)
            return cc
        lax.fori_loop(0, 128, _sc, 0)
        pltpu.sync_copy(rowsv, acc_sp.at[dstw.at[b]], add=True)
        return carry
    lax.fori_loop(0, RW, _pb, 0)
    plsc.subcore_barrier()

    def _wr(j, carry):
        r0 = t * 640 + j * 128
        pltpu.sync_copy(acc_sp.at[pl.ds(r0, 128)],
                        out_hbm.at[c, pl.ds(r0, 128)])
        return carry
    lax.fori_loop(0, 5, _wr, 0)



def kernel(x, edge_index, W1, att_src1, att_dst1, b1, W2, att_src2,
           att_dst2, b2):
    n = x.shape[0]
    x_pad = jnp.pad(x, ((0, NPAD - n), (0, 0)))

    loop = jnp.arange(n, dtype=edge_index.dtype)
    ei = jnp.concatenate([edge_index, jnp.stack([loop, loop], axis=0)],
                         axis=1)
    e_tot = ei.shape[1]
    epad = ((e_tot + 4095) // 4096) * 4096
    fill = jnp.full((2, epad - e_tot), NPAD - 1, dtype=jnp.int32)
    ei = jnp.concatenate([ei.astype(jnp.int32), fill], axis=1)
    RT = epad // (16 * 128)
    RW = epad // (32 * 128)
    srcf = ei[0].reshape(epad // 128, 128)
    dstf = ei[1].reshape(epad // 128, 128)

    mesh = plsc.VectorSubcoreMesh(core_axis_name="c", subcore_axis_name="s")
    cp = pltpu.CompilerParams(use_tc_tiling_on_sc=False)
    z16 = jnp.zeros((128, 16), F32)
    z48 = jnp.zeros((128, C2), F32)
    z64 = jnp.zeros((128, 64), F32)

    eye8 = jnp.eye(8, 16, dtype=F32)
    afs1 = (att_src1[0][:, :, None] * eye8[:, None, :]).reshape(H1, 16)
    afd1 = (att_dst1[0][:, :, None] * eye8[:, None, :]).reshape(H1, 16)

    grid = NPAD // BN
    h1c, as1, ad1 = pl.pallas_call(
        _tc1_body,
        grid=(grid,),
        in_specs=[
            pl.BlockSpec((BN, NFEAT), lambda i: (i, 0)),
            pl.BlockSpec((NFEAT, H1), lambda i: (0, 0)),
            pl.BlockSpec((H1, 16), lambda i: (0, 0)),
            pl.BlockSpec((H1, 16), lambda i: (0, 0)),
        ],
        out_specs=[
            pl.BlockSpec((8, BN, 64), lambda i: (0, i, 0)),
            pl.BlockSpec((BN, 16), lambda i: (i, 0)),
            pl.BlockSpec((BN, 16), lambda i: (i, 0)),
        ],
        out_shape=[
            jax.ShapeDtypeStruct((8, NPAD, 64), F32),
            jax.ShapeDtypeStruct((NPAD, 16), F32),
            jax.ShapeDtypeStruct((NPAD, 16), F32),
        ],
    )(x_pad, W1, afs1, afd1)

    hflat = h1c.reshape(8 * NPAD, 64)

    sce = pl.kernel(
        functools.partial(_sce_body, RW),
        out_type=jax.ShapeDtypeStruct((epad, 16), F32),
        mesh=mesh,
        compiler_params=cp,
        scratch_types=[
            pltpu.VMEM((RW, 128), jnp.int32),
            pltpu.VMEM((RW, 128), jnp.int32),
            pltpu.VMEM((128, 16), F32),
            pltpu.VMEM((128, 16), F32),
            pltpu.VMEM((128, 16), F32),
            pltpu.VMEM((128,), jnp.int32),
            pltpu.VMEM((48,), jnp.int32),
        ],
    )

    def _exp_map(e):
        return pl.pallas_call(
            _tcx_body,
            grid=(epad // BNE,),
            in_specs=[pl.BlockSpec((BNE, 16), lambda i: (i, 0))],
            out_specs=pl.BlockSpec((BNE, 16), lambda i: (i, 0)),
            out_shape=jax.ShapeDtypeStruct((epad, 16), F32),
        )(e)

    e1 = sce(as1, ad1, srcf, dstf)
    ex1 = _exp_map(e1)

    scm1 = pl.kernel(
        functools.partial(_scm1_body, RT),
        out_type=jax.ShapeDtypeStruct((8, NPAD, 64), F32),
        mesh=mesh,
        compiler_params=cp,
        scratch_types=[
            pltpu.VMEM_SHARED((NPAD, 16), F32),
            pltpu.VMEM_SHARED((NPAD, 64), F32),
            pltpu.VMEM((RT, 128), jnp.int32),
            pltpu.VMEM((RT, 128), jnp.int32),
            pltpu.VMEM((128, 16), F32),
            pltpu.VMEM((128, 16), F32),
            pltpu.VMEM((128, 64), F32),
            pltpu.VMEM((128,), jnp.int32),
            pltpu.VMEM((128,), jnp.int32),
            pltpu.VMEM((48,), jnp.int32),
        ],
    )
    out1 = scm1(hflat, ex1, srcf, dstf, z16, z64)

    h1cat = out1.transpose(1, 0, 2).reshape(NPAD, H1)
    b1r = b1.reshape(1, H1)
    w2p = jnp.pad(W2, ((0, 0), (0, C2 - NCLASS)))
    afs2 = jnp.zeros((C2, 16), F32).at[:NCLASS, 0].set(
        att_src2.reshape(NCLASS))
    afd2 = jnp.zeros((C2, 16), F32).at[:NCLASS, 0].set(
        att_dst2.reshape(NCLASS))

    gpad, as2, ad2 = pl.pallas_call(
        _tc2_body,
        grid=(grid,),
        in_specs=[
            pl.BlockSpec((BN, H1), lambda i: (i, 0)),
            pl.BlockSpec((1, H1), lambda i: (0, 0)),
            pl.BlockSpec((H1, C2), lambda i: (0, 0)),
            pl.BlockSpec((C2, 16), lambda i: (0, 0)),
            pl.BlockSpec((C2, 16), lambda i: (0, 0)),
        ],
        out_specs=[
            pl.BlockSpec((BN, C2), lambda i: (i, 0)),
            pl.BlockSpec((BN, 16), lambda i: (i, 0)),
            pl.BlockSpec((BN, 16), lambda i: (i, 0)),
        ],
        out_shape=[
            jax.ShapeDtypeStruct((NPAD, C2), F32),
            jax.ShapeDtypeStruct((NPAD, 16), F32),
            jax.ShapeDtypeStruct((NPAD, 16), F32),
        ],
    )(h1cat, b1r, w2p, afs2, afd2)

    e2 = sce(as2, ad2, srcf, dstf)
    ex2 = _exp_map(e2)

    scm2 = pl.kernel(
        functools.partial(_scm2_body, RT, RW),
        out_type=jax.ShapeDtypeStruct((2, NPAD, C2), F32),
        mesh=mesh,
        compiler_params=cp,
        scratch_types=[
            pltpu.VMEM_SHARED((NPAD, 16), F32),
            pltpu.VMEM_SHARED((NPAD, C2), F32),
            pltpu.VMEM((RT, 128), jnp.int32),
            pltpu.VMEM((RW, 128), jnp.int32),
            pltpu.VMEM((RW, 128), jnp.int32),
            pltpu.VMEM((128, 16), F32),
            pltpu.VMEM((128, 16), F32),
            pltpu.VMEM((128, C2), F32),
            pltpu.VMEM((128,), jnp.int32),
            pltpu.VMEM((48,), jnp.int32),
        ],
    )
    out2p = scm2(gpad, ex2, srcf, dstf, z16, z48)

    b2r = b2.reshape(1, NCLASS)
    out2f = out2p.reshape(2 * NPAD, C2)
    nb = NPAD // BN
    out = pl.pallas_call(
        _tc3_body,
        grid=(grid,),
        in_specs=[
            pl.BlockSpec((BN, C2), lambda i: (i, 0)),
            pl.BlockSpec((BN, C2), lambda i: (i + nb, 0)),
            pl.BlockSpec((1, NCLASS), lambda i: (0, 0)),
        ],
        out_specs=pl.BlockSpec((BN, NCLASS), lambda i: (i, 0)),
        out_shape=jax.ShapeDtypeStruct((NPAD, NCLASS), F32),
    )(out2f, out2f, b2r)

    return out[:n]

# --- scband reference (transcript-rebuilt; emitter-appended) ---
"""Pipeline reference for scband-gat-82935818486070 (READ-ONLY COPY).

The authoritative reference and input builder live on the scoring server;
editing this copy changes nothing except your own understanding.
"""

import jax, jax.numpy as jnp
import numpy as np

N = 10000
E = 320000
NFEAT = 128
NHID = 64
HEADS = 8
NCLASS = 40


def setup_inputs(seed: int = 0) -> dict:
    key = jax.random.key(seed)
    ks = jax.random.split(key, 10)
    x = jax.random.normal(ks[0], (N, NFEAT), dtype=jnp.float32)
    edge_index = jax.random.randint(ks[1], (2, E), 0, N, dtype=jnp.int32)
    W1 = jax.random.normal(ks[2], (NFEAT, HEADS * NHID), dtype=jnp.float32) * 0.05
    att_src1 = jax.random.normal(ks[3], (1, HEADS, NHID), dtype=jnp.float32) * 0.05
    att_dst1 = jax.random.normal(ks[4], (1, HEADS, NHID), dtype=jnp.float32) * 0.05
    b1 = jnp.zeros((HEADS * NHID,), dtype=jnp.float32)
    W2 = jax.random.normal(ks[5], (HEADS * NHID, 1 * NCLASS), dtype=jnp.float32) * 0.05
    att_src2 = jax.random.normal(ks[6], (1, 1, NCLASS), dtype=jnp.float32) * 0.05
    att_dst2 = jax.random.normal(ks[7], (1, 1, NCLASS), dtype=jnp.float32) * 0.05
    b2 = jnp.zeros((NCLASS,), dtype=jnp.float32)
    return {"x": x, "edge_index": edge_index, "W1": W1, "att_src1": att_src1,
            "att_dst1": att_dst1, "b1": b1, "W2": W2, "att_src2": att_src2,
            "att_dst2": att_dst2, "b2": b2}


def _gat_conv(x, edge_index, W, att_src, att_dst, bias, heads, out_ch, concat):
    # Faithful PyG GATConv (v1): linear -> per-edge additive attention with
    # leaky_relu(0.2) -> softmax over incoming edges per dst -> weighted sum.
    # add_self_loops=True (PyG default). Dropout is identity in eval mode.
    n = x.shape[0]
    loop = jnp.arange(n, dtype=edge_index.dtype)
    ei = jnp.concatenate([edge_index, jnp.stack([loop, loop], axis=0)], axis=1)
    src, dst = ei[0], ei[1]
    h = (x @ W).reshape(n, heads, out_ch)
    a_src = jnp.sum(h * att_src, axis=-1)  # [n, heads]
    a_dst = jnp.sum(h * att_dst, axis=-1)  # [n, heads]
    e = jax.nn.leaky_relu(a_src[src] + a_dst[dst], negative_slope=0.2)  # [E, heads]
    emax = jax.lax.stop_gradient(jax.ops.segment_max(e, dst, num_segments=n))
    ex = jnp.exp(e - emax[dst])
    denom = jax.ops.segment_sum(ex, dst, num_segments=n)
    alpha = ex / (denom[dst] + 1e-16)
    msg = h[src] * alpha[:, :, None]  # [E, heads, out_ch]
    out = jax.ops.segment_sum(msg, dst, num_segments=n)
    if concat:
        out = out.reshape(n, heads * out_ch)
    else:
        out = out.mean(axis=1)
    return out + bias


def reference(x, edge_index, W1, att_src1, att_dst1, b1, W2, att_src2, att_dst2, b2):
    h = jax.nn.elu(_gat_conv(x, edge_index, W1, att_src1, att_dst1, b1, HEADS, NHID, True))
    out = _gat_conv(h, edge_index, W2, att_src2, att_dst2, b2, 1, NCLASS, False)
    return jax.nn.log_softmax(out, axis=1)

if __name__ == "__main__":
    import jax
    _d = setup_inputs()
    print(jax.jit(kernel)(*tuple(_d.values())))

</pallas_src>

<mosaic_0001>
#map = affine_map<(d0, d1) -> (0, 0)>
module attributes {stable_mosaic.version = 14 : i64} {
  func.func @_sce_body(%arg0: i32, %arg1: i32, %arg2: memref<10240x16xf32, #tpu.memory_space<hbm>>, %arg3: memref<10240x16xf32, #tpu.memory_space<hbm>>, %arg4: memref<2592x128xi32, #tpu.memory_space<hbm>>, %arg5: memref<2592x128xi32, #tpu.memory_space<hbm>>, %arg6: memref<331776x16xf32, #tpu.memory_space<hbm>>, %arg7: memref<81x128xi32, #tpu.memory_space<vmem>>, %arg8: memref<81x128xi32, #tpu.memory_space<vmem>>, %arg9: memref<128x16xf32, #tpu.memory_space<vmem>>, %arg10: memref<128x16xf32, #tpu.memory_space<vmem>>, %arg11: memref<128x16xf32, #tpu.memory_space<vmem>>, %arg12: memref<128xi32, #tpu.memory_space<vmem>>, %arg13: memref<48xi32, #tpu.memory_space<vmem>>) attributes {dimension_semantics = [#tpu.dimension_semantics<core_parallel>, #tpu.dimension_semantics<subcore_parallel>], iteration_bounds = array<i64: 2, 16>, scalar_prefetch = 0 : i64, scratch_operands = 7 : i64, tpu.core_type = #tpu.core_type<sc_vector_subcore>, window_params = [{transform_indices = #map}, {transform_indices = #map}, {transform_indices = #map}, {transform_indices = #map}, {transform_indices = #map}]} {
    %mul3A = arith.constant 16 : i32
    %mul3A_0 = arith.muli %arg0, %mul3A : i32
    %add3A = arith.addi %mul3A_0, %arg1 : i32
    %mul3A_1 = arith.constant 81 : i32
    %mul3A_2 = arith.muli %add3A, %mul3A_1 : i32
    %iota3A = tpu.iota {dimensions = array<i32: 0>} : vector<16xi32>
    %add3A_3 = arith.constant 0 : i32
    %add3A_4 = arith.addi %mul3A_2, %add3A_3 : i32
    %add3A_5 = vector.broadcast %add3A_4 : i32 to vector<16xi32>
    %add3A_6 = arith.addi %iota3A, %add3A_5 : vector<16xi32>
    %swap3A = arith.constant 0 : index
    %swap3A_7 = tpu.vector_load %arg12[%swap3A] {strides = array<i32>} : memref<128xi32, #tpu.memory_space<vmem>>, vector<16xi32>,
    %swap3A_8 = vector.shape_cast %swap3A_7 : vector<16xi32> to vector<16xi32>
    %swap3A_9 = vector.shape_cast %add3A_6 : vector<16xi32> to vector<16xi32>
    tpu.vector_store %arg12[%swap3A], %swap3A_9 {strides = array<i32>} : memref<128xi32, #tpu.memory_space<vmem>>, vector<16xi32>,
    %add3A_10 = arith.constant 16 : i32
    %add3A_11 = arith.addi %mul3A_2, %add3A_10 : i32
    %add3A_12 = vector.broadcast %add3A_11 : i32 to vector<16xi32>
    %add3A_13 = arith.addi %iota3A, %add3A_12 : vector<16xi32>
    %swap3A_14 = arith.constant 16 : index
    %swap3A_15 = tpu.vector_load %arg12[%swap3A_14] {strides = array<i32>} : memref<128xi32, #tpu.memory_space<vmem>>, vector<16xi32>,
    %swap3A_16 = vector.shape_cast %swap3A_15 : vector<16xi32> to vector<16xi32>
    %swap3A_17 = vector.shape_cast %add3A_13 : vector<16xi32> to vector<16xi32>
    tpu.vector_store %arg12[%swap3A_14], %swap3A_17 {strides = array<i32>} : memref<128xi32, #tpu.memory_space<vmem>>, vector<16xi32>,
    %add3A_18 = arith.constant 32 : i32
    %add3A_19 = arith.addi %mul3A_2, %add3A_18 : i32
    %add3A_20 = vector.broadcast %add3A_19 : i32 to vector<16xi32>
    %add3A_21 = arith.addi %iota3A, %add3A_20 : vector<16xi32>
    %swap3A_22 = arith.constant 32 : index
    %swap3A_23 = tpu.vector_load %arg12[%swap3A_22] {strides = array<i32>} : memref<128xi32, #tpu.memory_space<vmem>>, vector<16xi32>,
    %swap3A_24 = vector.shape_cast %swap3A_23 : vector<16xi32> to vector<16xi32>
    %swap3A_25 = vector.shape_cast %add3A_21 : vector<16xi32> to vector<16xi32>
    tpu.vector_store %arg12[%swap3A_22], %swap3A_25 {strides = array<i32>} : memref<128xi32, #tpu.memory_space<vmem>>, vector<16xi32>,
    %add3A_26 = arith.constant 48 : i32
    %add3A_27 = arith.addi %mul3A_2, %add3A_26 : i32
    %add3A_28 = vector.broadcast %add3A_27 : i32 to vector<16xi32>
    %add3A_29 = arith.addi %iota3A, %add3A_28 : vector<16xi32>
    %swap3A_30 = arith.constant 48 : index
    %swap3A_31 = tpu.vector_load %arg12[%swap3A_30] {strides = array<i32>} : memref<128xi32, #tpu.memory_space<vmem>>, vector<16xi32>,
    %swap3A_32 = vector.shape_cast %swap3A_31 : vector<16xi32> to vector<16xi32>
    %swap3A_33 = vector.shape_cast %add3A_29 : vector<16xi32> to vector<16xi32>
    tpu.vector_store %arg12[%swap3A_30], %swap3A_33 {strides = array<i32>} : memref<128xi32, #tpu.memory_space<vmem>>, vector<16xi32>,
    %add3A_34 = arith.constant 64 : i32
    %add3A_35 = arith.addi %mul3A_2, %add3A_34 : i32
    %add3A_36 = vector.broadcast %add3A_35 : i32 to vector<16xi32>
    %add3A_37 = arith.addi %iota3A, %add3A_36 : vector<16xi32>
    %swap3A_38 = arith.constant 64 : index
    %swap3A_39 = tpu.vector_load %arg12[%swap3A_38] {strides = array<i32>} : memref<128xi32, #tpu.memory_space<vmem>>, vector<16xi32>,
    %swap3A_40 = vector.shape_cast %swap3A_39 : vector<16xi32> to vector<16xi32>
    %swap3A_41 = vector.shape_cast %add3A_37 : vector<16xi32> to vector<16xi32>
    tpu.vector_store %arg12[%swap3A_38], %swap3A_41 {strides = array<i32>} : memref<128xi32, #tpu.memory_space<vmem>>, vector<16xi32>,
    %add3A_42 = arith.constant 80 : i32
    %add3A_43 = arith.addi %mul3A_2, %add3A_42 : i32
    %add3A_44 = vector.broadcast %add3A_43 : i32 to vector<16xi32>
    %add3A_45 = arith.addi %iota3A, %add3A_44 : vector<16xi32>
    %swap3A_46 = arith.constant 80 : index
    %swap3A_47 = tpu.vector_load %arg12[%swap3A_46] {strides = array<i32>} : memref<128xi32, #tpu.memory_space<vmem>>, vector<16xi32>,
    %swap3A_48 = vector.shape_cast %swap3A_47 : vector<16xi32> to vector<16xi32>
    %swap3A_49 = vector.shape_cast %add3A_45 : vector<16xi32> to vector<16xi32>
    tpu.vector_store %arg12[%swap3A_46], %swap3A_49 {strides = array<i32>} : memref<128xi32, #tpu.memory_space<vmem>>, vector<16xi32>,
    "tpu.region"() ({
      %run_scoped3A = tpu.sem_alloc : memref<!tpu.dma_semaphore, #tpu.memory_space<semaphore_mem>>
      %dma_start3A = arith.constant 0 : i32
      %dma_start3A_106 = arith.constant 0 : i32
      %dma_start3A_107 = tpu.memref_slice %arg7[%dma_start3A, %dma_start3A_106] : memref<81x128xi32, #tpu.memory_space<vmem>> -> memref<81x128xi32, #tpu.memory_space<vmem>>
      %dma_start3A_108 = arith.constant 0 : i32
      %dma_start3A_109 = tpu.memref_slice %arg12[%dma_start3A_108] : memref<128xi32, #tpu.memory_space<vmem>> -> memref<81xi32, #tpu.memory_space<vmem>>
      %dma_start3A_110 = arith.constant 0 : i32
      %dma_start3A_111 = arith.constant 0 : i32
      %dma_start3A_112 = tpu.memref_slice %arg4[%dma_start3A_110, %dma_start3A_111] : memref<2592x128xi32, #tpu.memory_space<hbm>> -> memref<2592x128xi32, #tpu.memory_space<hbm>>
      tpu.enqueue_indirect_dma source(%dma_start3A_112 : memref<2592x128xi32, #tpu.memory_space<hbm>>) target(%dma_start3A_107 : memref<81x128xi32, #tpu.memory_space<vmem>>) offsets(%dma_start3A_109 : memref<81xi32, #tpu.memory_space<vmem>>) semaphore(%run_scoped3A : memref<!tpu.dma_semaphore, #tpu.memory_space<semaphore_mem>>)
      %dma_wait3A = arith.constant 0 : i32
      %dma_wait3A_113 = arith.constant 0 : i32
      %dma_wait3A_114 = tpu.memref_slice %arg7[%dma_wait3A, %dma_wait3A_113] : memref<81x128xi32, #tpu.memory_space<vmem>> -> memref<81x128xi32, #tpu.memory_space<vmem>>
      %dma_wait3A_115 = arith.constant 0 : i32
      %dma_wait3A_116 = tpu.memref_slice %arg12[%dma_wait3A_115] : memref<128xi32, #tpu.memory_space<vmem>> -> memref<81xi32, #tpu.memory_space<vmem>>
      %dma_wait3A_117 = arith.constant 0 : i32
      %dma_wait3A_118 = arith.constant 0 : i32
      %dma_wait3A_119 = tpu.memref_slice %arg4[%dma_wait3A_117, %dma_wait3A_118] : memref<2592x128xi32, #tpu.memory_space<hbm>> -> memref<2592x128xi32, #tpu.memory_space<hbm>>
      tpu.wait_indirect_dma semaphore(%run_scoped3A : memref<!tpu.dma_semaphore, #tpu.memory_space<semaphore_mem>>) src(%dma_wait3A_119 : memref<2592x128xi32, #tpu.memory_space<hbm>>) dst(%dma_wait3A_114 : memref<81x128xi32, #tpu.memory_space<vmem>>)
      tpu.yield
    }) : () -> ()
    %mul3A_50 = arith.constant 81 : i32
    %mul3A_51 = arith.muli %add3A, %mul3A_50 : i32
    %iota3A_52 = tpu.iota {dimensions = array<i32: 0>} : vector<16xi32>
    %add3A_53 = arith.constant 0 : i32
    %add3A_54 = arith.addi %mul3A_51, %add3A_53 : i32
    %add3A_55 = vector.broadcast %add3A_54 : i32 to vector<16xi32>
    %add3A_56 = arith.addi %iota3A_52, %add3A_55 : vector<16xi32>
    %swap3A_57 = arith.constant 0 : index
    %swap3A_58 = tpu.vector_load %arg12[%swap3A_57] {strides = array<i32>} : memref<128xi32, #tpu.memory_space<vmem>>, vector<16xi32>,
    %swap3A_59 = vector.shape_cast %swap3A_58 : vector<16xi32> to vector<16xi32>
    %swap3A_60 = vector.shape_cast %add3A_56 : vector<16xi32> to vector<16xi32>
    tpu.vector_store %arg12[%swap3A_57], %swap3A_60 {strides = array<i32>} : memref<128xi32, #tpu.memory_space<vmem>>, vector<16xi32>,
    %add3A_61 = arith.constant 16 : i32
    %add3A_62 = arith.addi %mul3A_51, %add3A_61 : i32
    %add3A_63 = vector.broadcast %add3A_62 : i32 to vector<16xi32>
    %add3A_64 = arith.addi %iota3A_52, %add3A_63 : vector<16xi32>
    %swap3A_65 = arith.constant 16 : index
    %swap3A_66 = tpu.vector_load %arg12[%swap3A_65] {strides = array<i32>} : memref<128xi32, #tpu.memory_space<vmem>>, vector<16xi32>,
    %swap3A_67 = vector.shape_cast %swap3A_66 : vector<16xi32> to vector<16xi32>
    %swap3A_68 = vector.shape_cast %add3A_64 : vector<16xi32> to vector<16xi32>
    tpu.vector_store %arg12[%swap3A_65], %swap3A_68 {strides = array<i32>} : memref<128xi32, #tpu.memory_space<vmem>>, vector<16xi32>,
    %add3A_69 = arith.constant 32 : i32
    %add3A_70 = arith.addi %mul3A_51, %add3A_69 : i32
    %add3A_71 = vector.broadcast %add3A_70 : i32 to vector<16xi32>
    %add3A_72 = arith.addi %iota3A_52, %add3A_71 : vector<16xi32>
    %swap3A_73 = arith.constant 32 : index
    %swap3A_74 = tpu.vector_load %arg12[%swap3A_73] {strides = array<i32>} : memref<128xi32, #tpu.memory_space<vmem>>, vector<16xi32>,
    %swap3A_75 = vector.shape_cast %swap3A_74 : vector<16xi32> to vector<16xi32>
    %swap3A_76 = vector.shape_cast %add3A_72 : vector<16xi32> to vector<16xi32>
    tpu.vector_store %arg12[%swap3A_73], %swap3A_76 {strides = array<i32>} : memref<128xi32, #tpu.memory_space<vmem>>, vector<16xi32>,
    %add3A_77 = arith.constant 48 : i32
    %add3A_78 = arith.addi %mul3A_51, %add3A_77 : i32
    %add3A_79 = vector.broadcast %add3A_78 : i32 to vector<16xi32>
    %add3A_80 = arith.addi %iota3A_52, %add3A_79 : vector<16xi32>
    %swap3A_81 = arith.constant 48 : index
    %swap3A_82 = tpu.vector_load %arg12[%swap3A_81] {strides = array<i32>} : memref<128xi32, #tpu.memory_space<vmem>>, vector<16xi32>,
    %swap3A_83 = vector.shape_cast %swap3A_82 : vector<16xi32> to vector<16xi32>
    %swap3A_84 = vector.shape_cast %add3A_80 : vector<16xi32> to vector<16xi32>
    tpu.vector_store %arg12[%swap3A_81], %swap3A_84 {strides = array<i32>} : memref<128xi32, #tpu.memory_space<vmem>>, vector<16xi32>,
    %add3A_85 = arith.constant 64 : i32
    %add3A_86 = arith.addi %mul3A_51, %add3A_85 : i32
    %add3A_87 = vector.broadcast %add3A_86 : i32 to vector<16xi32>
    %add3A_88 = arith.addi %iota3A_52, %add3A_87 : vector<16xi32>
    %swap3A_89 = arith.constant 64 : index
    %swap3A_90 = tpu.vector_load %arg12[%swap3A_89] {strides = array<i32>} : memref<128xi32, #tpu.memory_space<vmem>>, vector<16xi32>,
    %swap3A_91 = vector.shape_cast %swap3A_90 : vector<16xi32> to vector<16xi32>
    %swap3A_92 = vector.shape_cast %add3A_88 : vector<16xi32> to vector<16xi32>
    tpu.vector_store %arg12[%swap3A_89], %swap3A_92 {strides = array<i32>} : memref<128xi32, #tpu.memory_space<vmem>>, vector<16xi32>,
    %add3A_93 = arith.constant 80 : i32
    %add3A_94 = arith.addi %mul3A_51, %add3A_93 : i32
    %add3A_95 = vector.broadcast %add3A_94 : i32 to vector<16xi32>
    %add3A_96 = arith.addi %iota3A_52, %add3A_95 : vector<16xi32>
    %swap3A_97 = arith.constant 80 : index
    %swap3A_98 = tpu.vector_load %arg12[%swap3A_97] {strides = array<i32>} : memref<128xi32, #tpu.memory_space<vmem>>, vector<16xi32>,
    %swap3A_99 = vector.shape_cast %swap3A_98 : vector<16xi32> to vector<16xi32>
    %swap3A_100 = vector.shape_cast %add3A_96 : vector<16xi32> to vector<16xi32>
    tpu.vector_store %arg12[%swap3A_97], %swap3A_100 {strides = array<i32>} : memref<128xi32, #tpu.memory_space<vmem>>, vector<16xi32>,
    "tpu.region"() ({
      %run_scoped3A = tpu.sem_alloc : memref<!tpu.dma_semaphore, #tpu.memory_space<semaphore_mem>>
      %dma_start3A = arith.constant 0 : i32
      %dma_start3A_106 = arith.constant 0 : i32
      %dma_start3A_107 = tpu.memref_slice %arg8[%dma_start3A, %dma_start3A_106] : memref<81x128xi32, #tpu.memory_space<vmem>> -> memref<81x128xi32, #tpu.memory_space<vmem>>
      %dma_start3A_108 = arith.constant 0 : i32
      %dma_start3A_109 = tpu.memref_slice %arg12[%dma_start3A_108] : memref<128xi32, #tpu.memory_space<vmem>> -> memref<81xi32, #tpu.memory_space<vmem>>
      %dma_start3A_110 = arith.constant 0 : i32
      %dma_start3A_111 = arith.constant 0 : i32
      %dma_start3A_112 = tpu.memref_slice %arg5[%dma_start3A_110, %dma_start3A_111] : memref<2592x128xi32, #tpu.memory_space<hbm>> -> memref<2592x128xi32, #tpu.memory_space<hbm>>
      tpu.enqueue_indirect_dma source(%dma_start3A_112 : memref<2592x128xi32, #tpu.memory_space<hbm>>) target(%dma_start3A_107 : memref<81x128xi32, #tpu.memory_space<vmem>>) offsets(%dma_start3A_109 : memref<81xi32, #tpu.memory_space<vmem>>) semaphore(%run_scoped3A : memref<!tpu.dma_semaphore, #tpu.memory_space<semaphore_mem>>)
      %dma_wait3A = arith.constant 0 : i32
      %dma_wait3A_113 = arith.constant 0 : i32
      %dma_wait3A_114 = tpu.memref_slice %arg8[%dma_wait3A, %dma_wait3A_113] : memref<81x128xi32, #tpu.memory_space<vmem>> -> memref<81x128xi32, #tpu.memory_space<vmem>>
      %dma_wait3A_115 = arith.constant 0 : i32
      %dma_wait3A_116 = tpu.memref_slice %arg12[%dma_wait3A_115] : memref<128xi32, #tpu.memory_space<vmem>> -> memref<81xi32, #tpu.memory_space<vmem>>
      %dma_wait3A_117 = arith.constant 0 : i32
      %dma_wait3A_118 = arith.constant 0 : i32
      %dma_wait3A_119 = tpu.memref_slice %arg5[%dma_wait3A_117, %dma_wait3A_118] : memref<2592x128xi32, #tpu.memory_space<hbm>> -> memref<2592x128xi32, #tpu.memory_space<hbm>>
      tpu.wait_indirect_dma semaphore(%run_scoped3A : memref<!tpu.dma_semaphore, #tpu.memory_space<semaphore_mem>>) src(%dma_wait3A_119 : memref<2592x128xi32, #tpu.memory_space<hbm>>) dst(%dma_wait3A_114 : memref<81x128xi32, #tpu.memory_space<vmem>>)
      tpu.yield
    }) : () -> ()
    %scan3A = arith.constant 0 : i32
    %scan3A_101 = arith.constant 0 : i32
    %scan3A_102 = arith.constant 81 : i32
    %scan3A_103 = arith.addi %scan3A_101, %scan3A_102 : i32
    %scan3A_104 = arith.constant 1 : i32
    scf.for %scan3A_106 = %scan3A_101 to %scan3A_103 step %scan3A_104  : i32 {
      "tpu.region"() ({
        %run_scoped3A = tpu.sem_alloc : memref<!tpu.dma_semaphore, #tpu.memory_space<semaphore_mem>>
        %dma_start3A = arith.constant 0 : i32
        %dma_start3A_118 = tpu.memref_slice %arg7[%scan3A_106, %dma_start3A] : memref<81x128xi32, #tpu.memory_space<vmem>> -> memref<1x128xi32, #tpu.memory_space<vmem>>
        %dma_start3A_119 = tpu.memref_squeeze %dma_start3A_118 : memref<1x128xi32, #tpu.memory_space<vmem>> -> memref<128xi32, #tpu.memory_space<vmem>>
        %dma_start3A_120 = arith.constant 0 : i32
        %dma_start3A_121 = arith.constant 0 : i32
        %dma_start3A_122 = tpu.memref_slice %arg2[%dma_start3A_120, %dma_start3A_121] : memref<10240x16xf32, #tpu.memory_space<hbm>> -> memref<10240x16xf32, #tpu.memory_space<hbm>>
        tpu.enqueue_indirect_dma source(%dma_start3A_122 : memref<10240x16xf32, #tpu.memory_space<hbm>>) target(%arg9 : memref<128x16xf32, #tpu.memory_space<vmem>>) offsets(%dma_start3A_119 : memref<128xi32, #tpu.memory_space<vmem>>) semaphore(%run_scoped3A : memref<!tpu.dma_semaphore, #tpu.memory_space<semaphore_mem>>)
        %dma_wait3A = arith.constant 0 : i32
        %dma_wait3A_123 = tpu.memref_slice %arg7[%scan3A_106, %dma_wait3A] : memref<81x128xi32, #tpu.memory_space<vmem>> -> memref<1x128xi32, #tpu.memory_space<vmem>>
        %dma_wait3A_124 = tpu.memref_squeeze %dma_wait3A_123 : memref<1x128xi32, #tpu.memory_space<vmem>> -> memref<128xi32, #tpu.memory_space<vmem>>
        %dma_wait3A_125 = arith.constant 0 : i32
        %dma_wait3A_126 = arith.constant 0 : i32
        %dma_wait3A_127 = tpu.memref_slice %arg2[%dma_wait3A_125, %dma_wait3A_126] : memref<10240x16xf32, #tpu.memory_space<hbm>> -> memref<10240x16xf32, #tpu.memory_space<hbm>>
        tpu.wait_indirect_dma semaphore(%run_scoped3A : memref<!tpu.dma_semaphore, #tpu.memory_space<semaphore_mem>>) src(%dma_wait3A_127 : memref<10240x16xf32, #tpu.memory_space<hbm>>) dst(%arg9 : memref<128x16xf32, #tpu.memory_space<vmem>>)
        tpu.yield
      }) : () -> ()
      "tpu.region"() ({
        %run_scoped3A = tpu.sem_alloc : memref<!tpu.dma_semaphore, #tpu.memory_space<semaphore_mem>>
        %dma_start3A = arith.constant 0 : i32
        %dma_start3A_118 = tpu.memref_slice %arg8[%scan3A_106, %dma_start3A] : memref<81x128xi32, #tpu.memory_space<vmem>> -> memref<1x128xi32, #tpu.memory_space<vmem>>
        %dma_start3A_119 = tpu.memref_squeeze %dma_start3A_118 : memref<1x128xi32, #tpu.memory_space<vmem>> -> memref<128xi32, #tpu.memory_space<vmem>>
        %dma_start3A_120 = arith.constant 0 : i32
        %dma_start3A_121 = arith.constant 0 : i32
        %dma_start3A_122 = tpu.memref_slice %arg3[%dma_start3A_120, %dma_start3A_121] : memref<10240x16xf32, #tpu.memory_space<hbm>> -> memref<10240x16xf32, #tpu.memory_space<hbm>>
        tpu.enqueue_indirect_dma source(%dma_start3A_122 : memref<10240x16xf32, #tpu.memory_space<hbm>>) target(%arg10 : memref<128x16xf32, #tpu.memory_space<vmem>>) offsets(%dma_start3A_119 : memref<128xi32, #tpu.memory_space<vmem>>) semaphore(%run_scoped3A : memref<!tpu.dma_semaphore, #tpu.memory_space<semaphore_mem>>)
        %dma_wait3A = arith.constant 0 : i32
        %dma_wait3A_123 = tpu.memref_slice %arg8[%scan3A_106, %dma_wait3A] : memref<81x128xi32, #tpu.memory_space<vmem>> -> memref<1x128xi32, #tpu.memory_space<vmem>>
        %dma_wait3A_124 = tpu.memref_squeeze %dma_wait3A_123 : memref<1x128xi32, #tpu.memory_space<vmem>> -> memref<128xi32, #tpu.memory_space<vmem>>
        %dma_wait3A_125 = arith.constant 0 : i32
        %dma_wait3A_126 = arith.constant 0 : i32
        %dma_wait3A_127 = tpu.memref_slice %arg3[%dma_wait3A_125, %dma_wait3A_126] : memref<10240x16xf32, #tpu.memory_space<hbm>> -> memref<10240x16xf32, #tpu.memory_space<hbm>>
        tpu.wait_indirect_dma semaphore(%run_scoped3A : memref<!tpu.dma_semaphore, #tpu.memory_space<semaphore_mem>>) src(%dma_wait3A_127 : memref<10240x16xf32, #tpu.memory_space<hbm>>) dst(%arg10 : memref<128x16xf32, #tpu.memory_space<vmem>>)
        tpu.yield
      }) : () -> ()
      %scan3A_107 = arith.constant 0 : i32
      %scan3A_108 = arith.constant 0 : i32
      %scan3A_109 = arith.constant 128 : i32
      %scan3A_110 = arith.addi %scan3A_108, %scan3A_109 : i32
      %scan3A_111 = arith.constant 1 : i32
      scf.for %scan3A_118 = %scan3A_108 to %scan3A_110 step %scan3A_111  : i32 {
        %get3A = arith.index_cast %scan3A_118 : i32 to index
        %get3A_119 = arith.constant 0 : index
        %get3A_120 = tpu.vector_load %arg9[%get3A, %get3A_119] {strides = array<i32>} : memref<128x16xf32, #tpu.memory_space<vmem>>, vector<1x16xf32>,
        %get3A_121 = vector.shape_cast %get3A_120 : vector<1x16xf32> to vector<16xf32>
        %get3A_122 = arith.index_cast %scan3A_118 : i32 to index
        %get3A_123 = arith.constant 0 : index
        %get3A_124 = tpu.vector_load %arg10[%get3A_122, %get3A_123] {strides = array<i32>} : memref<128x16xf32, #tpu.memory_space<vmem>>, vector<1x16xf32>,
        %get3A_125 = vector.shape_cast %get3A_124 : vector<1x16xf32> to vector<16xf32>
        %add3A_126 = arith.addf %get3A_121, %get3A_125 : vector<16xf32>
        %swap3A_127 = arith.index_cast %scan3A_118 : i32 to index
        %swap3A_128 = arith.constant 0 : index
        %swap3A_129 = tpu.vector_load %arg11[%swap3A_127, %swap3A_128] {strides = array<i32>} : memref<128x16xf32, #tpu.memory_space<vmem>>, vector<1x16xf32>,
        %swap3A_130 = vector.shape_cast %swap3A_129 : vector<1x16xf32> to vector<16xf32>
        %swap3A_131 = vector.shape_cast %add3A_126 : vector<16xf32> to vector<1x16xf32>
        tpu.vector_store %arg11[%swap3A_127, %swap3A_128], %swap3A_131 {strides = array<i32>} : memref<128x16xf32, #tpu.memory_space<vmem>>, vector<1x16xf32>,
      }
      %scan3A_112 = arith.constant 128 : i32
      %mul3A_113 = arith.constant 81 : i32
      %mul3A_114 = arith.muli %add3A, %mul3A_113 : i32
      %add3A_115 = arith.addi %mul3A_114, %scan3A_106 : i32
      %mul3A_116 = arith.constant 128 : i32
      %mul3A_117 = arith.muli %add3A_115, %mul3A_116 : i32
      "tpu.region"() ({
        %run_scoped3A = tpu.sem_alloc : memref<!tpu.dma_semaphore, #tpu.memory_space<semaphore_mem>>
        %dma_start3A = arith.constant 0 : i32
        %dma_start3A_118 = tpu.memref_slice %arg6[%mul3A_117, %dma_start3A] : memref<331776x16xf32, #tpu.memory_space<hbm>> -> memref<128x16xf32, #tpu.memory_space<hbm>>
        %dma_start3A_119 = arith.constant 0 : i32
        %dma_start3A_120 = tpu.memref_slice %arg6[%mul3A_117, %dma_start3A_119] : memref<331776x16xf32, #tpu.memory_space<hbm>> -> memref<128x16xf32, #tpu.memory_space<hbm>>
        tpu.enqueue_dma source(%arg11 : memref<128x16xf32, #tpu.memory_space<vmem>>) target(%dma_start3A_120 : memref<128x16xf32, #tpu.memory_space<hbm>>) target_semaphore(%run_scoped3A : memref<!tpu.dma_semaphore, #tpu.memory_space<semaphore_mem>>)
        %dma_wait3A = arith.constant 0 : i32
        %dma_wait3A_121 = tpu.memref_slice %arg6[%mul3A_117, %dma_wait3A] : memref<331776x16xf32, #tpu.memory_space<hbm>> -> memref<128x16xf32, #tpu.memory_space<hbm>>
        %dma_wait3A_122 = arith.constant 0 : i32
        %dma_wait3A_123 = tpu.memref_slice %arg6[%mul3A_117, %dma_wait3A_122] : memref<331776x16xf32, #tpu.memory_space<hbm>> -> memref<128x16xf32, #tpu.memory_space<hbm>>
        tpu.wait_dma2 semaphore(%run_scoped3A : memref<!tpu.dma_semaphore, #tpu.memory_space<semaphore_mem>>) src(%arg11 : memref<128x16xf32, #tpu.memory_space<vmem>>) dst(%dma_wait3A_123 : memref<128x16xf32, #tpu.memory_space<hbm>>)
        tpu.yield
      }) : () -> ()
    }
    %scan3A_105 = arith.constant 81 : i32
    return
  }
}

#map = affine_map<(d0, d1) -> (0, 0)>
#map1 = affine_map<(d0, d1) -> (0, 0, 0)>
module attributes {stable_mosaic.version = 14 : i64} {
  func.func @_scm1_body(%arg0: i32, %arg1: i32, %arg2: memref<81920x64xf32, #tpu.memory_space<hbm>>, %arg3: memref<331776x16xf32, #tpu.memory_space<hbm>>, %arg4: memref<2592x128xi32, #tpu.memory_space<hbm>>, %arg5: memref<2592x128xi32, #tpu.memory_space<hbm>>, %arg6: memref<128x16xf32, #tpu.memory_space<hbm>>, %arg7: memref<128x64xf32, #tpu.memory_space<hbm>>, %arg8: memref<8x10240x64xf32, #tpu.memory_space<hbm>>, %arg9: memref<10240x16xf32, #tpu.memory_space<vmem_shared>>, %arg10: memref<10240x64xf32, #tpu.memory_space<vmem_shared>>, %arg11: memref<162x128xi32, #tpu.memory_space<vmem>>, %arg12: memref<162x128xi32, #tpu.memory_space<vmem>>, %arg13: memref<128x16xf32, #tpu.memory_space<vmem>>, %arg14: memref<128x16xf32, #tpu.memory_space<vmem>>, %arg15: memref<128x64xf32, #tpu.memory_space<vmem>>, %arg16: memref<128xi32, #tpu.memory_space<vmem>>, %arg17: memref<128xi32, #tpu.memory_space<vmem>>, %arg18: memref<48xi32, #tpu.memory_space<vmem>>) attributes {dimension_semantics = [#tpu.dimension_semantics<core_parallel>, #tpu.dimension_semantics<subcore_parallel>], iteration_bounds = array<i64: 2, 16>, scalar_prefetch = 0 : i64, scratch_operands = 10 : i64, tpu.core_type = #tpu.core_type<sc_vector_subcore>, window_params = [{transform_indices = #map}, {transform_indices = #map}, {transform_indices = #map}, {transform_indices = #map}, {transform_indices = #map}, {transform_indices = #map}, {transform_indices = #map1}]} {
    %scan3A = arith.constant 0 : i32
    %scan3A_0 = arith.constant 0 : i32
    %scan3A_1 = arith.constant 5 : i32
    %scan3A_2 = arith.addi %scan3A_0, %scan3A_1 : i32
    %scan3A_3 = arith.constant 1 : i32
    scf.for %scan3A_301 = %scan3A_0 to %scan3A_2 step %scan3A_3  : i32 {
      %mul3A_302 = arith.constant 640 : i32
      %mul3A_303 = arith.muli %arg1, %mul3A_302 : i32
      %mul3A_304 = arith.constant 128 : i32
      %mul3A_305 = arith.muli %scan3A_301, %mul3A_304 : i32
      %add3A_306 = arith.addi %mul3A_303, %mul3A_305 : i32
      "tpu.region"() ({
        %run_scoped3A = tpu.sem_alloc : memref<!tpu.dma_semaphore, #tpu.memory_space<semaphore_mem>>
        %dma_start3A = arith.constant 0 : i32
        %dma_start3A_307 = tpu.memref_slice %arg9[%add3A_306, %dma_start3A] : memref<10240x16xf32, #tpu.memory_space<vmem_shared>> -> memref<128x16xf32, #tpu.memory_space<vmem_shared>>
        tpu.enqueue_dma source(%arg6 : memref<128x16xf32, #tpu.memory_space<hbm>>) target(%dma_start3A_307 : memref<128x16xf32, #tpu.memory_space<vmem_shared>>) target_semaphore(%run_scoped3A : memref<!tpu.dma_semaphore, #tpu.memory_space<semaphore_mem>>)
        %dma_wait3A = arith.constant 0 : i32
        %dma_wait3A_308 = tpu.memref_slice %arg9[%add3A_306, %dma_wait3A] : memref<10240x16xf32, #tpu.memory_space<vmem_shared>> -> memref<128x16xf32, #tpu.memory_space<vmem_shared>>
        tpu.wait_dma2 semaphore(%run_scoped3A : memref<!tpu.dma_semaphore, #tpu.memory_space<semaphore_mem>>) src(%arg6 : memref<128x16xf32, #tpu.memory_space<hbm>>) dst(%dma_wait3A_308 : memref<128x16xf32, #tpu.memory_space<vmem_shared>>)
        tpu.yield
      }) : () -> ()
    }
    %scan3A_4 = arith.constant 5 : i32
    %mul3A = arith.constant 162 : i32
    %mul3A_5 = arith.muli %arg1, %mul3A : i32
    %iota3A = tpu.iota {dimensions = array<i32: 0>} : vector<16xi32>
    %add3A = arith.constant 0 : i32
    %add3A_6 = arith.addi %mul3A_5, %add3A : i32
    %add3A_7 = vector.broadcast %add3A_6 : i32 to vector<16xi32>
    %add3A_8 = arith.addi %iota3A, %add3A_7 : vector<16xi32>
    %swap3A = arith.constant 0 : index
    %swap3A_9 = tpu.vector_load %arg17[%swap3A] {strides = array<i32>} : memref<128xi32, #tpu.memory_space<vmem>>, vector<16xi32>,
    %swap3A_10 = vector.shape_cast %swap3A_9 : vector<16xi32> to vector<16xi32>
    %swap3A_11 = vector.shape_cast %add3A_8 : vector<16xi32> to vector<16xi32>
    tpu.vector_store %arg17[%swap3A], %swap3A_11 {strides = array<i32>} : memref<128xi32, #tpu.memory_space<vmem>>, vector<16xi32>,
    %add3A_12 = arith.constant 16 : i32
    %add3A_13 = arith.addi %mul3A_5, %add3A_12 : i32
    %add3A_14 = vector.broadcast %add3A_13 : i32 to vector<16xi32>
    %add3A_15 = arith.addi %iota3A, %add3A_14 : vector<16xi32>
    %swap3A_16 = arith.constant 16 : index
    %swap3A_17 = tpu.vector_load %arg17[%swap3A_16] {strides = array<i32>} : memref<128xi32, #tpu.memory_space<vmem>>, vector<16xi32>,
    %swap3A_18 = vector.shape_cast %swap3A_17 : vector<16xi32> to vector<16xi32>
    %swap3A_19 = vector.shape_cast %add3A_15 : vector<16xi32> to vector<16xi32>
    tpu.vector_store %arg17[%swap3A_16], %swap3A_19 {strides = array<i32>} : memref<128xi32, #tpu.memory_space<vmem>>, vector<16xi32>,
    %add3A_20 = arith.constant 32 : i32
    %add3A_21 = arith.addi %mul3A_5, %add3A_20 : i32
    %add3A_22 = vector.broadcast %add3A_21 : i32 to vector<16xi32>
    %add3A_23 = arith.addi %iota3A, %add3A_22 : vector<16xi32>
    %swap3A_24 = arith.constant 32 : index
    %swap3A_25 = tpu.vector_load %arg17[%swap3A_24] {strides = array<i32>} : memref<128xi32, #tpu.memory_space<vmem>>, vector<16xi32>,
    %swap3A_26 = vector.shape_cast %swap3A_25 : vector<16xi32> to vector<16xi32>
    %swap3A_27 = vector.shape_cast %add3A_23 : vector<16xi32> to vector<16xi32>
    tpu.vector_store %arg17[%swap3A_24], %swap3A_27 {strides = array<i32>} : memref<128xi32, #tpu.memory_space<vmem>>, vector<16xi32>,
    %add3A_28 = arith.constant 48 : i32
    %add3A_29 = arith.addi %mul3A_5, %add3A_28 : i32
    %add3A_30 = vector.broadcast %add3A_29 : i32 to vector<16xi32>
    %add3A_31 = arith.addi %iota3A, %add3A_30 : vector<16xi32>
    %swap3A_32 = arith.constant 48 : index
    %swap3A_33 = tpu.vector_load %arg17[%swap3A_32] {strides = array<i32>} : memref<128xi32, #tpu.memory_space<vmem>>, vector<16xi32>,
    %swap3A_34 = vector.shape_cast %swap3A_33 : vector<16xi32> to vector<16xi32>
    %swap3A_35 = vector.shape_cast %add3A_31 : vector<16xi32> to vector<16xi32>
    tpu.vector_store %arg17[%swap3A_32], %swap3A_35 {strides = array<i32>} : memref<128xi32, #tpu.memory_space<vmem>>, vector<16xi32>,
    %add3A_36 = arith.constant 64 : i32
    %add3A_37 = arith.addi %mul3A_5, %add3A_36 : i32
    %add3A_38 = vector.broadcast %add3A_37 : i32 to vector<16xi32>
    %add3A_39 = arith.addi %iota3A, %add3A_38 : vector<16xi32>
    %swap3A_40 = arith.constant 64 : index
    %swap3A_41 = tpu.vector_load %arg17[%swap3A_40] {strides = array<i32>} : memref<128xi32, #tpu.memory_space<vmem>>, vector<16xi32>,
    %swap3A_42 = vector.shape_cast %swap3A_41 : vector<16xi32> to vector<16xi32>
    %swap3A_43 = vector.shape_cast %add3A_39 : vector<16xi32> to vector<16xi32>
    tpu.vector_store %arg17[%swap3A_40], %swap3A_43 {strides = array<i32>} : memref<128xi32, #tpu.memory_space<vmem>>, vector<16xi32>,
    %add3A_44 = arith.constant 80 : i32
    %add3A_45 = arith.addi %mul3A_5, %add3A_44 : i32
    %add3A_46 = vector.broadcast %add3A_45 : i32 to vector<16xi32>
    %add3A_47 = arith.addi %iota3A, %add3A_46 : vector<16xi32>
    %swap3A_48 = arith.constant 80 : index
    %swap3A_49 = tpu.vector_load %arg17[%swap3A_48] {strides = array<i32>} : memref<128xi32, #tpu.memory_space<vmem>>, vector<16xi32>,
    %swap3A_50 = vector.shape_cast %swap3A_49 : vector<16xi32> to vector<16xi32>
    %swap3A_51 = vector.shape_cast %add3A_47 : vector<16xi32> to vector<16xi32>
    tpu.vector_store %arg17[%swap3A_48], %swap3A_51 {strides = array<i32>} : memref<128xi32, #tpu.memory_space<vmem>>, vector<16xi32>,
    %add3A_52 = arith.constant 96 : i32
    %add3A_53 = arith.addi %mul3A_5, %add3A_52 : i32
    %add3A_54 = vector.broadcast %add3A_53 : i32 to vector<16xi32>
    %add3A_55 = arith.addi %iota3A, %add3A_54 : vector<16xi32>
    %swap3A_56 = arith.constant 96 : index
    %swap3A_57 = tpu.vector_load %arg17[%swap3A_56] {strides = array<i32>} : memref<128xi32, #tpu.memory_space<vmem>>, vector<16xi32>,
    %swap3A_58 = vector.shape_cast %swap3A_57 : vector<16xi32> to vector<16xi32>
    %swap3A_59 = vector.shape_cast %add3A_55 : vector<16xi32> to vector<16xi32>
    tpu.vector_store %arg17[%swap3A_56], %swap3A_59 {strides = array<i32>} : memref<128xi32, #tpu.memory_space<vmem>>, vector<16xi32>,
    %add3A_60 = arith.constant 112 : i32
    %add3A_61 = arith.addi %mul3A_5, %add3A_60 : i32
    %add3A_62 = vector.broadcast %add3A_61 : i32 to vector<16xi32>
    %add3A_63 = arith.addi %iota3A, %add3A_62 : vector<16xi32>
    %swap3A_64 = arith.constant 112 : index
    %swap3A_65 = tpu.vector_load %arg17[%swap3A_64] {strides = array<i32>} : memref<128xi32, #tpu.memory_space<vmem>>, vector<16xi32>,
    %swap3A_66 = vector.shape_cast %swap3A_65 : vector<16xi32> to vector<16xi32>
    %swap3A_67 = vector.shape_cast %add3A_63 : vector<16xi32> to vector<16xi32>
    tpu.vector_store %arg17[%swap3A_64], %swap3A_67 {strides = array<i32>} : memref<128xi32, #tpu.memory_space<vmem>>, vector<16xi32>,
    "tpu.region"() ({
      %run_scoped3A = tpu.sem_alloc : memref<!tpu.dma_semaphore, #tpu.memory_space<semaphore_mem>>
      %dma_start3A = arith.constant 0 : i32
      %dma_start3A_301 = arith.constant 0 : i32
      %dma_start3A_302 = tpu.memref_slice %arg11[%dma_start3A, %dma_start3A_301] : memref<162x128xi32, #tpu.memory_space<vmem>> -> memref<128x128xi32, #tpu.memory_space<vmem>>
      %dma_start3A_303 = arith.constant 0 : i32
      %dma_start3A_304 = tpu.memref_slice %arg17[%dma_start3A_303] : memref<128xi32, #tpu.memory_space<vmem>> -> memref<128xi32, #tpu.memory_space<vmem>>
      %dma_start3A_305 = arith.constant 0 : i32
      %dma_start3A_306 = arith.constant 0 : i32
      %dma_start3A_307 = tpu.memref_slice %arg4[%dma_start3A_305, %dma_start3A_306] : memref<2592x128xi32, #tpu.memory_space<hbm>> -> memref<2592x128xi32, #tpu.memory_space<hbm>>
      tpu.enqueue_indirect_dma source(%dma_start3A_307 : memref<2592x128xi32, #tpu.memory_space<hbm>>) target(%dma_start3A_302 : memref<128x128xi32, #tpu.memory_space<vmem>>) offsets(%dma_start3A_304 : memref<128xi32, #tpu.memory_space<vmem>>) semaphore(%run_scoped3A : memref<!tpu.dma_semaphore, #tpu.memory_space<semaphore_mem>>)
      %dma_wait3A = arith.constant 0 : i32
      %dma_wait3A_308 = arith.constant 0 : i32
      %dma_wait3A_309 = tpu.memref_slice %arg11[%dma_wait3A, %dma_wait3A_308] : memref<162x128xi32, #tpu.memory_space<vmem>> -> memref<128x128xi32, #tpu.memory_space<vmem>>
      %dma_wait3A_310 = arith.constant 0 : i32
      %dma_wait3A_311 = tpu.memref_slice %arg17[%dma_wait3A_310] : memref<128xi32, #tpu.memory_space<vmem>> -> memref<128xi32, #tpu.memory_space<vmem>>
      %dma_wait3A_312 = arith.constant 0 : i32
      %dma_wait3A_313 = arith.constant 0 : i32
      %dma_wait3A_314 = tpu.memref_slice %arg4[%dma_wait3A_312, %dma_wait3A_313] : memref<2592x128xi32, #tpu.memory_space<hbm>> -> memref<2592x128xi32, #tpu.memory_space<hbm>>
      tpu.wait_indirect_dma semaphore(%run_scoped3A : memref<!tpu.dma_semaphore, #tpu.memory_space<semaphore_mem>>) src(%dma_wait3A_314 : memref<2592x128xi32, #tpu.memory_space<hbm>>) dst(%dma_wait3A_309 : memref<128x128xi32, #tpu.memory_space<vmem>>)
      tpu.yield
    }) : () -> ()
    %add3A_68 = arith.constant 128 : i32
    %add3A_69 = arith.addi %mul3A_5, %add3A_68 : i32
    %add3A_70 = arith.constant 0 : i32
    %add3A_71 = arith.addi %add3A_69, %add3A_70 : i32
    %add3A_72 = vector.broadcast %add3A_71 : i32 to vector<16xi32>
    %add3A_73 = arith.addi %iota3A, %add3A_72 : vector<16xi32>
    %swap3A_74 = arith.constant 0 : index
    %swap3A_75 = tpu.vector_load %arg18[%swap3A_74] {strides = array<i32>} : memref<48xi32, #tpu.memory_space<vmem>>, vector<16xi32>,
    %swap3A_76 = vector.shape_cast %swap3A_75 : vector<16xi32> to vector<16xi32>
    %swap3A_77 = vector.shape_cast %add3A_73 : vector<16xi32> to vector<16xi32>
    tpu.vector_store %arg18[%swap3A_74], %swap3A_77 {strides = array<i32>} : memref<48xi32, #tpu.memory_space<vmem>>, vector<16xi32>,
    %add3A_78 = arith.constant 128 : i32
    %add3A_79 = arith.addi %mul3A_5, %add3A_78 : i32
    %add3A_80 = arith.constant 16 : i32
    %add3A_81 = arith.addi %add3A_79, %add3A_80 : i32
    %add3A_82 = vector.broadcast %add3A_81 : i32 to vector<16xi32>
    %add3A_83 = arith.addi %iota3A, %add3A_82 : vector<16xi32>
    %swap3A_84 = arith.constant 16 : index
    %swap3A_85 = tpu.vector_load %arg18[%swap3A_84] {strides = array<i32>} : memref<48xi32, #tpu.memory_space<vmem>>, vector<16xi32>,
    %swap3A_86 = vector.shape_cast %swap3A_85 : vector<16xi32> to vector<16xi32>
    %swap3A_87 = vector.shape_cast %add3A_83 : vector<16xi32> to vector<16xi32>
    tpu.vector_store %arg18[%swap3A_84], %swap3A_87 {strides = array<i32>} : memref<48xi32, #tpu.memory_space<vmem>>, vector<16xi32>,
    %add3A_88 = arith.constant 128 : i32
    %add3A_89 = arith.addi %mul3A_5, %add3A_88 : i32
    %add3A_90 = arith.constant 32 : i32
    %add3A_91 = arith.addi %add3A_89, %add3A_90 : i32
    %add3A_92 = vector.broadcast %add3A_91 : i32 to vector<16xi32>
    %add3A_93 = arith.addi %iota3A, %add3A_92 : vector<16xi32>
    %swap3A_94 = arith.constant 32 : index
    %swap3A_95 = tpu.vector_load %arg18[%swap3A_94] {strides = array<i32>} : memref<48xi32, #tpu.memory_space<vmem>>, vector<16xi32>,
    %swap3A_96 = vector.shape_cast %swap3A_95 : vector<16xi32> to vector<16xi32>
    %swap3A_97 = vector.shape_cast %add3A_93 : vector<16xi32> to vector<16xi32>
    tpu.vector_store %arg18[%swap3A_94], %swap3A_97 {strides = array<i32>} : memref<48xi32, #tpu.memory_space<vmem>>, vector<16xi32>,
    "tpu.region"() ({
      %run_scoped3A = tpu.sem_alloc : memref<!tpu.dma_semaphore, #tpu.memory_space<semaphore_mem>>
      %dma_start3A = arith.constant 128 : i32
      %dma_start3A_301 = arith.constant 0 : i32
      %dma_start3A_302 = tpu.memref_slice %arg11[%dma_start3A, %dma_start3A_301] : memref<162x128xi32, #tpu.memory_space<vmem>> -> memref<34x128xi32, #tpu.memory_space<vmem>>
      %dma_start3A_303 = arith.constant 0 : i32
      %dma_start3A_304 = tpu.memref_slice %arg18[%dma_start3A_303] : memref<48xi32, #tpu.memory_space<vmem>> -> memref<34xi32, #tpu.memory_space<vmem>>
      %dma_start3A_305 = arith.constant 0 : i32
      %dma_start3A_306 = arith.constant 0 : i32
      %dma_start3A_307 = tpu.memref_slice %arg4[%dma_start3A_305, %dma_start3A_306] : memref<2592x128xi32, #tpu.memory_space<hbm>> -> memref<2592x128xi32, #tpu.memory_space<hbm>>
      tpu.enqueue_indirect_dma source(%dma_start3A_307 : memref<2592x128xi32, #tpu.memory_space<hbm>>) target(%dma_start3A_302 : memref<34x128xi32, #tpu.memory_space<vmem>>) offsets(%dma_start3A_304 : memref<34xi32, #tpu.memory_space<vmem>>) semaphore(%run_scoped3A : memref<!tpu.dma_semaphore, #tpu.memory_space<semaphore_mem>>)
      %dma_wait3A = arith.constant 128 : i32
      %dma_wait3A_308 = arith.constant 0 : i32
      %dma_wait3A_309 = tpu.memref_slice %arg11[%dma_wait3A, %dma_wait3A_308] : memref<162x128xi32, #tpu.memory_space<vmem>> -> memref<34x128xi32, #tpu.memory_space<vmem>>
      %dma_wait3A_310 = arith.constant 0 : i32
      %dma_wait3A_311 = tpu.memref_slice %arg18[%dma_wait3A_310] : memref<48xi32, #tpu.memory_space<vmem>> -> memref<34xi32, #tpu.memory_space<vmem>>
      %dma_wait3A_312 = arith.constant 0 : i32
      %dma_wait3A_313 = arith.constant 0 : i32
      %dma_wait3A_314 = tpu.memref_slice %arg4[%dma_wait3A_312, %dma_wait3A_313] : memref<2592x128xi32, #tpu.memory_space<hbm>> -> memref<2592x128xi32, #tpu.memory_space<hbm>>
      tpu.wait_indirect_dma semaphore(%run_scoped3A : memref<!tpu.dma_semaphore, #tpu.memory_space<semaphore_mem>>) src(%dma_wait3A_314 : memref<2592x128xi32, #tpu.memory_space<hbm>>) dst(%dma_wait3A_309 : memref<34x128xi32, #tpu.memory_space<vmem>>)
      tpu.yield
    }) : () -> ()
    %mul3A_98 = arith.constant 162 : i32
    %mul3A_99 = arith.muli %arg1, %mul3A_98 : i32
    %iota3A_100 = tpu.iota {dimensions = array<i32: 0>} : vector<16xi32>
    %add3A_101 = arith.constant 0 : i32
    %add3A_102 = arith.addi %mul3A_99, %add3A_101 : i32
    %add3A_103 = vector.broadcast %add3A_102 : i32 to vector<16xi32>
    %add3A_104 = arith.addi %iota3A_100, %add3A_103 : vector<16xi32>
    %swap3A_105 = arith.constant 0 : index
    %swap3A_106 = tpu.vector_load %arg17[%swap3A_105] {strides = array<i32>} : memref<128xi32, #tpu.memory_space<vmem>>, vector<16xi32>,
    %swap3A_107 = vector.shape_cast %swap3A_106 : vector<16xi32> to vector<16xi32>
    %swap3A_108 = vector.shape_cast %add3A_104 : vector<16xi32> to vector<16xi32>
    tpu.vector_store %arg17[%swap3A_105], %swap3A_108 {strides = array<i32>} : memref<128xi32, #tpu.memory_space<vmem>>, vector<16xi32>,
    %add3A_109 = arith.constant 16 : i32
    %add3A_110 = arith.addi %mul3A_99, %add3A_109 : i32
    %add3A_111 = vector.broadcast %add3A_110 : i32 to vector<16xi32>
    %add3A_112 = arith.addi %iota3A_100, %add3A_111 : vector<16xi32>
    %swap3A_113 = arith.constant 16 : index
    %swap3A_114 = tpu.vector_load %arg17[%swap3A_113] {strides = array<i32>} : memref<128xi32, #tpu.memory_space<vmem>>, vector<16xi32>,
    %swap3A_115 = vector.shape_cast %swap3A_114 : vector<16xi32> to vector<16xi32>
    %swap3A_116 = vector.shape_cast %add3A_112 : vector<16xi32> to vector<16xi32>
    tpu.vector_store %arg17[%swap3A_113], %swap3A_116 {strides = array<i32>} : memref<128xi32, #tpu.memory_space<vmem>>, vector<16xi32>,
    %add3A_117 = arith.constant 32 : i32
    %add3A_118 = arith.addi %mul3A_99, %add3A_117 : i32
    %add3A_119 = vector.broadcast %add3A_118 : i32 to vector<16xi32>
    %add3A_120 = arith.addi %iota3A_100, %add3A_119 : vector<16xi32>
    %swap3A_121 = arith.constant 32 : index
    %swap3A_122 = tpu.vector_load %arg17[%swap3A_121] {strides = array<i32>} : memref<128xi32, #tpu.memory_space<vmem>>, vector<16xi32>,
    %swap3A_123 = vector.shape_cast %swap3A_122 : vector<16xi32> to vector<16xi32>
    %swap3A_124 = vector.shape_cast %add3A_120 : vector<16xi32> to vector<16xi32>
    tpu.vector_store %arg17[%swap3A_121], %swap3A_124 {strides = array<i32>} : memref<128xi32, #tpu.memory_space<vmem>>, vector<16xi32>,
    %add3A_125 = arith.constant 48 : i32
    %add3A_126 = arith.addi %mul3A_99, %add3A_125 : i32
    %add3A_127 = vector.broadcast %add3A_126 : i32 to vector<16xi32>
    %add3A_128 = arith.addi %iota3A_100, %add3A_127 : vector<16xi32>
    %swap3A_129 = arith.constant 48 : index
    %swap3A_130 = tpu.vector_load %arg17[%swap3A_129] {strides = array<i32>} : memref<128xi32, #tpu.memory_space<vmem>>, vector<16xi32>,
    %swap3A_131 = vector.shape_cast %swap3A_130 : vector<16xi32> to vector<16xi32>
    %swap3A_132 = vector.shape_cast %add3A_128 : vector<16xi32> to vector<16xi32>
    tpu.vector_store %arg17[%swap3A_129], %swap3A_132 {strides = array<i32>} : memref<128xi32, #tpu.memory_space<vmem>>, vector<16xi32>,
    %add3A_133 = arith.constant 64 : i32
    %add3A_134 = arith.addi %mul3A_99, %add3A_133 : i32
    %add3A_135 = vector.broadcast %add3A_134 : i32 to vector<16xi32>
    %add3A_136 = arith.addi %iota3A_100, %add3A_135 : vector<16xi32>
    %swap3A_137 = arith.constant 64 : index
    %swap3A_138 = tpu.vector_load %arg17[%swap3A_137] {strides = array<i32>} : memref<128xi32, #tpu.memory_space<vmem>>, vector<16xi32>,
    %swap3A_139 = vector.shape_cast %swap3A_138 : vector<16xi32> to vector<16xi32>
    %swap3A_140 = vector.shape_cast %add3A_136 : vector<16xi32> to vector<16xi32>
    tpu.vector_store %arg17[%swap3A_137], %swap3A_140 {strides = array<i32>} : memref<128xi32, #tpu.memory_space<vmem>>, vector<16xi32>,
    %add3A_141 = arith.constant 80 : i32
    %add3A_142 = arith.addi %mul3A_99, %add3A_141 : i32
    %add3A_143 = vector.broadcast %add3A_142 : i32 to vector<16xi32>
    %add3A_144 = arith.addi %iota3A_100, %add3A_143 : vector<16xi32>
    %swap3A_145 = arith.constant 80 : index
    %swap3A_146 = tpu.vector_load %arg17[%swap3A_145] {strides = array<i32>} : memref<128xi32, #tpu.memory_space<vmem>>, vector<16xi32>,
    %swap3A_147 = vector.shape_cast %swap3A_146 : vector<16xi32> to vector<16xi32>
    %swap3A_148 = vector.shape_cast %add3A_144 : vector<16xi32> to vector<16xi32>
    tpu.vector_store %arg17[%swap3A_145], %swap3A_148 {strides = array<i32>} : memref<128xi32, #tpu.memory_space<vmem>>, vector<16xi32>,
    %add3A_149 = arith.constant 96 : i32
    %add3A_150 = arith.addi %mul3A_99, %add3A_149 : i32
    %add3A_151 = vector.broadcast %add3A_150 : i32 to vector<16xi32>
    %add3A_152 = arith.addi %iota3A_100, %add3A_151 : vector<16xi32>
    %swap3A_153 = arith.constant 96 : index
    %swap3A_154 = tpu.vector_load %arg17[%swap3A_153] {strides = array<i32>} : memref<128xi32, #tpu.memory_space<vmem>>, vector<16xi32>,
    %swap3A_155 = vector.shape_cast %swap3A_154 : vector<16xi32> to vector<16xi32>
    %swap3A_156 = vector.shape_cast %add3A_152 : vector<16xi32> to vector<16xi32>
    tpu.vector_store %arg17[%swap3A_153], %swap3A_156 {strides = array<i32>} : memref<128xi32, #tpu.memory_space<vmem>>, vector<16xi32>,
    %add3A_157 = arith.constant 112 : i32
    %add3A_158 = arith.addi %mul3A_99, %add3A_157 : i32
    %add3A_159 = vector.broadcast %add3A_158 : i32 to vector<16xi32>
    %add3A_160 = arith.addi %iota3A_100, %add3A_159 : vector<16xi32>
    %swap3A_161 = arith.constant 112 : index
    %swap3A_162 = tpu.vector_load %arg17[%swap3A_161] {strides = array<i32>} : memref<128xi32, #tpu.memory_space<vmem>>, vector<16xi32>,
    %swap3A_163 = vector.shape_cast %swap3A_162 : vector<16xi32> to vector<16xi32>
    %swap3A_164 = vector.shape_cast %add3A_160 : vector<16xi32> to vector<16xi32>
    tpu.vector_store %arg17[%swap3A_161], %swap3A_164 {strides = array<i32>} : memref<128xi32, #tpu.memory_space<vmem>>, vector<16xi32>,
    "tpu.region"() ({
      %run_scoped3A = tpu.sem_alloc : memref<!tpu.dma_semaphore, #tpu.memory_space<semaphore_mem>>
      %dma_start3A = arith.constant 0 : i32
      %dma_start3A_301 = arith.constant 0 : i32
      %dma_start3A_302 = tpu.memref_slice %arg12[%dma_start3A, %dma_start3A_301] : memref<162x128xi32, #tpu.memory_space<vmem>> -> memref<128x128xi32, #tpu.memory_space<vmem>>
      %dma_start3A_303 = arith.constant 0 : i32
      %dma_start3A_304 = tpu.memref_slice %arg17[%dma_start3A_303] : memref<128xi32, #tpu.memory_space<vmem>> -> memref<128xi32, #tpu.memory_space<vmem>>
      %dma_start3A_305 = arith.constant 0 : i32
      %dma_start3A_306 = arith.constant 0 : i32
      %dma_start3A_307 = tpu.memref_slice %arg5[%dma_start3A_305, %dma_start3A_306] : memref<2592x128xi32, #tpu.memory_space<hbm>> -> memref<2592x128xi32, #tpu.memory_space<hbm>>
      tpu.enqueue_indirect_dma source(%dma_start3A_307 : memref<2592x128xi32, #tpu.memory_space<hbm>>) target(%dma_start3A_302 : memref<128x128xi32, #tpu.memory_space<vmem>>) offsets(%dma_start3A_304 : memref<128xi32, #tpu.memory_space<vmem>>) semaphore(%run_scoped3A : memref<!tpu.dma_semaphore, #tpu.memory_space<semaphore_mem>>)
      %dma_wait3A = arith.constant 0 : i32
      %dma_wait3A_308 = arith.constant 0 : i32
      %dma_wait3A_309 = tpu.memref_slice %arg12[%dma_wait3A, %dma_wait3A_308] : memref<162x128xi32, #tpu.memory_space<vmem>> -> memref<128x128xi32, #tpu.memory_space<vmem>>
      %dma_wait3A_310 = arith.constant 0 : i32
      %dma_wait3A_311 = tpu.memref_slice %arg17[%dma_wait3A_310] : memref<128xi32, #tpu.memory_space<vmem>> -> memref<128xi32, #tpu.memory_space<vmem>>
      %dma_wait3A_312 = arith.constant 0 : i32
      %dma_wait3A_313 = arith.constant 0 : i32
      %dma_wait3A_314 = tpu.memref_slice %arg5[%dma_wait3A_312, %dma_wait3A_313] : memref<2592x128xi32, #tpu.memory_space<hbm>> -> memref<2592x128xi32, #tpu.memory_space<hbm>>
      tpu.wait_indirect_dma semaphore(%run_scoped3A : memref<!tpu.dma_semaphore, #tpu.memory_space<semaphore_mem>>) src(%dma_wait3A_314 : memref<2592x128xi32, #tpu.memory_space<hbm>>) dst(%dma_wait3A_309 : memref<128x128xi32, #tpu.memory_space<vmem>>)
      tpu.yield
    }) : () -> ()
    %add3A_165 = arith.constant 128 : i32
    %add3A_166 = arith.addi %mul3A_99, %add3A_165 : i32
    %add3A_167 = arith.constant 0 : i32
    %add3A_168 = arith.addi %add3A_166, %add3A_167 : i32
    %add3A_169 = vector.broadcast %add3A_168 : i32 to vector<16xi32>
    %add3A_170 = arith.addi %iota3A_100, %add3A_169 : vector<16xi32>
    %swap3A_171 = arith.constant 0 : index
    %swap3A_172 = tpu.vector_load %arg18[%swap3A_171] {strides = array<i32>} : memref<48xi32, #tpu.memory_space<vmem>>, vector<16xi32>,
    %swap3A_173 = vector.shape_cast %swap3A_172 : vector<16xi32> to vector<16xi32>
    %swap3A_174 = vector.shape_cast %add3A_170 : vector<16xi32> to vector<16xi32>
    tpu.vector_store %arg18[%swap3A_171], %swap3A_174 {strides = array<i32>} : memref<48xi32, #tpu.memory_space<vmem>>, vector<16xi32>,
    %add3A_175 = arith.constant 128 : i32
    %add3A_176 = arith.addi %mul3A_99, %add3A_175 : i32
    %add3A_177 = arith.constant 16 : i32
    %add3A_178 = arith.addi %add3A_176, %add3A_177 : i32
    %add3A_179 = vector.broadcast %add3A_178 : i32 to vector<16xi32>
    %add3A_180 = arith.addi %iota3A_100, %add3A_179 : vector<16xi32>
    %swap3A_181 = arith.constant 16 : index
    %swap3A_182 = tpu.vector_load %arg18[%swap3A_181] {strides = array<i32>} : memref<48xi32, #tpu.memory_space<vmem>>, vector<16xi32>,
    %swap3A_183 = vector.shape_cast %swap3A_182 : vector<16xi32> to vector<16xi32>
    %swap3A_184 = vector.shape_cast %add3A_180 : vector<16xi32> to vector<16xi32>
    tpu.vector_store %arg18[%swap3A_181], %swap3A_184 {strides = array<i32>} : memref<48xi32, #tpu.memory_space<vmem>>, vector<16xi32>,
    %add3A_185 = arith.constant 128 : i32
    %add3A_186 = arith.addi %mul3A_99, %add3A_185 : i32
    %add3A_187 = arith.constant 32 : i32
    %add3A_188 = arith.addi %add3A_186, %add3A_187 : i32
    %add3A_189 = vector.broadcast %add3A_188 : i32 to vector<16xi32>
    %add3A_190 = arith.addi %iota3A_100, %add3A_189 : vector<16xi32>
    %swap3A_191 = arith.constant 32 : index
    %swap3A_192 = tpu.vector_load %arg18[%swap3A_191] {strides = array<i32>} : memref<48xi32, #tpu.memory_space<vmem>>, vector<16xi32>,
    %swap3A_193 = vector.shape_cast %swap3A_192 : vector<16xi32> to vector<16xi32>
    %swap3A_194 = vector.shape_cast %add3A_190 : vector<16xi32> to vector<16xi32>
    tpu.vector_store %arg18[%swap3A_191], %swap3A_194 {strides = array<i32>} : memref<48xi32, #tpu.memory_space<vmem>>, vector<16xi32>,
    "tpu.region"() ({
      %run_scoped3A = tpu.sem_alloc : memref<!tpu.dma_semaphore, #tpu.memory_space<semaphore_mem>>
      %dma_start3A = arith.constant 128 : i32
      %dma_start3A_301 = arith.constant 0 : i32
      %dma_start3A_302 = tpu.memref_slice %arg12[%dma_start3A, %dma_start3A_301] : memref<162x128xi32, #tpu.memory_space<vmem>> -> memref<34x128xi32, #tpu.memory_space<vmem>>
      %dma_start3A_303 = arith.constant 0 : i32
      %dma_start3A_304 = tpu.memref_slice %arg18[%dma_start3A_303] : memref<48xi32, #tpu.memory_space<vmem>> -> memref<34xi32, #tpu.memory_space<vmem>>
      %dma_start3A_305 = arith.constant 0 : i32
      %dma_start3A_306 = arith.constant 0 : i32
      %dma_start3A_307 = tpu.memref_slice %arg5[%dma_start3A_305, %dma_start3A_306] : memref<2592x128xi32, #tpu.memory_space<hbm>> -> memref<2592x128xi32, #tpu.memory_space<hbm>>
      tpu.enqueue_indirect_dma source(%dma_start3A_307 : memref<2592x128xi32, #tpu.memory_space<hbm>>) target(%dma_start3A_302 : memref<34x128xi32, #tpu.memory_space<vmem>>) offsets(%dma_start3A_304 : memref<34xi32, #tpu.memory_space<vmem>>) semaphore(%run_scoped3A : memref<!tpu.dma_semaphore, #tpu.memory_space<semaphore_mem>>)
      %dma_wait3A = arith.constant 128 : i32
      %dma_wait3A_308 = arith.constant 0 : i32
      %dma_wait3A_309 = tpu.memref_slice %arg12[%dma_wait3A, %dma_wait3A_308] : memref<162x128xi32, #tpu.memory_space<vmem>> -> memref<34x128xi32, #tpu.memory_space<vmem>>
      %dma_wait3A_310 = arith.constant 0 : i32
      %dma_wait3A_311 = tpu.memref_slice %arg18[%dma_wait3A_310] : memref<48xi32, #tpu.memory_space<vmem>> -> memref<34xi32, #tpu.memory_space<vmem>>
      %dma_wait3A_312 = arith.constant 0 : i32
      %dma_wait3A_313 = arith.constant 0 : i32
      %dma_wait3A_314 = tpu.memref_slice %arg5[%dma_wait3A_312, %dma_wait3A_313] : memref<2592x128xi32, #tpu.memory_space<hbm>> -> memref<2592x128xi32, #tpu.memory_space<hbm>>
      tpu.wait_indirect_dma semaphore(%run_scoped3A : memref<!tpu.dma_semaphore, #tpu.memory_space<semaphore_mem>>) src(%dma_wait3A_314 : memref<2592x128xi32, #tpu.memory_space<hbm>>) dst(%dma_wait3A_309 : memref<34x128xi32, #tpu.memory_space<vmem>>)
      tpu.yield
    }) : () -> ()
    %barrier3A = arith.constant 0 : index
    tpu.barrier barrier_id(%barrier3A)
    %scan3A_195 = arith.constant 0 : i32
    %scan3A_196 = arith.constant 0 : i32
    %scan3A_197 = arith.constant 162 : i32
    %scan3A_198 = arith.addi %scan3A_196, %scan3A_197 : i32
    %scan3A_199 = arith.constant 1 : i32
    scf.for %scan3A_301 = %scan3A_196 to %scan3A_198 step %scan3A_199  : i32 {
      %mul3A_302 = arith.constant 162 : i32
      %mul3A_303 = arith.muli %arg1, %mul3A_302 : i32
      %add3A_304 = arith.addi %mul3A_303, %scan3A_301 : i32
      %mul3A_305 = arith.constant 128 : i32
      %mul3A_306 = arith.muli %add3A_304, %mul3A_305 : i32
      "tpu.region"() ({
        %run_scoped3A = tpu.sem_alloc : memref<!tpu.dma_semaphore, #tpu.memory_space<semaphore_mem>>
        %dma_start3A = arith.constant 0 : i32
        %dma_start3A_307 = tpu.memref_slice %arg3[%mul3A_306, %dma_start3A] : memref<331776x16xf32, #tpu.memory_space<hbm>> -> memref<128x16xf32, #tpu.memory_space<hbm>>
        %dma_start3A_308 = arith.constant 0 : i32
        %dma_start3A_309 = tpu.memref_slice %arg3[%mul3A_306, %dma_start3A_308] : memref<331776x16xf32, #tpu.memory_space<hbm>> -> memref<128x16xf32, #tpu.memory_space<hbm>>
        tpu.enqueue_dma source(%dma_start3A_309 : memref<128x16xf32, #tpu.memory_space<hbm>>) target(%arg13 : memref<128x16xf32, #tpu.memory_space<vmem>>) target_semaphore(%run_scoped3A : memref<!tpu.dma_semaphore, #tpu.memory_space<semaphore_mem>>)
        %dma_wait3A = arith.constant 0 : i32
        %dma_wait3A_310 = tpu.memref_slice %arg3[%mul3A_306, %dma_wait3A] : memref<331776x16xf32, #tpu.memory_space<hbm>> -> memref<128x16xf32, #tpu.memory_space<hbm>>
        %dma_wait3A_311 = arith.constant 0 : i32
        %dma_wait3A_312 = tpu.memref_slice %arg3[%mul3A_306, %dma_wait3A_311] : memref<331776x16xf32, #tpu.memory_space<hbm>> -> memref<128x16xf32, #tpu.memory_space<hbm>>
        tpu.wait_dma2 semaphore(%run_scoped3A : memref<!tpu.dma_semaphore, #tpu.memory_space<semaphore_mem>>) src(%dma_wait3A_312 : memref<128x16xf32, #tpu.memory_space<hbm>>) dst(%arg13 : memref<128x16xf32, #tpu.memory_space<vmem>>)
        tpu.yield
      }) : () -> ()
      "tpu.region"() ({
        %run_scoped3A = tpu.sem_alloc : memref<!tpu.dma_semaphore, #tpu.memory_space<semaphore_mem>>
        %dma_start3A = arith.constant 0 : i32
        %dma_start3A_307 = tpu.memref_slice %arg12[%scan3A_301, %dma_start3A] : memref<162x128xi32, #tpu.memory_space<vmem>> -> memref<1x128xi32, #tpu.memory_space<vmem>>
        %dma_start3A_308 = tpu.memref_squeeze %dma_start3A_307 : memref<1x128xi32, #tpu.memory_space<vmem>> -> memref<128xi32, #tpu.memory_space<vmem>>
        %dma_start3A_309 = arith.constant 0 : i32
        %dma_start3A_310 = arith.constant 0 : i32
        %dma_start3A_311 = tpu.memref_slice %arg9[%dma_start3A_309, %dma_start3A_310] : memref<10240x16xf32, #tpu.memory_space<vmem_shared>> -> memref<10240x16xf32, #tpu.memory_space<vmem_shared>>
        tpu.enqueue_indirect_dma source(%arg13 : memref<128x16xf32, #tpu.memory_space<vmem>>) target(%dma_start3A_311 : memref<10240x16xf32, #tpu.memory_space<vmem_shared>>) offsets(%dma_start3A_308 : memref<128xi32, #tpu.memory_space<vmem>>) semaphore(%run_scoped3A : memref<!tpu.dma_semaphore, #tpu.memory_space<semaphore_mem>>) {add = true}
        %dma_wait3A = arith.constant 0 : i32
        %dma_wait3A_312 = tpu.memref_slice %arg12[%scan3A_301, %dma_wait3A] : memref<162x128xi32, #tpu.memory_space<vmem>> -> memref<1x128xi32, #tpu.memory_space<vmem>>
        %dma_wait3A_313 = tpu.memref_squeeze %dma_wait3A_312 : memref<1x128xi32, #tpu.memory_space<vmem>> -> memref<128xi32, #tpu.memory_space<vmem>>
        %dma_wait3A_314 = arith.constant 0 : i32
        %dma_wait3A_315 = arith.constant 0 : i32
        %dma_wait3A_316 = tpu.memref_slice %arg9[%dma_wait3A_314, %dma_wait3A_315] : memref<10240x16xf32, #tpu.memory_space<vmem_shared>> -> memref<10240x16xf32, #tpu.memory_space<vmem_shared>>
        tpu.wait_indirect_dma semaphore(%run_scoped3A : memref<!tpu.dma_semaphore, #tpu.memory_space<semaphore_mem>>) src(%arg13 : memref<128x16xf32, #tpu.memory_space<vmem>>) dst(%dma_wait3A_316 : memref<10240x16xf32, #tpu.memory_space<vmem_shared>>)
        tpu.yield
      }) : () -> ()
    }
    %scan3A_200 = arith.constant 162 : i32
    %barrier3A_201 = arith.constant 0 : index
    tpu.barrier barrier_id(%barrier3A_201)
    %mul3A_202 = arith.constant 4 : i32
    %mul3A_203 = arith.muli %mul3A_202, %arg0 : i32
    %add3A_204 = arith.constant 0 : i32
    %add3A_205 = arith.addi %mul3A_203, %add3A_204 : i32
    %scan3A_206 = arith.constant 0 : i32
    %scan3A_207 = arith.constant 0 : i32
    %scan3A_208 = arith.constant 5 : i32
    %scan3A_209 = arith.addi %scan3A_207, %scan3A_208 : i32
    %scan3A_210 = arith.constant 1 : i32
    scf.for %scan3A_301 = %scan3A_207 to %scan3A_209 step %scan3A_210  : i32 {
      %mul3A_302 = arith.constant 640 : i32
      %mul3A_303 = arith.muli %arg1, %mul3A_302 : i32
      %mul3A_304 = arith.constant 128 : i32
      %mul3A_305 = arith.muli %scan3A_301, %mul3A_304 : i32
      %add3A_306 = arith.addi %mul3A_303, %mul3A_305 : i32
      "tpu.region"() ({
        %run_scoped3A = tpu.sem_alloc : memref<!tpu.dma_semaphore, #tpu.memory_space<semaphore_mem>>
        %dma_start3A = arith.constant 0 : i32
        %dma_start3A_307 = tpu.memref_slice %arg10[%add3A_306, %dma_start3A] : memref<10240x64xf32, #tpu.memory_space<vmem_shared>> -> memref<128x64xf32, #tpu.memory_space<vmem_shared>>
        tpu.enqueue_dma source(%arg7 : memref<128x64xf32, #tpu.memory_space<hbm>>) target(%dma_start3A_307 : memref<128x64xf32, #tpu.memory_space<vmem_shared>>) target_semaphore(%run_scoped3A : memref<!tpu.dma_semaphore, #tpu.memory_space<semaphore_mem>>)
        %dma_wait3A = arith.constant 0 : i32
        %dma_wait3A_308 = tpu.memref_slice %arg10[%add3A_306, %dma_wait3A] : memref<10240x64xf32, #tpu.memory_space<vmem_shared>> -> memref<128x64xf32, #tpu.memory_space<vmem_shared>>
        tpu.wait_dma2 semaphore(%run_scoped3A : memref<!tpu.dma_semaphore, #tpu.memory_space<semaphore_mem>>) src(%arg7 : memref<128x64xf32, #tpu.memory_space<hbm>>) dst(%dma_wait3A_308 : memref<128x64xf32, #tpu.memory_space<vmem_shared>>)
        tpu.yield
      }) : () -> ()
    }
    %scan3A_211 = arith.constant 5 : i32
    %barrier3A_212 = arith.constant 0 : index
    tpu.barrier barrier_id(%barrier3A_212)
    %scan3A_213 = arith.constant 0 : i32
    %scan3A_214 = arith.constant 0 : i32
    %scan3A_215 = arith.constant 162 : i32
    %scan3A_216 = arith.addi %scan3A_214, %scan3A_215 : i32
    %scan3A_217 = arith.constant 1 : i32
    scf.for %scan3A_301 = %scan3A_214 to %scan3A_216 step %scan3A_217  : i32 {
      %scan3A_302 = arith.constant 0 : i32
      %scan3A_303 = arith.constant 0 : i32
      %scan3A_304 = arith.constant 8 : i32
      %scan3A_305 = arith.addi %scan3A_303, %scan3A_304 : i32
      %scan3A_306 = arith.constant 1 : i32
      scf.for %scan3A_319 = %scan3A_303 to %scan3A_305 step %scan3A_306  : i32 {
        %mul3A_320 = arith.constant 16 : i32
        %mul3A_321 = arith.muli %scan3A_319, %mul3A_320 : i32
        %get3A = arith.index_cast %scan3A_301 : i32 to index
        %get3A_322 = arith.index_cast %mul3A_321 : i32 to index
        %get3A_323 = tpu.vector_load %arg11[%get3A, %get3A_322] {strides = array<i32>} : memref<162x128xi32, #tpu.memory_space<vmem>>, vector<1x16xi32>,
        %get3A_324 = vector.shape_cast %get3A_323 : vector<1x16xi32> to vector<16xi32>
        %mul3A_325 = arith.constant 10240 : i32
        %mul3A_326 = arith.muli %add3A_205, %mul3A_325 : i32
        %add3A_327 = vector.broadcast %mul3A_326 : i32 to vector<16xi32>
        %add3A_328 = arith.addi %get3A_324, %add3A_327 : vector<16xi32>
        %mul3A_329 = arith.constant 16 : i32
        %mul3A_330 = arith.muli %scan3A_319, %mul3A_329 : i32
        %swap3A_331 = arith.index_cast %mul3A_330 : i32 to index
        %swap3A_332 = tpu.vector_load %arg16[%swap3A_331] {strides = array<i32>} : memref<128xi32, #tpu.memory_space<vmem>>, vector<16xi32>,
        %swap3A_333 = vector.shape_cast %swap3A_332 : vector<16xi32> to vector<16xi32>
        %swap3A_334 = vector.shape_cast %add3A_328 : vector<16xi32> to vector<16xi32>
        tpu.vector_store %arg16[%swap3A_331], %swap3A_334 {strides = array<i32>} : memref<128xi32, #tpu.memory_space<vmem>>, vector<16xi32>,
      }
      %scan3A_307 = arith.constant 8 : i32
      "tpu.region"() ({
        %run_scoped3A = tpu.sem_alloc : memref<!tpu.dma_semaphore, #tpu.memory_space<semaphore_mem>>
        %dma_start3A = arith.constant 0 : i32
        %dma_start3A_319 = arith.constant 0 : i32
        %dma_start3A_320 = tpu.memref_slice %arg2[%dma_start3A, %dma_start3A_319] : memref<81920x64xf32, #tpu.memory_space<hbm>> -> memref<81920x64xf32, #tpu.memory_space<hbm>>
        tpu.enqueue_indirect_dma source(%dma_start3A_320 : memref<81920x64xf32, #tpu.memory_space<hbm>>) target(%arg15 : memref<128x64xf32, #tpu.memory_space<vmem>>) offsets(%arg16 : memref<128xi32, #tpu.memory_space<vmem>>) semaphore(%run_scoped3A : memref<!tpu.dma_semaphore, #tpu.memory_space<semaphore_mem>>)
        %dma_wait3A = arith.constant 0 : i32
        %dma_wait3A_321 = arith.constant 0 : i32
        %dma_wait3A_322 = tpu.memref_slice %arg2[%dma_wait3A, %dma_wait3A_321] : memref<81920x64xf32, #tpu.memory_space<hbm>> -> memref<81920x64xf32, #tpu.memory_space<hbm>>
        tpu.wait_indirect_dma semaphore(%run_scoped3A : memref<!tpu.dma_semaphore, #tpu.memory_space<semaphore_mem>>) src(%dma_wait3A_322 : memref<81920x64xf32, #tpu.memory_space<hbm>>) dst(%arg15 : memref<128x64xf32, #tpu.memory_space<vmem>>)
        tpu.yield
      }) : () -> ()
      %mul3A_308 = arith.constant 162 : i32
      %mul3A_309 = arith.muli %arg1, %mul3A_308 : i32
      %add3A_310 = arith.addi %mul3A_309, %scan3A_301 : i32
      %mul3A_311 = arith.constant 128 : i32
      %mul3A_312 = arith.muli %add3A_310, %mul3A_311 : i32
      "tpu.region"() ({
        %run_scoped3A = tpu.sem_alloc : memref<!tpu.dma_semaphore, #tpu.memory_space<semaphore_mem>>
        %dma_start3A = arith.constant 0 : i32
        %dma_start3A_319 = tpu.memref_slice %arg3[%mul3A_312, %dma_start3A] : memref<331776x16xf32, #tpu.memory_space<hbm>> -> memref<128x16xf32, #tpu.memory_space<hbm>>
        %dma_start3A_320 = arith.constant 0 : i32
        %dma_start3A_321 = tpu.memref_slice %arg3[%mul3A_312, %dma_start3A_320] : memref<331776x16xf32, #tpu.memory_space<hbm>> -> memref<128x16xf32, #tpu.memory_space<hbm>>
        tpu.enqueue_dma source(%dma_start3A_321 : memref<128x16xf32, #tpu.memory_space<hbm>>) target(%arg13 : memref<128x16xf32, #tpu.memory_space<vmem>>) target_semaphore(%run_scoped3A : memref<!tpu.dma_semaphore, #tpu.memory_space<semaphore_mem>>)
        %dma_wait3A = arith.constant 0 : i32
        %dma_wait3A_322 = tpu.memref_slice %arg3[%mul3A_312, %dma_wait3A] : memref<331776x16xf32, #tpu.memory_space<hbm>> -> memref<128x16xf32, #tpu.memory_space<hbm>>
        %dma_wait3A_323 = arith.constant 0 : i32
        %dma_wait3A_324 = tpu.memref_slice %arg3[%mul3A_312, %dma_wait3A_323] : memref<331776x16xf32, #tpu.memory_space<hbm>> -> memref<128x16xf32, #tpu.memory_space<hbm>>
        tpu.wait_dma2 semaphore(%run_scoped3A : memref<!tpu.dma_semaphore, #tpu.memory_space<semaphore_mem>>) src(%dma_wait3A_324 : memref<128x16xf32, #tpu.memory_space<hbm>>) dst(%arg13 : memref<128x16xf32, #tpu.memory_space<vmem>>)
        tpu.yield
      }) : () -> ()
      "tpu.region"() ({
        %run_scoped3A = tpu.sem_alloc : memref<!tpu.dma_semaphore, #tpu.memory_space<semaphore_mem>>
        %dma_start3A = arith.constant 0 : i32
        %dma_start3A_319 = tpu.memref_slice %arg12[%scan3A_301, %dma_start3A] : memref<162x128xi32, #tpu.memory_space<vmem>> -> memref<1x128xi32, #tpu.memory_space<vmem>>
        %dma_start3A_320 = tpu.memref_squeeze %dma_start3A_319 : memref<1x128xi32, #tpu.memory_space<vmem>> -> memref<128xi32, #tpu.memory_space<vmem>>
        %dma_start3A_321 = arith.constant 0 : i32
        %dma_start3A_322 = arith.constant 0 : i32
        %dma_start3A_323 = tpu.memref_slice %arg9[%dma_start3A_321, %dma_start3A_322] : memref<10240x16xf32, #tpu.memory_space<vmem_shared>> -> memref<10240x16xf32, #tpu.memory_space<vmem_shared>>
        tpu.enqueue_indirect_dma source(%dma_start3A_323 : memref<10240x16xf32, #tpu.memory_space<vmem_shared>>) target(%arg14 : memref<128x16xf32, #tpu.memory_space<vmem>>) offsets(%dma_start3A_320 : memref<128xi32, #tpu.memory_space<vmem>>) semaphore(%run_scoped3A : memref<!tpu.dma_semaphore, #tpu.memory_space<semaphore_mem>>)
        %dma_wait3A = arith.constant 0 : i32
        %dma_wait3A_324 = tpu.memref_slice %arg12[%scan3A_301, %dma_wait3A] : memref<162x128xi32, #tpu.memory_space<vmem>> -> memref<1x128xi32, #tpu.memory_space<vmem>>
        %dma_wait3A_325 = tpu.memref_squeeze %dma_wait3A_324 : memref<1x128xi32, #tpu.memory_space<vmem>> -> memref<128xi32, #tpu.memory_space<vmem>>
        %dma_wait3A_326 = arith.constant 0 : i32
        %dma_wait3A_327 = arith.constant 0 : i32
        %dma_wait3A_328 = tpu.memref_slice %arg9[%dma_wait3A_326, %dma_wait3A_327] : memref<10240x16xf32, #tpu.memory_space<vmem_shared>> -> memref<10240x16xf32, #tpu.memory_space<vmem_shared>>
        tpu.wait_indirect_dma semaphore(%run_scoped3A : memref<!tpu.dma_semaphore, #tpu.memory_space<semaphore_mem>>) src(%dma_wait3A_328 : memref<10240x16xf32, #tpu.memory_space<vmem_shared>>) dst(%arg14 : memref<128x16xf32, #tpu.memory_space<vmem>>)
        tpu.yield
      }) : () -> ()
      %scan3A_313 = arith.constant 0 : i32
      %scan3A_314 = arith.constant 0 : i32
      %scan3A_315 = arith.constant 128 : i32
      %scan3A_316 = arith.addi %scan3A_314, %scan3A_315 : i32
      %scan3A_317 = arith.constant 1 : i32
      scf.for %scan3A_319 = %scan3A_314 to %scan3A_316 step %scan3A_317  : i32 {
        %get3A = arith.index_cast %scan3A_319 : i32 to index
        %get3A_320 = arith.constant 0 : index
        %get3A_321 = tpu.vector_load %arg13[%get3A, %get3A_320] {strides = array<i32>} : memref<128x16xf32, #tpu.memory_space<vmem>>, vector<1x16xf32>,
        %get3A_322 = vector.shape_cast %get3A_321 : vector<1x16xf32> to vector<16xf32>
        %get3A_323 = arith.index_cast %scan3A_319 : i32 to index
        %get3A_324 = arith.constant 0 : index
        %get3A_325 = tpu.vector_load %arg14[%get3A_323, %get3A_324] {strides = array<i32>} : memref<128x16xf32, #tpu.memory_space<vmem>>, vector<1x16xf32>,
        %get3A_326 = vector.shape_cast %get3A_325 : vector<1x16xf32> to vector<16xf32>
        %add3A_327 = arith.constant 1.000000e-16 : f32
        %add3A_328 = vector.broadcast %add3A_327 : f32 to vector<16xf32>
        %add3A_329 = arith.addf %get3A_326, %add3A_328 : vector<16xf32>
        %div3A = arith.constant 1.000000e+00 : f32
        %div3A_330 = vector.broadcast %div3A : f32 to vector<16xf32>
        %div3A_331 = arith.divf %div3A_330, %add3A_329 : vector<16xf32>
        %mul3A_332 = arith.mulf %add3A_329, %div3A_331 : vector<16xf32>
        %sub3A = arith.constant 2.000000e+00 : f32
        %sub3A_333 = vector.broadcast %sub3A : f32 to vector<16xf32>
        %sub3A_334 = arith.subf %sub3A_333, %mul3A_332 : vector<16xf32>
        %mul3A_335 = arith.mulf %div3A_331, %sub3A_334 : vector<16xf32>
        %mul3A_336 = arith.mulf %get3A_322, %mul3A_335 : vector<16xf32>
        %broadcast_in_dim3A = vector.broadcast %add3A_205 : i32 to vector<16x1xi32>
        %gather3A = vector.shape_cast %broadcast_in_dim3A : vector<16x1xi32> to vector<16xi32>
        %gather3A_337 = tpu.dynamic_gather %mul3A_336[%gather3A] in [0] : vector<16xf32>, vector<16xi32> -> vector<16xf32>
        %get3A_338 = arith.index_cast %scan3A_319 : i32 to index
        %get3A_339 = arith.constant 0 : index
        %get3A_340 = tpu.vector_load %arg15[%get3A_338, %get3A_339] {strides = array<i32>} : memref<128x64xf32, #tpu.memory_space<vmem>>, vector<1x16xf32>,
        %get3A_341 = vector.shape_cast %get3A_340 : vector<1x16xf32> to vector<16xf32>
        %mul3A_342 = arith.mulf %get3A_341, %gather3A_337 : vector<16xf32>
        %swap3A_343 = arith.index_cast %scan3A_319 : i32 to index
        %swap3A_344 = arith.constant 0 : index
        %swap3A_345 = tpu.vector_load %arg15[%swap3A_343, %swap3A_344] {strides = array<i32>} : memref<128x64xf32, #tpu.memory_space<vmem>>, vector<1x16xf32>,
        %swap3A_346 = vector.shape_cast %swap3A_345 : vector<1x16xf32> to vector<16xf32>
        %swap3A_347 = vector.shape_cast %mul3A_342 : vector<16xf32> to vector<1x16xf32>
        tpu.vector_store %arg15[%swap3A_343, %swap3A_344], %swap3A_347 {strides = array<i32>} : memref<128x64xf32, #tpu.memory_space<vmem>>, vector<1x16xf32>,
        %get3A_348 = arith.index_cast %scan3A_319 : i32 to index
        %get3A_349 = arith.constant 16 : index
        %get3A_350 = tpu.vector_load %arg15[%get3A_348, %get3A_349] {strides = array<i32>} : memref<128x64xf32, #tpu.memory_space<vmem>>, vector<1x16xf32>,
        %get3A_351 = vector.shape_cast %get3A_350 : vector<1x16xf32> to vector<16xf32>
        %mul3A_352 = arith.mulf %get3A_351, %gather3A_337 : vector<16xf32>
        %swap3A_353 = arith.index_cast %scan3A_319 : i32 to index
        %swap3A_354 = arith.constant 16 : index
        %swap3A_355 = tpu.vector_load %arg15[%swap3A_353, %swap3A_354] {strides = array<i32>} : memref<128x64xf32, #tpu.memory_space<vmem>>, vector<1x16xf32>,
        %swap3A_356 = vector.shape_cast %swap3A_355 : vector<1x16xf32> to vector<16xf32>
        %swap3A_357 = vector.shape_cast %mul3A_352 : vector<16xf32> to vector<1x16xf32>
        tpu.vector_store %arg15[%swap3A_353, %swap3A_354], %swap3A_357 {strides = array<i32>} : memref<128x64xf32, #tpu.memory_space<vmem>>, vector<1x16xf32>,
        %get3A_358 = arith.index_cast %scan3A_319 : i32 to index
        %get3A_359 = arith.constant 32 : index
        %get3A_360 = tpu.vector_load %arg15[%get3A_358, %get3A_359] {strides = array<i32>} : memref<128x64xf32, #tpu.memory_space<vmem>>, vector<1x16xf32>,
        %get3A_361 = vector.shape_cast %get3A_360 : vector<1x16xf32> to vector<16xf32>
        %mul3A_362 = arith.mulf %get3A_361, %gather3A_337 : vector<16xf32>
        %swap3A_363 = arith.index_cast %scan3A_319 : i32 to index
        %swap3A_364 = arith.constant 32 : index
        %swap3A_365 = tpu.vector_load %arg15[%swap3A_363, %swap3A_364] {strides = array<i32>} : memref<128x64xf32, #tpu.memory_space<vmem>>, vector<1x16xf32>,
        %swap3A_366 = vector.shape_cast %swap3A_365 : vector<1x16xf32> to vector<16xf32>
        %swap3A_367 = vector.shape_cast %mul3A_362 : vector<16xf32> to vector<1x16xf32>
        tpu.vector_store %arg15[%swap3A_363, %swap3A_364], %swap3A_367 {strides = array<i32>} : memref<128x64xf32, #tpu.memory_space<vmem>>, vector<1x16xf32>,
        %get3A_368 = arith.index_cast %scan3A_319 : i32 to index
        %get3A_369 = arith.constant 48 : index
        %get3A_370 = tpu.vector_load %arg15[%get3A_368, %get3A_369] {strides = array<i32>} : memref<128x64xf32, #tpu.memory_space<vmem>>, vector<1x16xf32>,
        %get3A_371 = vector.shape_cast %get3A_370 : vector<1x16xf32> to vector<16xf32>
        %mul3A_372 = arith.mulf %get3A_371, %gather3A_337 : vector<16xf32>
        %swap3A_373 = arith.index_cast %scan3A_319 : i32 to index
        %swap3A_374 = arith.constant 48 : index
        %swap3A_375 = tpu.vector_load %arg15[%swap3A_373, %swap3A_374] {strides = array<i32>} : memref<128x64xf32, #tpu.memory_space<vmem>>, vector<1x16xf32>,
        %swap3A_376 = vector.shape_cast %swap3A_375 : vector<1x16xf32> to vector<16xf32>
        %swap3A_377 = vector.shape_cast %mul3A_372 : vector<16xf32> to vector<1x16xf32>
        tpu.vector_store %arg15[%swap3A_373, %swap3A_374], %swap3A_377 {strides = array<i32>} : memref<128x64xf32, #tpu.memory_space<vmem>>, vector<1x16xf32>,
      }
      %scan3A_318 = arith.constant 128 : i32
      "tpu.region"() ({
        %run_scoped3A = tpu.sem_alloc : memref<!tpu.dma_semaphore, #tpu.memory_space<semaphore_mem>>
        %dma_start3A = arith.constant 0 : i32
        %dma_start3A_319 = tpu.memref_slice %arg12[%scan3A_301, %dma_start3A] : memref<162x128xi32, #tpu.memory_space<vmem>> -> memref<1x128xi32, #tpu.memory_space<vmem>>
        %dma_start3A_320 = tpu.memref_squeeze %dma_start3A_319 : memref<1x128xi32, #tpu.memory_space<vmem>> -> memref<128xi32, #tpu.memory_space<vmem>>
        %dma_start3A_321 = arith.constant 0 : i32
        %dma_start3A_322 = arith.constant 0 : i32
        %dma_start3A_323 = tpu.memref_slice %arg10[%dma_start3A_321, %dma_start3A_322] : memref<10240x64xf32, #tpu.memory_space<vmem_shared>> -> memref<10240x64xf32, #tpu.memory_space<vmem_shared>>
        tpu.enqueue_indirect_dma source(%arg15 : memref<128x64xf32, #tpu.memory_space<vmem>>) target(%dma_start3A_323 : memref<10240x64xf32, #tpu.memory_space<vmem_shared>>) offsets(%dma_start3A_320 : memref<128xi32, #tpu.memory_space<vmem>>) semaphore(%run_scoped3A : memref<!tpu.dma_semaphore, #tpu.memory_space<semaphore_mem>>) {add = true}
        %dma_wait3A = arith.constant 0 : i32
        %dma_wait3A_324 = tpu.memref_slice %arg12[%scan3A_301, %dma_wait3A] : memref<162x128xi32, #tpu.memory_space<vmem>> -> memref<1x128xi32, #tpu.memory_space<vmem>>
        %dma_wait3A_325 = tpu.memref_squeeze %dma_wait3A_324 : memref<1x128xi32, #tpu.memory_space<vmem>> -> memref<128xi32, #tpu.memory_space<vmem>>
        %dma_wait3A_326 = arith.constant 0 : i32
        %dma_wait3A_327 = arith.constant 0 : i32
        %dma_wait3A_328 = tpu.memref_slice %arg10[%dma_wait3A_326, %dma_wait3A_327] : memref<10240x64xf32, #tpu.memory_space<vmem_shared>> -> memref<10240x64xf32, #tpu.memory_space<vmem_shared>>
        tpu.wait_indirect_dma semaphore(%run_scoped3A : memref<!tpu.dma_semaphore, #tpu.memory_space<semaphore_mem>>) src(%arg15 : memref<128x64xf32, #tpu.memory_space<vmem>>) dst(%dma_wait3A_328 : memref<10240x64xf32, #tpu.memory_space<vmem_shared>>)
        tpu.yield
      }) : () -> ()
    }
    %scan3A_218 = arith.constant 162 : i32
    %barrier3A_219 = arith.constant 0 : index
    tpu.barrier barrier_id(%barrier3A_219)
    %scan3A_220 = arith.constant 0 : i32
    %scan3A_221 = arith.constant 0 : i32
    %scan3A_222 = arith.constant 5 : i32
    %scan3A_223 = arith.addi %scan3A_221, %scan3A_222 : i32
    %scan3A_224 = arith.constant 1 : i32
    scf.for %scan3A_301 = %scan3A_221 to %scan3A_223 step %scan3A_224  : i32 {
      %mul3A_302 = arith.constant 640 : i32
      %mul3A_303 = arith.muli %arg1, %mul3A_302 : i32
      %mul3A_304 = arith.constant 128 : i32
      %mul3A_305 = arith.muli %scan3A_301, %mul3A_304 : i32
      %add3A_306 = arith.addi %mul3A_303, %mul3A_305 : i32
      "tpu.region"() ({
        %run_scoped3A = tpu.sem_alloc : memref<!tpu.dma_semaphore, #tpu.memory_space<semaphore_mem>>
        %dma_start3A = arith.constant 0 : i32
        %dma_start3A_307 = tpu.memref_slice %arg8[%add3A_205, %add3A_306, %dma_start3A] : memref<8x10240x64xf32, #tpu.memory_space<hbm>> -> memref<1x128x64xf32, #tpu.memory_space<hbm>>
        %dma_start3A_308 = tpu.memref_squeeze %dma_start3A_307 : memref<1x128x64xf32, #tpu.memory_space<hbm>> -> memref<128x64xf32, #tpu.memory_space<hbm>>
        %dma_start3A_309 = arith.constant 0 : i32
        %dma_start3A_310 = tpu.memref_slice %arg10[%add3A_306, %dma_start3A_309] : memref<10240x64xf32, #tpu.memory_space<vmem_shared>> -> memref<128x64xf32, #tpu.memory_space<vmem_shared>>
        tpu.enqueue_dma source(%dma_start3A_310 : memref<128x64xf32, #tpu.memory_space<vmem_shared>>) target(%dma_start3A_308 : memref<128x64xf32, #tpu.memory_space<hbm>>) target_semaphore(%run_scoped3A : memref<!tpu.dma_semaphore, #tpu.memory_space<semaphore_mem>>)
        %dma_wait3A = arith.constant 0 : i32
        %dma_wait3A_311 = tpu.memref_slice %arg8[%add3A_205, %add3A_306, %dma_wait3A] : memref<8x10240x64xf32, #tpu.memory_space<hbm>> -> memref<1x128x64xf32, #tpu.memory_space<hbm>>
        %dma_wait3A_312 = tpu.memref_squeeze %dma_wait3A_311 : memref<1x128x64xf32, #tpu.memory_space<hbm>> -> memref<128x64xf32, #tpu.memory_space<hbm>>
        %dma_wait3A_313 = arith.constant 0 : i32
        %dma_wait3A_314 = tpu.memref_slice %arg10[%add3A_306, %dma_wait3A_313] : memref<10240x64xf32, #tpu.memory_space<vmem_shared>> -> memref<128x64xf32, #tpu.memory_space<vmem_shared>>
        tpu.wait_dma2 semaphore(%run_scoped3A : memref<!tpu.dma_semaphore, #tpu.memory_space<semaphore_mem>>) src(%dma_wait3A_314 : memref<128x64xf32, #tpu.memory_space<vmem_shared>>) dst(%dma_wait3A_312 : memref<128x64xf32, #tpu.memory_space<hbm>>)
        tpu.yield
      }) : () -> ()
    }
    %scan3A_225 = arith.constant 5 : i32
    %barrier3A_226 = arith.constant 0 : index
    tpu.barrier barrier_id(%barrier3A_226)
    %mul3A_227 = arith.constant 4 : i32
    %mul3A_228 = arith.muli %mul3A_227, %arg0 : i32
    %add3A_229 = arith.constant 1 : i32
    %add3A_230 = arith.addi %mul3A_228, %add3A_229 : i32
    %scan3A_231 = arith.constant 0 : i32
    %scan3A_232 = arith.constant 0 : i32
    %scan3A_233 = arith.constant 5 : i32
    %scan3A_234 = arith.addi %scan3A_232, %scan3A_233 : i32
    %scan3A_235 = arith.constant 1 : i32
    scf.for %scan3A_301 = %scan3A_232 to %scan3A_234 step %scan3A_235  : i32 {
      %mul3A_302 = arith.constant 640 : i32
      %mul3A_303 = arith.muli %arg1, %mul3A_302 : i32
      %mul3A_304 = arith.constant 128 : i32
      %mul3A_305 = arith.muli %scan3A_301, %mul3A_304 : i32
      %add3A_306 = arith.addi %mul3A_303, %mul3A_305 : i32
      "tpu.region"() ({
        %run_scoped3A = tpu.sem_alloc : memref<!tpu.dma_semaphore, #tpu.memory_space<semaphore_mem>>
        %dma_start3A = arith.constant 0 : i32
        %dma_start3A_307 = tpu.memref_slice %arg10[%add3A_306, %dma_start3A] : memref<10240x64xf32, #tpu.memory_space<vmem_shared>> -> memref<128x64xf32, #tpu.memory_space<vmem_shared>>
        tpu.enqueue_dma source(%arg7 : memref<128x64xf32, #tpu.memory_space<hbm>>) target(%dma_start3A_307 : memref<128x64xf32, #tpu.memory_space<vmem_shared>>) target_semaphore(%run_scoped3A : memref<!tpu.dma_semaphore, #tpu.memory_space<semaphore_mem>>)
        %dma_wait3A = arith.constant 0 : i32
        %dma_wait3A_308 = tpu.memref_slice %arg10[%add3A_306, %dma_wait3A] : memref<10240x64xf32, #tpu.memory_space<vmem_shared>> -> memref<128x64xf32, #tpu.memory_space<vmem_shared>>
        tpu.wait_dma2 semaphore(%run_scoped3A : memref<!tpu.dma_semaphore, #tpu.memory_space<semaphore_mem>>) src(%arg7 : memref<128x64xf32, #tpu.memory_space<hbm>>) dst(%dma_wait3A_308 : memref<128x64xf32, #tpu.memory_space<vmem_shared>>)
        tpu.yield
      }) : () -> ()
    }
    %scan3A_236 = arith.constant 5 : i32
    %barrier3A_237 = arith.constant 0 : index
    tpu.barrier barrier_id(%barrier3A_237)
    %scan3A_238 = arith.constant 0 : i32
    %scan3A_239 = arith.constant 0 : i32
    %scan3A_240 = arith.constant 162 : i32
    %scan3A_241 = arith.addi %scan3A_239, %scan3A_240 : i32
    %scan3A_242 = arith.constant 1 : i32
    scf.for %scan3A_301 = %scan3A_239 to %scan3A_241 step %scan3A_242  : i32 {
      %scan3A_302 = arith.constant 0 : i32
      %scan3A_303 = arith.constant 0 : i32
      %scan3A_304 = arith.constant 8 : i32
      %scan3A_305 = arith.addi %scan3A_303, %scan3A_304 : i32
      %scan3A_306 = arith.constant 1 : i32
      scf.for %scan3A_319 = %scan3A_303 to %scan3A_305 step %scan3A_306  : i32 {
        %mul3A_320 = arith.constant 16 : i32
        %mul3A_321 = arith.muli %scan3A_319, %mul3A_320 : i32
        %get3A = arith.index_cast %scan3A_301 : i32 to index
        %get3A_322 = arith.index_cast %mul3A_321 : i32 to index
        %get3A_323 = tpu.vector_load %arg11[%get3A, %get3A_322] {strides = array<i32>} : memref<162x128xi32, #tpu.memory_space<vmem>>, vector<1x16xi32>,
        %get3A_324 = vector.shape_cast %get3A_323 : vector<1x16xi32> to vector<16xi32>
        %mul3A_325 = arith.constant 10240 : i32
        %mul3A_326 = arith.muli %add3A_230, %mul3A_325 : i32
        %add3A_327 = vector.broadcast %mul3A_326 : i32 to vector<16xi32>
        %add3A_328 = arith.addi %get3A_324, %add3A_327 : vector<16xi32>
        %mul3A_329 = arith.constant 16 : i32
        %mul3A_330 = arith.muli %scan3A_319, %mul3A_329 : i32
        %swap3A_331 = arith.index_cast %mul3A_330 : i32 to index
        %swap3A_332 = tpu.vector_load %arg16[%swap3A_331] {strides = array<i32>} : memref<128xi32, #tpu.memory_space<vmem>>, vector<16xi32>,
        %swap3A_333 = vector.shape_cast %swap3A_332 : vector<16xi32> to vector<16xi32>
        %swap3A_334 = vector.shape_cast %add3A_328 : vector<16xi32> to vector<16xi32>
        tpu.vector_store %arg16[%swap3A_331], %swap3A_334 {strides = array<i32>} : memref<128xi32, #tpu.memory_space<vmem>>, vector<16xi32>,
      }
      %scan3A_307 = arith.constant 8 : i32
      "tpu.region"() ({
        %run_scoped3A = tpu.sem_alloc : memref<!tpu.dma_semaphore, #tpu.memory_space<semaphore_mem>>
        %dma_start3A = arith.constant 0 : i32
        %dma_start3A_319 = arith.constant 0 : i32
        %dma_start3A_320 = tpu.memref_slice %arg2[%dma_start3A, %dma_start3A_319] : memref<81920x64xf32, #tpu.memory_space<hbm>> -> memref<81920x64xf32, #tpu.memory_space<hbm>>
        tpu.enqueue_indirect_dma source(%dma_start3A_320 : memref<81920x64xf32, #tpu.memory_space<hbm>>) target(%arg15 : memref<128x64xf32, #tpu.memory_space<vmem>>) offsets(%arg16 : memref<128xi32, #tpu.memory_space<vmem>>) semaphore(%run_scoped3A : memref<!tpu.dma_semaphore, #tpu.memory_space<semaphore_mem>>)
        %dma_wait3A = arith.constant 0 : i32
        %dma_wait3A_321 = arith.constant 0 : i32
        %dma_wait3A_322 = tpu.memref_slice %arg2[%dma_wait3A, %dma_wait3A_321] : memref<81920x64xf32, #tpu.memory_space<hbm>> -> memref<81920x64xf32, #tpu.memory_space<hbm>>
        tpu.wait_indirect_dma semaphore(%run_scoped3A : memref<!tpu.dma_semaphore, #tpu.memory_space<semaphore_mem>>) src(%dma_wait3A_322 : memref<81920x64xf32, #tpu.memory_space<hbm>>) dst(%arg15 : memref<128x64xf32, #tpu.memory_space<vmem>>)
        tpu.yield
      }) : () -> ()
      %mul3A_308 = arith.constant 162 : i32
      %mul3A_309 = arith.muli %arg1, %mul3A_308 : i32
      %add3A_310 = arith.addi %mul3A_309, %scan3A_301 : i32
      %mul3A_311 = arith.constant 128 : i32
      %mul3A_312 = arith.muli %add3A_310, %mul3A_311 : i32
      "tpu.region"() ({
        %run_scoped3A = tpu.sem_alloc : memref<!tpu.dma_semaphore, #tpu.memory_space<semaphore_mem>>
        %dma_start3A = arith.constant 0 : i32
        %dma_start3A_319 = tpu.memref_slice %arg3[%mul3A_312, %dma_start3A] : memref<331776x16xf32, #tpu.memory_space<hbm>> -> memref<128x16xf32, #tpu.memory_space<hbm>>
        %dma_start3A_320 = arith.constant 0 : i32
        %dma_start3A_321 = tpu.memref_slice %arg3[%mul3A_312, %dma_start3A_320] : memref<331776x16xf32, #tpu.memory_space<hbm>> -> memref<128x16xf32, #tpu.memory_space<hbm>>
        tpu.enqueue_dma source(%dma_start3A_321 : memref<128x16xf32, #tpu.memory_space<hbm>>) target(%arg13 : memref<128x16xf32, #tpu.memory_space<vmem>>) target_semaphore(%run_scoped3A : memref<!tpu.dma_semaphore, #tpu.memory_space<semaphore_mem>>)
        %dma_wait3A = arith.constant 0 : i32
        %dma_wait3A_322 = tpu.memref_slice %arg3[%mul3A_312, %dma_wait3A] : memref<331776x16xf32, #tpu.memory_space<hbm>> -> memref<128x16xf32, #tpu.memory_space<hbm>>
        %dma_wait3A_323 = arith.constant 0 : i32
        %dma_wait3A_324 = tpu.memref_slice %arg3[%mul3A_312, %dma_wait3A_323] : memref<331776x16xf32, #tpu.memory_space<hbm>> -> memref<128x16xf32, #tpu.memory_space<hbm>>
        tpu.wait_dma2 semaphore(%run_scoped3A : memref<!tpu.dma_semaphore, #tpu.memory_space<semaphore_mem>>) src(%dma_wait3A_324 : memref<128x16xf32, #tpu.memory_space<hbm>>) dst(%arg13 : memref<128x16xf32, #tpu.memory_space<vmem>>)
        tpu.yield
      }) : () -> ()
      "tpu.region"() ({
        %run_scoped3A = tpu.sem_alloc : memref<!tpu.dma_semaphore, #tpu.memory_space<semaphore_mem>>
        %dma_start3A = arith.constant 0 : i32
        %dma_start3A_319 = tpu.memref_slice %arg12[%scan3A_301, %dma_start3A] : memref<162x128xi32, #tpu.memory_space<vmem>> -> memref<1x128xi32, #tpu.memory_space<vmem>>
        %dma_start3A_320 = tpu.memref_squeeze %dma_start3A_319 : memref<1x128xi32, #tpu.memory_space<vmem>> -> memref<128xi32, #tpu.memory_space<vmem>>
        %dma_start3A_321 = arith.constant 0 : i32
        %dma_start3A_322 = arith.constant 0 : i32
        %dma_start3A_323 = tpu.memref_slice %arg9[%dma_start3A_321, %dma_start3A_322] : memref<10240x16xf32, #tpu.memory_space<vmem_shared>> -> memref<10240x16xf32, #tpu.memory_space<vmem_shared>>
        tpu.enqueue_indirect_dma source(%dma_start3A_323 : memref<10240x16xf32, #tpu.memory_space<vmem_shared>>) target(%arg14 : memref<128x16xf32, #tpu.memory_space<vmem>>) offsets(%dma_start3A_320 : memref<128xi32, #tpu.memory_space<vmem>>) semaphore(%run_scoped3A : memref<!tpu.dma_semaphore, #tpu.memory_space<semaphore_mem>>)
        %dma_wait3A = arith.constant 0 : i32
        %dma_wait3A_324 = tpu.memref_slice %arg12[%scan3A_301, %dma_wait3A] : memref<162x128xi32, #tpu.memory_space<vmem>> -> memref<1x128xi32, #tpu.memory_space<vmem>>
        %dma_wait3A_325 = tpu.memref_squeeze %dma_wait3A_324 : memref<1x128xi32, #tpu.memory_space<vmem>> -> memref<128xi32, #tpu.memory_space<vmem>>
        %dma_wait3A_326 = arith.constant 0 : i32
        %dma_wait3A_327 = arith.constant 0 : i32
        %dma_wait3A_328 = tpu.memref_slice %arg9[%dma_wait3A_326, %dma_wait3A_327] : memref<10240x16xf32, #tpu.memory_space<vmem_shared>> -> memref<10240x16xf32, #tpu.memory_space<vmem_shared>>
        tpu.wait_indirect_dma semaphore(%run_scoped3A : memref<!tpu.dma_semaphore, #tpu.memory_space<semaphore_mem>>) src(%dma_wait3A_328 : memref<10240x16xf32, #tpu.memory_space<vmem_shared>>) dst(%arg14 : memref<128x16xf32, #tpu.memory_space<vmem>>)
        tpu.yield
      }) : () -> ()
      %scan3A_313 = arith.constant 0 : i32
      %scan3A_314 = arith.constant 0 : i32
      %scan3A_315 = arith.constant 128 : i32
      %scan3A_316 = arith.addi %scan3A_314, %scan3A_315 : i32
      %scan3A_317 = arith.constant 1 : i32
      scf.for %scan3A_319 = %scan3A_314 to %scan3A_316 step %scan3A_317  : i32 {
        %get3A = arith.index_cast %scan3A_319 : i32 to index
        %get3A_320 = arith.constant 0 : index
        %get3A_321 = tpu.vector_load %arg13[%get3A, %get3A_320] {strides = array<i32>} : memref<128x16xf32, #tpu.memory_space<vmem>>, vector<1x16xf32>,
        %get3A_322 = vector.shape_cast %get3A_321 : vector<1x16xf32> to vector<16xf32>
        %get3A_323 = arith.index_cast %scan3A_319 : i32 to index
        %get3A_324 = arith.constant 0 : index
        %get3A_325 = tpu.vector_load %arg14[%get3A_323, %get3A_324] {strides = array<i32>} : memref<128x16xf32, #tpu.memory_space<vmem>>, vector<1x16xf32>,
        %get3A_326 = vector.shape_cast %get3A_325 : vector<1x16xf32> to vector<16xf32>
        %add3A_327 = arith.constant 1.000000e-16 : f32
        %add3A_328 = vector.broadcast %add3A_327 : f32 to vector<16xf32>
        %add3A_329 = arith.addf %get3A_326, %add3A_328 : vector<16xf32>
        %div3A = arith.constant 1.000000e+00 : f32
        %div3A_330 = vector.broadcast %div3A : f32 to vector<16xf32>
        %div3A_331 = arith.divf %div3A_330, %add3A_329 : vector<16xf32>
        %mul3A_332 = arith.mulf %add3A_329, %div3A_331 : vector<16xf32>
        %sub3A = arith.constant 2.000000e+00 : f32
        %sub3A_333 = vector.broadcast %sub3A : f32 to vector<16xf32>
        %sub3A_334 = arith.subf %sub3A_333, %mul3A_332 : vector<16xf32>
        %mul3A_335 = arith.mulf %div3A_331, %sub3A_334 : vector<16xf32>
        %mul3A_336 = arith.mulf %get3A_322, %mul3A_335 : vector<16xf32>
        %broadcast_in_dim3A = vector.broadcast %add3A_230 : i32 to vector<16x1xi32>
        %gather3A = vector.shape_cast %broadcast_in_dim3A : vector<16x1xi32> to vector<16xi32>
        %gather3A_337 = tpu.dynamic_gather %mul3A_336[%gather3A] in [0] : vector<16xf32>, vector<16xi32> -> vector<16xf32>
        %get3A_338 = arith.index_cast %scan3A_319 : i32 to index
        %get3A_339 = arith.constant 0 : index
        %get3A_340 = tpu.vector_load %arg15[%get3A_338, %get3A_339] {strides = array<i32>} : memref<128x64xf32, #tpu.memory_space<vmem>>, vector<1x16xf32>,
        %get3A_341 = vector.shape_cast %get3A_340 : vector<1x16xf32> to vector<16xf32>
        %mul3A_342 = arith.mulf %get3A_341, %gather3A_337 : vector<16xf32>
        %swap3A_343 = arith.index_cast %scan3A_319 : i32 to index
        %swap3A_344 = arith.constant 0 : index
        %swap3A_345 = tpu.vector_load %arg15[%swap3A_343, %swap3A_344] {strides = array<i32>} : memref<128x64xf32, #tpu.memory_space<vmem>>, vector<1x16xf32>,
        %swap3A_346 = vector.shape_cast %swap3A_345 : vector<1x16xf32> to vector<16xf32>
        %swap3A_347 = vector.shape_cast %mul3A_342 : vector<16xf32> to vector<1x16xf32>
        tpu.vector_store %arg15[%swap3A_343, %swap3A_344], %swap3A_347 {strides = array<i32>} : memref<128x64xf32, #tpu.memory_space<vmem>>, vector<1x16xf32>,
        %get3A_348 = arith.index_cast %scan3A_319 : i32 to index
        %get3A_349 = arith.constant 16 : index
        %get3A_350 = tpu.vector_load %arg15[%get3A_348, %get3A_349] {strides = array<i32>} : memref<128x64xf32, #tpu.memory_space<vmem>>, vector<1x16xf32>,
        %get3A_351 = vector.shape_cast %get3A_350 : vector<1x16xf32> to vector<16xf32>
        %mul3A_352 = arith.mulf %get3A_351, %gather3A_337 : vector<16xf32>
        %swap3A_353 = arith.index_cast %scan3A_319 : i32 to index
        %swap3A_354 = arith.constant 16 : index
        %swap3A_355 = tpu.vector_load %arg15[%swap3A_353, %swap3A_354] {strides = array<i32>} : memref<128x64xf32, #tpu.memory_space<vmem>>, vector<1x16xf32>,
        %swap3A_356 = vector.shape_cast %swap3A_355 : vector<1x16xf32> to vector<16xf32>
        %swap3A_357 = vector.shape_cast %mul3A_352 : vector<16xf32> to vector<1x16xf32>
        tpu.vector_store %arg15[%swap3A_353, %swap3A_354], %swap3A_357 {strides = array<i32>} : memref<128x64xf32, #tpu.memory_space<vmem>>, vector<1x16xf32>,
        %get3A_358 = arith.index_cast %scan3A_319 : i32 to index
        %get3A_359 = arith.constant 32 : index
        %get3A_360 = tpu.vector_load %arg15[%get3A_358, %get3A_359] {strides = array<i32>} : memref<128x64xf32, #tpu.memory_space<vmem>>, vector<1x16xf32>,
        %get3A_361 = vector.shape_cast %get3A_360 : vector<1x16xf32> to vector<16xf32>
        %mul3A_362 = arith.mulf %get3A_361, %gather3A_337 : vector<16xf32>
        %swap3A_363 = arith.index_cast %scan3A_319 : i32 to index
        %swap3A_364 = arith.constant 32 : index
        %swap3A_365 = tpu.vector_load %arg15[%swap3A_363, %swap3A_364] {strides = array<i32>} : memref<128x64xf32, #tpu.memory_space<vmem>>, vector<1x16xf32>,
        %swap3A_366 = vector.shape_cast %swap3A_365 : vector<1x16xf32> to vector<16xf32>
        %swap3A_367 = vector.shape_cast %mul3A_362 : vector<16xf32> to vector<1x16xf32>
        tpu.vector_store %arg15[%swap3A_363, %swap3A_364], %swap3A_367 {strides = array<i32>} : memref<128x64xf32, #tpu.memory_space<vmem>>, vector<1x16xf32>,
        %get3A_368 = arith.index_cast %scan3A_319 : i32 to index
        %get3A_369 = arith.constant 48 : index
        %get3A_370 = tpu.vector_load %arg15[%get3A_368, %get3A_369] {strides = array<i32>} : memref<128x64xf32, #tpu.memory_space<vmem>>, vector<1x16xf32>,
        %get3A_371 = vector.shape_cast %get3A_370 : vector<1x16xf32> to vector<16xf32>
        %mul3A_372 = arith.mulf %get3A_371, %gather3A_337 : vector<16xf32>
        %swap3A_373 = arith.index_cast %scan3A_319 : i32 to index
        %swap3A_374 = arith.constant 48 : index
        %swap3A_375 = tpu.vector_load %arg15[%swap3A_373, %swap3A_374] {strides = array<i32>} : memref<128x64xf32, #tpu.memory_space<vmem>>, vector<1x16xf32>,
        %swap3A_376 = vector.shape_cast %swap3A_375 : vector<1x16xf32> to vector<16xf32>
        %swap3A_377 = vector.shape_cast %mul3A_372 : vector<16xf32> to vector<1x16xf32>
        tpu.vector_store %arg15[%swap3A_373, %swap3A_374], %swap3A_377 {strides = array<i32>} : memref<128x64xf32, #tpu.memory_space<vmem>>, vector<1x16xf32>,
      }
      %scan3A_318 = arith.constant 128 : i32
      "tpu.region"() ({
        %run_scoped3A = tpu.sem_alloc : memref<!tpu.dma_semaphore, #tpu.memory_space<semaphore_mem>>
        %dma_start3A = arith.constant 0 : i32
        %dma_start3A_319 = tpu.memref_slice %arg12[%scan3A_301, %dma_start3A] : memref<162x128xi32, #tpu.memory_space<vmem>> -> memref<1x128xi32, #tpu.memory_space<vmem>>
        %dma_start3A_320 = tpu.memref_squeeze %dma_start3A_319 : memref<1x128xi32, #tpu.memory_space<vmem>> -> memref<128xi32, #tpu.memory_space<vmem>>
        %dma_start3A_321 = arith.constant 0 : i32
        %dma_start3A_322 = arith.constant 0 : i32
        %dma_start3A_323 = tpu.memref_slice %arg10[%dma_start3A_321, %dma_start3A_322] : memref<10240x64xf32, #tpu.memory_space<vmem_shared>> -> memref<10240x64xf32, #tpu.memory_space<vmem_shared>>
        tpu.enqueue_indirect_dma source(%arg15 : memref<128x64xf32, #tpu.memory_space<vmem>>) target(%dma_start3A_323 : memref<10240x64xf32, #tpu.memory_space<vmem_shared>>) offsets(%dma_start3A_320 : memref<128xi32, #tpu.memory_space<vmem>>) semaphore(%run_scoped3A : memref<!tpu.dma_semaphore, #tpu.memory_space<semaphore_mem>>) {add = true}
        %dma_wait3A = arith.constant 0 : i32
        %dma_wait3A_324 = tpu.memref_slice %arg12[%scan3A_301, %dma_wait3A] : memref<162x128xi32, #tpu.memory_space<vmem>> -> memref<1x128xi32, #tpu.memory_space<vmem>>
        %dma_wait3A_325 = tpu.memref_squeeze %dma_wait3A_324 : memref<1x128xi32, #tpu.memory_space<vmem>> -> memref<128xi32, #tpu.memory_space<vmem>>
        %dma_wait3A_326 = arith.constant 0 : i32
        %dma_wait3A_327 = arith.constant 0 : i32
        %dma_wait3A_328 = tpu.memref_slice %arg10[%dma_wait3A_326, %dma_wait3A_327] : memref<10240x64xf32, #tpu.memory_space<vmem_shared>> -> memref<10240x64xf32, #tpu.memory_space<vmem_shared>>
        tpu.wait_indirect_dma semaphore(%run_scoped3A : memref<!tpu.dma_semaphore, #tpu.memory_space<semaphore_mem>>) src(%arg15 : memref<128x64xf32, #tpu.memory_space<vmem>>) dst(%dma_wait3A_328 : memref<10240x64xf32, #tpu.memory_space<vmem_shared>>)
        tpu.yield
      }) : () -> ()
    }
    %scan3A_243 = arith.constant 162 : i32
    %barrier3A_244 = arith.constant 0 : index
    tpu.barrier barrier_id(%barrier3A_244)
    %scan3A_245 = arith.constant 0 : i32
    %scan3A_246 = arith.constant 0 : i32
    %scan3A_247 = arith.constant 5 : i32
    %scan3A_248 = arith.addi %scan3A_246, %scan3A_247 : i32
    %scan3A_249 = arith.constant 1 : i32
    scf.for %scan3A_301 = %scan3A_246 to %scan3A_248 step %scan3A_249  : i32 {
      %mul3A_302 = arith.constant 640 : i32
      %mul3A_303 = arith.muli %arg1, %mul3A_302 : i32
      %mul3A_304 = arith.constant 128 : i32
      %mul3A_305 = arith.muli %scan3A_301, %mul3A_304 : i32
      %add3A_306 = arith.addi %mul3A_303, %mul3A_305 : i32
      "tpu.region"() ({
        %run_scoped3A = tpu.sem_alloc : memref<!tpu.dma_semaphore, #tpu.memory_space<semaphore_mem>>
        %dma_start3A = arith.constant 0 : i32
        %dma_start3A_307 = tpu.memref_slice %arg8[%add3A_230, %add3A_306, %dma_start3A] : memref<8x10240x64xf32, #tpu.memory_space<hbm>> -> memref<1x128x64xf32, #tpu.memory_space<hbm>>
        %dma_start3A_308 = tpu.memref_squeeze %dma_start3A_307 : memref<1x128x64xf32, #tpu.memory_space<hbm>> -> memref<128x64xf32, #tpu.memory_space<hbm>>
        %dma_start3A_309 = arith.constant 0 : i32
        %dma_start3A_310 = tpu.memref_slice %arg10[%add3A_306, %dma_start3A_309] : memref<10240x64xf32, #tpu.memory_space<vmem_shared>> -> memref<128x64xf32, #tpu.memory_space<vmem_shared>>
        tpu.enqueue_dma source(%dma_start3A_310 : memref<128x64xf32, #tpu.memory_space<vmem_shared>>) target(%dma_start3A_308 : memref<128x64xf32, #tpu.memory_space<hbm>>) target_semaphore(%run_scoped3A : memref<!tpu.dma_semaphore, #tpu.memory_space<semaphore_mem>>)
        %dma_wait3A = arith.constant 0 : i32
        %dma_wait3A_311 = tpu.memref_slice %arg8[%add3A_230, %add3A_306, %dma_wait3A] : memref<8x10240x64xf32, #tpu.memory_space<hbm>> -> memref<1x128x64xf32, #tpu.memory_space<hbm>>
        %dma_wait3A_312 = tpu.memref_squeeze %dma_wait3A_311 : memref<1x128x64xf32, #tpu.memory_space<hbm>> -> memref<128x64xf32, #tpu.memory_space<hbm>>
        %dma_wait3A_313 = arith.constant 0 : i32
        %dma_wait3A_314 = tpu.memref_slice %arg10[%add3A_306, %dma_wait3A_313] : memref<10240x64xf32, #tpu.memory_space<vmem_shared>> -> memref<128x64xf32, #tpu.memory_space<vmem_shared>>
        tpu.wait_dma2 semaphore(%run_scoped3A : memref<!tpu.dma_semaphore, #tpu.memory_space<semaphore_mem>>) src(%dma_wait3A_314 : memref<128x64xf32, #tpu.memory_space<vmem_shared>>) dst(%dma_wait3A_312 : memref<128x64xf32, #tpu.memory_space<hbm>>)
        tpu.yield
      }) : () -> ()
    }
    %scan3A_250 = arith.constant 5 : i32
    %barrier3A_251 = arith.constant 0 : index
    tpu.barrier barrier_id(%barrier3A_251)
    %mul3A_252 = arith.constant 4 : i32
    %mul3A_253 = arith.muli %mul3A_252, %arg0 : i32
    %add3A_254 = arith.constant 2 : i32
    %add3A_255 = arith.addi %mul3A_253, %add3A_254 : i32
    %scan3A_256 = arith.constant 0 : i32
    %scan3A_257 = arith.constant 0 : i32
    %scan3A_258 = arith.constant 5 : i32
    %scan3A_259 = arith.addi %scan3A_257, %scan3A_258 : i32
    %scan3A_260 = arith.constant 1 : i32
    scf.for %scan3A_301 = %scan3A_257 to %scan3A_259 step %scan3A_260  : i32 {
      %mul3A_302 = arith.constant 640 : i32
      %mul3A_303 = arith.muli %arg1, %mul3A_302 : i32
      %mul3A_304 = arith.constant 128 : i32
      %mul3A_305 = arith.muli %scan3A_301, %mul3A_304 : i32
      %add3A_306 = arith.addi %mul3A_303, %mul3A_305 : i32
      "tpu.region"() ({
        %run_scoped3A = tpu.sem_alloc : memref<!tpu.dma_semaphore, #tpu.memory_space<semaphore_mem>>
        %dma_start3A = arith.constant 0 : i32
        %dma_start3A_307 = tpu.memref_slice %arg10[%add3A_306, %dma_start3A] : memref<10240x64xf32, #tpu.memory_space<vmem_shared>> -> memref<128x64xf32, #tpu.memory_space<vmem_shared>>
        tpu.enqueue_dma source(%arg7 : memref<128x64xf32, #tpu.memory_space<hbm>>) target(%dma_start3A_307 : memref<128x64xf32, #tpu.memory_space<vmem_shared>>) target_semaphore(%run_scoped3A : memref<!tpu.dma_semaphore, #tpu.memory_space<semaphore_mem>>)
        %dma_wait3A = arith.constant 0 : i32
        %dma_wait3A_308 = tpu.memref_slice %arg10[%add3A_306, %dma_wait3A] : memref<10240x64xf32, #tpu.memory_space<vmem_shared>> -> memref<128x64xf32, #tpu.memory_space<vmem_shared>>
        tpu.wait_dma2 semaphore(%run_scoped3A : memref<!tpu.dma_semaphore, #tpu.memory_space<semaphore_mem>>) src(%arg7 : memref<128x64xf32, #tpu.memory_space<hbm>>) dst(%dma_wait3A_308 : memref<128x64xf32, #tpu.memory_space<vmem_shared>>)
        tpu.yield
      }) : () -> ()
    }
    %scan3A_261 = arith.constant 5 : i32
    %barrier3A_262 = arith.constant 0 : index
    tpu.barrier barrier_id(%barrier3A_262)
    %scan3A_263 = arith.constant 0 : i32
    %scan3A_264 = arith.constant 0 : i32
    %scan3A_265 = arith.constant 162 : i32
    %scan3A_266 = arith.addi %scan3A_264, %scan3A_265 : i32
    %scan3A_267 = arith.constant 1 : i32
    scf.for %scan3A_301 = %scan3A_264 to %scan3A_266 step %scan3A_267  : i32 {
      %scan3A_302 = arith.constant 0 : i32
      %scan3A_303 = arith.constant 0 : i32
      %scan3A_304 = arith.constant 8 : i32
      %scan3A_305 = arith.addi %scan3A_303, %scan3A_304 : i32
      %scan3A_306 = arith.constant 1 : i32
      scf.for %scan3A_319 = %scan3A_303 to %scan3A_305 step %scan3A_306  : i32 {
        %mul3A_320 = arith.constant 16 : i32
        %mul3A_321 = arith.muli %scan3A_319, %mul3A_320 : i32
        %get3A = arith.index_cast %scan3A_301 : i32 to index
        %get3A_322 = arith.index_cast %mul3A_321 : i32 to index
        %get3A_323 = tpu.vector_load %arg11[%get3A, %get3A_322] {strides = array<i32>} : memref<162x128xi32, #tpu.memory_space<vmem>>, vector<1x16xi32>,
        %get3A_324 = vector.shape_cast %get3A_323 : vector<1x16xi32> to vector<16xi32>
        %mul3A_325 = arith.constant 10240 : i32
        %mul3A_326 = arith.muli %add3A_255, %mul3A_325 : i32
        %add3A_327 = vector.broadcast %mul3A_326 : i32 to vector<16xi32>
        %add3A_328 = arith.addi %get3A_324, %add3A_327 : vector<16xi32>
        %mul3A_329 = arith.constant 16 : i32
        %mul3A_330 = arith.muli %scan3A_319, %mul3A_329 : i32
        %swap3A_331 = arith.index_cast %mul3A_330 : i32 to index
        %swap3A_332 = tpu.vector_load %arg16[%swap3A_331] {strides = array<i32>} : memref<128xi32, #tpu.memory_space<vmem>>, vector<16xi32>,
        %swap3A_333 = vector.shape_cast %swap3A_332 : vector<16xi32> to vector<16xi32>
        %swap3A_334 = vector.shape_cast %add3A_328 : vector<16xi32> to vector<16xi32>
        tpu.vector_store %arg16[%swap3A_331], %swap3A_334 {strides = array<i32>} : memref<128xi32, #tpu.memory_space<vmem>>, vector<16xi32>,
      }
      %scan3A_307 = arith.constant 8 : i32
      "tpu.region"() ({
        %run_scoped3A = tpu.sem_alloc : memref<!tpu.dma_semaphore, #tpu.memory_space<semaphore_mem>>
        %dma_start3A = arith.constant 0 : i32
        %dma_start3A_319 = arith.constant 0 : i32
        %dma_start3A_320 = tpu.memref_slice %arg2[%dma_start3A, %dma_start3A_319] : memref<81920x64xf32, #tpu.memory_space<hbm>> -> memref<81920x64xf32, #tpu.memory_space<hbm>>
        tpu.enqueue_indirect_dma source(%dma_start3A_320 : memref<81920x64xf32, #tpu.memory_space<hbm>>) target(%arg15 : memref<128x64xf32, #tpu.memory_space<vmem>>) offsets(%arg16 : memref<128xi32, #tpu.memory_space<vmem>>) semaphore(%run_scoped3A : memref<!tpu.dma_semaphore, #tpu.memory_space<semaphore_mem>>)
        %dma_wait3A = arith.constant 0 : i32
        %dma_wait3A_321 = arith.constant 0 : i32
        %dma_wait3A_322 = tpu.memref_slice %arg2[%dma_wait3A, %dma_wait3A_321] : memref<81920x64xf32, #tpu.memory_space<hbm>> -> memref<81920x64xf32, #tpu.memory_space<hbm>>
        tpu.wait_indirect_dma semaphore(%run_scoped3A : memref<!tpu.dma_semaphore, #tpu.memory_space<semaphore_mem>>) src(%dma_wait3A_322 : memref<81920x64xf32, #tpu.memory_space<hbm>>) dst(%arg15 : memref<128x64xf32, #tpu.memory_space<vmem>>)
        tpu.yield
      }) : () -> ()
      %mul3A_308 = arith.constant 162 : i32
      %mul3A_309 = arith.muli %arg1, %mul3A_308 : i32
      %add3A_310 = arith.addi %mul3A_309, %scan3A_301 : i32
      %mul3A_311 = arith.constant 128 : i32
      %mul3A_312 = arith.muli %add3A_310, %mul3A_311 : i32
      "tpu.region"() ({
        %run_scoped3A = tpu.sem_alloc : memref<!tpu.dma_semaphore, #tpu.memory_space<semaphore_mem>>
        %dma_start3A = arith.constant 0 : i32
        %dma_start3A_319 = tpu.memref_slice %arg3[%mul3A_312, %dma_start3A] : memref<331776x16xf32, #tpu.memory_space<hbm>> -> memref<128x16xf32, #tpu.memory_space<hbm>>
        %dma_start3A_320 = arith.constant 0 : i32
        %dma_start3A_321 = tpu.memref_slice %arg3[%mul3A_312, %dma_start3A_320] : memref<331776x16xf32, #tpu.memory_space<hbm>> -> memref<128x16xf32, #tpu.memory_space<hbm>>
        tpu.enqueue_dma source(%dma_start3A_321 : memref<128x16xf32, #tpu.memory_space<hbm>>) target(%arg13 : memref<128x16xf32, #tpu.memory_space<vmem>>) target_semaphore(%run_scoped3A : memref<!tpu.dma_semaphore, #tpu.memory_space<semaphore_mem>>)
        %dma_wait3A = arith.constant 0 : i32
        %dma_wait3A_322 = tpu.memref_slice %arg3[%mul3A_312, %dma_wait3A] : memref<331776x16xf32, #tpu.memory_space<hbm>> -> memref<128x16xf32, #tpu.memory_space<hbm>>
        %dma_wait3A_323 = arith.constant 0 : i32
        %dma_wait3A_324 = tpu.memref_slice %arg3[%mul3A_312, %dma_wait3A_323] : memref<331776x16xf32, #tpu.memory_space<hbm>> -> memref<128x16xf32, #tpu.memory_space<hbm>>
        tpu.wait_dma2 semaphore(%run_scoped3A : memref<!tpu.dma_semaphore, #tpu.memory_space<semaphore_mem>>) src(%dma_wait3A_324 : memref<128x16xf32, #tpu.memory_space<hbm>>) dst(%arg13 : memref<128x16xf32, #tpu.memory_space<vmem>>)
        tpu.yield
      }) : () -> ()
      "tpu.region"() ({
        %run_scoped3A = tpu.sem_alloc : memref<!tpu.dma_semaphore, #tpu.memory_space<semaphore_mem>>
        %dma_start3A = arith.constant 0 : i32
        %dma_start3A_319 = tpu.memref_slice %arg12[%scan3A_301, %dma_start3A] : memref<162x128xi32, #tpu.memory_space<vmem>> -> memref<1x128xi32, #tpu.memory_space<vmem>>
        %dma_start3A_320 = tpu.memref_squeeze %dma_start3A_319 : memref<1x128xi32, #tpu.memory_space<vmem>> -> memref<128xi32, #tpu.memory_space<vmem>>
        %dma_start3A_321 = arith.constant 0 : i32
        %dma_start3A_322 = arith.constant 0 : i32
        %dma_start3A_323 = tpu.memref_slice %arg9[%dma_start3A_321, %dma_start3A_322] : memref<10240x16xf32, #tpu.memory_space<vmem_shared>> -> memref<10240x16xf32, #tpu.memory_space<vmem_shared>>
        tpu.enqueue_indirect_dma source(%dma_start3A_323 : memref<10240x16xf32, #tpu.memory_space<vmem_shared>>) target(%arg14 : memref<128x16xf32, #tpu.memory_space<vmem>>) offsets(%dma_start3A_320 : memref<128xi32, #tpu.memory_space<vmem>>) semaphore(%run_scoped3A : memref<!tpu.dma_semaphore, #tpu.memory_space<semaphore_mem>>)
        %dma_wait3A = arith.constant 0 : i32
        %dma_wait3A_324 = tpu.memref_slice %arg12[%scan3A_301, %dma_wait3A] : memref<162x128xi32, #tpu.memory_space<vmem>> -> memref<1x128xi32, #tpu.memory_space<vmem>>
        %dma_wait3A_325 = tpu.memref_squeeze %dma_wait3A_324 : memref<1x128xi32, #tpu.memory_space<vmem>> -> memref<128xi32, #tpu.memory_space<vmem>>
        %dma_wait3A_326 = arith.constant 0 : i32
        %dma_wait3A_327 = arith.constant 0 : i32
        %dma_wait3A_328 = tpu.memref_slice %arg9[%dma_wait3A_326, %dma_wait3A_327] : memref<10240x16xf32, #tpu.memory_space<vmem_shared>> -> memref<10240x16xf32, #tpu.memory_space<vmem_shared>>
        tpu.wait_indirect_dma semaphore(%run_scoped3A : memref<!tpu.dma_semaphore, #tpu.memory_space<semaphore_mem>>) src(%dma_wait3A_328 : memref<10240x16xf32, #tpu.memory_space<vmem_shared>>) dst(%arg14 : memref<128x16xf32, #tpu.memory_space<vmem>>)
        tpu.yield
      }) : () -> ()
      %scan3A_313 = arith.constant 0 : i32
      %scan3A_314 = arith.constant 0 : i32
      %scan3A_315 = arith.constant 128 : i32
      %scan3A_316 = arith.addi %scan3A_314, %scan3A_315 : i32
      %scan3A_317 = arith.constant 1 : i32
      scf.for %scan3A_319 = %scan3A_314 to %scan3A_316 step %scan3A_317  : i32 {
        %get3A = arith.index_cast %scan3A_319 : i32 to index
        %get3A_320 = arith.constant 0 : index
        %get3A_321 = tpu.vector_load %arg13[%get3A, %get3A_320] {strides = array<i32>} : memref<128x16xf32, #tpu.memory_space<vmem>>, vector<1x16xf32>,
        %get3A_322 = vector.shape_cast %get3A_321 : vector<1x16xf32> to vector<16xf32>
        %get3A_323 = arith.index_cast %scan3A_319 : i32 to index
        %get3A_324 = arith.constant 0 : index
        %get3A_325 = tpu.vector_load %arg14[%get3A_323, %get3A_324] {strides = array<i32>} : memref<128x16xf32, #tpu.memory_space<vmem>>, vector<1x16xf32>,
        %get3A_326 = vector.shape_cast %get3A_325 : vector<1x16xf32> to vector<16xf32>
        %add3A_327 = arith.constant 1.000000e-16 : f32
        %add3A_328 = vector.broadcast %add3A_327 : f32 to vector<16xf32>
        %add3A_329 = arith.addf %get3A_326, %add3A_328 : vector<16xf32>
        %div3A = arith.constant 1.000000e+00 : f32
        %div3A_330 = vector.broadcast %div3A : f32 to vector<16xf32>
        %div3A_331 = arith.divf %div3A_330, %add3A_329 : vector<16xf32>
        %mul3A_332 = arith.mulf %add3A_329, %div3A_331 : vector<16xf32>
        %sub3A = arith.constant 2.000000e+00 : f32
        %sub3A_333 = vector.broadcast %sub3A : f32 to vector<16xf32>
        %sub3A_334 = arith.subf %sub3A_333, %mul3A_332 : vector<16xf32>
        %mul3A_335 = arith.mulf %div3A_331, %sub3A_334 : vector<16xf32>
        %mul3A_336 = arith.mulf %get3A_322, %mul3A_335 : vector<16xf32>
        %broadcast_in_dim3A = vector.broadcast %add3A_255 : i32 to vector<16x1xi32>
        %gather3A = vector.shape_cast %broadcast_in_dim3A : vector<16x1xi32> to vector<16xi32>
        %gather3A_337 = tpu.dynamic_gather %mul3A_336[%gather3A] in [0] : vector<16xf32>, vector<16xi32> -> vector<16xf32>
        %get3A_338 = arith.index_cast %scan3A_319 : i32 to index
        %get3A_339 = arith.constant 0 : index
        %get3A_340 = tpu.vector_load %arg15[%get3A_338, %get3A_339] {strides = array<i32>} : memref<128x64xf32, #tpu.memory_space<vmem>>, vector<1x16xf32>,
        %get3A_341 = vector.shape_cast %get3A_340 : vector<1x16xf32> to vector<16xf32>
        %mul3A_342 = arith.mulf %get3A_341, %gather3A_337 : vector<16xf32>
        %swap3A_343 = arith.index_cast %scan3A_319 : i32 to index
        %swap3A_344 = arith.constant 0 : index
        %swap3A_345 = tpu.vector_load %arg15[%swap3A_343, %swap3A_344] {strides = array<i32>} : memref<128x64xf32, #tpu.memory_space<vmem>>, vector<1x16xf32>,
        %swap3A_346 = vector.shape_cast %swap3A_345 : vector<1x16xf32> to vector<16xf32>
        %swap3A_347 = vector.shape_cast %mul3A_342 : vector<16xf32> to vector<1x16xf32>
        tpu.vector_store %arg15[%swap3A_343, %swap3A_344], %swap3A_347 {strides = array<i32>} : memref<128x64xf32, #tpu.memory_space<vmem>>, vector<1x16xf32>,
        %get3A_348 = arith.index_cast %scan3A_319 : i32 to index
        %get3A_349 = arith.constant 16 : index
        %get3A_350 = tpu.vector_load %arg15[%get3A_348, %get3A_349] {strides = array<i32>} : memref<128x64xf32, #tpu.memory_space<vmem>>, vector<1x16xf32>,
        %get3A_351 = vector.shape_cast %get3A_350 : vector<1x16xf32> to vector<16xf32>
        %mul3A_352 = arith.mulf %get3A_351, %gather3A_337 : vector<16xf32>
        %swap3A_353 = arith.index_cast %scan3A_319 : i32 to index
        %swap3A_354 = arith.constant 16 : index
        %swap3A_355 = tpu.vector_load %arg15[%swap3A_353, %swap3A_354] {strides = array<i32>} : memref<128x64xf32, #tpu.memory_space<vmem>>, vector<1x16xf32>,
        %swap3A_356 = vector.shape_cast %swap3A_355 : vector<1x16xf32> to vector<16xf32>
        %swap3A_357 = vector.shape_cast %mul3A_352 : vector<16xf32> to vector<1x16xf32>
        tpu.vector_store %arg15[%swap3A_353, %swap3A_354], %swap3A_357 {strides = array<i32>} : memref<128x64xf32, #tpu.memory_space<vmem>>, vector<1x16xf32>,
        %get3A_358 = arith.index_cast %scan3A_319 : i32 to index
        %get3A_359 = arith.constant 32 : index
        %get3A_360 = tpu.vector_load %arg15[%get3A_358, %get3A_359] {strides = array<i32>} : memref<128x64xf32, #tpu.memory_space<vmem>>, vector<1x16xf32>,
        %get3A_361 = vector.shape_cast %get3A_360 : vector<1x16xf32> to vector<16xf32>
        %mul3A_362 = arith.mulf %get3A_361, %gather3A_337 : vector<16xf32>
        %swap3A_363 = arith.index_cast %scan3A_319 : i32 to index
        %swap3A_364 = arith.constant 32 : index
        %swap3A_365 = tpu.vector_load %arg15[%swap3A_363, %swap3A_364] {strides = array<i32>} : memref<128x64xf32, #tpu.memory_space<vmem>>, vector<1x16xf32>,
        %swap3A_366 = vector.shape_cast %swap3A_365 : vector<1x16xf32> to vector<16xf32>
        %swap3A_367 = vector.shape_cast %mul3A_362 : vector<16xf32> to vector<1x16xf32>
        tpu.vector_store %arg15[%swap3A_363, %swap3A_364], %swap3A_367 {strides = array<i32>} : memref<128x64xf32, #tpu.memory_space<vmem>>, vector<1x16xf32>,
        %get3A_368 = arith.index_cast %scan3A_319 : i32 to index
        %get3A_369 = arith.constant 48 : index
        %get3A_370 = tpu.vector_load %arg15[%get3A_368, %get3A_369] {strides = array<i32>} : memref<128x64xf32, #tpu.memory_space<vmem>>, vector<1x16xf32>,
        %get3A_371 = vector.shape_cast %get3A_370 : vector<1x16xf32> to vector<16xf32>
        %mul3A_372 = arith.mulf %get3A_371, %gather3A_337 : vector<16xf32>
        %swap3A_373 = arith.index_cast %scan3A_319 : i32 to index
        %swap3A_374 = arith.constant 48 : index
        %swap3A_375 = tpu.vector_load %arg15[%swap3A_373, %swap3A_374] {strides = array<i32>} : memref<128x64xf32, #tpu.memory_space<vmem>>, vector<1x16xf32>,
        %swap3A_376 = vector.shape_cast %swap3A_375 : vector<1x16xf32> to vector<16xf32>
        %swap3A_377 = vector.shape_cast %mul3A_372 : vector<16xf32> to vector<1x16xf32>
        tpu.vector_store %arg15[%swap3A_373, %swap3A_374], %swap3A_377 {strides = array<i32>} : memref<128x64xf32, #tpu.memory_space<vmem>>, vector<1x16xf32>,
      }
      %scan3A_318 = arith.constant 128 : i32
      "tpu.region"() ({
        %run_scoped3A = tpu.sem_alloc : memref<!tpu.dma_semaphore, #tpu.memory_space<semaphore_mem>>
        %dma_start3A = arith.constant 0 : i32
        %dma_start3A_319 = tpu.memref_slice %arg12[%scan3A_301, %dma_start3A] : memref<162x128xi32, #tpu.memory_space<vmem>> -> memref<1x128xi32, #tpu.memory_space<vmem>>
        %dma_start3A_320 = tpu.memref_squeeze %dma_start3A_319 : memref<1x128xi32, #tpu.memory_space<vmem>> -> memref<128xi32, #tpu.memory_space<vmem>>
        %dma_start3A_321 = arith.constant 0 : i32
        %dma_start3A_322 = arith.constant 0 : i32
        %dma_start3A_323 = tpu.memref_slice %arg10[%dma_start3A_321, %dma_start3A_322] : memref<10240x64xf32, #tpu.memory_space<vmem_shared>> -> memref<10240x64xf32, #tpu.memory_space<vmem_shared>>
        tpu.enqueue_indirect_dma source(%arg15 : memref<128x64xf32, #tpu.memory_space<vmem>>) target(%dma_start3A_323 : memref<10240x64xf32, #tpu.memory_space<vmem_shared>>) offsets(%dma_start3A_320 : memref<128xi32, #tpu.memory_space<vmem>>) semaphore(%run_scoped3A : memref<!tpu.dma_semaphore, #tpu.memory_space<semaphore_mem>>) {add = true}
        %dma_wait3A = arith.constant 0 : i32
        %dma_wait3A_324 = tpu.memref_slice %arg12[%scan3A_301, %dma_wait3A] : memref<162x128xi32, #tpu.memory_space<vmem>> -> memref<1x128xi32, #tpu.memory_space<vmem>>
        %dma_wait3A_325 = tpu.memref_squeeze %dma_wait3A_324 : memref<1x128xi32, #tpu.memory_space<vmem>> -> memref<128xi32, #tpu.memory_space<vmem>>
        %dma_wait3A_326 = arith.constant 0 : i32
        %dma_wait3A_327 = arith.constant 0 : i32
        %dma_wait3A_328 = tpu.memref_slice %arg10[%dma_wait3A_326, %dma_wait3A_327] : memref<10240x64xf32, #tpu.memory_space<vmem_shared>> -> memref<10240x64xf32, #tpu.memory_space<vmem_shared>>
        tpu.wait_indirect_dma semaphore(%run_scoped3A : memref<!tpu.dma_semaphore, #tpu.memory_space<semaphore_mem>>) src(%arg15 : memref<128x64xf32, #tpu.memory_space<vmem>>) dst(%dma_wait3A_328 : memref<10240x64xf32, #tpu.memory_space<vmem_shared>>)
        tpu.yield
      }) : () -> ()
    }
    %scan3A_268 = arith.constant 162 : i32
    %barrier3A_269 = arith.constant 0 : index
    tpu.barrier barrier_id(%barrier3A_269)
    %scan3A_270 = arith.constant 0 : i32
    %scan3A_271 = arith.constant 0 : i32
    %scan3A_272 = arith.constant 5 : i32
    %scan3A_273 = arith.addi %scan3A_271, %scan3A_272 : i32
    %scan3A_274 = arith.constant 1 : i32
    scf.for %scan3A_301 = %scan3A_271 to %scan3A_273 step %scan3A_274  : i32 {
      %mul3A_302 = arith.constant 640 : i32
      %mul3A_303 = arith.muli %arg1, %mul3A_302 : i32
      %mul3A_304 = arith.constant 128 : i32
      %mul3A_305 = arith.muli %scan3A_301, %mul3A_304 : i32
      %add3A_306 = arith.addi %mul3A_303, %mul3A_305 : i32
      "tpu.region"() ({
        %run_scoped3A = tpu.sem_alloc : memref<!tpu.dma_semaphore, #tpu.memory_space<semaphore_mem>>
        %dma_start3A = arith.constant 0 : i32
        %dma_start3A_307 = tpu.memref_slice %arg8[%add3A_255, %add3A_306, %dma_start3A] : memref<8x10240x64xf32, #tpu.memory_space<hbm>> -> memref<1x128x64xf32, #tpu.memory_space<hbm>>
        %dma_start3A_308 = tpu.memref_squeeze %dma_start3A_307 : memref<1x128x64xf32, #tpu.memory_space<hbm>> -> memref<128x64xf32, #tpu.memory_space<hbm>>
        %dma_start3A_309 = arith.constant 0 : i32
        %dma_start3A_310 = tpu.memref_slice %arg10[%add3A_306, %dma_start3A_309] : memref<10240x64xf32, #tpu.memory_space<vmem_shared>> -> memref<128x64xf32, #tpu.memory_space<vmem_shared>>
        tpu.enqueue_dma source(%dma_start3A_310 : memref<128x64xf32, #tpu.memory_space<vmem_shared>>) target(%dma_start3A_308 : memref<128x64xf32, #tpu.memory_space<hbm>>) target_semaphore(%run_scoped3A : memref<!tpu.dma_semaphore, #tpu.memory_space<semaphore_mem>>)
        %dma_wait3A = arith.constant 0 : i32
        %dma_wait3A_311 = tpu.memref_slice %arg8[%add3A_255, %add3A_306, %dma_wait3A] : memref<8x10240x64xf32, #tpu.memory_space<hbm>> -> memref<1x128x64xf32, #tpu.memory_space<hbm>>
        %dma_wait3A_312 = tpu.memref_squeeze %dma_wait3A_311 : memref<1x128x64xf32, #tpu.memory_space<hbm>> -> memref<128x64xf32, #tpu.memory_space<hbm>>
        %dma_wait3A_313 = arith.constant 0 : i32
        %dma_wait3A_314 = tpu.memref_slice %arg10[%add3A_306, %dma_wait3A_313] : memref<10240x64xf32, #tpu.memory_space<vmem_shared>> -> memref<128x64xf32, #tpu.memory_space<vmem_shared>>
        tpu.wait_dma2 semaphore(%run_scoped3A : memref<!tpu.dma_semaphore, #tpu.memory_space<semaphore_mem>>) src(%dma_wait3A_314 : memref<128x64xf32, #tpu.memory_space<vmem_shared>>) dst(%dma_wait3A_312 : memref<128x64xf32, #tpu.memory_space<hbm>>)
        tpu.yield
      }) : () -> ()
    }
    %scan3A_275 = arith.constant 5 : i32
    %barrier3A_276 = arith.constant 0 : index
    tpu.barrier barrier_id(%barrier3A_276)
    %mul3A_277 = arith.constant 4 : i32
    %mul3A_278 = arith.muli %mul3A_277, %arg0 : i32
    %add3A_279 = arith.constant 3 : i32
    %add3A_280 = arith.addi %mul3A_278, %add3A_279 : i32
    %scan3A_281 = arith.constant 0 : i32
    %scan3A_282 = arith.constant 0 : i32
    %scan3A_283 = arith.constant 5 : i32
    %scan3A_284 = arith.addi %scan3A_282, %scan3A_283 : i32
    %scan3A_285 = arith.constant 1 : i32
    scf.for %scan3A_301 = %scan3A_282 to %scan3A_284 step %scan3A_285  : i32 {
      %mul3A_302 = arith.constant 640 : i32
      %mul3A_303 = arith.muli %arg1, %mul3A_302 : i32
      %mul3A_304 = arith.constant 128 : i32
      %mul3A_305 = arith.muli %scan3A_301, %mul3A_304 : i32
      %add3A_306 = arith.addi %mul3A_303, %mul3A_305 : i32
      "tpu.region"() ({
        %run_scoped3A = tpu.sem_alloc : memref<!tpu.dma_semaphore, #tpu.memory_space<semaphore_mem>>
        %dma_start3A = arith.constant 0 : i32
        %dma_start3A_307 = tpu.memref_slice %arg10[%add3A_306, %dma_start3A] : memref<10240x64xf32, #tpu.memory_space<vmem_shared>> -> memref<128x64xf32, #tpu.memory_space<vmem_shared>>
        tpu.enqueue_dma source(%arg7 : memref<128x64xf32, #tpu.memory_space<hbm>>) target(%dma_start3A_307 : memref<128x64xf32, #tpu.memory_space<vmem_shared>>) target_semaphore(%run_scoped3A : memref<!tpu.dma_semaphore, #tpu.memory_space<semaphore_mem>>)
        %dma_wait3A = arith.constant 0 : i32
        %dma_wait3A_308 = tpu.memref_slice %arg10[%add3A_306, %dma_wait3A] : memref<10240x64xf32, #tpu.memory_space<vmem_shared>> -> memref<128x64xf32, #tpu.memory_space<vmem_shared>>
        tpu.wait_dma2 semaphore(%run_scoped3A : memref<!tpu.dma_semaphore, #tpu.memory_space<semaphore_mem>>) src(%arg7 : memref<128x64xf32, #tpu.memory_space<hbm>>) dst(%dma_wait3A_308 : memref<128x64xf32, #tpu.memory_space<vmem_shared>>)
        tpu.yield
      }) : () -> ()
    }
    %scan3A_286 = arith.constant 5 : i32
    %barrier3A_287 = arith.constant 0 : index
    tpu.barrier barrier_id(%barrier3A_287)
    %scan3A_288 = arith.constant 0 : i32
    %scan3A_289 = arith.constant 0 : i32
    %scan3A_290 = arith.constant 162 : i32
    %scan3A_291 = arith.addi %scan3A_289, %scan3A_290 : i32
    %scan3A_292 = arith.constant 1 : i32
    scf.for %scan3A_301 = %scan3A_289 to %scan3A_291 step %scan3A_292  : i32 {
      %scan3A_302 = arith.constant 0 : i32
      %scan3A_303 = arith.constant 0 : i32
      %scan3A_304 = arith.constant 8 : i32
      %scan3A_305 = arith.addi %scan3A_303, %scan3A_304 : i32
      %scan3A_306 = arith.constant 1 : i32
      scf.for %scan3A_319 = %scan3A_303 to %scan3A_305 step %scan3A_306  : i32 {
        %mul3A_320 = arith.constant 16 : i32
        %mul3A_321 = arith.muli %scan3A_319, %mul3A_320 : i32
        %get3A = arith.index_cast %scan3A_301 : i32 to index
        %get3A_322 = arith.index_cast %mul3A_321 : i32 to index
        %get3A_323 = tpu.vector_load %arg11[%get3A, %get3A_322] {strides = array<i32>} : memref<162x128xi32, #tpu.memory_space<vmem>>, vector<1x16xi32>,
        %get3A_324 = vector.shape_cast %get3A_323 : vector<1x16xi32> to vector<16xi32>
        %mul3A_325 = arith.constant 10240 : i32
        %mul3A_326 = arith.muli %add3A_280, %mul3A_325 : i32
        %add3A_327 = vector.broadcast %mul3A_326 : i32 to vector<16xi32>
        %add3A_328 = arith.addi %get3A_324, %add3A_327 : vector<16xi32>
        %mul3A_329 = arith.constant 16 : i32
        %mul3A_330 = arith.muli %scan3A_319, %mul3A_329 : i32
        %swap3A_331 = arith.index_cast %mul3A_330 : i32 to index
        %swap3A_332 = tpu.vector_load %arg16[%swap3A_331] {strides = array<i32>} : memref<128xi32, #tpu.memory_space<vmem>>, vector<16xi32>,
        %swap3A_333 = vector.shape_cast %swap3A_332 : vector<16xi32> to vector<16xi32>
        %swap3A_334 = vector.shape_cast %add3A_328 : vector<16xi32> to vector<16xi32>
        tpu.vector_store %arg16[%swap3A_331], %swap3A_334 {strides = array<i32>} : memref<128xi32, #tpu.memory_space<vmem>>, vector<16xi32>,
      }
      %scan3A_307 = arith.constant 8 : i32
      "tpu.region"() ({
        %run_scoped3A = tpu.sem_alloc : memref<!tpu.dma_semaphore, #tpu.memory_space<semaphore_mem>>
        %dma_start3A = arith.constant 0 : i32
        %dma_start3A_319 = arith.constant 0 : i32
        %dma_start3A_320 = tpu.memref_slice %arg2[%dma_start3A, %dma_start3A_319] : memref<81920x64xf32, #tpu.memory_space<hbm>> -> memref<81920x64xf32, #tpu.memory_space<hbm>>
        tpu.enqueue_indirect_dma source(%dma_start3A_320 : memref<81920x64xf32, #tpu.memory_space<hbm>>) target(%arg15 : memref<128x64xf32, #tpu.memory_space<vmem>>) offsets(%arg16 : memref<128xi32, #tpu.memory_space<vmem>>) semaphore(%run_scoped3A : memref<!tpu.dma_semaphore, #tpu.memory_space<semaphore_mem>>)
        %dma_wait3A = arith.constant 0 : i32
        %dma_wait3A_321 = arith.constant 0 : i32
        %dma_wait3A_322 = tpu.memref_slice %arg2[%dma_wait3A, %dma_wait3A_321] : memref<81920x64xf32, #tpu.memory_space<hbm>> -> memref<81920x64xf32, #tpu.memory_space<hbm>>
        tpu.wait_indirect_dma semaphore(%run_scoped3A : memref<!tpu.dma_semaphore, #tpu.memory_space<semaphore_mem>>) src(%dma_wait3A_322 : memref<81920x64xf32, #tpu.memory_space<hbm>>) dst(%arg15 : memref<128x64xf32, #tpu.memory_space<vmem>>)
        tpu.yield
      }) : () -> ()
      %mul3A_308 = arith.constant 162 : i32
      %mul3A_309 = arith.muli %arg1, %mul3A_308 : i32
      %add3A_310 = arith.addi %mul3A_309, %scan3A_301 : i32
      %mul3A_311 = arith.constant 128 : i32
      %mul3A_312 = arith.muli %add3A_310, %mul3A_311 : i32
      "tpu.region"() ({
        %run_scoped3A = tpu.sem_alloc : memref<!tpu.dma_semaphore, #tpu.memory_space<semaphore_mem>>
        %dma_start3A = arith.constant 0 : i32
        %dma_start3A_319 = tpu.memref_slice %arg3[%mul3A_312, %dma_start3A] : memref<331776x16xf32, #tpu.memory_space<hbm>> -> memref<128x16xf32, #tpu.memory_space<hbm>>
        %dma_start3A_320 = arith.constant 0 : i32
        %dma_start3A_321 = tpu.memref_slice %arg3[%mul3A_312, %dma_start3A_320] : memref<331776x16xf32, #tpu.memory_space<hbm>> -> memref<128x16xf32, #tpu.memory_space<hbm>>
        tpu.enqueue_dma source(%dma_start3A_321 : memref<128x16xf32, #tpu.memory_space<hbm>>) target(%arg13 : memref<128x16xf32, #tpu.memory_space<vmem>>) target_semaphore(%run_scoped3A : memref<!tpu.dma_semaphore, #tpu.memory_space<semaphore_mem>>)
        %dma_wait3A = arith.constant 0 : i32
        %dma_wait3A_322 = tpu.memref_slice %arg3[%mul3A_312, %dma_wait3A] : memref<331776x16xf32, #tpu.memory_space<hbm>> -> memref<128x16xf32, #tpu.memory_space<hbm>>
        %dma_wait3A_323 = arith.constant 0 : i32
        %dma_wait3A_324 = tpu.memref_slice %arg3[%mul3A_312, %dma_wait3A_323] : memref<331776x16xf32, #tpu.memory_space<hbm>> -> memref<128x16xf32, #tpu.memory_space<hbm>>
        tpu.wait_dma2 semaphore(%run_scoped3A : memref<!tpu.dma_semaphore, #tpu.memory_space<semaphore_mem>>) src(%dma_wait3A_324 : memref<128x16xf32, #tpu.memory_space<hbm>>) dst(%arg13 : memref<128x16xf32, #tpu.memory_space<vmem>>)
        tpu.yield
      }) : () -> ()
      "tpu.region"() ({
        %run_scoped3A = tpu.sem_alloc : memref<!tpu.dma_semaphore, #tpu.memory_space<semaphore_mem>>
        %dma_start3A = arith.constant 0 : i32
        %dma_start3A_319 = tpu.memref_slice %arg12[%scan3A_301, %dma_start3A] : memref<162x128xi32, #tpu.memory_space<vmem>> -> memref<1x128xi32, #tpu.memory_space<vmem>>
        %dma_start3A_320 = tpu.memref_squeeze %dma_start3A_319 : memref<1x128xi32, #tpu.memory_space<vmem>> -> memref<128xi32, #tpu.memory_space<vmem>>
        %dma_start3A_321 = arith.constant 0 : i32
        %dma_start3A_322 = arith.constant 0 : i32
        %dma_start3A_323 = tpu.memref_slice %arg9[%dma_start3A_321, %dma_start3A_322] : memref<10240x16xf32, #tpu.memory_space<vmem_shared>> -> memref<10240x16xf32, #tpu.memory_space<vmem_shared>>
        tpu.enqueue_indirect_dma source(%dma_start3A_323 : memref<10240x16xf32, #tpu.memory_space<vmem_shared>>) target(%arg14 : memref<128x16xf32, #tpu.memory_space<vmem>>) offsets(%dma_start3A_320 : memref<128xi32, #tpu.memory_space<vmem>>) semaphore(%run_scoped3A : memref<!tpu.dma_semaphore, #tpu.memory_space<semaphore_mem>>)
        %dma_wait3A = arith.constant 0 : i32
        %dma_wait3A_324 = tpu.memref_slice %arg12[%scan3A_301, %dma_wait3A] : memref<162x128xi32, #tpu.memory_space<vmem>> -> memref<1x128xi32, #tpu.memory_space<vmem>>
        %dma_wait3A_325 = tpu.memref_squeeze %dma_wait3A_324 : memref<1x128xi32, #tpu.memory_space<vmem>> -> memref<128xi32, #tpu.memory_space<vmem>>
        %dma_wait3A_326 = arith.constant 0 : i32
        %dma_wait3A_327 = arith.constant 0 : i32
        %dma_wait3A_328 = tpu.memref_slice %arg9[%dma_wait3A_326, %dma_wait3A_327] : memref<10240x16xf32, #tpu.memory_space<vmem_shared>> -> memref<10240x16xf32, #tpu.memory_space<vmem_shared>>
        tpu.wait_indirect_dma semaphore(%run_scoped3A : memref<!tpu.dma_semaphore, #tpu.memory_space<semaphore_mem>>) src(%dma_wait3A_328 : memref<10240x16xf32, #tpu.memory_space<vmem_shared>>) dst(%arg14 : memref<128x16xf32, #tpu.memory_space<vmem>>)
        tpu.yield
      }) : () -> ()
      %scan3A_313 = arith.constant 0 : i32
      %scan3A_314 = arith.constant 0 : i32
      %scan3A_315 = arith.constant 128 : i32
      %scan3A_316 = arith.addi %scan3A_314, %scan3A_315 : i32
      %scan3A_317 = arith.constant 1 : i32
      scf.for %scan3A_319 = %scan3A_314 to %scan3A_316 step %scan3A_317  : i32 {
        %get3A = arith.index_cast %scan3A_319 : i32 to index
        %get3A_320 = arith.constant 0 : index
        %get3A_321 = tpu.vector_load %arg13[%get3A, %get3A_320] {strides = array<i32>} : memref<128x16xf32, #tpu.memory_space<vmem>>, vector<1x16xf32>,
        %get3A_322 = vector.shape_cast %get3A_321 : vector<1x16xf32> to vector<16xf32>
        %get3A_323 = arith.index_cast %scan3A_319 : i32 to index
        %get3A_324 = arith.constant 0 : index
        %get3A_325 = tpu.vector_load %arg14[%get3A_323, %get3A_324] {strides = array<i32>} : memref<128x16xf32, #tpu.memory_space<vmem>>, vector<1x16xf32>,
        %get3A_326 = vector.shape_cast %get3A_325 : vector<1x16xf32> to vector<16xf32>
        %add3A_327 = arith.constant 1.000000e-16 : f32
        %add3A_328 = vector.broadcast %add3A_327 : f32 to vector<16xf32>
        %add3A_329 = arith.addf %get3A_326, %add3A_328 : vector<16xf32>
        %div3A = arith.constant 1.000000e+00 : f32
        %div3A_330 = vector.broadcast %div3A : f32 to vector<16xf32>
        %div3A_331 = arith.divf %div3A_330, %add3A_329 : vector<16xf32>
        %mul3A_332 = arith.mulf %add3A_329, %div3A_331 : vector<16xf32>
        %sub3A = arith.constant 2.000000e+00 : f32
        %sub3A_333 = vector.broadcast %sub3A : f32 to vector<16xf32>
        %sub3A_334 = arith.subf %sub3A_333, %mul3A_332 : vector<16xf32>
        %mul3A_335 = arith.mulf %div3A_331, %sub3A_334 : vector<16xf32>
        %mul3A_336 = arith.mulf %get3A_322, %mul3A_335 : vector<16xf32>
        %broadcast_in_dim3A = vector.broadcast %add3A_280 : i32 to vector<16x1xi32>
        %gather3A = vector.shape_cast %broadcast_in_dim3A : vector<16x1xi32> to vector<16xi32>
        %gather3A_337 = tpu.dynamic_gather %mul3A_336[%gather3A] in [0] : vector<16xf32>, vector<16xi32> -> vector<16xf32>
        %get3A_338 = arith.index_cast %scan3A_319 : i32 to index
        %get3A_339 = arith.constant 0 : index
        %get3A_340 = tpu.vector_load %arg15[%get3A_338, %get3A_339] {strides = array<i32>} : memref<128x64xf32, #tpu.memory_space<vmem>>, vector<1x16xf32>,
        %get3A_341 = vector.shape_cast %get3A_340 : vector<1x16xf32> to vector<16xf32>
        %mul3A_342 = arith.mulf %get3A_341, %gather3A_337 : vector<16xf32>
        %swap3A_343 = arith.index_cast %scan3A_319 : i32 to index
        %swap3A_344 = arith.constant 0 : index
        %swap3A_345 = tpu.vector_load %arg15[%swap3A_343, %swap3A_344] {strides = array<i32>} : memref<128x64xf32, #tpu.memory_space<vmem>>, vector<1x16xf32>,
        %swap3A_346 = vector.shape_cast %swap3A_345 : vector<1x16xf32> to vector<16xf32>
        %swap3A_347 = vector.shape_cast %mul3A_342 : vector<16xf32> to vector<1x16xf32>
        tpu.vector_store %arg15[%swap3A_343, %swap3A_344], %swap3A_347 {strides = array<i32>} : memref<128x64xf32, #tpu.memory_space<vmem>>, vector<1x16xf32>,
        %get3A_348 = arith.index_cast %scan3A_319 : i32 to index
        %get3A_349 = arith.constant 16 : index
        %get3A_350 = tpu.vector_load %arg15[%get3A_348, %get3A_349] {strides = array<i32>} : memref<128x64xf32, #tpu.memory_space<vmem>>, vector<1x16xf32>,
        %get3A_351 = vector.shape_cast %get3A_350 : vector<1x16xf32> to vector<16xf32>
        %mul3A_352 = arith.mulf %get3A_351, %gather3A_337 : vector<16xf32>
        %swap3A_353 = arith.index_cast %scan3A_319 : i32 to index
        %swap3A_354 = arith.constant 16 : index
        %swap3A_355 = tpu.vector_load %arg15[%swap3A_353, %swap3A_354] {strides = array<i32>} : memref<128x64xf32, #tpu.memory_space<vmem>>, vector<1x16xf32>,
        %swap3A_356 = vector.shape_cast %swap3A_355 : vector<1x16xf32> to vector<16xf32>
        %swap3A_357 = vector.shape_cast %mul3A_352 : vector<16xf32> to vector<1x16xf32>
        tpu.vector_store %arg15[%swap3A_353, %swap3A_354], %swap3A_357 {strides = array<i32>} : memref<128x64xf32, #tpu.memory_space<vmem>>, vector<1x16xf32>,
        %get3A_358 = arith.index_cast %scan3A_319 : i32 to index
        %get3A_359 = arith.constant 32 : index
        %get3A_360 = tpu.vector_load %arg15[%get3A_358, %get3A_359] {strides = array<i32>} : memref<128x64xf32, #tpu.memory_space<vmem>>, vector<1x16xf32>,
        %get3A_361 = vector.shape_cast %get3A_360 : vector<1x16xf32> to vector<16xf32>
        %mul3A_362 = arith.mulf %get3A_361, %gather3A_337 : vector<16xf32>
        %swap3A_363 = arith.index_cast %scan3A_319 : i32 to index
        %swap3A_364 = arith.constant 32 : index
        %swap3A_365 = tpu.vector_load %arg15[%swap3A_363, %swap3A_364] {strides = array<i32>} : memref<128x64xf32, #tpu.memory_space<vmem>>, vector<1x16xf32>,
        %swap3A_366 = vector.shape_cast %swap3A_365 : vector<1x16xf32> to vector<16xf32>
        %swap3A_367 = vector.shape_cast %mul3A_362 : vector<16xf32> to vector<1x16xf32>
        tpu.vector_store %arg15[%swap3A_363, %swap3A_364], %swap3A_367 {strides = array<i32>} : memref<128x64xf32, #tpu.memory_space<vmem>>, vector<1x16xf32>,
        %get3A_368 = arith.index_cast %scan3A_319 : i32 to index
        %get3A_369 = arith.constant 48 : index
        %get3A_370 = tpu.vector_load %arg15[%get3A_368, %get3A_369] {strides = array<i32>} : memref<128x64xf32, #tpu.memory_space<vmem>>, vector<1x16xf32>,
        %get3A_371 = vector.shape_cast %get3A_370 : vector<1x16xf32> to vector<16xf32>
        %mul3A_372 = arith.mulf %get3A_371, %gather3A_337 : vector<16xf32>
        %swap3A_373 = arith.index_cast %scan3A_319 : i32 to index
        %swap3A_374 = arith.constant 48 : index
        %swap3A_375 = tpu.vector_load %arg15[%swap3A_373, %swap3A_374] {strides = array<i32>} : memref<128x64xf32, #tpu.memory_space<vmem>>, vector<1x16xf32>,
        %swap3A_376 = vector.shape_cast %swap3A_375 : vector<1x16xf32> to vector<16xf32>
        %swap3A_377 = vector.shape_cast %mul3A_372 : vector<16xf32> to vector<1x16xf32>
        tpu.vector_store %arg15[%swap3A_373, %swap3A_374], %swap3A_377 {strides = array<i32>} : memref<128x64xf32, #tpu.memory_space<vmem>>, vector<1x16xf32>,
      }
      %scan3A_318 = arith.constant 128 : i32
      "tpu.region"() ({
        %run_scoped3A = tpu.sem_alloc : memref<!tpu.dma_semaphore, #tpu.memory_space<semaphore_mem>>
        %dma_start3A = arith.constant 0 : i32
        %dma_start3A_319 = tpu.memref_slice %arg12[%scan3A_301, %dma_start3A] : memref<162x128xi32, #tpu.memory_space<vmem>> -> memref<1x128xi32, #tpu.memory_space<vmem>>
        %dma_start3A_320 = tpu.memref_squeeze %dma_start3A_319 : memref<1x128xi32, #tpu.memory_space<vmem>> -> memref<128xi32, #tpu.memory_space<vmem>>
        %dma_start3A_321 = arith.constant 0 : i32
        %dma_start3A_322 = arith.constant 0 : i32
        %dma_start3A_323 = tpu.memref_slice %arg10[%dma_start3A_321, %dma_start3A_322] : memref<10240x64xf32, #tpu.memory_space<vmem_shared>> -> memref<10240x64xf32, #tpu.memory_space<vmem_shared>>
        tpu.enqueue_indirect_dma source(%arg15 : memref<128x64xf32, #tpu.memory_space<vmem>>) target(%dma_start3A_323 : memref<10240x64xf32, #tpu.memory_space<vmem_shared>>) offsets(%dma_start3A_320 : memref<128xi32, #tpu.memory_space<vmem>>) semaphore(%run_scoped3A : memref<!tpu.dma_semaphore, #tpu.memory_space<semaphore_mem>>) {add = true}
        %dma_wait3A = arith.constant 0 : i32
        %dma_wait3A_324 = tpu.memref_slice %arg12[%scan3A_301, %dma_wait3A] : memref<162x128xi32, #tpu.memory_space<vmem>> -> memref<1x128xi32, #tpu.memory_space<vmem>>
        %dma_wait3A_325 = tpu.memref_squeeze %dma_wait3A_324 : memref<1x128xi32, #tpu.memory_space<vmem>> -> memref<128xi32, #tpu.memory_space<vmem>>
        %dma_wait3A_326 = arith.constant 0 : i32
        %dma_wait3A_327 = arith.constant 0 : i32
        %dma_wait3A_328 = tpu.memref_slice %arg10[%dma_wait3A_326, %dma_wait3A_327] : memref<10240x64xf32, #tpu.memory_space<vmem_shared>> -> memref<10240x64xf32, #tpu.memory_space<vmem_shared>>
        tpu.wait_indirect_dma semaphore(%run_scoped3A : memref<!tpu.dma_semaphore, #tpu.memory_space<semaphore_mem>>) src(%arg15 : memref<128x64xf32, #tpu.memory_space<vmem>>) dst(%dma_wait3A_328 : memref<10240x64xf32, #tpu.memory_space<vmem_shared>>)
        tpu.yield
      }) : () -> ()
    }
    %scan3A_293 = arith.constant 162 : i32
    %barrier3A_294 = arith.constant 0 : index
    tpu.barrier barrier_id(%barrier3A_294)
    %scan3A_295 = arith.constant 0 : i32
    %scan3A_296 = arith.constant 0 : i32
    %scan3A_297 = arith.constant 5 : i32
    %scan3A_298 = arith.addi %scan3A_296, %scan3A_297 : i32
    %scan3A_299 = arith.constant 1 : i32
    scf.for %scan3A_301 = %scan3A_296 to %scan3A_298 step %scan3A_299  : i32 {
      %mul3A_302 = arith.constant 640 : i32
      %mul3A_303 = arith.muli %arg1, %mul3A_302 : i32
      %mul3A_304 = arith.constant 128 : i32
      %mul3A_305 = arith.muli %scan3A_301, %mul3A_304 : i32
      %add3A_306 = arith.addi %mul3A_303, %mul3A_305 : i32
      "tpu.region"() ({
        %run_scoped3A = tpu.sem_alloc : memref<!tpu.dma_semaphore, #tpu.memory_space<semaphore_mem>>
        %dma_start3A = arith.constant 0 : i32
        %dma_start3A_307 = tpu.memref_slice %arg8[%add3A_280, %add3A_306, %dma_start3A] : memref<8x10240x64xf32, #tpu.memory_space<hbm>> -> memref<1x128x64xf32, #tpu.memory_space<hbm>>
        %dma_start3A_308 = tpu.memref_squeeze %dma_start3A_307 : memref<1x128x64xf32, #tpu.memory_space<hbm>> -> memref<128x64xf32, #tpu.memory_space<hbm>>
        %dma_start3A_309 = arith.constant 0 : i32
        %dma_start3A_310 = tpu.memref_slice %arg10[%add3A_306, %dma_start3A_309] : memref<10240x64xf32, #tpu.memory_space<vmem_shared>> -> memref<128x64xf32, #tpu.memory_space<vmem_shared>>
        tpu.enqueue_dma source(%dma_start3A_310 : memref<128x64xf32, #tpu.memory_space<vmem_shared>>) target(%dma_start3A_308 : memref<128x64xf32, #tpu.memory_space<hbm>>) target_semaphore(%run_scoped3A : memref<!tpu.dma_semaphore, #tpu.memory_space<semaphore_mem>>)
        %dma_wait3A = arith.constant 0 : i32
        %dma_wait3A_311 = tpu.memref_slice %arg8[%add3A_280, %add3A_306, %dma_wait3A] : memref<8x10240x64xf32, #tpu.memory_space<hbm>> -> memref<1x128x64xf32, #tpu.memory_space<hbm>>
        %dma_wait3A_312 = tpu.memref_squeeze %dma_wait3A_311 : memref<1x128x64xf32, #tpu.memory_space<hbm>> -> memref<128x64xf32, #tpu.memory_space<hbm>>
        %dma_wait3A_313 = arith.constant 0 : i32
        %dma_wait3A_314 = tpu.memref_slice %arg10[%add3A_306, %dma_wait3A_313] : memref<10240x64xf32, #tpu.memory_space<vmem_shared>> -> memref<128x64xf32, #tpu.memory_space<vmem_shared>>
        tpu.wait_dma2 semaphore(%run_scoped3A : memref<!tpu.dma_semaphore, #tpu.memory_space<semaphore_mem>>) src(%dma_wait3A_314 : memref<128x64xf32, #tpu.memory_space<vmem_shared>>) dst(%dma_wait3A_312 : memref<128x64xf32, #tpu.memory_space<hbm>>)
        tpu.yield
      }) : () -> ()
    }
    %scan3A_300 = arith.constant 5 : i32
    return
  }
}

#map = affine_map<(d0, d1) -> (0, 0)>
module attributes {stable_mosaic.version = 14 : i64} {
  func.func @_sce_body(%arg0: i32, %arg1: i32, %arg2: memref<10240x16xf32, #tpu.memory_space<hbm>>, %arg3: memref<10240x16xf32, #tpu.memory_space<hbm>>, %arg4: memref<2592x128xi32, #tpu.memory_space<hbm>>, %arg5: memref<2592x128xi32, #tpu.memory_space<hbm>>, %arg6: memref<331776x16xf32, #tpu.memory_space<hbm>>, %arg7: memref<81x128xi32, #tpu.memory_space<vmem>>, %arg8: memref<81x128xi32, #tpu.memory_space<vmem>>, %arg9: memref<128x16xf32, #tpu.memory_space<vmem>>, %arg10: memref<128x16xf32, #tpu.memory_space<vmem>>, %arg11: memref<128x16xf32, #tpu.memory_space<vmem>>, %arg12: memref<128xi32, #tpu.memory_space<vmem>>, %arg13: memref<48xi32, #tpu.memory_space<vmem>>) attributes {dimension_semantics = [#tpu.dimension_semantics<core_parallel>, #tpu.dimension_semantics<subcore_parallel>], iteration_bounds = array<i64: 2, 16>, scalar_prefetch = 0 : i64, scratch_operands = 7 : i64, tpu.core_type = #tpu.core_type<sc_vector_subcore>, window_params = [{transform_indices = #map}, {transform_indices = #map}, {transform_indices = #map}, {transform_indices = #map}, {transform_indices = #map}]} {
    %mul3A = arith.constant 16 : i32
    %mul3A_0 = arith.muli %arg0, %mul3A : i32
    %add3A = arith.addi %mul3A_0, %arg1 : i32
    %mul3A_1 = arith.constant 81 : i32
    %mul3A_2 = arith.muli %add3A, %mul3A_1 : i32
    %iota3A = tpu.iota {dimensions = array<i32: 0>} : vector<16xi32>
    %add3A_3 = arith.constant 0 : i32
    %add3A_4 = arith.addi %mul3A_2, %add3A_3 : i32
    %add3A_5 = vector.broadcast %add3A_4 : i32 to vector<16xi32>
    %add3A_6 = arith.addi %iota3A, %add3A_5 : vector<16xi32>
    %swap3A = arith.constant 0 : index
    %swap3A_7 = tpu.vector_load %arg12[%swap3A] {strides = array<i32>} : memref<128xi32, #tpu.memory_space<vmem>>, vector<16xi32>,
    %swap3A_8 = vector.shape_cast %swap3A_7 : vector<16xi32> to vector<16xi32>
    %swap3A_9 = vector.shape_cast %add3A_6 : vector<16xi32> to vector<16xi32>
    tpu.vector_store %arg12[%swap3A], %swap3A_9 {strides = array<i32>} : memref<128xi32, #tpu.memory_space<vmem>>, vector<16xi32>,
    %add3A_10 = arith.constant 16 : i32
    %add3A_11 = arith.addi %mul3A_2, %add3A_10 : i32
    %add3A_12 = vector.broadcast %add3A_11 : i32 to vector<16xi32>
    %add3A_13 = arith.addi %iota3A, %add3A_12 : vector<16xi32>
    %swap3A_14 = arith.constant 16 : index
    %swap3A_15 = tpu.vector_load %arg12[%swap3A_14] {strides = array<i32>} : memref<128xi32, #tpu.memory_space<vmem>>, vector<16xi32>,
    %swap3A_16 = vector.shape_cast %swap3A_15 : vector<16xi32> to vector<16xi32>
    %swap3A_17 = vector.shape_cast %add3A_13 : vector<16xi32> to vector<16xi32>
    tpu.vector_store %arg12[%swap3A_14], %swap3A_17 {strides = array<i32>} : memref<128xi32, #tpu.memory_space<vmem>>, vector<16xi32>,
    %add3A_18 = arith.constant 32 : i32
    %add3A_19 = arith.addi %mul3A_2, %add3A_18 : i32
    %add3A_20 = vector.broadcast %add3A_19 : i32 to vector<16xi32>
    %add3A_21 = arith.addi %iota3A, %add3A_20 : vector<16xi32>
    %swap3A_22 = arith.constant 32 : index
    %swap3A_23 = tpu.vector_load %arg12[%swap3A_22] {strides = array<i32>} : memref<128xi32, #tpu.memory_space<vmem>>, vector<16xi32>,
    %swap3A_24 = vector.shape_cast %swap3A_23 : vector<16xi32> to vector<16xi32>
    %swap3A_25 = vector.shape_cast %add3A_21 : vector<16xi32> to vector<16xi32>
    tpu.vector_store %arg12[%swap3A_22], %swap3A_25 {strides = array<i32>} : memref<128xi32, #tpu.memory_space<vmem>>, vector<16xi32>,
    %add3A_26 = arith.constant 48 : i32
    %add3A_27 = arith.addi %mul3A_2, %add3A_26 : i32
    %add3A_28 = vector.broadcast %add3A_27 : i32 to vector<16xi32>
    %add3A_29 = arith.addi %iota3A, %add3A_28 : vector<16xi32>
    %swap3A_30 = arith.constant 48 : index
    %swap3A_31 = tpu.vector_load %arg12[%swap3A_30] {strides = array<i32>} : memref<128xi32, #tpu.memory_space<vmem>>, vector<16xi32>,
    %swap3A_32 = vector.shape_cast %swap3A_31 : vector<16xi32> to vector<16xi32>
    %swap3A_33 = vector.shape_cast %add3A_29 : vector<16xi32> to vector<16xi32>
    tpu.vector_store %arg12[%swap3A_30], %swap3A_33 {strides = array<i32>} : memref<128xi32, #tpu.memory_space<vmem>>, vector<16xi32>,
    %add3A_34 = arith.constant 64 : i32
    %add3A_35 = arith.addi %mul3A_2, %add3A_34 : i32
    %add3A_36 = vector.broadcast %add3A_35 : i32 to vector<16xi32>
    %add3A_37 = arith.addi %iota3A, %add3A_36 : vector<16xi32>
    %swap3A_38 = arith.constant 64 : index
    %swap3A_39 = tpu.vector_load %arg12[%swap3A_38] {strides = array<i32>} : memref<128xi32, #tpu.memory_space<vmem>>, vector<16xi32>,
    %swap3A_40 = vector.shape_cast %swap3A_39 : vector<16xi32> to vector<16xi32>
    %swap3A_41 = vector.shape_cast %add3A_37 : vector<16xi32> to vector<16xi32>
    tpu.vector_store %arg12[%swap3A_38], %swap3A_41 {strides = array<i32>} : memref<128xi32, #tpu.memory_space<vmem>>, vector<16xi32>,
    %add3A_42 = arith.constant 80 : i32
    %add3A_43 = arith.addi %mul3A_2, %add3A_42 : i32
    %add3A_44 = vector.broadcast %add3A_43 : i32 to vector<16xi32>
    %add3A_45 = arith.addi %iota3A, %add3A_44 : vector<16xi32>
    %swap3A_46 = arith.constant 80 : index
    %swap3A_47 = tpu.vector_load %arg12[%swap3A_46] {strides = array<i32>} : memref<128xi32, #tpu.memory_space<vmem>>, vector<16xi32>,
    %swap3A_48 = vector.shape_cast %swap3A_47 : vector<16xi32> to vector<16xi32>
    %swap3A_49 = vector.shape_cast %add3A_45 : vector<16xi32> to vector<16xi32>
    tpu.vector_store %arg12[%swap3A_46], %swap3A_49 {strides = array<i32>} : memref<128xi32, #tpu.memory_space<vmem>>, vector<16xi32>,
    "tpu.region"() ({
      %run_scoped3A = tpu.sem_alloc : memref<!tpu.dma_semaphore, #tpu.memory_space<semaphore_mem>>
      %dma_start3A = arith.constant 0 : i32
      %dma_start3A_106 = arith.constant 0 : i32
      %dma_start3A_107 = tpu.memref_slice %arg7[%dma_start3A, %dma_start3A_106] : memref<81x128xi32, #tpu.memory_space<vmem>> -> memref<81x128xi32, #tpu.memory_space<vmem>>
      %dma_start3A_108 = arith.constant 0 : i32
      %dma_start3A_109 = tpu.memref_slice %arg12[%dma_start3A_108] : memref<128xi32, #tpu.memory_space<vmem>> -> memref<81xi32, #tpu.memory_space<vmem>>
      %dma_start3A_110 = arith.constant 0 : i32
      %dma_start3A_111 = arith.constant 0 : i32
      %dma_start3A_112 = tpu.memref_slice %arg4[%dma_start3A_110, %dma_start3A_111] : memref<2592x128xi32, #tpu.memory_space<hbm>> -> memref<2592x128xi32, #tpu.memory_space<hbm>>
      tpu.enqueue_indirect_dma source(%dma_start3A_112 : memref<2592x128xi32, #tpu.memory_space<hbm>>) target(%dma_start3A_107 : memref<81x128xi32, #tpu.memory_space<vmem>>) offsets(%dma_start3A_109 : memref<81xi32, #tpu.memory_space<vmem>>) semaphore(%run_scoped3A : memref<!tpu.dma_semaphore, #tpu.memory_space<semaphore_mem>>)
      %dma_wait3A = arith.constant 0 : i32
      %dma_wait3A_113 = arith.constant 0 : i32
      %dma_wait3A_114 = tpu.memref_slice %arg7[%dma_wait3A, %dma_wait3A_113] : memref<81x128xi32, #tpu.memory_space<vmem>> -> memref<81x128xi32, #tpu.memory_space<vmem>>
      %dma_wait3A_115 = arith.constant 0 : i32
      %dma_wait3A_116 = tpu.memref_slice %arg12[%dma_wait3A_115] : memref<128xi32, #tpu.memory_space<vmem>> -> memref<81xi32, #tpu.memory_space<vmem>>
      %dma_wait3A_117 = arith.constant 0 : i32
      %dma_wait3A_118 = arith.constant 0 : i32
      %dma_wait3A_119 = tpu.memref_slice %arg4[%dma_wait3A_117, %dma_wait3A_118] : memref<2592x128xi32, #tpu.memory_space<hbm>> -> memref<2592x128xi32, #tpu.memory_space<hbm>>
      tpu.wait_indirect_dma semaphore(%run_scoped3A : memref<!tpu.dma_semaphore, #tpu.memory_space<semaphore_mem>>) src(%dma_wait3A_119 : memref<2592x128xi32, #tpu.memory_space<hbm>>) dst(%dma_wait3A_114 : memref<81x128xi32, #tpu.memory_space<vmem>>)
      tpu.yield
    }) : () -> ()
    %mul3A_50 = arith.constant 81 : i32
    %mul3A_51 = arith.muli %add3A, %mul3A_50 : i32
    %iota3A_52 = tpu.iota {dimensions = array<i32: 0>} : vector<16xi32>
    %add3A_53 = arith.constant 0 : i32
    %add3A_54 = arith.addi %mul3A_51, %add3A_53 : i32
    %add3A_55 = vector.broadcast %add3A_54 : i32 to vector<16xi32>
    %add3A_56 = arith.addi %iota3A_52, %add3A_55 : vector<16xi32>
    %swap3A_57 = arith.constant 0 : index
    %swap3A_58 = tpu.vector_load %arg12[%swap3A_57] {strides = array<i32>} : memref<128xi32, #tpu.memory_space<vmem>>, vector<16xi32>,
    %swap3A_59 = vector.shape_cast %swap3A_58 : vector<16xi32> to vector<16xi32>
    %swap3A_60 = vector.shape_cast %add3A_56 : vector<16xi32> to vector<16xi32>
    tpu.vector_store %arg12[%swap3A_57], %swap3A_60 {strides = array<i32>} : memref<128xi32, #tpu.memory_space<vmem>>, vector<16xi32>,
    %add3A_61 = arith.constant 16 : i32
    %add3A_62 = arith.addi %mul3A_51, %add3A_61 : i32
    %add3A_63 = vector.broadcast %add3A_62 : i32 to vector<16xi32>
    %add3A_64 = arith.addi %iota3A_52, %add3A_63 : vector<16xi32>
    %swap3A_65 = arith.constant 16 : index
    %swap3A_66 = tpu.vector_load %arg12[%swap3A_65] {strides = array<i32>} : memref<128xi32, #tpu.memory_space<vmem>>, vector<16xi32>,
    %swap3A_67 = vector.shape_cast %swap3A_66 : vector<16xi32> to vector<16xi32>
    %swap3A_68 = vector.shape_cast %add3A_64 : vector<16xi32> to vector<16xi32>
    tpu.vector_store %arg12[%swap3A_65], %swap3A_68 {strides = array<i32>} : memref<128xi32, #tpu.memory_space<vmem>>, vector<16xi32>,
    %add3A_69 = arith.constant 32 : i32
    %add3A_70 = arith.addi %mul3A_51, %add3A_69 : i32
    %add3A_71 = vector.broadcast %add3A_70 : i32 to vector<16xi32>
    %add3A_72 = arith.addi %iota3A_52, %add3A_71 : vector<16xi32>
    %swap3A_73 = arith.constant 32 : index
    %swap3A_74 = tpu.vector_load %arg12[%swap3A_73] {strides = array<i32>} : memref<128xi32, #tpu.memory_space<vmem>>, vector<16xi32>,
    %swap3A_75 = vector.shape_cast %swap3A_74 : vector<16xi32> to vector<16xi32>
    %swap3A_76 = vector.shape_cast %add3A_72 : vector<16xi32> to vector<16xi32>
    tpu.vector_store %arg12[%swap3A_73], %swap3A_76 {strides = array<i32>} : memref<128xi32, #tpu.memory_space<vmem>>, vector<16xi32>,
    %add3A_77 = arith.constant 48 : i32
    %add3A_78 = arith.addi %mul3A_51, %add3A_77 : i32
    %add3A_79 = vector.broadcast %add3A_78 : i32 to vector<16xi32>
    %add3A_80 = arith.addi %iota3A_52, %add3A_79 : vector<16xi32>
    %swap3A_81 = arith.constant 48 : index
    %swap3A_82 = tpu.vector_load %arg12[%swap3A_81] {strides = array<i32>} : memref<128xi32, #tpu.memory_space<vmem>>, vector<16xi32>,
    %swap3A_83 = vector.shape_cast %swap3A_82 : vector<16xi32> to vector<16xi32>
    %swap3A_84 = vector.shape_cast %add3A_80 : vector<16xi32> to vector<16xi32>
    tpu.vector_store %arg12[%swap3A_81], %swap3A_84 {strides = array<i32>} : memref<128xi32, #tpu.memory_space<vmem>>, vector<16xi32>,
    %add3A_85 = arith.constant 64 : i32
    %add3A_86 = arith.addi %mul3A_51, %add3A_85 : i32
    %add3A_87 = vector.broadcast %add3A_86 : i32 to vector<16xi32>
    %add3A_88 = arith.addi %iota3A_52, %add3A_87 : vector<16xi32>
    %swap3A_89 = arith.constant 64 : index
    %swap3A_90 = tpu.vector_load %arg12[%swap3A_89] {strides = array<i32>} : memref<128xi32, #tpu.memory_space<vmem>>, vector<16xi32>,
    %swap3A_91 = vector.shape_cast %swap3A_90 : vector<16xi32> to vector<16xi32>
    %swap3A_92 = vector.shape_cast %add3A_88 : vector<16xi32> to vector<16xi32>
    tpu.vector_store %arg12[%swap3A_89], %swap3A_92 {strides = array<i32>} : memref<128xi32, #tpu.memory_space<vmem>>, vector<16xi32>,
    %add3A_93 = arith.constant 80 : i32
    %add3A_94 = arith.addi %mul3A_51, %add3A_93 : i32
    %add3A_95 = vector.broadcast %add3A_94 : i32 to vector<16xi32>
    %add3A_96 = arith.addi %iota3A_52, %add3A_95 : vector<16xi32>
    %swap3A_97 = arith.constant 80 : index
    %swap3A_98 = tpu.vector_load %arg12[%swap3A_97] {strides = array<i32>} : memref<128xi32, #tpu.memory_space<vmem>>, vector<16xi32>,
    %swap3A_99 = vector.shape_cast %swap3A_98 : vector<16xi32> to vector<16xi32>
    %swap3A_100 = vector.shape_cast %add3A_96 : vector<16xi32> to vector<16xi32>
    tpu.vector_store %arg12[%swap3A_97], %swap3A_100 {strides = array<i32>} : memref<128xi32, #tpu.memory_space<vmem>>, vector<16xi32>,
    "tpu.region"() ({
      %run_scoped3A = tpu.sem_alloc : memref<!tpu.dma_semaphore, #tpu.memory_space<semaphore_mem>>
      %dma_start3A = arith.constant 0 : i32
      %dma_start3A_106 = arith.constant 0 : i32
      %dma_start3A_107 = tpu.memref_slice %arg8[%dma_start3A, %dma_start3A_106] : memref<81x128xi32, #tpu.memory_space<vmem>> -> memref<81x128xi32, #tpu.memory_space<vmem>>
      %dma_start3A_108 = arith.constant 0 : i32
      %dma_start3A_109 = tpu.memref_slice %arg12[%dma_start3A_108] : memref<128xi32, #tpu.memory_space<vmem>> -> memref<81xi32, #tpu.memory_space<vmem>>
      %dma_start3A_110 = arith.constant 0 : i32
      %dma_start3A_111 = arith.constant 0 : i32
      %dma_start3A_112 = tpu.memref_slice %arg5[%dma_start3A_110, %dma_start3A_111] : memref<2592x128xi32, #tpu.memory_space<hbm>> -> memref<2592x128xi32, #tpu.memory_space<hbm>>
      tpu.enqueue_indirect_dma source(%dma_start3A_112 : memref<2592x128xi32, #tpu.memory_space<hbm>>) target(%dma_start3A_107 : memref<81x128xi32, #tpu.memory_space<vmem>>) offsets(%dma_start3A_109 : memref<81xi32, #tpu.memory_space<vmem>>) semaphore(%run_scoped3A : memref<!tpu.dma_semaphore, #tpu.memory_space<semaphore_mem>>)
      %dma_wait3A = arith.constant 0 : i32
      %dma_wait3A_113 = arith.constant 0 : i32
      %dma_wait3A_114 = tpu.memref_slice %arg8[%dma_wait3A, %dma_wait3A_113] : memref<81x128xi32, #tpu.memory_space<vmem>> -> memref<81x128xi32, #tpu.memory_space<vmem>>
      %dma_wait3A_115 = arith.constant 0 : i32
      %dma_wait3A_116 = tpu.memref_slice %arg12[%dma_wait3A_115] : memref<128xi32, #tpu.memory_space<vmem>> -> memref<81xi32, #tpu.memory_space<vmem>>
      %dma_wait3A_117 = arith.constant 0 : i32
      %dma_wait3A_118 = arith.constant 0 : i32
      %dma_wait3A_119 = tpu.memref_slice %arg5[%dma_wait3A_117, %dma_wait3A_118] : memref<2592x128xi32, #tpu.memory_space<hbm>> -> memref<2592x128xi32, #tpu.memory_space<hbm>>
      tpu.wait_indirect_dma semaphore(%run_scoped3A : memref<!tpu.dma_semaphore, #tpu.memory_space<semaphore_mem>>) src(%dma_wait3A_119 : memref<2592x128xi32, #tpu.memory_space<hbm>>) dst(%dma_wait3A_114 : memref<81x128xi32, #tpu.memory_space<vmem>>)
      tpu.yield
    }) : () -> ()
    %scan3A = arith.constant 0 : i32
    %scan3A_101 = arith.constant 0 : i32
    %scan3A_102 = arith.constant 81 : i32
    %scan3A_103 = arith.addi %scan3A_101, %scan3A_102 : i32
    %scan3A_104 = arith.constant 1 : i32
    scf.for %scan3A_106 = %scan3A_101 to %scan3A_103 step %scan3A_104  : i32 {
      "tpu.region"() ({
        %run_scoped3A = tpu.sem_alloc : memref<!tpu.dma_semaphore, #tpu.memory_space<semaphore_mem>>
        %dma_start3A = arith.constant 0 : i32
        %dma_start3A_118 = tpu.memref_slice %arg7[%scan3A_106, %dma_start3A] : memref<81x128xi32, #tpu.memory_space<vmem>> -> memref<1x128xi32, #tpu.memory_space<vmem>>
        %dma_start3A_119 = tpu.memref_squeeze %dma_start3A_118 : memref<1x128xi32, #tpu.memory_space<vmem>> -> memref<128xi32, #tpu.memory_space<vmem>>
        %dma_start3A_120 = arith.constant 0 : i32
        %dma_start3A_121 = arith.constant 0 : i32
        %dma_start3A_122 = tpu.memref_slice %arg2[%dma_start3A_120, %dma_start3A_121] : memref<10240x16xf32, #tpu.memory_space<hbm>> -> memref<10240x16xf32, #tpu.memory_space<hbm>>
        tpu.enqueue_indirect_dma source(%dma_start3A_122 : memref<10240x16xf32, #tpu.memory_space<hbm>>) target(%arg9 : memref<128x16xf32, #tpu.memory_space<vmem>>) offsets(%dma_start3A_119 : memref<128xi32, #tpu.memory_space<vmem>>) semaphore(%run_scoped3A : memref<!tpu.dma_semaphore, #tpu.memory_space<semaphore_mem>>)
        %dma_wait3A = arith.constant 0 : i32
        %dma_wait3A_123 = tpu.memref_slice %arg7[%scan3A_106, %dma_wait3A] : memref<81x128xi32, #tpu.memory_space<vmem>> -> memref<1x128xi32, #tpu.memory_space<vmem>>
        %dma_wait3A_124 = tpu.memref_squeeze %dma_wait3A_123 : memref<1x128xi32, #tpu.memory_space<vmem>> -> memref<128xi32, #tpu.memory_space<vmem>>
        %dma_wait3A_125 = arith.constant 0 : i32
        %dma_wait3A_126 = arith.constant 0 : i32
        %dma_wait3A_127 = tpu.memref_slice %arg2[%dma_wait3A_125, %dma_wait3A_126] : memref<10240x16xf32, #tpu.memory_space<hbm>> -> memref<10240x16xf32, #tpu.memory_space<hbm>>
        tpu.wait_indirect_dma semaphore(%run_scoped3A : memref<!tpu.dma_semaphore, #tpu.memory_space<semaphore_mem>>) src(%dma_wait3A_127 : memref<10240x16xf32, #tpu.memory_space<hbm>>) dst(%arg9 : memref<128x16xf32, #tpu.memory_space<vmem>>)
        tpu.yield
      }) : () -> ()
      "tpu.region"() ({
        %run_scoped3A = tpu.sem_alloc : memref<!tpu.dma_semaphore, #tpu.memory_space<semaphore_mem>>
        %dma_start3A = arith.constant 0 : i32
        %dma_start3A_118 = tpu.memref_slice %arg8[%scan3A_106, %dma_start3A] : memref<81x128xi32, #tpu.memory_space<vmem>> -> memref<1x128xi32, #tpu.memory_space<vmem>>
        %dma_start3A_119 = tpu.memref_squeeze %dma_start3A_118 : memref<1x128xi32, #tpu.memory_space<vmem>> -> memref<128xi32, #tpu.memory_space<vmem>>
        %dma_start3A_120 = arith.constant 0 : i32
        %dma_start3A_121 = arith.constant 0 : i32
        %dma_start3A_122 = tpu.memref_slice %arg3[%dma_start3A_120, %dma_start3A_121] : memref<10240x16xf32, #tpu.memory_space<hbm>> -> memref<10240x16xf32, #tpu.memory_space<hbm>>
        tpu.enqueue_indirect_dma source(%dma_start3A_122 : memref<10240x16xf32, #tpu.memory_space<hbm>>) target(%arg10 : memref<128x16xf32, #tpu.memory_space<vmem>>) offsets(%dma_start3A_119 : memref<128xi32, #tpu.memory_space<vmem>>) semaphore(%run_scoped3A : memref<!tpu.dma_semaphore, #tpu.memory_space<semaphore_mem>>)
        %dma_wait3A = arith.constant 0 : i32
        %dma_wait3A_123 = tpu.memref_slice %arg8[%scan3A_106, %dma_wait3A] : memref<81x128xi32, #tpu.memory_space<vmem>> -> memref<1x128xi32, #tpu.memory_space<vmem>>
        %dma_wait3A_124 = tpu.memref_squeeze %dma_wait3A_123 : memref<1x128xi32, #tpu.memory_space<vmem>> -> memref<128xi32, #tpu.memory_space<vmem>>
        %dma_wait3A_125 = arith.constant 0 : i32
        %dma_wait3A_126 = arith.constant 0 : i32
        %dma_wait3A_127 = tpu.memref_slice %arg3[%dma_wait3A_125, %dma_wait3A_126] : memref<10240x16xf32, #tpu.memory_space<hbm>> -> memref<10240x16xf32, #tpu.memory_space<hbm>>
        tpu.wait_indirect_dma semaphore(%run_scoped3A : memref<!tpu.dma_semaphore, #tpu.memory_space<semaphore_mem>>) src(%dma_wait3A_127 : memref<10240x16xf32, #tpu.memory_space<hbm>>) dst(%arg10 : memref<128x16xf32, #tpu.memory_space<vmem>>)
        tpu.yield
      }) : () -> ()
      %scan3A_107 = arith.constant 0 : i32
      %scan3A_108 = arith.constant 0 : i32
      %scan3A_109 = arith.constant 128 : i32
      %scan3A_110 = arith.addi %scan3A_108, %scan3A_109 : i32
      %scan3A_111 = arith.constant 1 : i32
      scf.for %scan3A_118 = %scan3A_108 to %scan3A_110 step %scan3A_111  : i32 {
        %get3A = arith.index_cast %scan3A_118 : i32 to index
        %get3A_119 = arith.constant 0 : index
        %get3A_120 = tpu.vector_load %arg9[%get3A, %get3A_119] {strides = array<i32>} : memref<128x16xf32, #tpu.memory_space<vmem>>, vector<1x16xf32>,
        %get3A_121 = vector.shape_cast %get3A_120 : vector<1x16xf32> to vector<16xf32>
        %get3A_122 = arith.index_cast %scan3A_118 : i32 to index
        %get3A_123 = arith.constant 0 : index
        %get3A_124 = tpu.vector_load %arg10[%get3A_122, %get3A_123] {strides = array<i32>} : memref<128x16xf32, #tpu.memory_space<vmem>>, vector<1x16xf32>,
        %get3A_125 = vector.shape_cast %get3A_124 : vector<1x16xf32> to vector<16xf32>
        %add3A_126 = arith.addf %get3A_121, %get3A_125 : vector<16xf32>
        %swap3A_127 = arith.index_cast %scan3A_118 : i32 to index
        %swap3A_128 = arith.constant 0 : index
        %swap3A_129 = tpu.vector_load %arg11[%swap3A_127, %swap3A_128] {strides = array<i32>} : memref<128x16xf32, #tpu.memory_space<vmem>>, vector<1x16xf32>,
        %swap3A_130 = vector.shape_cast %swap3A_129 : vector<1x16xf32> to vector<16xf32>
        %swap3A_131 = vector.shape_cast %add3A_126 : vector<16xf32> to vector<1x16xf32>
        tpu.vector_store %arg11[%swap3A_127, %swap3A_128], %swap3A_131 {strides = array<i32>} : memref<128x16xf32, #tpu.memory_space<vmem>>, vector<1x16xf32>,
      }
      %scan3A_112 = arith.constant 128 : i32
      %mul3A_113 = arith.constant 81 : i32
      %mul3A_114 = arith.muli %add3A, %mul3A_113 : i32
      %add3A_115 = arith.addi %mul3A_114, %scan3A_106 : i32
      %mul3A_116 = arith.constant 128 : i32
      %mul3A_117 = arith.muli %add3A_115, %mul3A_116 : i32
      "tpu.region"() ({
        %run_scoped3A = tpu.sem_alloc : memref<!tpu.dma_semaphore, #tpu.memory_space<semaphore_mem>>
        %dma_start3A = arith.constant 0 : i32
        %dma_start3A_118 = tpu.memref_slice %arg6[%mul3A_117, %dma_start3A] : memref<331776x16xf32, #tpu.memory_space<hbm>> -> memref<128x16xf32, #tpu.memory_space<hbm>>
        %dma_start3A_119 = arith.constant 0 : i32
        %dma_start3A_120 = tpu.memref_slice %arg6[%mul3A_117, %dma_start3A_119] : memref<331776x16xf32, #tpu.memory_space<hbm>> -> memref<128x16xf32, #tpu.memory_space<hbm>>
        tpu.enqueue_dma source(%arg11 : memref<128x16xf32, #tpu.memory_space<vmem>>) target(%dma_start3A_120 : memref<128x16xf32, #tpu.memory_space<hbm>>) target_semaphore(%run_scoped3A : memref<!tpu.dma_semaphore, #tpu.memory_space<semaphore_mem>>)
        %dma_wait3A = arith.constant 0 : i32
        %dma_wait3A_121 = tpu.memref_slice %arg6[%mul3A_117, %dma_wait3A] : memref<331776x16xf32, #tpu.memory_space<hbm>> -> memref<128x16xf32, #tpu.memory_space<hbm>>
        %dma_wait3A_122 = arith.constant 0 : i32
        %dma_wait3A_123 = tpu.memref_slice %arg6[%mul3A_117, %dma_wait3A_122] : memref<331776x16xf32, #tpu.memory_space<hbm>> -> memref<128x16xf32, #tpu.memory_space<hbm>>
        tpu.wait_dma2 semaphore(%run_scoped3A : memref<!tpu.dma_semaphore, #tpu.memory_space<semaphore_mem>>) src(%arg11 : memref<128x16xf32, #tpu.memory_space<vmem>>) dst(%dma_wait3A_123 : memref<128x16xf32, #tpu.memory_space<hbm>>)
        tpu.yield
      }) : () -> ()
    }
    %scan3A_105 = arith.constant 81 : i32
    return
  }
}

#map = affine_map<(d0, d1) -> (0, 0)>
#map1 = affine_map<(d0, d1) -> (0, 0, 0)>
module attributes {stable_mosaic.version = 14 : i64} {
  func.func @_scm2_body(%arg0: i32, %arg1: i32, %arg2: memref<10240x48xf32, #tpu.memory_space<hbm>>, %arg3: memref<331776x16xf32, #tpu.memory_space<hbm>>, %arg4: memref<2592x128xi32, #tpu.memory_space<hbm>>, %arg5: memref<2592x128xi32, #tpu.memory_space<hbm>>, %arg6: memref<128x16xf32, #tpu.memory_space<hbm>>, %arg7: memref<128x48xf32, #tpu.memory_space<hbm>>, %arg8: memref<2x10240x48xf32, #tpu.memory_space<hbm>>, %arg9: memref<10240x16xf32, #tpu.memory_space<vmem_shared>>, %arg10: memref<10240x48xf32, #tpu.memory_space<vmem_shared>>, %arg11: memref<162x128xi32, #tpu.memory_space<vmem>>, %arg12: memref<81x128xi32, #tpu.memory_space<vmem>>, %arg13: memref<81x128xi32, #tpu.memory_space<vmem>>, %arg14: memref<128x16xf32, #tpu.memory_space<vmem>>, %arg15: memref<128x16xf32, #tpu.memory_space<vmem>>, %arg16: memref<128x48xf32, #tpu.memory_space<vmem>>, %arg17: memref<128xi32, #tpu.memory_space<vmem>>, %arg18: memref<48xi32, #tpu.memory_space<vmem>>) attributes {dimension_semantics = [#tpu.dimension_semantics<core_parallel>, #tpu.dimension_semantics<subcore_parallel>], iteration_bounds = array<i64: 2, 16>, scalar_prefetch = 0 : i64, scratch_operands = 10 : i64, tpu.core_type = #tpu.core_type<sc_vector_subcore>, window_params = [{transform_indices = #map}, {transform_indices = #map}, {transform_indices = #map}, {transform_indices = #map}, {transform_indices = #map}, {transform_indices = #map}, {transform_indices = #map1}]} {
    %mul3A = arith.constant 16 : i32
    %mul3A_0 = arith.muli %arg0, %mul3A : i32
    %add3A = arith.addi %mul3A_0, %arg1 : i32
    %scan3A = arith.constant 0 : i32
    %scan3A_1 = arith.constant 0 : i32
    %scan3A_2 = arith.constant 5 : i32
    %scan3A_3 = arith.addi %scan3A_1, %scan3A_2 : i32
    %scan3A_4 = arith.constant 1 : i32
    scf.for %scan3A_229 = %scan3A_1 to %scan3A_3 step %scan3A_4  : i32 {
      %mul3A_230 = arith.constant 640 : i32
      %mul3A_231 = arith.muli %arg1, %mul3A_230 : i32
      %mul3A_232 = arith.constant 128 : i32
      %mul3A_233 = arith.muli %scan3A_229, %mul3A_232 : i32
      %add3A_234 = arith.addi %mul3A_231, %mul3A_233 : i32
      "tpu.region"() ({
        %run_scoped3A = tpu.sem_alloc : memref<!tpu.dma_semaphore, #tpu.memory_space<semaphore_mem>>
        %dma_start3A = arith.constant 0 : i32
        %dma_start3A_235 = tpu.memref_slice %arg9[%add3A_234, %dma_start3A] : memref<10240x16xf32, #tpu.memory_space<vmem_shared>> -> memref<128x16xf32, #tpu.memory_space<vmem_shared>>
        tpu.enqueue_dma source(%arg6 : memref<128x16xf32, #tpu.memory_space<hbm>>) target(%dma_start3A_235 : memref<128x16xf32, #tpu.memory_space<vmem_shared>>) target_semaphore(%run_scoped3A : memref<!tpu.dma_semaphore, #tpu.memory_space<semaphore_mem>>)
        %dma_wait3A = arith.constant 0 : i32
        %dma_wait3A_236 = tpu.memref_slice %arg9[%add3A_234, %dma_wait3A] : memref<10240x16xf32, #tpu.memory_space<vmem_shared>> -> memref<128x16xf32, #tpu.memory_space<vmem_shared>>
        tpu.wait_dma2 semaphore(%run_scoped3A : memref<!tpu.dma_semaphore, #tpu.memory_space<semaphore_mem>>) src(%arg6 : memref<128x16xf32, #tpu.memory_space<hbm>>) dst(%dma_wait3A_236 : memref<128x16xf32, #tpu.memory_space<vmem_shared>>)
        tpu.yield
      }) : () -> ()
    }
    %scan3A_5 = arith.constant 5 : i32
    %scan3A_6 = arith.constant 0 : i32
    %scan3A_7 = arith.constant 0 : i32
    %scan3A_8 = arith.constant 5 : i32
    %scan3A_9 = arith.addi %scan3A_7, %scan3A_8 : i32
    %scan3A_10 = arith.constant 1 : i32
    scf.for %scan3A_229 = %scan3A_7 to %scan3A_9 step %scan3A_10  : i32 {
      %mul3A_230 = arith.constant 640 : i32
      %mul3A_231 = arith.muli %arg1, %mul3A_230 : i32
      %mul3A_232 = arith.constant 128 : i32
      %mul3A_233 = arith.muli %scan3A_229, %mul3A_232 : i32
      %add3A_234 = arith.addi %mul3A_231, %mul3A_233 : i32
      "tpu.region"() ({
        %run_scoped3A = tpu.sem_alloc : memref<!tpu.dma_semaphore, #tpu.memory_space<semaphore_mem>>
        %dma_start3A = arith.constant 0 : i32
        %dma_start3A_235 = tpu.memref_slice %arg10[%add3A_234, %dma_start3A] : memref<10240x48xf32, #tpu.memory_space<vmem_shared>> -> memref<128x48xf32, #tpu.memory_space<vmem_shared>>
        tpu.enqueue_dma source(%arg7 : memref<128x48xf32, #tpu.memory_space<hbm>>) target(%dma_start3A_235 : memref<128x48xf32, #tpu.memory_space<vmem_shared>>) target_semaphore(%run_scoped3A : memref<!tpu.dma_semaphore, #tpu.memory_space<semaphore_mem>>)
        %dma_wait3A = arith.constant 0 : i32
        %dma_wait3A_236 = tpu.memref_slice %arg10[%add3A_234, %dma_wait3A] : memref<10240x48xf32, #tpu.memory_space<vmem_shared>> -> memref<128x48xf32, #tpu.memory_space<vmem_shared>>
        tpu.wait_dma2 semaphore(%run_scoped3A : memref<!tpu.dma_semaphore, #tpu.memory_space<semaphore_mem>>) src(%arg7 : memref<128x48xf32, #tpu.memory_space<hbm>>) dst(%dma_wait3A_236 : memref<128x48xf32, #tpu.memory_space<vmem_shared>>)
        tpu.yield
      }) : () -> ()
    }
    %scan3A_11 = arith.constant 5 : i32
    %mul3A_12 = arith.constant 162 : i32
    %mul3A_13 = arith.muli %arg1, %mul3A_12 : i32
    %iota3A = tpu.iota {dimensions = array<i32: 0>} : vector<16xi32>
    %add3A_14 = arith.constant 0 : i32
    %add3A_15 = arith.addi %mul3A_13, %add3A_14 : i32
    %add3A_16 = vector.broadcast %add3A_15 : i32 to vector<16xi32>
    %add3A_17 = arith.addi %iota3A, %add3A_16 : vector<16xi32>
    %swap3A = arith.constant 0 : index
    %swap3A_18 = tpu.vector_load %arg17[%swap3A] {strides = array<i32>} : memref<128xi32, #tpu.memory_space<vmem>>, vector<16xi32>,
    %swap3A_19 = vector.shape_cast %swap3A_18 : vector<16xi32> to vector<16xi32>
    %swap3A_20 = vector.shape_cast %add3A_17 : vector<16xi32> to vector<16xi32>
    tpu.vector_store %arg17[%swap3A], %swap3A_20 {strides = array<i32>} : memref<128xi32, #tpu.memory_space<vmem>>, vector<16xi32>,
    %add3A_21 = arith.constant 16 : i32
    %add3A_22 = arith.addi %mul3A_13, %add3A_21 : i32
    %add3A_23 = vector.broadcast %add3A_22 : i32 to vector<16xi32>
    %add3A_24 = arith.addi %iota3A, %add3A_23 : vector<16xi32>
    %swap3A_25 = arith.constant 16 : index
    %swap3A_26 = tpu.vector_load %arg17[%swap3A_25] {strides = array<i32>} : memref<128xi32, #tpu.memory_space<vmem>>, vector<16xi32>,
    %swap3A_27 = vector.shape_cast %swap3A_26 : vector<16xi32> to vector<16xi32>
    %swap3A_28 = vector.shape_cast %add3A_24 : vector<16xi32> to vector<16xi32>
    tpu.vector_store %arg17[%swap3A_25], %swap3A_28 {strides = array<i32>} : memref<128xi32, #tpu.memory_space<vmem>>, vector<16xi32>,
    %add3A_29 = arith.constant 32 : i32
    %add3A_30 = arith.addi %mul3A_13, %add3A_29 : i32
    %add3A_31 = vector.broadcast %add3A_30 : i32 to vector<16xi32>
    %add3A_32 = arith.addi %iota3A, %add3A_31 : vector<16xi32>
    %swap3A_33 = arith.constant 32 : index
    %swap3A_34 = tpu.vector_load %arg17[%swap3A_33] {strides = array<i32>} : memref<128xi32, #tpu.memory_space<vmem>>, vector<16xi32>,
    %swap3A_35 = vector.shape_cast %swap3A_34 : vector<16xi32> to vector<16xi32>
    %swap3A_36 = vector.shape_cast %add3A_32 : vector<16xi32> to vector<16xi32>
    tpu.vector_store %arg17[%swap3A_33], %swap3A_36 {strides = array<i32>} : memref<128xi32, #tpu.memory_space<vmem>>, vector<16xi32>,
    %add3A_37 = arith.constant 48 : i32
    %add3A_38 = arith.addi %mul3A_13, %add3A_37 : i32
    %add3A_39 = vector.broadcast %add3A_38 : i32 to vector<16xi32>
    %add3A_40 = arith.addi %iota3A, %add3A_39 : vector<16xi32>
    %swap3A_41 = arith.constant 48 : index
    %swap3A_42 = tpu.vector_load %arg17[%swap3A_41] {strides = array<i32>} : memref<128xi32, #tpu.memory_space<vmem>>, vector<16xi32>,
    %swap3A_43 = vector.shape_cast %swap3A_42 : vector<16xi32> to vector<16xi32>
    %swap3A_44 = vector.shape_cast %add3A_40 : vector<16xi32> to vector<16xi32>
    tpu.vector_store %arg17[%swap3A_41], %swap3A_44 {strides = array<i32>} : memref<128xi32, #tpu.memory_space<vmem>>, vector<16xi32>,
    %add3A_45 = arith.constant 64 : i32
    %add3A_46 = arith.addi %mul3A_13, %add3A_45 : i32
    %add3A_47 = vector.broadcast %add3A_46 : i32 to vector<16xi32>
    %add3A_48 = arith.addi %iota3A, %add3A_47 : vector<16xi32>
    %swap3A_49 = arith.constant 64 : index
    %swap3A_50 = tpu.vector_load %arg17[%swap3A_49] {strides = array<i32>} : memref<128xi32, #tpu.memory_space<vmem>>, vector<16xi32>,
    %swap3A_51 = vector.shape_cast %swap3A_50 : vector<16xi32> to vector<16xi32>
    %swap3A_52 = vector.shape_cast %add3A_48 : vector<16xi32> to vector<16xi32>
    tpu.vector_store %arg17[%swap3A_49], %swap3A_52 {strides = array<i32>} : memref<128xi32, #tpu.memory_space<vmem>>, vector<16xi32>,
    %add3A_53 = arith.constant 80 : i32
    %add3A_54 = arith.addi %mul3A_13, %add3A_53 : i32
    %add3A_55 = vector.broadcast %add3A_54 : i32 to vector<16xi32>
    %add3A_56 = arith.addi %iota3A, %add3A_55 : vector<16xi32>
    %swap3A_57 = arith.constant 80 : index
    %swap3A_58 = tpu.vector_load %arg17[%swap3A_57] {strides = array<i32>} : memref<128xi32, #tpu.memory_space<vmem>>, vector<16xi32>,
    %swap3A_59 = vector.shape_cast %swap3A_58 : vector<16xi32> to vector<16xi32>
    %swap3A_60 = vector.shape_cast %add3A_56 : vector<16xi32> to vector<16xi32>
    tpu.vector_store %arg17[%swap3A_57], %swap3A_60 {strides = array<i32>} : memref<128xi32, #tpu.memory_space<vmem>>, vector<16xi32>,
    %add3A_61 = arith.constant 96 : i32
    %add3A_62 = arith.addi %mul3A_13, %add3A_61 : i32
    %add3A_63 = vector.broadcast %add3A_62 : i32 to vector<16xi32>
    %add3A_64 = arith.addi %iota3A, %add3A_63 : vector<16xi32>
    %swap3A_65 = arith.constant 96 : index
    %swap3A_66 = tpu.vector_load %arg17[%swap3A_65] {strides = array<i32>} : memref<128xi32, #tpu.memory_space<vmem>>, vector<16xi32>,
    %swap3A_67 = vector.shape_cast %swap3A_66 : vector<16xi32> to vector<16xi32>
    %swap3A_68 = vector.shape_cast %add3A_64 : vector<16xi32> to vector<16xi32>
    tpu.vector_store %arg17[%swap3A_65], %swap3A_68 {strides = array<i32>} : memref<128xi32, #tpu.memory_space<vmem>>, vector<16xi32>,
    %add3A_69 = arith.constant 112 : i32
    %add3A_70 = arith.addi %mul3A_13, %add3A_69 : i32
    %add3A_71 = vector.broadcast %add3A_70 : i32 to vector<16xi32>
    %add3A_72 = arith.addi %iota3A, %add3A_71 : vector<16xi32>
    %swap3A_73 = arith.constant 112 : index
    %swap3A_74 = tpu.vector_load %arg17[%swap3A_73] {strides = array<i32>} : memref<128xi32, #tpu.memory_space<vmem>>, vector<16xi32>,
    %swap3A_75 = vector.shape_cast %swap3A_74 : vector<16xi32> to vector<16xi32>
    %swap3A_76 = vector.shape_cast %add3A_72 : vector<16xi32> to vector<16xi32>
    tpu.vector_store %arg17[%swap3A_73], %swap3A_76 {strides = array<i32>} : memref<128xi32, #tpu.memory_space<vmem>>, vector<16xi32>,
    "tpu.region"() ({
      %run_scoped3A = tpu.sem_alloc : memref<!tpu.dma_semaphore, #tpu.memory_space<semaphore_mem>>
      %dma_start3A = arith.constant 0 : i32
      %dma_start3A_229 = arith.constant 0 : i32
      %dma_start3A_230 = tpu.memref_slice %arg11[%dma_start3A, %dma_start3A_229] : memref<162x128xi32, #tpu.memory_space<vmem>> -> memref<128x128xi32, #tpu.memory_space<vmem>>
      %dma_start3A_231 = arith.constant 0 : i32
      %dma_start3A_232 = tpu.memref_slice %arg17[%dma_start3A_231] : memref<128xi32, #tpu.memory_space<vmem>> -> memref<128xi32, #tpu.memory_space<vmem>>
      %dma_start3A_233 = arith.constant 0 : i32
      %dma_start3A_234 = arith.constant 0 : i32
      %dma_start3A_235 = tpu.memref_slice %arg5[%dma_start3A_233, %dma_start3A_234] : memref<2592x128xi32, #tpu.memory_space<hbm>> -> memref<2592x128xi32, #tpu.memory_space<hbm>>
      tpu.enqueue_indirect_dma source(%dma_start3A_235 : memref<2592x128xi32, #tpu.memory_space<hbm>>) target(%dma_start3A_230 : memref<128x128xi32, #tpu.memory_space<vmem>>) offsets(%dma_start3A_232 : memref<128xi32, #tpu.memory_space<vmem>>) semaphore(%run_scoped3A : memref<!tpu.dma_semaphore, #tpu.memory_space<semaphore_mem>>)
      %dma_wait3A = arith.constant 0 : i32
      %dma_wait3A_236 = arith.constant 0 : i32
      %dma_wait3A_237 = tpu.memref_slice %arg11[%dma_wait3A, %dma_wait3A_236] : memref<162x128xi32, #tpu.memory_space<vmem>> -> memref<128x128xi32, #tpu.memory_space<vmem>>
      %dma_wait3A_238 = arith.constant 0 : i32
      %dma_wait3A_239 = tpu.memref_slice %arg17[%dma_wait3A_238] : memref<128xi32, #tpu.memory_space<vmem>> -> memref<128xi32, #tpu.memory_space<vmem>>
      %dma_wait3A_240 = arith.constant 0 : i32
      %dma_wait3A_241 = arith.constant 0 : i32
      %dma_wait3A_242 = tpu.memref_slice %arg5[%dma_wait3A_240, %dma_wait3A_241] : memref<2592x128xi32, #tpu.memory_space<hbm>> -> memref<2592x128xi32, #tpu.memory_space<hbm>>
      tpu.wait_indirect_dma semaphore(%run_scoped3A : memref<!tpu.dma_semaphore, #tpu.memory_space<semaphore_mem>>) src(%dma_wait3A_242 : memref<2592x128xi32, #tpu.memory_space<hbm>>) dst(%dma_wait3A_237 : memref<128x128xi32, #tpu.memory_space<vmem>>)
      tpu.yield
    }) : () -> ()
    %add3A_77 = arith.constant 128 : i32
    %add3A_78 = arith.addi %mul3A_13, %add3A_77 : i32
    %add3A_79 = arith.constant 0 : i32
    %add3A_80 = arith.addi %add3A_78, %add3A_79 : i32
    %add3A_81 = vector.broadcast %add3A_80 : i32 to vector<16xi32>
    %add3A_82 = arith.addi %iota3A, %add3A_81 : vector<16xi32>
    %swap3A_83 = arith.constant 0 : index
    %swap3A_84 = tpu.vector_load %arg18[%swap3A_83] {strides = array<i32>} : memref<48xi32, #tpu.memory_space<vmem>>, vector<16xi32>,
    %swap3A_85 = vector.shape_cast %swap3A_84 : vector<16xi32> to vector<16xi32>
    %swap3A_86 = vector.shape_cast %add3A_82 : vector<16xi32> to vector<16xi32>
    tpu.vector_store %arg18[%swap3A_83], %swap3A_86 {strides = array<i32>} : memref<48xi32, #tpu.memory_space<vmem>>, vector<16xi32>,
    %add3A_87 = arith.constant 128 : i32
    %add3A_88 = arith.addi %mul3A_13, %add3A_87 : i32
    %add3A_89 = arith.constant 16 : i32
    %add3A_90 = arith.addi %add3A_88, %add3A_89 : i32
    %add3A_91 = vector.broadcast %add3A_90 : i32 to vector<16xi32>
    %add3A_92 = arith.addi %iota3A, %add3A_91 : vector<16xi32>
    %swap3A_93 = arith.constant 16 : index
    %swap3A_94 = tpu.vector_load %arg18[%swap3A_93] {strides = array<i32>} : memref<48xi32, #tpu.memory_space<vmem>>, vector<16xi32>,
    %swap3A_95 = vector.shape_cast %swap3A_94 : vector<16xi32> to vector<16xi32>
    %swap3A_96 = vector.shape_cast %add3A_92 : vector<16xi32> to vector<16xi32>
    tpu.vector_store %arg18[%swap3A_93], %swap3A_96 {strides = array<i32>} : memref<48xi32, #tpu.memory_space<vmem>>, vector<16xi32>,
    %add3A_97 = arith.constant 128 : i32
    %add3A_98 = arith.addi %mul3A_13, %add3A_97 : i32
    %add3A_99 = arith.constant 32 : i32
    %add3A_100 = arith.addi %add3A_98, %add3A_99 : i32
    %add3A_101 = vector.broadcast %add3A_100 : i32 to vector<16xi32>
    %add3A_102 = arith.addi %iota3A, %add3A_101 : vector<16xi32>
    %swap3A_103 = arith.constant 32 : index
    %swap3A_104 = tpu.vector_load %arg18[%swap3A_103] {strides = array<i32>} : memref<48xi32, #tpu.memory_space<vmem>>, vector<16xi32>,
    %swap3A_105 = vector.shape_cast %swap3A_104 : vector<16xi32> to vector<16xi32>
    %swap3A_106 = vector.shape_cast %add3A_102 : vector<16xi32> to vector<16xi32>
    tpu.vector_store %arg18[%swap3A_103], %swap3A_106 {strides = array<i32>} : memref<48xi32, #tpu.memory_space<vmem>>, vector<16xi32>,
    "tpu.region"() ({
      %run_scoped3A = tpu.sem_alloc : memref<!tpu.dma_semaphore, #tpu.memory_space<semaphore_mem>>
      %dma_start3A = arith.constant 128 : i32
      %dma_start3A_229 = arith.constant 0 : i32
      %dma_start3A_230 = tpu.memref_slice %arg11[%dma_start3A, %dma_start3A_229] : memref<162x128xi32, #tpu.memory_space<vmem>> -> memref<34x128xi32, #tpu.memory_space<vmem>>
      %dma_start3A_231 = arith.constant 0 : i32
      %dma_start3A_232 = tpu.memref_slice %arg18[%dma_start3A_231] : memref<48xi32, #tpu.memory_space<vmem>> -> memref<34xi32, #tpu.memory_space<vmem>>
      %dma_start3A_233 = arith.constant 0 : i32
      %dma_start3A_234 = arith.constant 0 : i32
      %dma_start3A_235 = tpu.memref_slice %arg5[%dma_start3A_233, %dma_start3A_234] : memref<2592x128xi32, #tpu.memory_space<hbm>> -> memref<2592x128xi32, #tpu.memory_space<hbm>>
      tpu.enqueue_indirect_dma source(%dma_start3A_235 : memref<2592x128xi32, #tpu.memory_space<hbm>>) target(%dma_start3A_230 : memref<34x128xi32, #tpu.memory_space<vmem>>) offsets(%dma_start3A_232 : memref<34xi32, #tpu.memory_space<vmem>>) semaphore(%run_scoped3A : memref<!tpu.dma_semaphore, #tpu.memory_space<semaphore_mem>>)
      %dma_wait3A = arith.constant 128 : i32
      %dma_wait3A_236 = arith.constant 0 : i32
      %dma_wait3A_237 = tpu.memref_slice %arg11[%dma_wait3A, %dma_wait3A_236] : memref<162x128xi32, #tpu.memory_space<vmem>> -> memref<34x128xi32, #tpu.memory_space<vmem>>
      %dma_wait3A_238 = arith.constant 0 : i32
      %dma_wait3A_239 = tpu.memref_slice %arg18[%dma_wait3A_238] : memref<48xi32, #tpu.memory_space<vmem>> -> memref<34xi32, #tpu.memory_space<vmem>>
      %dma_wait3A_240 = arith.constant 0 : i32
      %dma_wait3A_241 = arith.constant 0 : i32
      %dma_wait3A_242 = tpu.memref_slice %arg5[%dma_wait3A_240, %dma_wait3A_241] : memref<2592x128xi32, #tpu.memory_space<hbm>> -> memref<2592x128xi32, #tpu.memory_space<hbm>>
      tpu.wait_indirect_dma semaphore(%run_scoped3A : memref<!tpu.dma_semaphore, #tpu.memory_space<semaphore_mem>>) src(%dma_wait3A_242 : memref<2592x128xi32, #tpu.memory_space<hbm>>) dst(%dma_wait3A_237 : memref<34x128xi32, #tpu.memory_space<vmem>>)
      tpu.yield
    }) : () -> ()
    %mul3A_107 = arith.constant 81 : i32
    %mul3A_108 = arith.muli %add3A, %mul3A_107 : i32
    %iota3A_109 = tpu.iota {dimensions = array<i32: 0>} : vector<16xi32>
    %add3A_110 = arith.constant 0 : i32
    %add3A_111 = arith.addi %mul3A_108, %add3A_110 : i32
    %add3A_112 = vector.broadcast %add3A_111 : i32 to vector<16xi32>
    %add3A_113 = arith.addi %iota3A_109, %add3A_112 : vector<16xi32>
    %swap3A_114 = arith.constant 0 : index
    %swap3A_115 = tpu.vector_load %arg17[%swap3A_114] {strides = array<i32>} : memref<128xi32, #tpu.memory_space<vmem>>, vector<16xi32>,
    %swap3A_116 = vector.shape_cast %swap3A_115 : vector<16xi32> to vector<16xi32>
    %swap3A_117 = vector.shape_cast %add3A_113 : vector<16xi32> to vector<16xi32>
    tpu.vector_store %arg17[%swap3A_114], %swap3A_117 {strides = array<i32>} : memref<128xi32, #tpu.memory_space<vmem>>, vector<16xi32>,
    %add3A_118 = arith.constant 16 : i32
    %add3A_119 = arith.addi %mul3A_108, %add3A_118 : i32
    %add3A_120 = vector.broadcast %add3A_119 : i32 to vector<16xi32>
    %add3A_121 = arith.addi %iota3A_109, %add3A_120 : vector<16xi32>
    %swap3A_122 = arith.constant 16 : index
    %swap3A_123 = tpu.vector_load %arg17[%swap3A_122] {strides = array<i32>} : memref<128xi32, #tpu.memory_space<vmem>>, vector<16xi32>,
    %swap3A_124 = vector.shape_cast %swap3A_123 : vector<16xi32> to vector<16xi32>
    %swap3A_125 = vector.shape_cast %add3A_121 : vector<16xi32> to vector<16xi32>
    tpu.vector_store %arg17[%swap3A_122], %swap3A_125 {strides = array<i32>} : memref<128xi32, #tpu.memory_space<vmem>>, vector<16xi32>,
    %add3A_126 = arith.constant 32 : i32
    %add3A_127 = arith.addi %mul3A_108, %add3A_126 : i32
    %add3A_128 = vector.broadcast %add3A_127 : i32 to vector<16xi32>
    %add3A_129 = arith.addi %iota3A_109, %add3A_128 : vector<16xi32>
    %swap3A_130 = arith.constant 32 : index
    %swap3A_131 = tpu.vector_load %arg17[%swap3A_130] {strides = array<i32>} : memref<128xi32, #tpu.memory_space<vmem>>, vector<16xi32>,
    %swap3A_132 = vector.shape_cast %swap3A_131 : vector<16xi32> to vector<16xi32>
    %swap3A_133 = vector.shape_cast %add3A_129 : vector<16xi32> to vector<16xi32>
    tpu.vector_store %arg17[%swap3A_130], %swap3A_133 {strides = array<i32>} : memref<128xi32, #tpu.memory_space<vmem>>, vector<16xi32>,
    %add3A_134 = arith.constant 48 : i32
    %add3A_135 = arith.addi %mul3A_108, %add3A_134 : i32
    %add3A_136 = vector.broadcast %add3A_135 : i32 to vector<16xi32>
    %add3A_137 = arith.addi %iota3A_109, %add3A_136 : vector<16xi32>
    %swap3A_138 = arith.constant 48 : index
    %swap3A_139 = tpu.vector_load %arg17[%swap3A_138] {strides = array<i32>} : memref<128xi32, #tpu.memory_space<vmem>>, vector<16xi32>,
    %swap3A_140 = vector.shape_cast %swap3A_139 : vector<16xi32> to vector<16xi32>
    %swap3A_141 = vector.shape_cast %add3A_137 : vector<16xi32> to vector<16xi32>
    tpu.vector_store %arg17[%swap3A_138], %swap3A_141 {strides = array<i32>} : memref<128xi32, #tpu.memory_space<vmem>>, vector<16xi32>,
    %add3A_142 = arith.constant 64 : i32
    %add3A_143 = arith.addi %mul3A_108, %add3A_142 : i32
    %add3A_144 = vector.broadcast %add3A_143 : i32 to vector<16xi32>
    %add3A_145 = arith.addi %iota3A_109, %add3A_144 : vector<16xi32>
    %swap3A_146 = arith.constant 64 : index
    %swap3A_147 = tpu.vector_load %arg17[%swap3A_146] {strides = array<i32>} : memref<128xi32, #tpu.memory_space<vmem>>, vector<16xi32>,
    %swap3A_148 = vector.shape_cast %swap3A_147 : vector<16xi32> to vector<16xi32>
    %swap3A_149 = vector.shape_cast %add3A_145 : vector<16xi32> to vector<16xi32>
    tpu.vector_store %arg17[%swap3A_146], %swap3A_149 {strides = array<i32>} : memref<128xi32, #tpu.memory_space<vmem>>, vector<16xi32>,
    %add3A_150 = arith.constant 80 : i32
    %add3A_151 = arith.addi %mul3A_108, %add3A_150 : i32
    %add3A_152 = vector.broadcast %add3A_151 : i32 to vector<16xi32>
    %add3A_153 = arith.addi %iota3A_109, %add3A_152 : vector<16xi32>
    %swap3A_154 = arith.constant 80 : index
    %swap3A_155 = tpu.vector_load %arg17[%swap3A_154] {strides = array<i32>} : memref<128xi32, #tpu.memory_space<vmem>>, vector<16xi32>,
    %swap3A_156 = vector.shape_cast %swap3A_155 : vector<16xi32> to vector<16xi32>
    %swap3A_157 = vector.shape_cast %add3A_153 : vector<16xi32> to vector<16xi32>
    tpu.vector_store %arg17[%swap3A_154], %swap3A_157 {strides = array<i32>} : memref<128xi32, #tpu.memory_space<vmem>>, vector<16xi32>,
    "tpu.region"() ({
      %run_scoped3A = tpu.sem_alloc : memref<!tpu.dma_semaphore, #tpu.memory_space<semaphore_mem>>
      %dma_start3A = arith.constant 0 : i32
      %dma_start3A_229 = arith.constant 0 : i32
      %dma_start3A_230 = tpu.memref_slice %arg12[%dma_start3A, %dma_start3A_229] : memref<81x128xi32, #tpu.memory_space<vmem>> -> memref<81x128xi32, #tpu.memory_space<vmem>>
      %dma_start3A_231 = arith.constant 0 : i32
      %dma_start3A_232 = tpu.memref_slice %arg17[%dma_start3A_231] : memref<128xi32, #tpu.memory_space<vmem>> -> memref<81xi32, #tpu.memory_space<vmem>>
      %dma_start3A_233 = arith.constant 0 : i32
      %dma_start3A_234 = arith.constant 0 : i32
      %dma_start3A_235 = tpu.memref_slice %arg4[%dma_start3A_233, %dma_start3A_234] : memref<2592x128xi32, #tpu.memory_space<hbm>> -> memref<2592x128xi32, #tpu.memory_space<hbm>>
      tpu.enqueue_indirect_dma source(%dma_start3A_235 : memref<2592x128xi32, #tpu.memory_space<hbm>>) target(%dma_start3A_230 : memref<81x128xi32, #tpu.memory_space<vmem>>) offsets(%dma_start3A_232 : memref<81xi32, #tpu.memory_space<vmem>>) semaphore(%run_scoped3A : memref<!tpu.dma_semaphore, #tpu.memory_space<semaphore_mem>>)
      %dma_wait3A = arith.constant 0 : i32
      %dma_wait3A_236 = arith.constant 0 : i32
      %dma_wait3A_237 = tpu.memref_slice %arg12[%dma_wait3A, %dma_wait3A_236] : memref<81x128xi32, #tpu.memory_space<vmem>> -> memref<81x128xi32, #tpu.memory_space<vmem>>
      %dma_wait3A_238 = arith.constant 0 : i32
      %dma_wait3A_239 = tpu.memref_slice %arg17[%dma_wait3A_238] : memref<128xi32, #tpu.memory_space<vmem>> -> memref<81xi32, #tpu.memory_space<vmem>>
      %dma_wait3A_240 = arith.constant 0 : i32
      %dma_wait3A_241 = arith.constant 0 : i32
      %dma_wait3A_242 = tpu.memref_slice %arg4[%dma_wait3A_240, %dma_wait3A_241] : memref<2592x128xi32, #tpu.memory_space<hbm>> -> memref<2592x128xi32, #tpu.memory_space<hbm>>
      tpu.wait_indirect_dma semaphore(%run_scoped3A : memref<!tpu.dma_semaphore, #tpu.memory_space<semaphore_mem>>) src(%dma_wait3A_242 : memref<2592x128xi32, #tpu.memory_space<hbm>>) dst(%dma_wait3A_237 : memref<81x128xi32, #tpu.memory_space<vmem>>)
      tpu.yield
    }) : () -> ()
    %mul3A_158 = arith.constant 81 : i32
    %mul3A_159 = arith.muli %add3A, %mul3A_158 : i32
    %iota3A_160 = tpu.iota {dimensions = array<i32: 0>} : vector<16xi32>
    %add3A_161 = arith.constant 0 : i32
    %add3A_162 = arith.addi %mul3A_159, %add3A_161 : i32
    %add3A_163 = vector.broadcast %add3A_162 : i32 to vector<16xi32>
    %add3A_164 = arith.addi %iota3A_160, %add3A_163 : vector<16xi32>
    %swap3A_165 = arith.constant 0 : index
    %swap3A_166 = tpu.vector_load %arg17[%swap3A_165] {strides = array<i32>} : memref<128xi32, #tpu.memory_space<vmem>>, vector<16xi32>,
    %swap3A_167 = vector.shape_cast %swap3A_166 : vector<16xi32> to vector<16xi32>
    %swap3A_168 = vector.shape_cast %add3A_164 : vector<16xi32> to vector<16xi32>
    tpu.vector_store %arg17[%swap3A_165], %swap3A_168 {strides = array<i32>} : memref<128xi32, #tpu.memory_space<vmem>>, vector<16xi32>,
    %add3A_169 = arith.constant 16 : i32
    %add3A_170 = arith.addi %mul3A_159, %add3A_169 : i32
    %add3A_171 = vector.broadcast %add3A_170 : i32 to vector<16xi32>
    %add3A_172 = arith.addi %iota3A_160, %add3A_171 : vector<16xi32>
    %swap3A_173 = arith.constant 16 : index
    %swap3A_174 = tpu.vector_load %arg17[%swap3A_173] {strides = array<i32>} : memref<128xi32, #tpu.memory_space<vmem>>, vector<16xi32>,
    %swap3A_175 = vector.shape_cast %swap3A_174 : vector<16xi32> to vector<16xi32>
    %swap3A_176 = vector.shape_cast %add3A_172 : vector<16xi32> to vector<16xi32>
    tpu.vector_store %arg17[%swap3A_173], %swap3A_176 {strides = array<i32>} : memref<128xi32, #tpu.memory_space<vmem>>, vector<16xi32>,
    %add3A_177 = arith.constant 32 : i32
    %add3A_178 = arith.addi %mul3A_159, %add3A_177 : i32
    %add3A_179 = vector.broadcast %add3A_178 : i32 to vector<16xi32>
    %add3A_180 = arith.addi %iota3A_160, %add3A_179 : vector<16xi32>
    %swap3A_181 = arith.constant 32 : index
    %swap3A_182 = tpu.vector_load %arg17[%swap3A_181] {strides = array<i32>} : memref<128xi32, #tpu.memory_space<vmem>>, vector<16xi32>,
    %swap3A_183 = vector.shape_cast %swap3A_182 : vector<16xi32> to vector<16xi32>
    %swap3A_184 = vector.shape_cast %add3A_180 : vector<16xi32> to vector<16xi32>
    tpu.vector_store %arg17[%swap3A_181], %swap3A_184 {strides = array<i32>} : memref<128xi32, #tpu.memory_space<vmem>>, vector<16xi32>,
    %add3A_185 = arith.constant 48 : i32
    %add3A_186 = arith.addi %mul3A_159, %add3A_185 : i32
    %add3A_187 = vector.broadcast %add3A_186 : i32 to vector<16xi32>
    %add3A_188 = arith.addi %iota3A_160, %add3A_187 : vector<16xi32>
    %swap3A_189 = arith.constant 48 : index
    %swap3A_190 = tpu.vector_load %arg17[%swap3A_189] {strides = array<i32>} : memref<128xi32, #tpu.memory_space<vmem>>, vector<16xi32>,
    %swap3A_191 = vector.shape_cast %swap3A_190 : vector<16xi32> to vector<16xi32>
    %swap3A_192 = vector.shape_cast %add3A_188 : vector<16xi32> to vector<16xi32>
    tpu.vector_store %arg17[%swap3A_189], %swap3A_192 {strides = array<i32>} : memref<128xi32, #tpu.memory_space<vmem>>, vector<16xi32>,
    %add3A_193 = arith.constant 64 : i32
    %add3A_194 = arith.addi %mul3A_159, %add3A_193 : i32
    %add3A_195 = vector.broadcast %add3A_194 : i32 to vector<16xi32>
    %add3A_196 = arith.addi %iota3A_160, %add3A_195 : vector<16xi32>
    %swap3A_197 = arith.constant 64 : index
    %swap3A_198 = tpu.vector_load %arg17[%swap3A_197] {strides = array<i32>} : memref<128xi32, #tpu.memory_space<vmem>>, vector<16xi32>,
    %swap3A_199 = vector.shape_cast %swap3A_198 : vector<16xi32> to vector<16xi32>
    %swap3A_200 = vector.shape_cast %add3A_196 : vector<16xi32> to vector<16xi32>
    tpu.vector_store %arg17[%swap3A_197], %swap3A_200 {strides = array<i32>} : memref<128xi32, #tpu.memory_space<vmem>>, vector<16xi32>,
    %add3A_201 = arith.constant 80 : i32
    %add3A_202 = arith.addi %mul3A_159, %add3A_201 : i32
    %add3A_203 = vector.broadcast %add3A_202 : i32 to vector<16xi32>
    %add3A_204 = arith.addi %iota3A_160, %add3A_203 : vector<16xi32>
    %swap3A_205 = arith.constant 80 : index
    %swap3A_206 = tpu.vector_load %arg17[%swap3A_205] {strides = array<i32>} : memref<128xi32, #tpu.memory_space<vmem>>, vector<16xi32>,
    %swap3A_207 = vector.shape_cast %swap3A_206 : vector<16xi32> to vector<16xi32>
    %swap3A_208 = vector.shape_cast %add3A_204 : vector<16xi32> to vector<16xi32>
    tpu.vector_store %arg17[%swap3A_205], %swap3A_208 {strides = array<i32>} : memref<128xi32, #tpu.memory_space<vmem>>, vector<16xi32>,
    "tpu.region"() ({
      %run_scoped3A = tpu.sem_alloc : memref<!tpu.dma_semaphore, #tpu.memory_space<semaphore_mem>>
      %dma_start3A = arith.constant 0 : i32
      %dma_start3A_229 = arith.constant 0 : i32
      %dma_start3A_230 = tpu.memref_slice %arg13[%dma_start3A, %dma_start3A_229] : memref<81x128xi32, #tpu.memory_space<vmem>> -> memref<81x128xi32, #tpu.memory_space<vmem>>
      %dma_start3A_231 = arith.constant 0 : i32
      %dma_start3A_232 = tpu.memref_slice %arg17[%dma_start3A_231] : memref<128xi32, #tpu.memory_space<vmem>> -> memref<81xi32, #tpu.memory_space<vmem>>
      %dma_start3A_233 = arith.constant 0 : i32
      %dma_start3A_234 = arith.constant 0 : i32
      %dma_start3A_235 = tpu.memref_slice %arg5[%dma_start3A_233, %dma_start3A_234] : memref<2592x128xi32, #tpu.memory_space<hbm>> -> memref<2592x128xi32, #tpu.memory_space<hbm>>
      tpu.enqueue_indirect_dma source(%dma_start3A_235 : memref<2592x128xi32, #tpu.memory_space<hbm>>) target(%dma_start3A_230 : memref<81x128xi32, #tpu.memory_space<vmem>>) offsets(%dma_start3A_232 : memref<81xi32, #tpu.memory_space<vmem>>) semaphore(%run_scoped3A : memref<!tpu.dma_semaphore, #tpu.memory_space<semaphore_mem>>)
      %dma_wait3A = arith.constant 0 : i32
      %dma_wait3A_236 = arith.constant 0 : i32
      %dma_wait3A_237 = tpu.memref_slice %arg13[%dma_wait3A, %dma_wait3A_236] : memref<81x128xi32, #tpu.memory_space<vmem>> -> memref<81x128xi32, #tpu.memory_space<vmem>>
      %dma_wait3A_238 = arith.constant 0 : i32
      %dma_wait3A_239 = tpu.memref_slice %arg17[%dma_wait3A_238] : memref<128xi32, #tpu.memory_space<vmem>> -> memref<81xi32, #tpu.memory_space<vmem>>
      %dma_wait3A_240 = arith.constant 0 : i32
      %dma_wait3A_241 = arith.constant 0 : i32
      %dma_wait3A_242 = tpu.memref_slice %arg5[%dma_wait3A_240, %dma_wait3A_241] : memref<2592x128xi32, #tpu.memory_space<hbm>> -> memref<2592x128xi32, #tpu.memory_space<hbm>>
      tpu.wait_indirect_dma semaphore(%run_scoped3A : memref<!tpu.dma_semaphore, #tpu.memory_space<semaphore_mem>>) src(%dma_wait3A_242 : memref<2592x128xi32, #tpu.memory_space<hbm>>) dst(%dma_wait3A_237 : memref<81x128xi32, #tpu.memory_space<vmem>>)
      tpu.yield
    }) : () -> ()
    %barrier3A = arith.constant 0 : index
    tpu.barrier barrier_id(%barrier3A)
    %scan3A_209 = arith.constant 0 : i32
    %scan3A_210 = arith.constant 0 : i32
    %scan3A_211 = arith.constant 162 : i32
    %scan3A_212 = arith.addi %scan3A_210, %scan3A_211 : i32
    %scan3A_213 = arith.constant 1 : i32
    scf.for %scan3A_229 = %scan3A_210 to %scan3A_212 step %scan3A_213  : i32 {
      %mul3A_230 = arith.constant 162 : i32
      %mul3A_231 = arith.muli %arg1, %mul3A_230 : i32
      %add3A_232 = arith.addi %mul3A_231, %scan3A_229 : i32
      %mul3A_233 = arith.constant 128 : i32
      %mul3A_234 = arith.muli %add3A_232, %mul3A_233 : i32
      "tpu.region"() ({
        %run_scoped3A = tpu.sem_alloc : memref<!tpu.dma_semaphore, #tpu.memory_space<semaphore_mem>>
        %dma_start3A = arith.constant 0 : i32
        %dma_start3A_235 = tpu.memref_slice %arg3[%mul3A_234, %dma_start3A] : memref<331776x16xf32, #tpu.memory_space<hbm>> -> memref<128x16xf32, #tpu.memory_space<hbm>>
        %dma_start3A_236 = arith.constant 0 : i32
        %dma_start3A_237 = tpu.memref_slice %arg3[%mul3A_234, %dma_start3A_236] : memref<331776x16xf32, #tpu.memory_space<hbm>> -> memref<128x16xf32, #tpu.memory_space<hbm>>
        tpu.enqueue_dma source(%dma_start3A_237 : memref<128x16xf32, #tpu.memory_space<hbm>>) target(%arg14 : memref<128x16xf32, #tpu.memory_space<vmem>>) target_semaphore(%run_scoped3A : memref<!tpu.dma_semaphore, #tpu.memory_space<semaphore_mem>>)
        %dma_wait3A = arith.constant 0 : i32
        %dma_wait3A_238 = tpu.memref_slice %arg3[%mul3A_234, %dma_wait3A] : memref<331776x16xf32, #tpu.memory_space<hbm>> -> memref<128x16xf32, #tpu.memory_space<hbm>>
        %dma_wait3A_239 = arith.constant 0 : i32
        %dma_wait3A_240 = tpu.memref_slice %arg3[%mul3A_234, %dma_wait3A_239] : memref<331776x16xf32, #tpu.memory_space<hbm>> -> memref<128x16xf32, #tpu.memory_space<hbm>>
        tpu.wait_dma2 semaphore(%run_scoped3A : memref<!tpu.dma_semaphore, #tpu.memory_space<semaphore_mem>>) src(%dma_wait3A_240 : memref<128x16xf32, #tpu.memory_space<hbm>>) dst(%arg14 : memref<128x16xf32, #tpu.memory_space<vmem>>)
        tpu.yield
      }) : () -> ()
      "tpu.region"() ({
        %run_scoped3A = tpu.sem_alloc : memref<!tpu.dma_semaphore, #tpu.memory_space<semaphore_mem>>
        %dma_start3A = arith.constant 0 : i32
        %dma_start3A_235 = tpu.memref_slice %arg11[%scan3A_229, %dma_start3A] : memref<162x128xi32, #tpu.memory_space<vmem>> -> memref<1x128xi32, #tpu.memory_space<vmem>>
        %dma_start3A_236 = tpu.memref_squeeze %dma_start3A_235 : memref<1x128xi32, #tpu.memory_space<vmem>> -> memref<128xi32, #tpu.memory_space<vmem>>
        %dma_start3A_237 = arith.constant 0 : i32
        %dma_start3A_238 = arith.constant 0 : i32
        %dma_start3A_239 = tpu.memref_slice %arg9[%dma_start3A_237, %dma_start3A_238] : memref<10240x16xf32, #tpu.memory_space<vmem_shared>> -> memref<10240x16xf32, #tpu.memory_space<vmem_shared>>
        tpu.enqueue_indirect_dma source(%arg14 : memref<128x16xf32, #tpu.memory_space<vmem>>) target(%dma_start3A_239 : memref<10240x16xf32, #tpu.memory_space<vmem_shared>>) offsets(%dma_start3A_236 : memref<128xi32, #tpu.memory_space<vmem>>) semaphore(%run_scoped3A : memref<!tpu.dma_semaphore, #tpu.memory_space<semaphore_mem>>) {add = true}
        %dma_wait3A = arith.constant 0 : i32
        %dma_wait3A_240 = tpu.memref_slice %arg11[%scan3A_229, %dma_wait3A] : memref<162x128xi32, #tpu.memory_space<vmem>> -> memref<1x128xi32, #tpu.memory_space<vmem>>
        %dma_wait3A_241 = tpu.memref_squeeze %dma_wait3A_240 : memref<1x128xi32, #tpu.memory_space<vmem>> -> memref<128xi32, #tpu.memory_space<vmem>>
        %dma_wait3A_242 = arith.constant 0 : i32
        %dma_wait3A_243 = arith.constant 0 : i32
        %dma_wait3A_244 = tpu.memref_slice %arg9[%dma_wait3A_242, %dma_wait3A_243] : memref<10240x16xf32, #tpu.memory_space<vmem_shared>> -> memref<10240x16xf32, #tpu.memory_space<vmem_shared>>
        tpu.wait_indirect_dma semaphore(%run_scoped3A : memref<!tpu.dma_semaphore, #tpu.memory_space<semaphore_mem>>) src(%arg14 : memref<128x16xf32, #tpu.memory_space<vmem>>) dst(%dma_wait3A_244 : memref<10240x16xf32, #tpu.memory_space<vmem_shared>>)
        tpu.yield
      }) : () -> ()
    }
    %scan3A_214 = arith.constant 162 : i32
    %barrier3A_215 = arith.constant 0 : index
    tpu.barrier barrier_id(%barrier3A_215)
    %scan3A_216 = arith.constant 0 : i32
    %scan3A_217 = arith.constant 0 : i32
    %scan3A_218 = arith.constant 81 : i32
    %scan3A_219 = arith.addi %scan3A_217, %scan3A_218 : i32
    %scan3A_220 = arith.constant 1 : i32
    scf.for %scan3A_229 = %scan3A_217 to %scan3A_219 step %scan3A_220  : i32 {
      "tpu.region"() ({
        %run_scoped3A = tpu.sem_alloc : memref<!tpu.dma_semaphore, #tpu.memory_space<semaphore_mem>>
        %dma_start3A = arith.constant 0 : i32
        %dma_start3A_241 = tpu.memref_slice %arg12[%scan3A_229, %dma_start3A] : memref<81x128xi32, #tpu.memory_space<vmem>> -> memref<1x128xi32, #tpu.memory_space<vmem>>
        %dma_start3A_242 = tpu.memref_squeeze %dma_start3A_241 : memref<1x128xi32, #tpu.memory_space<vmem>> -> memref<128xi32, #tpu.memory_space<vmem>>
        %dma_start3A_243 = arith.constant 0 : i32
        %dma_start3A_244 = arith.constant 0 : i32
        %dma_start3A_245 = tpu.memref_slice %arg2[%dma_start3A_243, %dma_start3A_244] : memref<10240x48xf32, #tpu.memory_space<hbm>> -> memref<10240x48xf32, #tpu.memory_space<hbm>>
        tpu.enqueue_indirect_dma source(%dma_start3A_245 : memref<10240x48xf32, #tpu.memory_space<hbm>>) target(%arg16 : memref<128x48xf32, #tpu.memory_space<vmem>>) offsets(%dma_start3A_242 : memref<128xi32, #tpu.memory_space<vmem>>) semaphore(%run_scoped3A : memref<!tpu.dma_semaphore, #tpu.memory_space<semaphore_mem>>)
        %dma_wait3A = arith.constant 0 : i32
        %dma_wait3A_246 = tpu.memref_slice %arg12[%scan3A_229, %dma_wait3A] : memref<81x128xi32, #tpu.memory_space<vmem>> -> memref<1x128xi32, #tpu.memory_space<vmem>>
        %dma_wait3A_247 = tpu.memref_squeeze %dma_wait3A_246 : memref<1x128xi32, #tpu.memory_space<vmem>> -> memref<128xi32, #tpu.memory_space<vmem>>
        %dma_wait3A_248 = arith.constant 0 : i32
        %dma_wait3A_249 = arith.constant 0 : i32
        %dma_wait3A_250 = tpu.memref_slice %arg2[%dma_wait3A_248, %dma_wait3A_249] : memref<10240x48xf32, #tpu.memory_space<hbm>> -> memref<10240x48xf32, #tpu.memory_space<hbm>>
        tpu.wait_indirect_dma semaphore(%run_scoped3A : memref<!tpu.dma_semaphore, #tpu.memory_space<semaphore_mem>>) src(%dma_wait3A_250 : memref<10240x48xf32, #tpu.memory_space<hbm>>) dst(%arg16 : memref<128x48xf32, #tpu.memory_space<vmem>>)
        tpu.yield
      }) : () -> ()
      %mul3A_230 = arith.constant 81 : i32
      %mul3A_231 = arith.muli %add3A, %mul3A_230 : i32
      %add3A_232 = arith.addi %mul3A_231, %scan3A_229 : i32
      %mul3A_233 = arith.constant 128 : i32
      %mul3A_234 = arith.muli %add3A_232, %mul3A_233 : i32
      "tpu.region"() ({
        %run_scoped3A = tpu.sem_alloc : memref<!tpu.dma_semaphore, #tpu.memory_space<semaphore_mem>>
        %dma_start3A = arith.constant 0 : i32
        %dma_start3A_241 = tpu.memref_slice %arg3[%mul3A_234, %dma_start3A] : memref<331776x16xf32, #tpu.memory_space<hbm>> -> memref<128x16xf32, #tpu.memory_space<hbm>>
        %dma_start3A_242 = arith.constant 0 : i32
        %dma_start3A_243 = tpu.memref_slice %arg3[%mul3A_234, %dma_start3A_242] : memref<331776x16xf32, #tpu.memory_space<hbm>> -> memref<128x16xf32, #tpu.memory_space<hbm>>
        tpu.enqueue_dma source(%dma_start3A_243 : memref<128x16xf32, #tpu.memory_space<hbm>>) target(%arg14 : memref<128x16xf32, #tpu.memory_space<vmem>>) target_semaphore(%run_scoped3A : memref<!tpu.dma_semaphore, #tpu.memory_space<semaphore_mem>>)
        %dma_wait3A = arith.constant 0 : i32
        %dma_wait3A_244 = tpu.memref_slice %arg3[%mul3A_234, %dma_wait3A] : memref<331776x16xf32, #tpu.memory_space<hbm>> -> memref<128x16xf32, #tpu.memory_space<hbm>>
        %dma_wait3A_245 = arith.constant 0 : i32
        %dma_wait3A_246 = tpu.memref_slice %arg3[%mul3A_234, %dma_wait3A_245] : memref<331776x16xf32, #tpu.memory_space<hbm>> -> memref<128x16xf32, #tpu.memory_space<hbm>>
        tpu.wait_dma2 semaphore(%run_scoped3A : memref<!tpu.dma_semaphore, #tpu.memory_space<semaphore_mem>>) src(%dma_wait3A_246 : memref<128x16xf32, #tpu.memory_space<hbm>>) dst(%arg14 : memref<128x16xf32, #tpu.memory_space<vmem>>)
        tpu.yield
      }) : () -> ()
      "tpu.region"() ({
        %run_scoped3A = tpu.sem_alloc : memref<!tpu.dma_semaphore, #tpu.memory_space<semaphore_mem>>
        %dma_start3A = arith.constant 0 : i32
        %dma_start3A_241 = tpu.memref_slice %arg13[%scan3A_229, %dma_start3A] : memref<81x128xi32, #tpu.memory_space<vmem>> -> memref<1x128xi32, #tpu.memory_space<vmem>>
        %dma_start3A_242 = tpu.memref_squeeze %dma_start3A_241 : memref<1x128xi32, #tpu.memory_space<vmem>> -> memref<128xi32, #tpu.memory_space<vmem>>
        %dma_start3A_243 = arith.constant 0 : i32
        %dma_start3A_244 = arith.constant 0 : i32
        %dma_start3A_245 = tpu.memref_slice %arg9[%dma_start3A_243, %dma_start3A_244] : memref<10240x16xf32, #tpu.memory_space<vmem_shared>> -> memref<10240x16xf32, #tpu.memory_space<vmem_shared>>
        tpu.enqueue_indirect_dma source(%dma_start3A_245 : memref<10240x16xf32, #tpu.memory_space<vmem_shared>>) target(%arg15 : memref<128x16xf32, #tpu.memory_space<vmem>>) offsets(%dma_start3A_242 : memref<128xi32, #tpu.memory_space<vmem>>) semaphore(%run_scoped3A : memref<!tpu.dma_semaphore, #tpu.memory_space<semaphore_mem>>)
        %dma_wait3A = arith.constant 0 : i32
        %dma_wait3A_246 = tpu.memref_slice %arg13[%scan3A_229, %dma_wait3A] : memref<81x128xi32, #tpu.memory_space<vmem>> -> memref<1x128xi32, #tpu.memory_space<vmem>>
        %dma_wait3A_247 = tpu.memref_squeeze %dma_wait3A_246 : memref<1x128xi32, #tpu.memory_space<vmem>> -> memref<128xi32, #tpu.memory_space<vmem>>
        %dma_wait3A_248 = arith.constant 0 : i32
        %dma_wait3A_249 = arith.constant 0 : i32
        %dma_wait3A_250 = tpu.memref_slice %arg9[%dma_wait3A_248, %dma_wait3A_249] : memref<10240x16xf32, #tpu.memory_space<vmem_shared>> -> memref<10240x16xf32, #tpu.memory_space<vmem_shared>>
        tpu.wait_indirect_dma semaphore(%run_scoped3A : memref<!tpu.dma_semaphore, #tpu.memory_space<semaphore_mem>>) src(%dma_wait3A_250 : memref<10240x16xf32, #tpu.memory_space<vmem_shared>>) dst(%arg15 : memref<128x16xf32, #tpu.memory_space<vmem>>)
        tpu.yield
      }) : () -> ()
      %scan3A_235 = arith.constant 0 : i32
      %scan3A_236 = arith.constant 0 : i32
      %scan3A_237 = arith.constant 128 : i32
      %scan3A_238 = arith.addi %scan3A_236, %scan3A_237 : i32
      %scan3A_239 = arith.constant 1 : i32
      scf.for %scan3A_241 = %scan3A_236 to %scan3A_238 step %scan3A_239  : i32 {
        %get3A = arith.index_cast %scan3A_241 : i32 to index
        %get3A_242 = arith.constant 0 : index
        %get3A_243 = tpu.vector_load %arg14[%get3A, %get3A_242] {strides = array<i32>} : memref<128x16xf32, #tpu.memory_space<vmem>>, vector<1x16xf32>,
        %get3A_244 = vector.shape_cast %get3A_243 : vector<1x16xf32> to vector<16xf32>
        %get3A_245 = arith.index_cast %scan3A_241 : i32 to index
        %get3A_246 = arith.constant 0 : index
        %get3A_247 = tpu.vector_load %arg15[%get3A_245, %get3A_246] {strides = array<i32>} : memref<128x16xf32, #tpu.memory_space<vmem>>, vector<1x16xf32>,
        %get3A_248 = vector.shape_cast %get3A_247 : vector<1x16xf32> to vector<16xf32>
        %add3A_249 = arith.constant 1.000000e-16 : f32
        %add3A_250 = vector.broadcast %add3A_249 : f32 to vector<16xf32>
        %add3A_251 = arith.addf %get3A_248, %add3A_250 : vector<16xf32>
        %div3A = arith.constant 1.000000e+00 : f32
        %div3A_252 = vector.broadcast %div3A : f32 to vector<16xf32>
        %div3A_253 = arith.divf %div3A_252, %add3A_251 : vector<16xf32>
        %mul3A_254 = arith.mulf %add3A_251, %div3A_253 : vector<16xf32>
        %sub3A = arith.constant 2.000000e+00 : f32
        %sub3A_255 = vector.broadcast %sub3A : f32 to vector<16xf32>
        %sub3A_256 = arith.subf %sub3A_255, %mul3A_254 : vector<16xf32>
        %mul3A_257 = arith.mulf %div3A_253, %sub3A_256 : vector<16xf32>
        %mul3A_258 = arith.mulf %get3A_244, %mul3A_257 : vector<16xf32>
        %broadcast_in_dim3A = arith.constant 0 : i32
        %broadcast_in_dim3A_259 = vector.broadcast %broadcast_in_dim3A : i32 to vector<16x1xi32>
        %gather3A = vector.shape_cast %broadcast_in_dim3A_259 : vector<16x1xi32> to vector<16xi32>
        %gather3A_260 = tpu.dynamic_gather %mul3A_258[%gather3A] in [0] : vector<16xf32>, vector<16xi32> -> vector<16xf32>
        %get3A_261 = arith.index_cast %scan3A_241 : i32 to index
        %get3A_262 = arith.constant 0 : index
        %get3A_263 = tpu.vector_load %arg16[%get3A_261, %get3A_262] {strides = array<i32>} : memref<128x48xf32, #tpu.memory_space<vmem>>, vector<1x16xf32>,
        %get3A_264 = vector.shape_cast %get3A_263 : vector<1x16xf32> to vector<16xf32>
        %mul3A_265 = arith.mulf %get3A_264, %gather3A_260 : vector<16xf32>
        %swap3A_266 = arith.index_cast %scan3A_241 : i32 to index
        %swap3A_267 = arith.constant 0 : index
        %swap3A_268 = tpu.vector_load %arg16[%swap3A_266, %swap3A_267] {strides = array<i32>} : memref<128x48xf32, #tpu.memory_space<vmem>>, vector<1x16xf32>,
        %swap3A_269 = vector.shape_cast %swap3A_268 : vector<1x16xf32> to vector<16xf32>
        %swap3A_270 = vector.shape_cast %mul3A_265 : vector<16xf32> to vector<1x16xf32>
        tpu.vector_store %arg16[%swap3A_266, %swap3A_267], %swap3A_270 {strides = array<i32>} : memref<128x48xf32, #tpu.memory_space<vmem>>, vector<1x16xf32>,
        %get3A_271 = arith.index_cast %scan3A_241 : i32 to index
        %get3A_272 = arith.constant 16 : index
        %get3A_273 = tpu.vector_load %arg16[%get3A_271, %get3A_272] {strides = array<i32>} : memref<128x48xf32, #tpu.memory_space<vmem>>, vector<1x16xf32>,
        %get3A_274 = vector.shape_cast %get3A_273 : vector<1x16xf32> to vector<16xf32>
        %mul3A_275 = arith.mulf %get3A_274, %gather3A_260 : vector<16xf32>
        %swap3A_276 = arith.index_cast %scan3A_241 : i32 to index
        %swap3A_277 = arith.constant 16 : index
        %swap3A_278 = tpu.vector_load %arg16[%swap3A_276, %swap3A_277] {strides = array<i32>} : memref<128x48xf32, #tpu.memory_space<vmem>>, vector<1x16xf32>,
        %swap3A_279 = vector.shape_cast %swap3A_278 : vector<1x16xf32> to vector<16xf32>
        %swap3A_280 = vector.shape_cast %mul3A_275 : vector<16xf32> to vector<1x16xf32>
        tpu.vector_store %arg16[%swap3A_276, %swap3A_277], %swap3A_280 {strides = array<i32>} : memref<128x48xf32, #tpu.memory_space<vmem>>, vector<1x16xf32>,
        %get3A_281 = arith.index_cast %scan3A_241 : i32 to index
        %get3A_282 = arith.constant 32 : index
        %get3A_283 = tpu.vector_load %arg16[%get3A_281, %get3A_282] {strides = array<i32>} : memref<128x48xf32, #tpu.memory_space<vmem>>, vector<1x16xf32>,
        %get3A_284 = vector.shape_cast %get3A_283 : vector<1x16xf32> to vector<16xf32>
        %mul3A_285 = arith.mulf %get3A_284, %gather3A_260 : vector<16xf32>
        %swap3A_286 = arith.index_cast %scan3A_241 : i32 to index
        %swap3A_287 = arith.constant 32 : index
        %swap3A_288 = tpu.vector_load %arg16[%swap3A_286, %swap3A_287] {strides = array<i32>} : memref<128x48xf32, #tpu.memory_space<vmem>>, vector<1x16xf32>,
        %swap3A_289 = vector.shape_cast %swap3A_288 : vector<1x16xf32> to vector<16xf32>
        %swap3A_290 = vector.shape_cast %mul3A_285 : vector<16xf32> to vector<1x16xf32>
        tpu.vector_store %arg16[%swap3A_286, %swap3A_287], %swap3A_290 {strides = array<i32>} : memref<128x48xf32, #tpu.memory_space<vmem>>, vector<1x16xf32>,
      }
      %scan3A_240 = arith.constant 128 : i32
      "tpu.region"() ({
        %run_scoped3A = tpu.sem_alloc : memref<!tpu.dma_semaphore, #tpu.memory_space<semaphore_mem>>
        %dma_start3A = arith.constant 0 : i32
        %dma_start3A_241 = tpu.memref_slice %arg13[%scan3A_229, %dma_start3A] : memref<81x128xi32, #tpu.memory_space<vmem>> -> memref<1x128xi32, #tpu.memory_space<vmem>>
        %dma_start3A_242 = tpu.memref_squeeze %dma_start3A_241 : memref<1x128xi32, #tpu.memory_space<vmem>> -> memref<128xi32, #tpu.memory_space<vmem>>
        %dma_start3A_243 = arith.constant 0 : i32
        %dma_start3A_244 = arith.constant 0 : i32
        %dma_start3A_245 = tpu.memref_slice %arg10[%dma_start3A_243, %dma_start3A_244] : memref<10240x48xf32, #tpu.memory_space<vmem_shared>> -> memref<10240x48xf32, #tpu.memory_space<vmem_shared>>
        tpu.enqueue_indirect_dma source(%arg16 : memref<128x48xf32, #tpu.memory_space<vmem>>) target(%dma_start3A_245 : memref<10240x48xf32, #tpu.memory_space<vmem_shared>>) offsets(%dma_start3A_242 : memref<128xi32, #tpu.memory_space<vmem>>) semaphore(%run_scoped3A : memref<!tpu.dma_semaphore, #tpu.memory_space<semaphore_mem>>) {add = true}
        %dma_wait3A = arith.constant 0 : i32
        %dma_wait3A_246 = tpu.memref_slice %arg13[%scan3A_229, %dma_wait3A] : memref<81x128xi32, #tpu.memory_space<vmem>> -> memref<1x128xi32, #tpu.memory_space<vmem>>
        %dma_wait3A_247 = tpu.memref_squeeze %dma_wait3A_246 : memref<1x128xi32, #tpu.memory_space<vmem>> -> memref<128xi32, #tpu.memory_space<vmem>>
        %dma_wait3A_248 = arith.constant 0 : i32
        %dma_wait3A_249 = arith.constant 0 : i32
        %dma_wait3A_250 = tpu.memref_slice %arg10[%dma_wait3A_248, %dma_wait3A_249] : memref<10240x48xf32, #tpu.memory_space<vmem_shared>> -> memref<10240x48xf32, #tpu.memory_space<vmem_shared>>
        tpu.wait_indirect_dma semaphore(%run_scoped3A : memref<!tpu.dma_semaphore, #tpu.memory_space<semaphore_mem>>) src(%arg16 : memref<128x48xf32, #tpu.memory_space<vmem>>) dst(%dma_wait3A_250 : memref<10240x48xf32, #tpu.memory_space<vmem_shared>>)
        tpu.yield
      }) : () -> ()
    }
    %scan3A_221 = arith.constant 81 : i32
    %barrier3A_222 = arith.constant 0 : index
    tpu.barrier barrier_id(%barrier3A_222)
    %scan3A_223 = arith.constant 0 : i32
    %scan3A_224 = arith.constant 0 : i32
    %scan3A_225 = arith.constant 5 : i32
    %scan3A_226 = arith.addi %scan3A_224, %scan3A_225 : i32
    %scan3A_227 = arith.constant 1 : i32
    scf.for %scan3A_229 = %scan3A_224 to %scan3A_226 step %scan3A_227  : i32 {
      %mul3A_230 = arith.constant 640 : i32
      %mul3A_231 = arith.muli %arg1, %mul3A_230 : i32
      %mul3A_232 = arith.constant 128 : i32
      %mul3A_233 = arith.muli %scan3A_229, %mul3A_232 : i32
      %add3A_234 = arith.addi %mul3A_231, %mul3A_233 : i32
      "tpu.region"() ({
        %run_scoped3A = tpu.sem_alloc : memref<!tpu.dma_semaphore, #tpu.memory_space<semaphore_mem>>
        %dma_start3A = arith.constant 0 : i32
        %dma_start3A_235 = tpu.memref_slice %arg8[%arg0, %add3A_234, %dma_start3A] : memref<2x10240x48xf32, #tpu.memory_space<hbm>> -> memref<1x128x48xf32, #tpu.memory_space<hbm>>
        %dma_start3A_236 = tpu.memref_squeeze %dma_start3A_235 : memref<1x128x48xf32, #tpu.memory_space<hbm>> -> memref<128x48xf32, #tpu.memory_space<hbm>>
        %dma_start3A_237 = arith.constant 0 : i32
        %dma_start3A_238 = tpu.memref_slice %arg10[%add3A_234, %dma_start3A_237] : memref<10240x48xf32, #tpu.memory_space<vmem_shared>> -> memref<128x48xf32, #tpu.memory_space<vmem_shared>>
        tpu.enqueue_dma source(%dma_start3A_238 : memref<128x48xf32, #tpu.memory_space<vmem_shared>>) target(%dma_start3A_236 : memref<128x48xf32, #tpu.memory_space<hbm>>) target_semaphore(%run_scoped3A : memref<!tpu.dma_semaphore, #tpu.memory_space<semaphore_mem>>)
        %dma_wait3A = arith.constant 0 : i32
        %dma_wait3A_239 = tpu.memref_slice %arg8[%arg0, %add3A_234, %dma_wait3A] : memref<2x10240x48xf32, #tpu.memory_space<hbm>> -> memref<1x128x48xf32, #tpu.memory_space<hbm>>
        %dma_wait3A_240 = tpu.memref_squeeze %dma_wait3A_239 : memref<1x128x48xf32, #tpu.memory_space<hbm>> -> memref<128x48xf32, #tpu.memory_space<hbm>>
        %dma_wait3A_241 = arith.constant 0 : i32
        %dma_wait3A_242 = tpu.memref_slice %arg10[%add3A_234, %dma_wait3A_241] : memref<10240x48xf32, #tpu.memory_space<vmem_shared>> -> memref<128x48xf32, #tpu.memory_space<vmem_shared>>
        tpu.wait_dma2 semaphore(%run_scoped3A : memref<!tpu.dma_semaphore, #tpu.memory_space<semaphore_mem>>) src(%dma_wait3A_242 : memref<128x48xf32, #tpu.memory_space<vmem_shared>>) dst(%dma_wait3A_240 : memref<128x48xf32, #tpu.memory_space<hbm>>)
        tpu.yield
      }) : () -> ()
    }
    %scan3A_228 = arith.constant 5 : i32
    return
  }
}

module attributes {stable_mosaic.version = 14 : i64} {
  func.func @_tc1_body(%arg0: i32, %arg1: memref<1024x128xf32, #tpu.memory_space<vmem>>, %arg2: memref<128x512xf32, #tpu.memory_space<vmem>>, %arg3: memref<512x16xf32, #tpu.memory_space<vmem>>, %arg4: memref<512x16xf32, #tpu.memory_space<vmem>>, %arg5: memref<8x1024x64xf32, #tpu.memory_space<vmem>>, %arg6: memref<1024x16xf32, #tpu.memory_space<vmem>>, %arg7: memref<1024x16xf32, #tpu.memory_space<vmem>>) attributes {dimension_semantics = [#tpu.dimension_semantics<arbitrary>], iteration_bounds = array<i64: 10>, scalar_prefetch = 0 : i64, scratch_operands = 0 : i64, tpu.core_type = #tpu.core_type<tc>, window_params = [{transform_indices = @transform_0, window_bounds = array<i64: 1024, 128>}, {pipeline_mode = #tpu.pipeline_mode<synchronous>, transform_indices = @transform_1, window_bounds = array<i64: 128, 512>}, {pipeline_mode = #tpu.pipeline_mode<synchronous>, transform_indices = @transform_2, window_bounds = array<i64: 512, 16>}, {pipeline_mode = #tpu.pipeline_mode<synchronous>, transform_indices = @transform_3, window_bounds = array<i64: 512, 16>}, {transform_indices = @transform_4, window_bounds = array<i64: 8, 1024, 64>}, {transform_indices = @transform_5, window_bounds = array<i64: 1024, 16>}, {transform_indices = @transform_6, window_bounds = array<i64: 1024, 16>}]} {
    %get3A = arith.constant 0 : index
    %get3A_0 = arith.constant 0 : index
    %get3A_1 = vector.load %arg1[%get3A, %get3A_0] : memref<1024x128xf32, #tpu.memory_space<vmem>>, vector<1024x128xf32>
    %get3A_2 = arith.constant 0 : index
    %get3A_3 = arith.constant 0 : index
    %get3A_4 = vector.load %arg2[%get3A_2, %get3A_3] : memref<128x512xf32, #tpu.memory_space<vmem>>, vector<128x512xf32>
    %convert_element_type3A = arith.truncf %get3A_1 : vector<1024x128xf32> to vector<1024x128xbf16>
    %convert_element_type3A_5 = arith.truncf %get3A_4 : vector<128x512xf32> to vector<128x512xbf16>
    %dot_general3A = arith.constant dense<0.000000e+00> : vector<1024x512xf32>
    %dot_general3A_6 = tpu.matmul %convert_element_type3A, %convert_element_type3A_5, %dot_general3A {dimension_numbers = #tpu.dot_dimension_numbers<[1], [0], [0], [1], [0, 0, 1, 1], [], []>, transpose_lhs_hint = false} : vector<1024x128xbf16>, vector<128x512xbf16>, vector<1024x512xf32> -> vector<1024x512xf32>
    %get3A_7 = arith.constant 0 : index
    %get3A_8 = arith.constant 0 : index
    %get3A_9 = vector.load %arg3[%get3A_7, %get3A_8] : memref<512x16xf32, #tpu.memory_space<vmem>>, vector<512x16xf32>
    %convert_element_type3A_10 = arith.truncf %dot_general3A_6 : vector<1024x512xf32> to vector<1024x512xbf16>
    %convert_element_type3A_11 = arith.truncf %get3A_9 : vector<512x16xf32> to vector<512x16xbf16>
    %dot_general3A_12 = arith.constant dense<0.000000e+00> : vector<1024x16xf32>
    %dot_general3A_13 = tpu.matmul %convert_element_type3A_10, %convert_element_type3A_11, %dot_general3A_12 {dimension_numbers = #tpu.dot_dimension_numbers<[1], [0], [0], [1], [0, 0, 1, 1], [], []>, transpose_lhs_hint = false} : vector<1024x512xbf16>, vector<512x16xbf16>, vector<1024x16xf32> -> vector<1024x16xf32>
    %swap3A = arith.constant 0 : index
    %swap3A_14 = arith.constant 0 : index
    %swap3A_15 = vector.load %arg6[%swap3A, %swap3A_14] : memref<1024x16xf32, #tpu.memory_space<vmem>>, vector<1024x16xf32>
    tpu.vector_store %arg6[%swap3A, %swap3A_14], %dot_general3A_13 {strides = array<i32>} : memref<1024x16xf32, #tpu.memory_space<vmem>>, vector<1024x16xf32>,
    %get3A_16 = arith.constant 0 : index
    %get3A_17 = arith.constant 0 : index
    %get3A_18 = vector.load %arg4[%get3A_16, %get3A_17] : memref<512x16xf32, #tpu.memory_space<vmem>>, vector<512x16xf32>
    %convert_element_type3A_19 = arith.truncf %dot_general3A_6 : vector<1024x512xf32> to vector<1024x512xbf16>
    %convert_element_type3A_20 = arith.truncf %get3A_18 : vector<512x16xf32> to vector<512x16xbf16>
    %dot_general3A_21 = arith.constant dense<0.000000e+00> : vector<1024x16xf32>
    %dot_general3A_22 = tpu.matmul %convert_element_type3A_19, %convert_element_type3A_20, %dot_general3A_21 {dimension_numbers = #tpu.dot_dimension_numbers<[1], [0], [0], [1], [0, 0, 1, 1], [], []>, transpose_lhs_hint = false} : vector<1024x512xbf16>, vector<512x16xbf16>, vector<1024x16xf32> -> vector<1024x16xf32>
    %swap3A_23 = arith.constant 0 : index
    %swap3A_24 = arith.constant 0 : index
    %swap3A_25 = vector.load %arg7[%swap3A_23, %swap3A_24] : memref<1024x16xf32, #tpu.memory_space<vmem>>, vector<1024x16xf32>
    tpu.vector_store %arg7[%swap3A_23, %swap3A_24], %dot_general3A_22 {strides = array<i32>} : memref<1024x16xf32, #tpu.memory_space<vmem>>, vector<1024x16xf32>,
    %slice3A = vector.extract_strided_slice %dot_general3A_6 {offsets = [0, 0], sizes = [1024, 64], strides = [1, 1]} : vector<1024x512xf32> to vector<1024x64xf32>
    %swap3A_26 = arith.constant 0 : index
    %swap3A_27 = arith.constant 0 : index
    %swap3A_28 = arith.constant 0 : index
    %swap3A_29 = vector.load %arg5[%swap3A_26, %swap3A_27, %swap3A_28] : memref<8x1024x64xf32, #tpu.memory_space<vmem>>, vector<1x1024x64xf32>
    %swap3A_30 = vector.shape_cast %swap3A_29 : vector<1x1024x64xf32> to vector<1024x64xf32>
    %swap3A_31 = vector.shape_cast %slice3A : vector<1024x64xf32> to vector<1x1024x64xf32>
    tpu.vector_store %arg5[%swap3A_26, %swap3A_27, %swap3A_28], %swap3A_31 {strides = array<i32>} : memref<8x1024x64xf32, #tpu.memory_space<vmem>>, vector<1x1024x64xf32>,
    %slice3A_32 = vector.extract_strided_slice %dot_general3A_6 {offsets = [0, 64], sizes = [1024, 64], strides = [1, 1]} : vector<1024x512xf32> to vector<1024x64xf32>
    %swap3A_33 = arith.constant 1 : index
    %swap3A_34 = arith.constant 0 : index
    %swap3A_35 = arith.constant 0 : index
    %swap3A_36 = vector.load %arg5[%swap3A_33, %swap3A_34, %swap3A_35] : memref<8x1024x64xf32, #tpu.memory_space<vmem>>, vector<1x1024x64xf32>
    %swap3A_37 = vector.shape_cast %swap3A_36 : vector<1x1024x64xf32> to vector<1024x64xf32>
    %swap3A_38 = vector.shape_cast %slice3A_32 : vector<1024x64xf32> to vector<1x1024x64xf32>
    tpu.vector_store %arg5[%swap3A_33, %swap3A_34, %swap3A_35], %swap3A_38 {strides = array<i32>} : memref<8x1024x64xf32, #tpu.memory_space<vmem>>, vector<1x1024x64xf32>,
    %slice3A_39 = vector.extract_strided_slice %dot_general3A_6 {offsets = [0, 128], sizes = [1024, 64], strides = [1, 1]} : vector<1024x512xf32> to vector<1024x64xf32>
    %swap3A_40 = arith.constant 2 : index
    %swap3A_41 = arith.constant 0 : index
    %swap3A_42 = arith.constant 0 : index
    %swap3A_43 = vector.load %arg5[%swap3A_40, %swap3A_41, %swap3A_42] : memref<8x1024x64xf32, #tpu.memory_space<vmem>>, vector<1x1024x64xf32>
    %swap3A_44 = vector.shape_cast %swap3A_43 : vector<1x1024x64xf32> to vector<1024x64xf32>
    %swap3A_45 = vector.shape_cast %slice3A_39 : vector<1024x64xf32> to vector<1x1024x64xf32>
    tpu.vector_store %arg5[%swap3A_40, %swap3A_41, %swap3A_42], %swap3A_45 {strides = array<i32>} : memref<8x1024x64xf32, #tpu.memory_space<vmem>>, vector<1x1024x64xf32>,
    %slice3A_46 = vector.extract_strided_slice %dot_general3A_6 {offsets = [0, 192], sizes = [1024, 64], strides = [1, 1]} : vector<1024x512xf32> to vector<1024x64xf32>
    %swap3A_47 = arith.constant 3 : index
    %swap3A_48 = arith.constant 0 : index
    %swap3A_49 = arith.constant 0 : index
    %swap3A_50 = vector.load %arg5[%swap3A_47, %swap3A_48, %swap3A_49] : memref<8x1024x64xf32, #tpu.memory_space<vmem>>, vector<1x1024x64xf32>
    %swap3A_51 = vector.shape_cast %swap3A_50 : vector<1x1024x64xf32> to vector<1024x64xf32>
    %swap3A_52 = vector.shape_cast %slice3A_46 : vector<1024x64xf32> to vector<1x1024x64xf32>
    tpu.vector_store %arg5[%swap3A_47, %swap3A_48, %swap3A_49], %swap3A_52 {strides = array<i32>} : memref<8x1024x64xf32, #tpu.memory_space<vmem>>, vector<1x1024x64xf32>,
    %slice3A_53 = vector.extract_strided_slice %dot_general3A_6 {offsets = [0, 256], sizes = [1024, 64], strides = [1, 1]} : vector<1024x512xf32> to vector<1024x64xf32>
    %swap3A_54 = arith.constant 4 : index
    %swap3A_55 = arith.constant 0 : index
    %swap3A_56 = arith.constant 0 : index
    %swap3A_57 = vector.load %arg5[%swap3A_54, %swap3A_55, %swap3A_56] : memref<8x1024x64xf32, #tpu.memory_space<vmem>>, vector<1x1024x64xf32>
    %swap3A_58 = vector.shape_cast %swap3A_57 : vector<1x1024x64xf32> to vector<1024x64xf32>
    %swap3A_59 = vector.shape_cast %slice3A_53 : vector<1024x64xf32> to vector<1x1024x64xf32>
    tpu.vector_store %arg5[%swap3A_54, %swap3A_55, %swap3A_56], %swap3A_59 {strides = array<i32>} : memref<8x1024x64xf32, #tpu.memory_space<vmem>>, vector<1x1024x64xf32>,
    %slice3A_60 = vector.extract_strided_slice %dot_general3A_6 {offsets = [0, 320], sizes = [1024, 64], strides = [1, 1]} : vector<1024x512xf32> to vector<1024x64xf32>
    %swap3A_61 = arith.constant 5 : index
    %swap3A_62 = arith.constant 0 : index
    %swap3A_63 = arith.constant 0 : index
    %swap3A_64 = vector.load %arg5[%swap3A_61, %swap3A_62, %swap3A_63] : memref<8x1024x64xf32, #tpu.memory_space<vmem>>, vector<1x1024x64xf32>
    %swap3A_65 = vector.shape_cast %swap3A_64 : vector<1x1024x64xf32> to vector<1024x64xf32>
    %swap3A_66 = vector.shape_cast %slice3A_60 : vector<1024x64xf32> to vector<1x1024x64xf32>
    tpu.vector_store %arg5[%swap3A_61, %swap3A_62, %swap3A_63], %swap3A_66 {strides = array<i32>} : memref<8x1024x64xf32, #tpu.memory_space<vmem>>, vector<1x1024x64xf32>,
    %slice3A_67 = vector.extract_strided_slice %dot_general3A_6 {offsets = [0, 384], sizes = [1024, 64], strides = [1, 1]} : vector<1024x512xf32> to vector<1024x64xf32>
    %swap3A_68 = arith.constant 6 : index
    %swap3A_69 = arith.constant 0 : index
    %swap3A_70 = arith.constant 0 : index
    %swap3A_71 = vector.load %arg5[%swap3A_68, %swap3A_69, %swap3A_70] : memref<8x1024x64xf32, #tpu.memory_space<vmem>>, vector<1x1024x64xf32>
    %swap3A_72 = vector.shape_cast %swap3A_71 : vector<1x1024x64xf32> to vector<1024x64xf32>
    %swap3A_73 = vector.shape_cast %slice3A_67 : vector<1024x64xf32> to vector<1x1024x64xf32>
    tpu.vector_store %arg5[%swap3A_68, %swap3A_69, %swap3A_70], %swap3A_73 {strides = array<i32>} : memref<8x1024x64xf32, #tpu.memory_space<vmem>>, vector<1x1024x64xf32>,
    %slice3A_74 = vector.extract_strided_slice %dot_general3A_6 {offsets = [0, 448], sizes = [1024, 64], strides = [1, 1]} : vector<1024x512xf32> to vector<1024x64xf32>
    %swap3A_75 = arith.constant 7 : index
    %swap3A_76 = arith.constant 0 : index
    %swap3A_77 = arith.constant 0 : index
    %swap3A_78 = vector.load %arg5[%swap3A_75, %swap3A_76, %swap3A_77] : memref<8x1024x64xf32, #tpu.memory_space<vmem>>, vector<1x1024x64xf32>
    %swap3A_79 = vector.shape_cast %swap3A_78 : vector<1x1024x64xf32> to vector<1024x64xf32>
    %swap3A_80 = vector.shape_cast %slice3A_74 : vector<1024x64xf32> to vector<1x1024x64xf32>
    tpu.vector_store %arg5[%swap3A_75, %swap3A_76, %swap3A_77], %swap3A_80 {strides = array<i32>} : memref<8x1024x64xf32, #tpu.memory_space<vmem>>, vector<1x1024x64xf32>,
    return
  }
  func.func @transform_0(%arg0: i32) -> (i32, i32) {
    %c0_i32 = arith.constant 0 : i32
    %c0_i32_0 = arith.constant 0 : i32
    return %arg0, %c0_i32 : i32, i32
  }
  func.func @transform_1(%arg0: i32) -> (i32, i32) {
    %c0_i32 = arith.constant 0 : i32
    %c0_i32_0 = arith.constant 0 : i32
    %c0_i32_1 = arith.constant 0 : i32
    return %c0_i32, %c0_i32_0 : i32, i32
  }
  func.func @transform_2(%arg0: i32) -> (i32, i32) {
    %c0_i32 = arith.constant 0 : i32
    %c0_i32_0 = arith.constant 0 : i32
    %c0_i32_1 = arith.constant 0 : i32
    return %c0_i32, %c0_i32_0 : i32, i32
  }
  func.func @transform_3(%arg0: i32) -> (i32, i32) {
    %c0_i32 = arith.constant 0 : i32
    %c0_i32_0 = arith.constant 0 : i32
    %c0_i32_1 = arith.constant 0 : i32
    return %c0_i32, %c0_i32_0 : i32, i32
  }
  func.func @transform_4(%arg0: i32) -> (i32, i32, i32) {
    %c0_i32 = arith.constant 0 : i32
    %c0_i32_0 = arith.constant 0 : i32
    %c0_i32_1 = arith.constant 0 : i32
    return %c0_i32, %arg0, %c0_i32_0 : i32, i32, i32
  }
  func.func @transform_5(%arg0: i32) -> (i32, i32) {
    %c0_i32 = arith.constant 0 : i32
    %c0_i32_0 = arith.constant 0 : i32
    return %arg0, %c0_i32 : i32, i32
  }
  func.func @transform_6(%arg0: i32) -> (i32, i32) {
    %c0_i32 = arith.constant 0 : i32
    %c0_i32_0 = arith.constant 0 : i32
    return %arg0, %c0_i32 : i32, i32
  }
}

module attributes {stable_mosaic.version = 14 : i64} {
  func.func @_tcx_body(%arg0: i32, %arg1: memref<4096x16xf32, #tpu.memory_space<vmem>>, %arg2: memref<4096x16xf32, #tpu.memory_space<vmem>>) attributes {dimension_semantics = [#tpu.dimension_semantics<arbitrary>], iteration_bounds = array<i64: 81>, scalar_prefetch = 0 : i64, scratch_operands = 0 : i64, tpu.core_type = #tpu.core_type<tc>, window_params = [{transform_indices = @transform_0, window_bounds = array<i64: 4096, 16>}, {transform_indices = @transform_1, window_bounds = array<i64: 4096, 16>}]} {
    %get3A = arith.constant 0 : index
    %get3A_0 = arith.constant 0 : index
    %get3A_1 = vector.load %arg1[%get3A, %get3A_0] : memref<4096x16xf32, #tpu.memory_space<vmem>>, vector<4096x16xf32>
    %ge3A = arith.constant 0.000000e+00 : f32
    %ge3A_2 = vector.broadcast %ge3A : f32 to vector<4096x16xf32>
    %ge3A_3 = arith.cmpf oge, %get3A_1, %ge3A_2 : vector<4096x16xf32>
    %mul3A = arith.constant 2.000000e-01 : f32
    %mul3A_4 = vector.broadcast %mul3A : f32 to vector<4096x16xf32>
    %mul3A_5 = arith.mulf %mul3A_4, %get3A_1 : vector<4096x16xf32>
    %select_n3A = arith.select %ge3A_3, %get3A_1, %mul3A_5 : vector<4096x16xi1>, vector<4096x16xf32>
    %exp3A = math.exp %select_n3A : vector<4096x16xf32>
    %swap3A = arith.constant 0 : index
    %swap3A_6 = arith.constant 0 : index
    %swap3A_7 = vector.load %arg2[%swap3A, %swap3A_6] : memref<4096x16xf32, #tpu.memory_space<vmem>>, vector<4096x16xf32>
    tpu.vector_store %arg2[%swap3A, %swap3A_6], %exp3A {strides = array<i32>} : memref<4096x16xf32, #tpu.memory_space<vmem>>, vector<4096x16xf32>,
    return
  }
  func.func @transform_0(%arg0: i32) -> (i32, i32) {
    %c0_i32 = arith.constant 0 : i32
    %c0_i32_0 = arith.constant 0 : i32
    return %arg0, %c0_i32 : i32, i32
  }
  func.func @transform_1(%arg0: i32) -> (i32, i32) {
    %c0_i32 = arith.constant 0 : i32
    %c0_i32_0 = arith.constant 0 : i32
    return %arg0, %c0_i32 : i32, i32
  }
}

module attributes {stable_mosaic.version = 14 : i64} {
  func.func @_tc2_body(%arg0: i32, %arg1: memref<1024x512xf32, #tpu.memory_space<vmem>>, %arg2: memref<1x512xf32, #tpu.memory_space<vmem>>, %arg3: memref<512x48xf32, #tpu.memory_space<vmem>>, %arg4: memref<48x16xf32, #tpu.memory_space<vmem>>, %arg5: memref<48x16xf32, #tpu.memory_space<vmem>>, %arg6: memref<1024x48xf32, #tpu.memory_space<vmem>>, %arg7: memref<1024x16xf32, #tpu.memory_space<vmem>>, %arg8: memref<1024x16xf32, #tpu.memory_space<vmem>>) attributes {dimension_semantics = [#tpu.dimension_semantics<arbitrary>], iteration_bounds = array<i64: 10>, scalar_prefetch = 0 : i64, scratch_operands = 0 : i64, tpu.core_type = #tpu.core_type<tc>, window_params = [{transform_indices = @transform_0, window_bounds = array<i64: 1024, 512>}, {pipeline_mode = #tpu.pipeline_mode<synchronous>, transform_indices = @transform_1, window_bounds = array<i64: 1, 512>}, {pipeline_mode = #tpu.pipeline_mode<synchronous>, transform_indices = @transform_2, window_bounds = array<i64: 512, 48>}, {pipeline_mode = #tpu.pipeline_mode<synchronous>, transform_indices = @transform_3, window_bounds = array<i64: 48, 16>}, {pipeline_mode = #tpu.pipeline_mode<synchronous>, transform_indices = @transform_4, window_bounds = array<i64: 48, 16>}, {transform_indices = @transform_5, window_bounds = array<i64: 1024, 48>}, {transform_indices = @transform_6, window_bounds = array<i64: 1024, 16>}, {transform_indices = @transform_7, window_bounds = array<i64: 1024, 16>}]} {
    %get3A = arith.constant 0 : index
    %get3A_0 = arith.constant 0 : index
    %get3A_1 = vector.load %arg1[%get3A, %get3A_0] : memref<1024x512xf32, #tpu.memory_space<vmem>>, vector<1024x512xf32>
    %get3A_2 = arith.constant 0 : index
    %get3A_3 = arith.constant 0 : index
    %get3A_4 = vector.load %arg2[%get3A_2, %get3A_3] : memref<1x512xf32, #tpu.memory_space<vmem>>, vector<1x512xf32>
    %add3A = vector.broadcast %get3A_4 : vector<1x512xf32> to vector<1024x512xf32>
    %add3A_5 = arith.addf %get3A_1, %add3A : vector<1024x512xf32>
    %gt3A = arith.constant 0.000000e+00 : f32
    %gt3A_6 = vector.broadcast %gt3A : f32 to vector<1024x512xf32>
    %gt3A_7 = arith.cmpf ogt, %add3A_5, %gt3A_6 : vector<1024x512xf32>
    %exp3A = math.exp %add3A_5 : vector<1024x512xf32>
    %sub3A = arith.constant 1.000000e+00 : f32
    %sub3A_8 = vector.broadcast %sub3A : f32 to vector<1024x512xf32>
    %sub3A_9 = arith.subf %exp3A, %sub3A_8 : vector<1024x512xf32>
    %select_n3A = arith.select %gt3A_7, %add3A_5, %sub3A_9 : vector<1024x512xi1>, vector<1024x512xf32>
    %get3A_10 = arith.constant 0 : index
    %get3A_11 = arith.constant 0 : index
    %get3A_12 = vector.load %arg3[%get3A_10, %get3A_11] : memref<512x48xf32, #tpu.memory_space<vmem>>, vector<512x48xf32>
    %convert_element_type3A = arith.truncf %select_n3A : vector<1024x512xf32> to vector<1024x512xbf16>
    %convert_element_type3A_13 = arith.truncf %get3A_12 : vector<512x48xf32> to vector<512x48xbf16>
    %dot_general3A = arith.constant dense<0.000000e+00> : vector<1024x48xf32>
    %dot_general3A_14 = tpu.matmul %convert_element_type3A, %convert_element_type3A_13, %dot_general3A {dimension_numbers = #tpu.dot_dimension_numbers<[1], [0], [0], [1], [0, 0, 1, 1], [], []>, transpose_lhs_hint = false} : vector<1024x512xbf16>, vector<512x48xbf16>, vector<1024x48xf32> -> vector<1024x48xf32>
    %swap3A = arith.constant 0 : index
    %swap3A_15 = arith.constant 0 : index
    %swap3A_16 = vector.load %arg6[%swap3A, %swap3A_15] : memref<1024x48xf32, #tpu.memory_space<vmem>>, vector<1024x48xf32>
    tpu.vector_store %arg6[%swap3A, %swap3A_15], %dot_general3A_14 {strides = array<i32>} : memref<1024x48xf32, #tpu.memory_space<vmem>>, vector<1024x48xf32>,
    %get3A_17 = arith.constant 0 : index
    %get3A_18 = arith.constant 0 : index
    %get3A_19 = vector.load %arg4[%get3A_17, %get3A_18] : memref<48x16xf32, #tpu.memory_space<vmem>>, vector<48x16xf32>
    %convert_element_type3A_20 = arith.truncf %dot_general3A_14 : vector<1024x48xf32> to vector<1024x48xbf16>
    %convert_element_type3A_21 = arith.truncf %get3A_19 : vector<48x16xf32> to vector<48x16xbf16>
    %dot_general3A_22 = arith.constant dense<0.000000e+00> : vector<1024x16xf32>
    %dot_general3A_23 = tpu.matmul %convert_element_type3A_20, %convert_element_type3A_21, %dot_general3A_22 {dimension_numbers = #tpu.dot_dimension_numbers<[1], [0], [0], [1], [0, 0, 1, 1], [], []>, transpose_lhs_hint = false} : vector<1024x48xbf16>, vector<48x16xbf16>, vector<1024x16xf32> -> vector<1024x16xf32>
    %swap3A_24 = arith.constant 0 : index
    %swap3A_25 = arith.constant 0 : index
    %swap3A_26 = vector.load %arg7[%swap3A_24, %swap3A_25] : memref<1024x16xf32, #tpu.memory_space<vmem>>, vector<1024x16xf32>
    tpu.vector_store %arg7[%swap3A_24, %swap3A_25], %dot_general3A_23 {strides = array<i32>} : memref<1024x16xf32, #tpu.memory_space<vmem>>, vector<1024x16xf32>,
    %get3A_27 = arith.constant 0 : index
    %get3A_28 = arith.constant 0 : index
    %get3A_29 = vector.load %arg5[%get3A_27, %get3A_28] : memref<48x16xf32, #tpu.memory_space<vmem>>, vector<48x16xf32>
    %convert_element_type3A_30 = arith.truncf %dot_general3A_14 : vector<1024x48xf32> to vector<1024x48xbf16>
    %convert_element_type3A_31 = arith.truncf %get3A_29 : vector<48x16xf32> to vector<48x16xbf16>
    %dot_general3A_32 = arith.constant dense<0.000000e+00> : vector<1024x16xf32>
    %dot_general3A_33 = tpu.matmul %convert_element_type3A_30, %convert_element_type3A_31, %dot_general3A_32 {dimension_numbers = #tpu.dot_dimension_numbers<[1], [0], [0], [1], [0, 0, 1, 1], [], []>, transpose_lhs_hint = false} : vector<1024x48xbf16>, vector<48x16xbf16>, vector<1024x16xf32> -> vector<1024x16xf32>
    %swap3A_34 = arith.constant 0 : index
    %swap3A_35 = arith.constant 0 : index
    %swap3A_36 = vector.load %arg8[%swap3A_34, %swap3A_35] : memref<1024x16xf32, #tpu.memory_space<vmem>>, vector<1024x16xf32>
    tpu.vector_store %arg8[%swap3A_34, %swap3A_35], %dot_general3A_33 {strides = array<i32>} : memref<1024x16xf32, #tpu.memory_space<vmem>>, vector<1024x16xf32>,
    return
  }
  func.func @transform_0(%arg0: i32) -> (i32, i32) {
    %c0_i32 = arith.constant 0 : i32
    %c0_i32_0 = arith.constant 0 : i32
    return %arg0, %c0_i32 : i32, i32
  }
  func.func @transform_1(%arg0: i32) -> (i32, i32) {
    %c0_i32 = arith.constant 0 : i32
    %c0_i32_0 = arith.constant 0 : i32
    %c0_i32_1 = arith.constant 0 : i32
    return %c0_i32, %c0_i32_0 : i32, i32
  }
  func.func @transform_2(%arg0: i32) -> (i32, i32) {
    %c0_i32 = arith.constant 0 : i32
    %c0_i32_0 = arith.constant 0 : i32
    %c0_i32_1 = arith.constant 0 : i32
    return %c0_i32, %c0_i32_0 : i32, i32
  }
  func.func @transform_3(%arg0: i32) -> (i32, i32) {
    %c0_i32 = arith.constant 0 : i32
    %c0_i32_0 = arith.constant 0 : i32
    %c0_i32_1 = arith.constant 0 : i32
    return %c0_i32, %c0_i32_0 : i32, i32
  }
  func.func @transform_4(%arg0: i32) -> (i32, i32) {
    %c0_i32 = arith.constant 0 : i32
    %c0_i32_0 = arith.constant 0 : i32
    %c0_i32_1 = arith.constant 0 : i32
    return %c0_i32, %c0_i32_0 : i32, i32
  }
  func.func @transform_5(%arg0: i32) -> (i32, i32) {
    %c0_i32 = arith.constant 0 : i32
    %c0_i32_0 = arith.constant 0 : i32
    return %arg0, %c0_i32 : i32, i32
  }
  func.func @transform_6(%arg0: i32) -> (i32, i32) {
    %c0_i32 = arith.constant 0 : i32
    %c0_i32_0 = arith.constant 0 : i32
    return %arg0, %c0_i32 : i32, i32
  }
  func.func @transform_7(%arg0: i32) -> (i32, i32) {
    %c0_i32 = arith.constant 0 : i32
    %c0_i32_0 = arith.constant 0 : i32
    return %arg0, %c0_i32 : i32, i32
  }
}

module attributes {stable_mosaic.version = 14 : i64} {
  func.func @_tc3_body(%arg0: i32, %arg1: memref<1024x48xf32, #tpu.memory_space<vmem>>, %arg2: memref<1024x48xf32, #tpu.memory_space<vmem>>, %arg3: memref<1x40xf32, #tpu.memory_space<vmem>>, %arg4: memref<1024x40xf32, #tpu.memory_space<vmem>>) attributes {dimension_semantics = [#tpu.dimension_semantics<arbitrary>], iteration_bounds = array<i64: 10>, scalar_prefetch = 0 : i64, scratch_operands = 0 : i64, tpu.core_type = #tpu.core_type<tc>, window_params = [{transform_indices = @transform_0, window_bounds = array<i64: 1024, 48>}, {transform_indices = @transform_1, window_bounds = array<i64: 1024, 48>}, {pipeline_mode = #tpu.pipeline_mode<synchronous>, transform_indices = @transform_2, window_bounds = array<i64: 1, 40>}, {transform_indices = @transform_3, window_bounds = array<i64: 1024, 40>}]} {
    %get3A = arith.constant 0 : index
    %get3A_0 = arith.constant 0 : index
    %get3A_1 = vector.load %arg1[%get3A, %get3A_0] : memref<1024x48xf32, #tpu.memory_space<vmem>>, vector<1024x48xf32>
    %get3A_2 = arith.constant 0 : index
    %get3A_3 = arith.constant 0 : index
    %get3A_4 = vector.load %arg2[%get3A_2, %get3A_3] : memref<1024x48xf32, #tpu.memory_space<vmem>>, vector<1024x48xf32>
    %add3A = arith.addf %get3A_1, %get3A_4 : vector<1024x48xf32>
    %slice3A = vector.extract_strided_slice %add3A {offsets = [0, 0], sizes = [1024, 40], strides = [1, 1]} : vector<1024x48xf32> to vector<1024x40xf32>
    %get3A_5 = arith.constant 0 : index
    %get3A_6 = arith.constant 0 : index
    %get3A_7 = vector.load %arg3[%get3A_5, %get3A_6] : memref<1x40xf32, #tpu.memory_space<vmem>>, vector<1x40xf32>
    %add3A_8 = vector.broadcast %get3A_7 : vector<1x40xf32> to vector<1024x40xf32>
    %add3A_9 = arith.addf %slice3A, %add3A_8 : vector<1024x40xf32>
    %reduce_max3A = arith.constant dense<0xFF800000> : vector<1024xf32>
    %reduce_max3A_10 = vector.multi_reduction <maximumf>, %add3A_9, %reduce_max3A [1] : vector<1024x40xf32> to vector<1024xf32>
    %broadcast_in_dim3A = vector.shape_cast %reduce_max3A_10 : vector<1024xf32> to vector<1024x1xf32>
    %sub3A = vector.broadcast %broadcast_in_dim3A : vector<1024x1xf32> to vector<1024x40xf32>
    %sub3A_11 = arith.subf %add3A_9, %sub3A : vector<1024x40xf32>
    %sub3A_12 = vector.broadcast %broadcast_in_dim3A : vector<1024x1xf32> to vector<1024x40xf32>
    %sub3A_13 = arith.subf %add3A_9, %sub3A_12 : vector<1024x40xf32>
    %exp3A = math.exp %sub3A_13 : vector<1024x40xf32>
    %reduce_sum3A = arith.constant dense<0.000000e+00> : vector<1024xf32>
    %reduce_sum3A_14 = vector.multi_reduction <add>, %exp3A, %reduce_sum3A [1] : vector<1024x40xf32> to vector<1024xf32>
    %broadcast_in_dim3A_15 = vector.shape_cast %reduce_sum3A_14 : vector<1024xf32> to vector<1024x1xf32>
    %log3A = math.log %broadcast_in_dim3A_15 : vector<1024x1xf32>
    %sub3A_16 = vector.broadcast %log3A : vector<1024x1xf32> to vector<1024x40xf32>
    %sub3A_17 = arith.subf %sub3A_11, %sub3A_16 : vector<1024x40xf32>
    %swap3A = arith.constant 0 : index
    %swap3A_18 = arith.constant 0 : index
    %swap3A_19 = vector.load %arg4[%swap3A, %swap3A_18] : memref<1024x40xf32, #tpu.memory_space<vmem>>, vector<1024x40xf32>
    tpu.vector_store %arg4[%swap3A, %swap3A_18], %sub3A_17 {strides = array<i32>} : memref<1024x40xf32, #tpu.memory_space<vmem>>, vector<1024x40xf32>,
    return
  }
  func.func @transform_0(%arg0: i32) -> (i32, i32) {
    %c0_i32 = arith.constant 0 : i32
    %c0_i32_0 = arith.constant 0 : i32
    return %arg0, %c0_i32 : i32, i32
  }
  func.func @transform_1(%arg0: i32) -> (i32, i32) {
    %add3A = arith.constant 10 : i32
    %add3A_0 = arith.addi %arg0, %add3A : i32
    %c0_i32 = arith.constant 0 : i32
    %c0_i32_1 = arith.constant 0 : i32
    return %add3A_0, %c0_i32 : i32, i32
  }
  func.func @transform_2(%arg0: i32) -> (i32, i32) {
    %c0_i32 = arith.constant 0 : i32
    %c0_i32_0 = arith.constant 0 : i32
    %c0_i32_1 = arith.constant 0 : i32
    return %c0_i32, %c0_i32_0 : i32, i32
  }
  func.func @transform_3(%arg0: i32) -> (i32, i32) {
    %c0_i32 = arith.constant 0 : i32
    %c0_i32_0 = arith.constant 0 : i32
    return %arg0, %c0_i32 : i32, i32
  }
}

</mosaic_0001>

<sc_bundles>
// kernel: kernel.11.cloned.1.call-start
scs
__scs_entry_jumppad:
0x0: {  	(pc) =	sbr.rel $0x88, $3  }
0x1: {  	(tag) =	ssettag $0x0;
	lr =	simm.s32 $0x1  }
0x2: {  	[smem:$0x3F97] =	sst lr;
	_ =	strace $0xD0000000  }
0x3: {  	_ = 	snop  }
0x4: {  	_ = 	snop  }
0x5: {  	_ = 	snop  }
0x6: {  	_ = 	snop  }
0x7: {  	_ = 	snop  }
__scs_overlays_trampoline_lowered:
0x8: {  	[smem:$0x3FA6] =	sst s0  }
0x9: {  	[smem:$0x3FA7] =	sst s1  }
0xa: {  	[smem:$0x3FA8] =	sst s2  }
0xb: {  	[smem:$0x3FA9] =	sst s3  }
0xc: {  	[smem:$0x3FAA] =	sst s4  }
0xd: {  	[smem:$0x3FAB] =	sst s5  }
0xe: {  	[smem:$0x3FAC] =	sst s6  }
0xf: {  	[smem:$0x3FAD] =	sst s7  }
0x10: {  	[smem:$0x3FAE] =	sst s8  }
0x11: {  	[smem:$0x3FAF] =	sst s9;
	s0 =	simm.s32 @!p0 $0x0  }
0x12: {  	s1 =	sld [smem:$0x3F95];
	s0 =	simm.s32 @p0 $0x1  }
0x13: {  	[smem:$0x3FB0] =	sst s0;
	s0 =	simm.s32 @!p1 $0x0  }
0x14: {  	s2 =	sld [smem:$0x3F94];
	s0 =	simm.s32 @p1 $0x1  }
0x15: {  	[smem:$0x3FB1] =	sst s0;
	s0 =	simm.s32 @!p2 $0x0  }
0x16: {  	s3 =	sld [smem:$0x3FDB];
	s0 =	simm.s32 @p2 $0x1  }
0x17: {  	s4 =	simm.s32 $0x1BF5;
	[smem:$0x3FB3] =	sst s0  }
0x18: {  	s0 =	sld [smem:$0x3F96];
	_ =	swait.ge [sflag:s4], $0x0  }
0x19: {  	s7 =	sld [smem:$0x3F97]  }
0x1a: {  	s8 =	sadd.s32 $0xFFFFE003, lr  }
0x1b: {  	s9 =	sadd.s32 $0xFFFFFEF7, lr;
	s5 =	simm.s32 $0xFFFFFFFF;
	p2 =	slt.u32 s8, $0xFFFFF086  }
0x1c: {  	p1 =	slt.u32 s9, $0xF7A;
	s5 =	simm.s32 @!p2 $0x0  }
0x1d: {  	s5 =	simm.s32 @p1 $0x1;
	p0 =	seq.s32 s7, s2  }
0x1e: {  	s7 =	smul.u32 @!p0 $0xF7A, s2;
	p2 =	seq.s32 @!p0 s5, $0x0  }
0x1f: {  	s9 =	smul.u32 $0xF7A, s1;
	s8 =	simm.s32 @!p0 $0x1BF5;
	p2 =	por !p2, p0  }
0x20: {  	[sflag:s8] =	ssyncset.s32 @!p0 $0xFFFFF086;
	s6 =	sadd.s32 @!p0 s3, s7;
	s7 =	simm.s32 @!p0 $0x108  }
0x21: {  	s3 =	sadd.s32 s3, s9;
	s6 =	sadd.s32 @!p0 $0x88, s6;
	s7 =	simm.s32 @p2 $0x1082  }
0x22: {  	[simem:s7], [sflag:s8] =	dma.local @!p0 [hbm:s6], $0xF7A  }
0x23: {  	s9 =	sor.u32 $0xD0000000, s2;
	s6 =	simm.s32 $0x108;
	_ =	swait.ge @!p0 [sflag:s8], $0x0  }
0x24: {  	s3 =	sadd.s32 $0x88, s3;
	s6 =	simm.s32 @!p1 $0x1082;
	[sflag:s4] =	ssyncset.s32 $0xFFFFF086  }
0x25: {  	[simem:s6], [sflag:s4] =	dma.local [hbm:s3], $0xF7A  }
0x26: {  	[smem:$0x3F97] =	sst s1;
	(tag) =	ssettag s2;
	_ =	strace s9  }
0x27: {  	s1 =	sld [smem:$0x3FA7]  }
0x28: {  	s2 =	sld [smem:$0x3FA8]  }
0x29: {  	s4 =	sld [smem:$0x3FAA]  }
0x2a: {  	p0 =	seq.s32 s5, $0x0;
	s5 =	sld [smem:$0x3FAB]  }
0x2b: {  	s6 =	sld [smem:$0x3FAC]  }
0x2c: {  	s7 =	sld [smem:$0x3FAD]  }
0x2d: {  	s3 =	simm.s32 $0x108;
	s8 =	sld [smem:$0x3FAE]  }
0x2e: {  	s3 =	simm.s32 @!p0 $0x1082;
	s9 =	sld [smem:$0x3FAF]  }
0x2f: {  	lr =	sadd.s32 s0, s3;
	s0 =	sld [smem:$0x3FA6]  }
0x30: {  	s3 =	sld [smem:$0x3FA9]  }
0x31: {  	[smem:$0x3FB2] =	sst s10  }
0x32: {  	s10 =	sld [smem:$0x3FB0];
	_ =	sdelay $0x3  }
0x33: {  	p0 =	seq.s32 s10, $0x1;
	s10 =	sld [smem:$0x3FB2];
	_ =	sdelay $0x3  }
0x34: {  	[smem:$0x3FB2] =	sst s10  }
0x35: {  	s10 =	sld [smem:$0x3FB1];
	_ =	sdelay $0x3  }
0x36: {  	p1 =	seq.s32 s10, $0x1;
	s10 =	sld [smem:$0x3FB2];
	_ =	sdelay $0x3  }
0x37: {  	[smem:$0x3FB2] =	sst s10  }
0x38: {  	s10 =	sld [smem:$0x3FB3]  }
0x39: {  	_ = 	snop;
	(pc) =	sbr.ind lr, $3  }
0x3a: {  	_ = 	snop  }
0x3b: {  	_ = 	snop  }
0x3c: {  	p2 =	seq.s32 s10, $0x1;
	s10 =	sld [smem:$0x3FB2]  }
0x3d: {  	_ =	shalt  }
0x3e: {  	_ =	shalt  }
0x3f: {  	_ =	shalt  }
0x40: {  	_ =	shalt  }
0x41: {  	_ =	shalt  }
0x42: {  	_ =	shalt  }
0x43: {  	_ =	shalt  }
0x44: {  	_ =	shalt  }
0x45: {  	_ =	shalt  }
0x46: {  	_ =	shalt  }
0x47: {  	_ =	shalt  }
0x48: {  	_ =	shalt  }
0x49: {  	_ =	shalt  }
0x4a: {  	_ =	shalt  }
0x4b: {  	_ =	shalt  }
0x4c: {  	_ =	shalt  }
0x4d: {  	_ =	shalt  }
0x4e: {  	_ =	shalt  }
0x4f: {  	_ =	shalt  }
0x50: {  	_ =	shalt  }
0x51: {  	_ =	shalt  }
0x52: {  	_ =	shalt  }
0x53: {  	_ =	shalt  }
0x54: {  	_ =	shalt  }
0x55: {  	_ =	shalt  }
0x56: {  	_ =	shalt  }
0x57: {  	_ =	shalt  }
0x58: {  	_ =	shalt  }
0x59: {  	_ =	shalt  }
0x5a: {  	_ =	shalt  }
0x5b: {  	_ =	shalt  }
0x5c: {  	_ =	shalt  }
0x5d: {  	_ =	shalt  }
0x5e: {  	_ =	shalt  }
0x5f: {  	_ =	shalt  }
0x60: {  	_ =	shalt  }
0x61: {  	_ =	shalt  }
0x62: {  	_ =	shalt  }
0x63: {  	_ =	shalt  }
0x64: {  	_ =	shalt  }
0x65: {  	_ =	shalt  }
0x66: {  	_ =	shalt  }
0x67: {  	_ =	shalt  }
0x68: {  	_ =	shalt  }
0x69: {  	_ =	shalt  }
0x6a: {  	_ =	shalt  }
0x6b: {  	_ =	shalt  }
0x6c: {  	_ =	shalt  }
0x6d: {  	_ =	shalt  }
0x6e: {  	_ =	shalt  }
0x6f: {  	_ =	shalt  }
0x70: {  	_ =	shalt  }
0x71: {  	_ =	shalt  }
0x72: {  	_ =	shalt  }
0x73: {  	_ =	shalt  }
0x74: {  	_ =	shalt  }
0x75: {  	_ =	shalt  }
0x76: {  	_ =	shalt  }
0x77: {  	_ =	shalt  }
0x78: {  	_ =	shalt  }
0x79: {  	_ =	shalt  }
0x7a: {  	_ =	shalt  }
0x7b: {  	_ =	shalt  }
0x7c: {  	_ =	shalt  }
0x7d: {  	_ =	shalt  }
0x7e: {  	_ =	shalt  }
0x7f: {  	_ =	shalt  }
0x80: {  	_ =	shalt  }
0x81: {  	_ =	shalt  }
0x82: {  	_ =	shalt  }
0x83: {  	_ =	shalt  }
0x84: {  	_ =	shalt  }
0x85: {  	_ =	shalt  }
0x86: {  	_ =	shalt  }
0x87: {  	_ =	shalt  }
.Lfunc_end0:
.L_simem_size_0:
called_computation_lowered:
.L_overlay_start_0:
0x88: {  	s2 =	sld [smem:$0x3FD9]  }
0x89: {  	s3 =	sld [smem:$0x3FFE];
	_ =	sdelay $0x1  }
0x8a: {  	s1 =	srdreg.scid  }
0x8b: {  	s0 =	sand.u32 $0x1, s1  }
0x8c: {  	s17 =	sshll.u32 s0, $0xA;
	s2 =	sadd.s32 s3, s2  }
0x8d: {  	s2 =	sadd.s32 s2, s17  }
0x8e: {  	[smem:$0x3FBE] =	sst s2  }
0x8f: {  	_ = 	snop  }
0x90: {  	s2 =	sld [smem:$0x3FD0];
	(tm) =	ssettm $0x1  }
0x91: {  	s18 =	sld [smem:$0x3FFB];
	_ =	sdelay $0x3  }
0x92: {  	_ =	strace s18  }
0x93: {  	s3 =	sld [smem:$0x3FFC];
	_ =	sdelay $0x3  }
0x94: {  	_ =	strace s3  }
0x95: {  	s3 =	sld [smem:$0x3FFD];
	_ =	sdelay $0x3  }
0x96: {  	_ =	strace s3  }
0x97: {  	_ =	strace $0x8FFFFFFF  }
0x98: {  	s19 =	sld [smem:$0x3FDB];
	_ =	sdelay $0x1  }
0x99: {  	s4 =	simm.s32 $_scs_section_size  }
0x9a: {  	s5 =	simm.s32 $_size__tile_overlayer_lowered;
	s6 =	simm.s32 $_tile_overlayer_lowered  }
0x9b: {  	s22 =	simm.s32 $0x1BFF;
	s21 =	sshll.u32 s6, $0x1;
	s3 =	sadd.s32 s4, s19  }
0x9c: {  	s7 =	simm.s32 $0x0;
	s20 =	sshll.u32 s5, $0x1;
	s5 =	sadd.s32 s21, s3  }
0x9d: {  	[timem:s7], [sflag:s22] =	dma.local [hbm:s5], s20  }
0x9e: {  	_ =	swait.ge [sflag:s22], s20  }
0x9f: {  	s4 =	ssub.s32 $0x0, s20;
	[sflag:s22] =	ssyncset.done $0x0  }
0xa0: {  	[sflag:s22] =	ssyncadd.s32 s4;
	_ =	sdelay $0x1  }
0xa1: {  	s23 =	simm.s32 $0x1B8B  }
0xa2: {  	_ =	swait.ge [sflag:s23], $0x1  }
0xa3: {  	[sflag:s23] =	ssyncset.done $0x0  }
0xa4: {  	s25 =	simm.s32 $0x1B8E;
	s24 =	sld [smem:$0x3FFE];
	[sflag:s23] =	ssyncadd.s32 $0xFFFFFFFF  }
0xa5: {  	s26 =	simm.s32 $execute0_lowered;
	[smem:$0x3FD2] =	sst s25  }
0xa6: {  	s5 =	sshll.u32 s26, $0x1;
	_ =	strace $0x80000046;
	[dreg:$0x1] =	wrdreg $0xFFFFFFFF  }
0xa7: {  	s28 =	simm.s32 $_size_execute0_lowered;
	s3 =	sadd.s32 s3, s5;
	[dreg:$0x0] =	wrdreg $0x0  }
0xa8: {  	s5 =	sshll.u32 s28, $0x1;
	[dreg:$0x2] =	wrdreg s3  }
0xa9: {  	[dreg:$0x3] =	wrdreg s5  }
0xaa: {  	[dreg:$0x4] =	wrdreg $0xC0  }
0xab: {  	_ =	task [dreg:s7], $0x5FFFF  }
0xac: {  	[dreg:$0x1] =	wrdreg $0xFFFFFFFF  }
0xad: {  	[dreg:$0x0] =	wrdreg $0x60  }
0xae: {  	[dreg:$0x2] =	wrdreg s24  }
0xaf: {  	[dreg:$0x3] =	wrdreg s2  }
0xb0: {  	[dreg:$0x4] =	wrdreg $0x9  }
0xb1: {  	_ =	task.clear_ibuf [dreg:s7], $0x5FFFF;
	_ =	strace $0x90000046  }
0xb2: {  	s29 =	simm.s32 $0x9;
	_ =	strace $0x80000048  }
0xb3: {  	_ =	swait.ge [sflag:s29], $0x1  }
0xb4: {  	[sflag:s29] =	ssyncadd.s32 $0xFFFFFFFF  }
0xb5: {  	_ =	strace $0x90000048  }
0xb6: {  	_ =	sfence  }
0xb7: {  	s30 =	sld [smem:$0x0];
	_ =	sdelay $0x2  }
0xb8: {  	s31 =	sshll.u32 s1, $0xD;
	s1 =	sshrl.u32 s1, $0x2  }
0xb9: {  	s3 =	sand.u32 $0x4000, s31;
	s1 =	sadd.s32 s1, s30  }
0xba: {  	s0 =	sor.u32 s3, s0;
	s1 =	sshll.u32 s1, $0x11  }
0xbb: {  	s0 =	sor.u32 s1, s0  }
0xbc: {  	s0 =	sadd.s32 $0x8F2B, s0  }
0xbd: {  	[sflag:s0] =	ssyncadd.remote.s32 $0x1  }
0xbe: {  	_ =	sfence.sel $0xFFFF  }
0xbf: {  	[dreg:$0x0] =	wrdreg $0xFFFFFFFF;
	(pc) =	sbr.abs _section_cstart, $3  }
0xc0: {  	[dreg:$0x1] =	wrdreg $0xFFFFFFFF  }
0xc1: {  	_ =	task.clear_ibuf [dreg:s7], $0x2FFFF;
	_ =	strace $0x9FFFFFFF  }
0xc2: {  	(tm) =	ssettm $0x7FFFFFFF  }
0xc3: {  	_ =	shalt  }
tec
execute0_lowered:
.L_overlay_start_1:
0x0: {  	(tag) =	ssettag $0x1  }
0x1: {  	s8 =	rddreg [dreg:$0x0]  }
0x2: {  	s1 =	rddreg [dreg:$0x1]  }
0x3: {  	s0 =	rddreg [dreg:$0x2];
	s2 =	simm.s32 $0x0  }
0x4: {  	s3 =	srdreg.scid;
	s11 =	simm.s32 $0x6900;
	s12 =	simm.s32 $0x1  }
0x5: {  	s15 =	simm.s32 $0x5100;
	[smem:$0x7FF] =	sst s2;
	s5 =	sand.u32 $0x1, s3  }
0x6: {  	s3 =	stileid.u32;
	s4 =	sadd.s32 $0x142600, s8;
	s6 =	sshll.u32 s5, $0x4  }
0x7: {  	s7 =	sadd.s32 $0x14C600, s8;
	s9 =	ssub.s32 $0x2, s5;
	s6 =	sor.u32 s3, s6  }
0x8: {  	_ =	strace $0x80000047;
	s10 =	sshrl.u32 s9, $0x1;
	s6 =	smul.u32 $0x51, s6  }
0x9: {  	s5 =	sadd.s32 $0x147600, s8;
	s8 =	sadd.s32 $0x156800, s8;
	s9 =	ssub.s32 s9, s10  }
0xa: {  	s10 =	simm.s32 $0x51;
	s9 =	smax.u32 s9, $0x1;
	s13 =	sadd.s32 $0x10, s6  }
0xb: {  	v5 =	vlaneseq.u32;
	s14 =	sadd.s32 $0x20, s6;
	s16 =	sadd.s32 $0x30, s6;
	s17 =	sadd.s32 $0x40, s6  }
0xc: {  	s18 =	sadd.s32 $0x50, s6;
	v0 =	vadd.s32 s6, v5;
	v1 =	vadd.s32 s13, v5;
	v2 =	vadd.s32 s14, v5;
	s13 =	simm.s32 $0x2880;
	s14 =	simm.s32 $0x80  }
0xd: {  	v3 =	vadd.s32 s16, v5;
	v4 =	vadd.s32 s17, v5;
	v5 =	vadd.s32 s18, v5;
	s16 =	simm.s32 $0x5900;
	s17 =	simm.s32 $0x6100;
	s18 =	simm.s32 $0x0  }
.LBB2_1:
0xe: {  	[tilespmem:$0x6900] =	vst v0  }
0xf: {  	[tilespmem:$0x6910] =	vst v1  }
0x10: {  	[tilespmem:$0x6920] =	vst v2  }
0x11: {  	[tilespmem:$0x6930] =	vst v3  }
0x12: {  	[tilespmem:$0x6940] =	vst v4  }
0x13: {  	[tilespmem:$0x6950] =	vst v5  }
0x14: {  	[tilespmem:s2], [sflag:$0x1] =	stream.indirect.gather [hbm4b:s7+s10], $0x80, s11, s10, $0xb8;
	[tilespmem:$0x6980] =	vst v63  }
0x15: {  	_ =	swait.ge [sflag:s12], $0x2880  }
0x16: {  	[sflag:s12] =	ssyncset.done $0x0  }
0x17: {  	[sflag:s12] =	ssyncadd.s32 $0xFFFFD780  }
0x18: {  	[tilespmem:$0x6900] =	vst v0  }
0x19: {  	[tilespmem:$0x6910] =	vst v1  }
0x1a: {  	[tilespmem:$0x6920] =	vst v2  }
0x1b: {  	[tilespmem:$0x6930] =	vst v3  }
0x1c: {  	[tilespmem:$0x6940] =	vst v4  }
0x1d: {  	[tilespmem:$0x6950] =	vst v5  }
0x1e: {  	[tilespmem:s13], [sflag:$0x1] =	stream.indirect.gather [hbm4b:s1+s10], $0x80, s11, s10, $0xb8;
	[tilespmem:$0x6980] =	vst v63  }
0x1f: {  	_ =	swait.ge [sflag:s12], $0x2880  }
0x20: {  	[sflag:s12] =	ssyncset.done $0x0  }
0x21: {  	s19 =	simm.s32 $0x0;
	[sflag:s12] =	ssyncadd.s32 $0xFFFFD780  }
.LBB2_2:
0x22: {  	s20 =	sshll.u32 s19, $0x7  }
0x23: {  	[tilespmem:s15], [sflag:$0x1] =	stream.indirect.gather [hbm4b:s4+s14], $0x10, s20, s14, $0xb8;
	[tilespmem:$0x6980] =	vst v63  }
0x24: {  	_ =	swait.ge [sflag:s12], $0x800  }
0x25: {  	[sflag:s12] =	ssyncset.done $0x0  }
0x26: {  	s20 =	sadd.s32 $0x2880, s20;
	[sflag:s12] =	ssyncadd.s32 $0xFFFFF800  }
0x27: {  	[tilespmem:s16], [sflag:$0x1] =	stream.indirect.gather [hbm4b:s5+s14], $0x10, s20, s14, $0xb8;
	[tilespmem:$0x6980] =	vst v63  }
0x28: {  	_ =	swait.ge [sflag:s12], $0x800  }
0x29: {  	[sflag:s12] =	ssyncset.done $0x0  }
0x2a: {  	s20 =	simm.s32 $0x0;
	[sflag:s12] =	ssyncadd.s32 $0xFFFFF800  }
0x2b: {  	v6 =	vld [tilespmem:s20+$0x5100]  }
0x2c: {  	s21 =	simm.s32 $0x40;
	v7 =	vld [tilespmem:s20+$0x5900]  }
.LBB2_3:
0x2d: {  	_ = 	snop  }
0x2e: {  	p0 =	sne.s32 s21, $0x1FC0  }
.Ltmp0:
0x2f: {  	_ = 	snop;
	(pc) =	sbr.rel @p0 .LBB2_3-.Ltmp0, $4  }
0x30: {  	_ = 	snop  }
0x31: {  	s22 =	sshra.s32 s21, $0x2;
	v8 =	vadd.f32 v7, v6  }
0x32: {  	v6 =	vld [tilespmem:s22+$0x5100]  }
0x33: {  	s21 =	sadd.s32 $0x40, s21;
	v7 =	vld [tilespmem:s22+$0x5900];
	[tilespmem:s20+$0x6100] =	vst v8;
	s20 =	smov.u32 s22  }
0x34: {  	_ =	sdelay $0x3  }
0x35: {  	s21 =	sadd.s32 s6, s19;
	s19 =	sadd.s32 $0x1, s19;
	v6 =	vadd.f32 v7, v6  }
0x36: {  	s21 =	sshll.u32 s21, $0x8;
	p0 =	sne.s32 s19, $0x51  }
.Ltmp1:
0x37: {  	s31 =	sadd.s32 s8, s21;
	[tilespmem:s20+$0x6100] =	vst v6;
	(pc) =	sbr.rel @p0 .LBB2_2-.Ltmp1, $4  }
0x38: {  	[hbm4b:s31+s2] =	stream.linear.scatter [tilespmem:s17], [sflag:$0x1], $0x800, $0x38;
	[tilespmem:$0x6980] =	vst v63  }
0x39: {  	_ =	swait.ge [sflag:s12], $0x800  }
0x3a: {  	[sflag:s12] =	ssyncset.done $0x0  }
0x3b: {  	[sflag:s12] =	ssyncadd.s32 $0xFFFFF800  }
0x3c: {  	s18 =	sadd.s32 $0x1, s18  }
0x3d: {  	p0 =	sne.s32 s18, s9  }
.Ltmp2:
0x3e: {  	_ = 	snop;
	(pc) =	sbr.rel @p0 .LBB2_1-.Ltmp2, $1  }
0x3f: {  	_ =	sdelay $0x3  }
0x40: {  	_ =	sfence.sel $0x180000  }
0x41: {  	[bflag:$0x0] =	sbarrier.arrive $0xFFFF  }
0x42: {  	p0 =	sne.s32 s3, $0x0;
	_ =	strace $0x90000047  }
0x43: {  	s0 =	sadd.s32 @!p0 $0x100000, s0;
	[bflag:$0x2] =	sbarrier.arrive $0xFFFF  }
0x44: {  	[sflag:s0] =	ssyncadd.tile.s32 @!p0 $0x1;
	_ =	shalt  }
.Lfunc_end2:
_tile_overlayer_lowered:
.L_overlay_start_2:
0x45: {  	(tag) =	ssettag $0x2  }
0x46: {  	s0 =	rddreg [dreg:$0x0];
	s2 =	stileid.u32  }
0x47: {  	s1 =	rddreg [dreg:$0x1];
	p0 =	sne.s32 s2, $0x0  }
0x48: {  	s3 =	rddreg [dreg:$0x2];
	[bflag:$0x3] =	sbarrier.arrive $0xFFFF;
	s2 =	simm.s32 @!p0 $0x1C01  }
0x49: {  	[timem:s3], [sflag:s2] =	dma.local @!p0 [hbm:s0], s1  }
0x4a: {  	s0 =	simm.s32 @!p0 $0x1  }
0x4b: {  	_ =	swait.ge @!p0 [sflag:s0], s1  }
0x4c: {  	s1 =	ssub.s32 @!p0 $0x0, s1;
	[sflag:s0] =	ssyncset.done @!p0 $0x0  }
0x4d: {  	[sflag:s0] =	ssyncadd.s32 @!p0 s1  }
0x4e: {  	[bflag:$0x3] =	sbarrier.arrive $0xFFFF  }
0x4f: {  	_ =	shalt  }

// kernel: kernel.14.cloned.1.call-start
scs
__scs_entry_jumppad:
0x0: {  	(pc) =	sbr.rel $0x88, $3  }
0x1: {  	(tag) =	ssettag $0x0;
	lr =	simm.s32 $0x1  }
0x2: {  	[smem:$0x3F97] =	sst lr;
	_ =	strace $0xD0000000  }
0x3: {  	_ = 	snop  }
0x4: {  	_ = 	snop  }
0x5: {  	_ = 	snop  }
0x6: {  	_ = 	snop  }
0x7: {  	_ = 	snop  }
__scs_overlays_trampoline_lowered:
0x8: {  	[smem:$0x3FA6] =	sst s0  }
0x9: {  	[smem:$0x3FA7] =	sst s1  }
0xa: {  	[smem:$0x3FA8] =	sst s2  }
0xb: {  	[smem:$0x3FA9] =	sst s3  }
0xc: {  	[smem:$0x3FAA] =	sst s4  }
0xd: {  	[smem:$0x3FAB] =	sst s5  }
0xe: {  	[smem:$0x3FAC] =	sst s6  }
0xf: {  	[smem:$0x3FAD] =	sst s7  }
0x10: {  	[smem:$0x3FAE] =	sst s8  }
0x11: {  	[smem:$0x3FAF] =	sst s9;
	s0 =	simm.s32 @!p0 $0x0  }
0x12: {  	s1 =	sld [smem:$0x3F95];
	s0 =	simm.s32 @p0 $0x1  }
0x13: {  	[smem:$0x3FB0] =	sst s0;
	s0 =	simm.s32 @!p1 $0x0  }
0x14: {  	s2 =	sld [smem:$0x3F94];
	s0 =	simm.s32 @p1 $0x1  }
0x15: {  	[smem:$0x3FB1] =	sst s0;
	s0 =	simm.s32 @!p2 $0x0  }
0x16: {  	s3 =	sld [smem:$0x3FDB];
	s0 =	simm.s32 @p2 $0x1  }
0x17: {  	s4 =	simm.s32 $0x1BF5;
	[smem:$0x3FB3] =	sst s0  }
0x18: {  	s0 =	sld [smem:$0x3F96];
	_ =	swait.ge [sflag:s4], $0x0  }
0x19: {  	s7 =	sld [smem:$0x3F97]  }
0x1a: {  	s8 =	sadd.s32 $0xFFFFE003, lr  }
0x1b: {  	s9 =	sadd.s32 $0xFFFFFEF7, lr;
	s5 =	simm.s32 $0xFFFFFFFF;
	p2 =	slt.u32 s8, $0xFFFFF086  }
0x1c: {  	p1 =	slt.u32 s9, $0xF7A;
	s5 =	simm.s32 @!p2 $0x0  }
0x1d: {  	s5 =	simm.s32 @p1 $0x1;
	p0 =	seq.s32 s7, s2  }
0x1e: {  	s7 =	smul.u32 @!p0 $0xF7A, s2;
	p2 =	seq.s32 @!p0 s5, $0x0  }
0x1f: {  	s9 =	smul.u32 $0xF7A, s1;
	s8 =	simm.s32 @!p0 $0x1BF5;
	p2 =	por !p2, p0  }
0x20: {  	[sflag:s8] =	ssyncset.s32 @!p0 $0xFFFFF086;
	s6 =	sadd.s32 @!p0 s3, s7;
	s7 =	simm.s32 @!p0 $0x108  }
0x21: {  	s3 =	sadd.s32 s3, s9;
	s6 =	sadd.s32 @!p0 $0x88, s6;
	s7 =	simm.s32 @p2 $0x1082  }
0x22: {  	[simem:s7], [sflag:s8] =	dma.local @!p0 [hbm:s6], $0xF7A  }
0x23: {  	s9 =	sor.u32 $0xD0000000, s2;
	s6 =	simm.s32 $0x108;
	_ =	swait.ge @!p0 [sflag:s8], $0x0  }
0x24: {  	s3 =	sadd.s32 $0x88, s3;
	s6 =	simm.s32 @!p1 $0x1082;
	[sflag:s4] =	ssyncset.s32 $0xFFFFF086  }
0x25: {  	[simem:s6], [sflag:s4] =	dma.local [hbm:s3], $0xF7A  }
0x26: {  	[smem:$0x3F97] =	sst s1;
	(tag) =	ssettag s2;
	_ =	strace s9  }
0x27: {  	s1 =	sld [smem:$0x3FA7]  }
0x28: {  	s2 =	sld [smem:$0x3FA8]  }
0x29: {  	s4 =	sld [smem:$0x3FAA]  }
0x2a: {  	p0 =	seq.s32 s5, $0x0;
	s5 =	sld [smem:$0x3FAB]  }
0x2b: {  	s6 =	sld [smem:$0x3FAC]  }
0x2c: {  	s7 =	sld [smem:$0x3FAD]  }
0x2d: {  	s3 =	simm.s32 $0x108;
	s8 =	sld [smem:$0x3FAE]  }
0x2e: {  	s3 =	simm.s32 @!p0 $0x1082;
	s9 =	sld [smem:$0x3FAF]  }
0x2f: {  	lr =	sadd.s32 s0, s3;
	s0 =	sld [smem:$0x3FA6]  }
0x30: {  	s3 =	sld [smem:$0x3FA9]  }
0x31: {  	[smem:$0x3FB2] =	sst s10  }
0x32: {  	s10 =	sld [smem:$0x3FB0];
	_ =	sdelay $0x3  }
0x33: {  	p0 =	seq.s32 s10, $0x1;
	s10 =	sld [smem:$0x3FB2];
	_ =	sdelay $0x3  }
0x34: {  	[smem:$0x3FB2] =	sst s10  }
0x35: {  	s10 =	sld [smem:$0x3FB1];
	_ =	sdelay $0x3  }
0x36: {  	p1 =	seq.s32 s10, $0x1;
	s10 =	sld [smem:$0x3FB2];
	_ =	sdelay $0x3  }
0x37: {  	[smem:$0x3FB2] =	sst s10  }
0x38: {  	s10 =	sld [smem:$0x3FB3]  }
0x39: {  	_ = 	snop;
	(pc) =	sbr.ind lr, $3  }
0x3a: {  	_ = 	snop  }
0x3b: {  	_ = 	snop  }
0x3c: {  	p2 =	seq.s32 s10, $0x1;
	s10 =	sld [smem:$0x3FB2]  }
0x3d: {  	_ =	shalt  }
0x3e: {  	_ =	shalt  }
0x3f: {  	_ =	shalt  }
0x40: {  	_ =	shalt  }
0x41: {  	_ =	shalt  }
0x42: {  	_ =	shalt  }
0x43: {  	_ =	shalt  }
0x44: {  	_ =	shalt  }
0x45: {  	_ =	shalt  }
0x46: {  	_ =	shalt  }
0x47: {  	_ =	shalt  }
0x48: {  	_ =	shalt  }
0x49: {  	_ =	shalt  }
0x4a: {  	_ =	shalt  }
0x4b: {  	_ =	shalt  }
0x4c: {  	_ =	shalt  }
0x4d: {  	_ =	shalt  }
0x4e: {  	_ =	shalt  }
0x4f: {  	_ =	shalt  }
0x50: {  	_ =	shalt  }
0x51: {  	_ =	shalt  }
0x52: {  	_ =	shalt  }
0x53: {  	_ =	shalt  }
0x54: {  	_ =	shalt  }
0x55: {  	_ =	shalt  }
0x56: {  	_ =	shalt  }
0x57: {  	_ =	shalt  }
0x58: {  	_ =	shalt  }
0x59: {  	_ =	shalt  }
0x5a: {  	_ =	shalt  }
0x5b: {  	_ =	shalt  }
0x5c: {  	_ =	shalt  }
0x5d: {  	_ =	shalt  }
0x5e: {  	_ =	shalt  }
0x5f: {  	_ =	shalt  }
0x60: {  	_ =	shalt  }
0x61: {  	_ =	shalt  }
0x62: {  	_ =	shalt  }
0x63: {  	_ =	shalt  }
0x64: {  	_ =	shalt  }
0x65: {  	_ =	shalt  }
0x66: {  	_ =	shalt  }
0x67: {  	_ =	shalt  }
0x68: {  	_ =	shalt  }
0x69: {  	_ =	shalt  }
0x6a: {  	_ =	shalt  }
0x6b: {  	_ =	shalt  }
0x6c: {  	_ =	shalt  }
0x6d: {  	_ =	shalt  }
0x6e: {  	_ =	shalt  }
0x6f: {  	_ =	shalt  }
0x70: {  	_ =	shalt  }
0x71: {  	_ =	shalt  }
0x72: {  	_ =	shalt  }
0x73: {  	_ =	shalt  }
0x74: {  	_ =	shalt  }
0x75: {  	_ =	shalt  }
0x76: {  	_ =	shalt  }
0x77: {  	_ =	shalt  }
0x78: {  	_ =	shalt  }
0x79: {  	_ =	shalt  }
0x7a: {  	_ =	shalt  }
0x7b: {  	_ =	shalt  }
0x7c: {  	_ =	shalt  }
0x7d: {  	_ =	shalt  }
0x7e: {  	_ =	shalt  }
0x7f: {  	_ =	shalt  }
0x80: {  	_ =	shalt  }
0x81: {  	_ =	shalt  }
0x82: {  	_ =	shalt  }
0x83: {  	_ =	shalt  }
0x84: {  	_ =	shalt  }
0x85: {  	_ =	shalt  }
0x86: {  	_ =	shalt  }
0x87: {  	_ =	shalt  }
.Lfunc_end0:
.L_simem_size_0:
called_computation.1_lowered:
.L_overlay_start_0:
0x88: {  	s2 =	sld [smem:$0x3FD9]  }
0x89: {  	s3 =	sld [smem:$0x3FFE];
	_ =	sdelay $0x1  }
0x8a: {  	s1 =	srdreg.scid  }
0x8b: {  	s0 =	sand.u32 $0x1, s1  }
0x8c: {  	s17 =	sshll.u32 s0, $0xA;
	s2 =	sadd.s32 s3, s2  }
0x8d: {  	s2 =	sadd.s32 s2, s17  }
0x8e: {  	[smem:$0x3FBE] =	sst s2  }
0x8f: {  	_ = 	snop  }
0x90: {  	s2 =	sld [smem:$0x3FD0];
	(tm) =	ssettm $0x1  }
0x91: {  	s18 =	sld [smem:$0x3FFB];
	_ =	sdelay $0x3  }
0x92: {  	_ =	strace s18  }
0x93: {  	s3 =	sld [smem:$0x3FFC];
	_ =	sdelay $0x3  }
0x94: {  	_ =	strace s3  }
0x95: {  	s3 =	sld [smem:$0x3FFD];
	_ =	sdelay $0x3  }
0x96: {  	_ =	strace s3  }
0x97: {  	_ =	strace $0x8FFFFFFF  }
0x98: {  	s19 =	sld [smem:$0x3FDB];
	_ =	sdelay $0x1  }
0x99: {  	s4 =	simm.s32 $_scs_section_size  }
0x9a: {  	s5 =	simm.s32 $_size__tile_overlayer_lowered;
	s6 =	simm.s32 $_tile_overlayer_lowered  }
0x9b: {  	s22 =	simm.s32 $0x1BFF;
	s21 =	sshll.u32 s6, $0x1;
	s3 =	sadd.s32 s4, s19  }
0x9c: {  	s7 =	simm.s32 $0x0;
	s20 =	sshll.u32 s5, $0x1;
	s5 =	sadd.s32 s21, s3  }
0x9d: {  	[timem:s7], [sflag:s22] =	dma.local [hbm:s5], s20  }
0x9e: {  	_ =	swait.ge [sflag:s22], s20  }
0x9f: {  	s4 =	ssub.s32 $0x0, s20;
	[sflag:s22] =	ssyncset.done $0x0  }
0xa0: {  	[sflag:s22] =	ssyncadd.s32 s4;
	_ =	sdelay $0x1  }
0xa1: {  	s23 =	simm.s32 $0x1B8B  }
0xa2: {  	_ =	swait.ge [sflag:s23], $0x1  }
0xa3: {  	[sflag:s23] =	ssyncset.done $0x0  }
0xa4: {  	s25 =	simm.s32 $0x1B8E;
	s24 =	sld [smem:$0x3FFE];
	[sflag:s23] =	ssyncadd.s32 $0xFFFFFFFF  }
0xa5: {  	s26 =	simm.s32 $execute0_lowered;
	[smem:$0x3FD2] =	sst s25  }
0xa6: {  	s5 =	sshll.u32 s26, $0x1;
	_ =	strace $0x80000049;
	[dreg:$0x1] =	wrdreg $0xFFFFFFFF  }
0xa7: {  	s28 =	simm.s32 $_size_execute0_lowered;
	s3 =	sadd.s32 s3, s5;
	[dreg:$0x0] =	wrdreg $0x0  }
0xa8: {  	s5 =	sshll.u32 s28, $0x1;
	[dreg:$0x2] =	wrdreg s3  }
0xa9: {  	[dreg:$0x3] =	wrdreg s5  }
0xaa: {  	[dreg:$0x4] =	wrdreg $0xC0  }
0xab: {  	_ =	task [dreg:s7], $0x5FFFF  }
0xac: {  	[dreg:$0x1] =	wrdreg $0xFFFFFFFF  }
0xad: {  	[dreg:$0x0] =	wrdreg $0x60  }
0xae: {  	[dreg:$0x2] =	wrdreg s24  }
0xaf: {  	[dreg:$0x3] =	wrdreg s2  }
0xb0: {  	[dreg:$0x4] =	wrdreg $0x0  }
0xb1: {  	[dreg:$0x5] =	wrdreg $0x28000  }
0xb2: {  	[dreg:$0x6] =	wrdreg $0x9  }
0xb3: {  	_ =	task.clear_ibuf [dreg:s7], $0x7FFFF;
	_ =	strace $0x90000049  }
0xb4: {  	s29 =	simm.s32 $0x9;
	_ =	strace $0x8000004B  }
0xb5: {  	_ =	swait.ge [sflag:s29], $0x1  }
0xb6: {  	[sflag:s29] =	ssyncadd.s32 $0xFFFFFFFF  }
0xb7: {  	_ =	strace $0x9000004B  }
0xb8: {  	_ =	sfence  }
0xb9: {  	s30 =	sld [smem:$0x0];
	_ =	sdelay $0x2  }
0xba: {  	s31 =	sshll.u32 s1, $0xD;
	s1 =	sshrl.u32 s1, $0x2  }
0xbb: {  	s3 =	sand.u32 $0x4000, s31;
	s1 =	sadd.s32 s1, s30  }
0xbc: {  	s0 =	sor.u32 s3, s0;
	s1 =	sshll.u32 s1, $0x11  }
0xbd: {  	s0 =	sor.u32 s1, s0  }
0xbe: {  	s0 =	sadd.s32 $0x8F2B, s0  }
0xbf: {  	[sflag:s0] =	ssyncadd.remote.s32 $0x1  }
0xc0: {  	_ =	sfence.sel $0xFFFF  }
0xc1: {  	[dreg:$0x0] =	wrdreg $0xFFFFFFFF;
	(pc) =	sbr.abs _section_cstart, $3  }
0xc2: {  	[dreg:$0x1] =	wrdreg $0xFFFFFFFF  }
0xc3: {  	_ =	task.clear_ibuf [dreg:s7], $0x2FFFF;
	_ =	strace $0x9FFFFFFF  }
0xc4: {  	(tm) =	ssettm $0x7FFFFFFF  }
0xc5: {  	_ =	shalt  }
tec
execute0_lowered:
.L_overlay_start_1:
0x0: {  	(tag) =	ssettag $0x1  }
0x1: {  	s4 =	rddreg [dreg:$0x0]  }
0x2: {  	s2 =	rddreg [dreg:$0x2]  }
0x3: {  	s3 =	rddreg [dreg:$0x3];
	s5 =	simm.s32 $0x0;
	s0 =	srdreg.scid  }
0x4: {  	s21 =	stileid.u32;
	[smem:$0x7FF] =	sst s5  }
0x5: {  	s8 =	sand.u32 $0x1, s0;
	s9 =	smul.u32 $0xA000, s21;
	s12 =	sadd.s32 $0x2C00, s4  }
0x6: {  	s28 =	sadd.s32 $0x156800, s4;
	s0 =	sshllo.u32 s8, $0x2;
	s17 =	smul.u32 $0x280000, s8  }
0x7: {  	s1 =	ssub.s32 $0x2, s8;
	s6 =	sshll.u32 s8, $0x2;
	s8 =	smul.u32 $0xA000, s8  }
0x8: {  	_ =	strace $0x8000004A;
	s15 =	smul.u32 $0xA0000, s0;
	s7 =	sshrl.u32 s1, $0x1  }
0x9: {  	s13 =	sadd.s32 $0x4000, s9;
	s14 =	sadd.s32 $0x6000, s9;
	s10 =	ssub.s32 s1, s7  }
0xa: {  	s7 =	sor.u32 $0x1, s6;
	s11 =	sadd.s32 s17, s9;
	s16 =	sadd.s32 s17, s13  }
0xb: {  	s25 =	sadd.s32 s17, s14;
	s20 =	sadd.s32 s15, s9;
	s18 =	smul.u32 $0xA0000, s7  }
0xc: {  	s22 =	sshrl.u32 s11, $0x3;
	s11 =	sadd.s32 $0x2000, s9;
	s24 =	sshrl.u32 s16, $0x3  }
0xd: {  	s26 =	sshrl.u32 s25, $0x3;
	s16 =	sadd.s32 $0x8000, s9;
	s10 =	smax.u32 s10, $0x1  }
0xe: {  	s1 =	sshrl.u32 s20, $0x3;
	s23 =	sadd.s32 s17, s11;
	s29 =	sadd.s32 s17, s16  }
0xf: {  	[dreg:$0x1d] =	wrdreg s10;
	s1 =	sadd.s32 s12, s1;
	s30 =	sadd.s32 s18, s9  }
0x10: {  	s19 =	sadd.s32 s18, s11;
	s20 =	sadd.s32 s18, s13;
	[dreg:$0x5] =	wrdreg s1  }
0x11: {  	s1 =	sadd.s32 s12, s22;
	s17 =	sshrl.u32 s30, $0x3;
	s19 =	sshrl.u32 s19, $0x3  }
0x12: {  	[dreg:$0x6] =	wrdreg s1;
	s1 =	sshrl.u32 s23, $0x3;
	s17 =	sadd.s32 s12, s17  }
0x13: {  	s1 =	sadd.s32 s12, s1;
	[dreg:$0xb] =	wrdreg s17;
	s17 =	sshrl.u32 s20, $0x3  }
0x14: {  	s20 =	sadd.s32 s18, s14;
	[dreg:$0x7] =	wrdreg s1;
	s1 =	sadd.s32 s12, s24  }
0x15: {  	s18 =	sadd.s32 s18, s16;
	[dreg:$0x8] =	wrdreg s1;
	s1 =	sadd.s32 s12, s26  }
0x16: {  	s17 =	sadd.s32 s12, s17;
	[dreg:$0x9] =	wrdreg s1;
	s1 =	sshrl.u32 s29, $0x3  }
0x17: {  	s22 =	sshrl.u32 s20, $0x3;
	[dreg:$0xd] =	wrdreg s17;
	s1 =	sadd.s32 s12, s1  }
0x18: {  	s23 =	sshrl.u32 s18, $0x3;
	[dreg:$0xa] =	wrdreg s1;
	s1 =	sadd.s32 s12, s19  }
0x19: {  	s17 =	sadd.s32 s12, s22;
	[dreg:$0xc] =	wrdreg s1;
	s1 =	sor.u32 $0x2, s6  }
0x1a: {  	[dreg:$0xe] =	wrdreg s17;
	s17 =	sadd.s32 s12, s23;
	s19 =	smul.u32 $0xA0000, s1  }
0x1b: {  	s31 =	sadd.s32 $0x2800, s4;
	v10 =	vmov s8;
	s8 =	simm.s32 $0x19A00;
	[dreg:$0xf] =	wrdreg s17  }
0x1c: {  	s24 =	sadd.s32 s19, s9;
	s26 =	sadd.s32 s19, s11;
	s30 =	sadd.s32 s19, s13  }
0x1d: {  	s22 =	sadd.s32 s19, s14;
	s25 =	sshrl.u32 s24, $0x3;
	s29 =	sshrl.u32 s26, $0x3  }
0x1e: {  	s20 =	sshrl.u32 s30, $0x3;
	s23 =	sshrl.u32 s22, $0x3;
	s24 =	sadd.s32 s19, s16  }
0x1f: {  	s26 =	sadd.s32 s15, s11;
	s30 =	sadd.s32 s15, s13;
	s19 =	sadd.s32 s15, s14  }
0x20: {  	s15 =	sadd.s32 s15, s16;
	s22 =	smul.u32 $0x28000, s21;
	s11 =	sadd.s32 s11, s3  }
0x21: {  	s17 =	sadd.s32 s12, s25;
	s25 =	sshrl.u32 s24, $0x3;
	[dreg:$0x1f] =	wrdreg s11  }
0x22: {  	s18 =	sshrl.u32 s30, $0x3;
	s24 =	sadd.s32 $0x2600, s4;
	[dreg:$0x10] =	wrdreg s17  }
0x23: {  	s17 =	sadd.s32 s12, s29;
	s29 =	sshrl.u32 s26, $0x3;
	[dreg:$0x1a] =	wrdreg s24  }
0x24: {  	s26 =	sshrl.u32 s9, $0x2;
	s9 =	sadd.s32 s9, s3;
	[dreg:$0x11] =	wrdreg s17  }
0x25: {  	s15 =	sshrl.u32 s15, $0x3;
	s17 =	sadd.s32 s12, s20;
	[dreg:$0x1e] =	wrdreg s9  }
0x26: {  	s20 =	sshrl.u32 s19, $0x3;
	s19 =	sadd.s32 s16, s3;
	[dreg:$0x12] =	wrdreg s17  }
0x27: {  	s30 =	sadd.s32 s26, s2;
	s17 =	sadd.s32 s12, s23;
	[smem:$0x7F5] =	sst s19  }
0x28: {  	s23 =	sadd.s32 $0x14C600, s4;
	s24 =	sadd.s32 $0x1800, s30;
	[dreg:$0x1b] =	wrdreg s30  }
0x29: {  	s26 =	sadd.s32 $0x2000, s30;
	[dreg:$0x13] =	wrdreg s17;
	s17 =	sadd.s32 s12, s25  }
0x2a: {  	s25 =	sadd.s32 $0x1F8800, s4;
	[dreg:$0x19] =	wrdreg s23;
	s23 =	sadd.s32 $0x1000, s30  }
0x2b: {  	[dreg:$0x14] =	wrdreg s17;
	s17 =	sadd.s32 s12, s29;
	s29 =	sshll.u32 s21, $0x6  }
0x2c: {  	s9 =	sshrl.u32 s23, $0x3;
	s23 =	smul.u32 $0x2800, s7;
	[dreg:$0x15] =	wrdreg s17  }
0x2d: {  	v15 =	vmov s7;
	s7 =	simm.s32 $0x16A00;
	s17 =	sadd.s32 s12, s18;
	[smem:$0x7F7] =	sst s9  }
0x2e: {  	s4 =	sor.u32 $0x1C01, s29;
	s29 =	sshrl.u32 s24, $0x3;
	[dreg:$0x16] =	wrdreg s17  }
0x2f: {  	s9 =	simm.s32 $0x17A00;
	s17 =	sadd.s32 s12, s20;
	[smem:$0x7F8] =	sst s29  }
0x30: {  	s12 =	sadd.s32 s12, s15;
	s15 =	sadd.s32 s14, s3;
	[dreg:$0x17] =	wrdreg s17  }
0x31: {  	s20 =	sadd.s32 $0x800, s30;
	s14 =	smul.u32 $0xA2, s21;
	[dreg:$0x18] =	wrdreg s12  }
0x32: {  	s30 =	sshrl.u32 s26, $0x3;
	v11 =	vmov s23;
	s23 =	simm.s32 $0x80;
	[smem:$0x7F4] =	sst s15  }
0x33: {  	s12 =	sshrl.u32 s22, $0x2;
	s22 =	sshrl.u32 s20, $0x3;
	[smem:$0x7F9] =	sst s30  }
0x34: {  	v17 =	vmov s1;
	s20 =	smul.u32 $0x2800, s1;
	s1 =	simm.s32 $0x0;
	s18 =	sadd.s32 s12, s3  }
0x35: {  	s12 =	sadd.s32 s13, s3;
	s13 =	smul.u32 $0xA200, s21;
	[smem:$0x7F6] =	sst s22  }
0x36: {  	s10 =	sadd.s32 $0x10, s14;
	s11 =	sadd.s32 $0x20, s14;
	s15 =	sadd.s32 $0x40, s14  }
0x37: {  	v14 =	vmov s6;
	v18 =	vmov s0;
	s16 =	sadd.s32 $0x50, s14;
	s17 =	sadd.s32 $0x60, s14;
	s21 =	sadd.s32 $0x70, s14  }
0x38: {  	v16 =	vlaneseq.u32;
	v14 =	vbroadcast v14, $0x0;
	v18 =	vbroadcast v18, $0x0;
	s22 =	sadd.s32 $0x80, s14;
	s19 =	sadd.s32 $0xA0, s14;
	[smem:$0x7F3] =	sst s12  }
0x39: {  	v15 =	vbroadcast v15, $0x0;
	v17 =	vbroadcast v17, $0x0;
	v3 =	vadd.s32 s15, v16;
	s15 =	sadd.s32 $0x90, s14;
	s24 =	sadd.s32 $0x2000, s18;
	[dreg:$0x1c] =	wrdreg s18  }
0x3a: {  	v0 =	vadd.s32 s10, v16;
	v1 =	vadd.s32 s11, v16;
	v6 =	vadd.s32 s21, v16;
	s21 =	smul.u32 $0x2800, s0;
	s26 =	sadd.s32 $0x4000, s18;
	[smem:$0x7FA] =	sst s24  }
0x3b: {  	v4 =	vadd.s32 s16, v16;
	v5 =	vadd.s32 s17, v16;
	v7 =	vadd.s32 s22, v16;
	s29 =	sadd.s32 $0x6000, s18;
	s30 =	sadd.s32 $0x8000, s18;
	[smem:$0x7FB] =	sst s26  }
0x3c: {  	v9 =	vadd.s32 s19, v16;
	v12 =	vmov s20;
	s12 =	sadd.s32 s13, s28;
	s13 =	sadd.s32 $0x30, s14;
	v8 =	vadd.s32 s15, v16;
	[smem:$0x7FC] =	sst s29  }
0x3d: {  	s22 =	simm.s32 $0x1;
	s10 =	simm.s32 $0x17200;
	[smem:$0x7FD] =	sst s30;
	v2 =	vadd.s32 s13, v16;
	v13 =	vmov s21;
	v16 =	vadd.s32 s14, v16  }
.LBB2_1:
0x3e: {  	[smem:$0x7F2] =	sst s1  }
0x3f: {  	s0 =	rddreg [dreg:$0x1b]  }
0x40: {  	s13 =	rddreg [dreg:$0x1a];
	s0 =	sshrl.u32 s0, $0x3  }
0x41: {  	[spmem:s0], [sflag:s4] =	dma.local [hbm:s13], $0x100  }
0x42: {  	_ =	swait.ge [sflag:s22], $0x100  }
0x43: {  	s15 =	sld [smem:$0x7F6]  }
0x44: {  	[sflag:s22] =	ssyncset.done $0x0  }
0x45: {  	[sflag:s22] =	ssyncadd.s32 $0xFFFFFF00  }
0x46: {  	[spmem:s15], [sflag:s4] =	dma.local [hbm:s13], $0x100  }
0x47: {  	_ =	swait.ge [sflag:s22], $0x100  }
0x48: {  	s16 =	sld [smem:$0x7F7]  }
0x49: {  	[sflag:s22] =	ssyncset.done $0x0  }
0x4a: {  	[sflag:s22] =	ssyncadd.s32 $0xFFFFFF00  }
0x4b: {  	[spmem:s16], [sflag:s4] =	dma.local [hbm:s13], $0x100  }
0x4c: {  	_ =	swait.ge [sflag:s22], $0x100  }
0x4d: {  	s17 =	sld [smem:$0x7F8]  }
0x4e: {  	[sflag:s22] =	ssyncset.done $0x0  }
0x4f: {  	[sflag:s22] =	ssyncadd.s32 $0xFFFFFF00  }
0x50: {  	[spmem:s17], [sflag:s4] =	dma.local [hbm:s13], $0x100  }
0x51: {  	_ =	swait.ge [sflag:s22], $0x100  }
0x52: {  	s18 =	sld [smem:$0x7F9]  }
0x53: {  	[sflag:s22] =	ssyncset.done $0x0  }
0x54: {  	[sflag:s22] =	ssyncadd.s32 $0xFFFFFF00  }
0x55: {  	[spmem:s18], [sflag:s4] =	dma.local [hbm:s13], $0x100  }
0x56: {  	_ =	swait.ge [sflag:s22], $0x100  }
0x57: {  	[sflag:s22] =	ssyncset.done $0x0  }
0x58: {  	[sflag:s22] =	ssyncadd.s32 $0xFFFFFF00  }
0x59: {  	[tilespmem:$0x19A80] =	vst v16  }
0x5a: {  	[tilespmem:$0x19A90] =	vst v0  }
0x5b: {  	[tilespmem:$0x19AA0] =	vst v1  }
0x5c: {  	[tilespmem:$0x19AB0] =	vst v2  }
0x5d: {  	[tilespmem:$0x19AC0] =	vst v3  }
0x5e: {  	[tilespmem:$0x19AD0] =	vst v4  }
0x5f: {  	[tilespmem:$0x19AE0] =	vst v5  }
0x60: {  	s6 =	simm.s32 $0x19A80;
	s20 =	simm.s32 $0xC800;
	s19 =	rddreg [dreg:$0x19];
	[tilespmem:$0x19AF0] =	vst v6  }
0x61: {  	[tilespmem:s20], [sflag:$0x1] =	stream.indirect.gather [hbm4b:s19+s23], $0x80, s6, s23, $0xb8;
	[tilespmem:$0x19B30] =	vst v63  }
0x62: {  	_ =	swait.ge [sflag:s22], $0x4000  }
0x63: {  	[sflag:s22] =	ssyncset.done $0x0  }
0x64: {  	[sflag:s22] =	ssyncadd.s32 $0xFFFFC000  }
0x65: {  	[tilespmem:$0x19B00] =	vst v7  }
0x66: {  	[tilespmem:$0x19B10] =	vst v8  }
0x67: {  	s11 =	simm.s32 $0x22;
	s21 =	simm.s32 $0x10800;
	s13 =	simm.s32 $0x19B00;
	[tilespmem:$0x19B20] =	vst v9  }
0x68: {  	[tilespmem:s21], [sflag:$0x1] =	stream.indirect.gather [hbm4b:s19+s11], $0x80, s13, s11, $0xb8;
	[tilespmem:$0x19B30] =	vst v63  }
0x69: {  	_ =	swait.ge [sflag:s22], $0x1100  }
0x6a: {  	[sflag:s22] =	ssyncset.done $0x0  }
0x6b: {  	[sflag:s22] =	ssyncadd.s32 $0xFFFFEF00  }
0x6c: {  	[tilespmem:$0x19A80] =	vst v16  }
0x6d: {  	[tilespmem:$0x19A90] =	vst v0  }
0x6e: {  	[tilespmem:$0x19AA0] =	vst v1  }
0x6f: {  	[tilespmem:$0x19AB0] =	vst v2  }
0x70: {  	[tilespmem:$0x19AC0] =	vst v3  }
0x71: {  	[tilespmem:$0x19AD0] =	vst v4  }
0x72: {  	[tilespmem:$0x19AE0] =	vst v5  }
0x73: {  	s24 =	simm.s32 $0x11900;
	[tilespmem:$0x19AF0] =	vst v6;
	s26 =	rddreg [dreg:$0x1]  }
0x74: {  	[tilespmem:s24], [sflag:$0x1] =	stream.indirect.gather [hbm4b:s26+s23], $0x80, s6, s23, $0xb8;
	[tilespmem:$0x19B30] =	vst v63  }
0x75: {  	_ =	swait.ge [sflag:s22], $0x4000  }
0x76: {  	[sflag:s22] =	ssyncset.done $0x0  }
0x77: {  	[sflag:s22] =	ssyncadd.s32 $0xFFFFC000  }
0x78: {  	[tilespmem:$0x19B00] =	vst v7  }
0x79: {  	[tilespmem:$0x19B10] =	vst v8  }
0x7a: {  	s29 =	simm.s32 $0x15900;
	[tilespmem:$0x19B20] =	vst v9  }
0x7b: {  	[tilespmem:s29], [sflag:$0x1] =	stream.indirect.gather [hbm4b:s26+s11], $0x80, s13, s11, $0xb8;
	[tilespmem:$0x19B30] =	vst v63  }
0x7c: {  	_ =	swait.ge [sflag:s22], $0x1100  }
0x7d: {  	[sflag:s22] =	ssyncset.done $0x0  }
0x7e: {  	[sflag:s22] =	ssyncadd.s32 $0xFFFFEF00  }
0x7f: {  	s30 =	sadd.s32 $0x0, s12;
	[bflag:$0x0] =	sbarrier.arrive $0xFFFF  }
0x80: {  	[tilespmem:s7], [sflag:$0x1] =	stream.linear.gather [hbm4b:s30+s5], $0x800, $0x38;
	[tilespmem:$0x19B30] =	vst v63  }
0x81: {  	_ =	swait.ge [sflag:s22], $0x800  }
0x82: {  	[sflag:s22] =	ssyncset.done $0x0  }
0x83: {  	[sflag:s22] =	ssyncadd.s32 $0xFFFFF800  }
0x84: {  	[spmem:s2] =	stream.indirect.scatter.add.f32 [tilespmem:s7], [sflag:$0x1], $0x10, s24, s23, $0xb8;
	[tilespmem:$0x19B30] =	vst v63  }
0x85: {  	s1 =	simm.s32 $0x100;
	_ =	swait.ge [sflag:s22], $0x800  }
0x86: {  	s0 =	simm.s32 $0x11980;
	s6 =	simm.s32 $0x200;
	[sflag:s22] =	ssyncset.done $0x0  }
.LBB2_2:
0x87: {  	s11 =	sadd.s32 s1, s12  }
0x88: {  	[sflag:s22] =	ssyncadd.s32 $0xFFFFF800;
	s1 =	smov.u32 s6;
	s13 =	sadd.s32 $0x100, s6  }
0x89: {  	[tilespmem:s7], [sflag:$0x1] =	stream.linear.gather [hbm4b:s11+s5], $0x800, $0x38;
	[tilespmem:$0x19B30] =	vst v63  }
0x8a: {  	p0 =	sne.s32 s6, $0xA100;
	_ =	swait.ge [sflag:s22], $0x800  }
.Ltmp0:
0x8b: {  	[sflag:s22] =	ssyncset.done $0x0;
	(pc) =	sbr.rel @p0 .LBB2_2-.Ltmp0, $4  }
0x8c: {  	[sflag:s22] =	ssyncadd.s32 $0xFFFFF800  }
0x8d: {  	[spmem:s2] =	stream.indirect.scatter.add.f32 [tilespmem:s7], [sflag:$0x1], $0x10, s0, s23, $0xb8;
	[tilespmem:$0x19B30] =	vst v63  }
0x8e: {  	_ =	swait.ge [sflag:s22], $0x800  }
0x8f: {  	s6 =	smov.u32 s13;
	s0 =	sadd.s32 $0x80, s0;
	[sflag:s22] =	ssyncset.done $0x0  }
0x90: {  	s1 =	sadd.s32 s1, s12;
	[sflag:s22] =	ssyncadd.s32 $0xFFFFF800  }
0x91: {  	[tilespmem:s7], [sflag:$0x1] =	stream.linear.gather [hbm4b:s1+s5], $0x800, $0x38;
	[tilespmem:$0x19B30] =	vst v63  }
0x92: {  	_ =	swait.ge [sflag:s22], $0x800  }
0x93: {  	[sflag:s22] =	ssyncset.done $0x0  }
0x94: {  	[sflag:s22] =	ssyncadd.s32 $0xFFFFF800  }
0x95: {  	[spmem:s2] =	stream.indirect.scatter.add.f32 [tilespmem:s7], [sflag:$0x1], $0x10, s0, s23, $0xb8;
	[tilespmem:$0x19B30] =	vst v63  }
0x96: {  	_ =	swait.ge [sflag:s22], $0x800  }
0x97: {  	[sflag:s22] =	ssyncset.done $0x0  }
0x98: {  	[sflag:s22] =	ssyncadd.s32 $0xFFFFF800  }
0x99: {  	[bflag:$0x0] =	sbarrier.arrive $0xFFFF  }
0x9a: {  	s21 =	rddreg [dreg:$0x1c]  }
0x9b: {  	s13 =	sshrl.u32 s21, $0x3  }
0x9c: {  	[spmem:s13], [sflag:s4] =	dma.local [hbm:s31], $0x400  }
0x9d: {  	_ =	swait.ge [sflag:s22], $0x400  }
0x9e: {  	s24 =	sld [smem:$0x7FA];
	_ =	sdelay $0x1  }
0x9f: {  	[sflag:s22] =	ssyncset.done $0x0  }
0xa0: {  	[sflag:s22] =	ssyncadd.s32 $0xFFFFFC00;
	s15 =	sshrl.u32 s24, $0x3  }
0xa1: {  	[spmem:s15], [sflag:s4] =	dma.local [hbm:s31], $0x400  }
0xa2: {  	_ =	swait.ge [sflag:s22], $0x400  }
0xa3: {  	s26 =	sld [smem:$0x7FB];
	_ =	sdelay $0x1  }
0xa4: {  	[sflag:s22] =	ssyncset.done $0x0  }
0xa5: {  	[sflag:s22] =	ssyncadd.s32 $0xFFFFFC00;
	s16 =	sshrl.u32 s26, $0x3  }
0xa6: {  	[spmem:s16], [sflag:s4] =	dma.local [hbm:s31], $0x400  }
0xa7: {  	_ =	swait.ge [sflag:s22], $0x400  }
0xa8: {  	s29 =	sld [smem:$0x7FC];
	_ =	sdelay $0x1  }
0xa9: {  	[sflag:s22] =	ssyncset.done $0x0  }
0xaa: {  	[sflag:s22] =	ssyncadd.s32 $0xFFFFFC00;
	s17 =	sshrl.u32 s29, $0x3  }
0xab: {  	[spmem:s17], [sflag:s4] =	dma.local [hbm:s31], $0x400  }
0xac: {  	_ =	swait.ge [sflag:s22], $0x400  }
0xad: {  	s30 =	sld [smem:$0x7FD];
	_ =	sdelay $0x1  }
0xae: {  	[sflag:s22] =	ssyncset.done $0x0  }
0xaf: {  	[sflag:s22] =	ssyncadd.s32 $0xFFFFFC00;
	s24 =	sshrl.u32 s30, $0x3  }
0xb0: {  	[spmem:s24], [sflag:s4] =	dma.local [hbm:s31], $0x400  }
0xb1: {  	_ =	swait.ge [sflag:s22], $0x400  }
0xb2: {  	[sflag:s22] =	ssyncset.done $0x0  }
0xb3: {  	[sflag:s22] =	ssyncadd.s32 $0xFFFFFC00  }
0xb4: {  	s6 =	simm.s32 $0x0;
	s18 =	simm.s32 $0x0;
	[bflag:$0x0] =	sbarrier.arrive $0xFFFF  }
.LBB2_4:
0xb5: {  	s0 =	sshll.u32 s18, $0x7  }
0xb6: {  	s0 =	sand.u32 $0x3FFFFF80, s0  }
0xb7: {  	v19 =	vld [tilespmem:s0+$0xC800];
	_ =	sdelay $0x4  }
0xb8: {  	v19 =	vadd.s32 v10, v19  }
0xb9: {  	[tilespmem:$0x19A00] =	vst v19  }
0xba: {  	v19 =	vld [tilespmem:s0+$0xC810];
	_ =	sdelay $0x4  }
0xbb: {  	v19 =	vadd.s32 v10, v19  }
0xbc: {  	[tilespmem:$0x19A10] =	vst v19  }
0xbd: {  	v19 =	vld [tilespmem:s0+$0xC820];
	_ =	sdelay $0x4  }
0xbe: {  	v19 =	vadd.s32 v10, v19  }
0xbf: {  	[tilespmem:$0x19A20] =	vst v19  }
0xc0: {  	v19 =	vld [tilespmem:s0+$0xC830];
	_ =	sdelay $0x4  }
0xc1: {  	v19 =	vadd.s32 v10, v19  }
0xc2: {  	[tilespmem:$0x19A30] =	vst v19  }
0xc3: {  	v19 =	vld [tilespmem:s0+$0xC840];
	_ =	sdelay $0x4  }
0xc4: {  	v19 =	vadd.s32 v10, v19  }
0xc5: {  	[tilespmem:$0x19A40] =	vst v19  }
0xc6: {  	v19 =	vld [tilespmem:s0+$0xC850];
	_ =	sdelay $0x4  }
0xc7: {  	v19 =	vadd.s32 v10, v19  }
0xc8: {  	[tilespmem:$0x19A50] =	vst v19  }
0xc9: {  	v19 =	vld [tilespmem:s0+$0xC860];
	_ =	sdelay $0x4  }
0xca: {  	v19 =	vadd.s32 v10, v19  }
0xcb: {  	[tilespmem:$0x19A60] =	vst v19  }
0xcc: {  	v19 =	vld [tilespmem:s0+$0xC870];
	_ =	sdelay $0x4  }
0xcd: {  	v19 =	vadd.s32 v10, v19  }
0xce: {  	[tilespmem:$0x19A70] =	vst v19  }
0xcf: {  	[tilespmem:s9], [sflag:$0x1] =	stream.indirect.gather [hbm4b:s25+s23], $0x40, s8, s23, $0xb8;
	[tilespmem:$0x19B30] =	vst v63  }
0xd0: {  	s1 =	sadd.s32 s14, s18;
	_ =	swait.ge [sflag:s22], $0x2000  }
0xd1: {  	s1 =	sshll.u32 s1, $0x8;
	[sflag:s22] =	ssyncset.done $0x0  }
0xd2: {  	s1 =	sadd.s32 s28, s1;
	[sflag:s22] =	ssyncadd.s32 $0xFFFFE000  }
0xd3: {  	[tilespmem:s7], [sflag:$0x1] =	stream.linear.gather [hbm4b:s1+s6], $0x800, $0x38;
	[tilespmem:$0x19B30] =	vst v63  }
0xd4: {  	_ =	swait.ge [sflag:s22], $0x800  }
0xd5: {  	[sflag:s22] =	ssyncset.done $0x0  }
0xd6: {  	s0 =	sadd.s32 $0x11900, s0;
	[sflag:s22] =	ssyncadd.s32 $0xFFFFF800  }
0xd7: {  	[tilespmem:s10], [sflag:$0x1] =	stream.indirect.gather [spmem:s2], $0x10, s0, s23, $0xb8;
	[tilespmem:$0x19B30] =	vst v63  }
0xd8: {  	_ =	swait.ge [sflag:s22], $0x800  }
0xd9: {  	[sflag:s22] =	ssyncset.done $0x0  }
0xda: {  	s30 =	simm.s32 $0x0;
	[sflag:s22] =	ssyncadd.s32 $0xFFFFF800  }
0xdb: {  	v19 =	vld [tilespmem:s30+$0x17200];
	_ =	sdelay $0x4  }
0xdc: {  	v19 =	vadd.f32 $1.000000020e-16, v19;
	_ =	sdelay $0x1  }
0xdd: {  	(erf) = vrcp.f32 v19;
	_ =	sdelay $0x8  }
0xde: {  	v20 =	vpop (erf)  }
0xdf: {  	v19 =	vmul.f32 v20, v19  }
0xe0: {  	v21 =	vld [tilespmem:s30+$0x16A00]  }
0xe1: {  	v19 =	vsub.f32 $2.000000000e+00, v19;
	_ =	sdelay $0x1  }
0xe2: {  	s1 =	simm.s32 $0x17A20;
	v19 =	vmul.f32 v19, v20  }
0xe3: {  	v20 =	vld [tilespmem:s1+$0xFFFFFFE0]  }
0xe4: {  	v22 =	vld [tilespmem:s1+$0xFFFFFFF0];
	v19 =	vmul.f32 v19, v21  }
0xe5: {  	v63 =	vld [tilespmem:s1+$0x0]  }
0xe6: {  	v23 =	vld [tilespmem:s1+$0x10];
	v19 =	vperm.xlane v19, v14;
	_ =	sdelay $0x1  }
0xe7: {  	v20 =	vmul.f32 v20, v19  }
0xe8: {  	v22 =	vmul.f32 v22, v19  }
0xe9: {  	v21 =	vmul.f32 v63, v19;
	[tilespmem:s1+$0xFFFFFFE0] =	vst v20  }
0xea: {  	v19 =	vmul.f32 v23, v19;
	[tilespmem:s1+$0xFFFFFFF0] =	vst v22  }
0xeb: {  	[tilespmem:s1+$0x0] =	vst v21  }
0xec: {  	s20 =	simm.s32 $0x10;
	s19 =	simm.s32 $0x80;
	[tilespmem:s1+$0x10] =	vst v19  }
.LBB2_5:
0xed: {  	p0 =	sne.s32 s19, $0x1FC0;
	v19 =	vld [tilespmem:s20+$0x17200]  }
0xee: {  	v20 =	vld [tilespmem:s20+$0x16A00];
	_ =	sdelay $0x3  }
0xef: {  	v19 =	vadd.f32 $1.000000020e-16, v19;
	_ =	sdelay $0x1  }
0xf0: {  	(erf) = vrcp.f32 v19;
	_ =	sdelay $0x8  }
0xf1: {  	v21 =	vpop (erf)  }
0xf2: {  	v19 =	vmul.f32 v21, v19;
	_ =	sdelay $0x1  }
0xf3: {  	s1 =	sadd.s32 $0x40, s1;
	v19 =	vsub.f32 $2.000000000e+00, v19  }
0xf4: {  	v22 =	vld [tilespmem:s1+$0xFFFFFFF0]  }
0xf5: {  	v19 =	vmul.f32 v19, v21;
	v21 =	vld [tilespmem:s1+$0x10]  }
0xf6: {  	v23 =	vld [tilespmem:s1+$0xFFFFFFE0]  }
0xf7: {  	v19 =	vmul.f32 v19, v20;
	v20 =	vld [tilespmem:s1+$0x0];
	_ =	sdelay $0x1  }
0xf8: {  	v19 =	vperm.xlane v19, v14;
	_ =	sdelay $0x1  }
0xf9: {  	v23 =	vmul.f32 v23, v19;
	v22 =	vmul.f32 v22, v19  }
.Ltmp1:
0xfa: {  	v20 =	vmul.f32 v20, v19;
	v19 =	vmul.f32 v21, v19;
	(pc) =	sbr.rel @p0 .LBB2_5-.Ltmp1, $4  }
0xfb: {  	[tilespmem:s1+$0xFFFFFFE0] =	vst v23  }
0xfc: {  	[tilespmem:s1+$0xFFFFFFF0] =	vst v22  }
0xfd: {  	[tilespmem:s1+$0x0] =	vst v20  }
0xfe: {  	s20 =	sshra.s32 s19, $0x2;
	s19 =	sadd.s32 $0x40, s19;
	[tilespmem:s1+$0x10] =	vst v19  }
0xff: {  	v19 =	vld [tilespmem:s20+$0x17200];
	_ =	sdelay $0x4  }
0x100: {  	v19 =	vadd.f32 $1.000000020e-16, v19;
	_ =	sdelay $0x1  }
0x101: {  	(erf) = vrcp.f32 v19;
	_ =	sdelay $0x8  }
0x102: {  	v20 =	vpop (erf)  }
0x103: {  	v19 =	vmul.f32 v20, v19  }
0x104: {  	v21 =	vld [tilespmem:s20+$0x16A00]  }
0x105: {  	v19 =	vsub.f32 $2.000000000e+00, v19;
	_ =	sdelay $0x1  }
0x106: {  	s1 =	sadd.s32 $0x40, s1;
	v19 =	vmul.f32 v19, v20  }
0x107: {  	v20 =	vld [tilespmem:s1+$0xFFFFFFE0]  }
0x108: {  	v22 =	vld [tilespmem:s1+$0xFFFFFFF0];
	v19 =	vmul.f32 v19, v21  }
0x109: {  	v63 =	vld [tilespmem:s1+$0x0]  }
0x10a: {  	v23 =	vld [tilespmem:s1+$0x10];
	v19 =	vperm.xlane v19, v14;
	_ =	sdelay $0x1  }
0x10b: {  	v20 =	vmul.f32 v20, v19  }
0x10c: {  	v22 =	vmul.f32 v22, v19  }
0x10d: {  	v21 =	vmul.f32 v63, v19;
	[tilespmem:s1+$0xFFFFFFE0] =	vst v20  }
0x10e: {  	s18 =	sadd.s32 $0x1, s18;
	v19 =	vmul.f32 v23, v19;
	[tilespmem:s1+$0xFFFFFFF0] =	vst v22  }
0x10f: {  	p0 =	sne.s32 s18, $0xA2;
	[tilespmem:s1+$0x0] =	vst v21  }
.Ltmp2:
0x110: {  	[tilespmem:s1+$0x10] =	vst v19;
	(pc) =	sbr.rel @p0 .LBB2_4-.Ltmp2, $4  }
0x111: {  	[spmem:s3] =	stream.indirect.scatter.add.f32 [tilespmem:s9], [sflag:$0x1], $0x40, s0, s23, $0xb8;
	[tilespmem:$0x19B30] =	vst v63  }
0x112: {  	_ =	swait.ge [sflag:s22], $0x2000  }
0x113: {  	[sflag:s22] =	ssyncset.done $0x0  }
0x114: {  	[sflag:s22] =	ssyncadd.s32 $0xFFFFE000  }
0x115: {  	[bflag:$0x0] =	sbarrier.arrive $0xFFFF  }
0x116: {  	s0 =	rddreg [dreg:$0x1e]  }
0x117: {  	s29 =	rddreg [dreg:$0x6];
	s18 =	sshrl.u32 s0, $0x3  }
0x118: {  	[hbm:s29], [sflag:s4] =	dma.local [spmem:s18], $0x400  }
0x119: {  	_ =	swait.ge [sflag:s22], $0x400  }
0x11a: {  	[sflag:s22] =	ssyncset.done $0x0;
	s30 =	rddreg [dreg:$0x1f]  }
0x11b: {  	s1 =	rddreg [dreg:$0x7];
	[sflag:s22] =	ssyncadd.s32 $0xFFFFFC00;
	s19 =	sshrl.u32 s30, $0x3  }
0x11c: {  	[hbm:s1], [sflag:s4] =	dma.local [spmem:s19], $0x400  }
0x11d: {  	_ =	swait.ge [sflag:s22], $0x400  }
0x11e: {  	s6 =	sld [smem:$0x7F3];
	_ =	sdelay $0x1  }
0x11f: {  	[sflag:s22] =	ssyncset.done $0x0  }
0x120: {  	s11 =	rddreg [dreg:$0x8];
	[sflag:s22] =	ssyncadd.s32 $0xFFFFFC00;
	s26 =	sshrl.u32 s6, $0x3  }
0x121: {  	[hbm:s11], [sflag:s4] =	dma.local [spmem:s26], $0x400  }
0x122: {  	_ =	swait.ge [sflag:s22], $0x400  }
0x123: {  	s20 =	sld [smem:$0x7F4];
	_ =	sdelay $0x1  }
0x124: {  	[sflag:s22] =	ssyncset.done $0x0  }
0x125: {  	s21 =	rddreg [dreg:$0x9];
	[sflag:s22] =	ssyncadd.s32 $0xFFFFFC00;
	s6 =	sshrl.u32 s20, $0x3  }
0x126: {  	[hbm:s21], [sflag:s4] =	dma.local [spmem:s6], $0x400  }
0x127: {  	_ =	swait.ge [sflag:s22], $0x400  }
0x128: {  	s29 =	sld [smem:$0x7F5];
	_ =	sdelay $0x1  }
0x129: {  	[sflag:s22] =	ssyncset.done $0x0  }
0x12a: {  	s30 =	rddreg [dreg:$0xa];
	[sflag:s22] =	ssyncadd.s32 $0xFFFFFC00;
	s20 =	sshrl.u32 s29, $0x3  }
0x12b: {  	[hbm:s30], [sflag:s4] =	dma.local [spmem:s20], $0x400  }
0x12c: {  	_ =	swait.ge [sflag:s22], $0x400  }
0x12d: {  	[sflag:s22] =	ssyncset.done $0x0  }
0x12e: {  	[sflag:s22] =	ssyncadd.s32 $0xFFFFFC00  }
0x12f: {  	[bflag:$0x0] =	sbarrier.arrive $0xFFFF  }
0x130: {  	[spmem:s13], [sflag:s4] =	dma.local [hbm:s31], $0x400  }
0x131: {  	_ =	swait.ge [sflag:s22], $0x400  }
0x132: {  	[sflag:s22] =	ssyncset.done $0x0  }
0x133: {  	[sflag:s22] =	ssyncadd.s32 $0xFFFFFC00  }
0x134: {  	[spmem:s15], [sflag:s4] =	dma.local [hbm:s31], $0x400  }
0x135: {  	_ =	swait.ge [sflag:s22], $0x400  }
0x136: {  	[sflag:s22] =	ssyncset.done $0x0  }
0x137: {  	[sflag:s22] =	ssyncadd.s32 $0xFFFFFC00  }
0x138: {  	[spmem:s16], [sflag:s4] =	dma.local [hbm:s31], $0x400  }
0x139: {  	_ =	swait.ge [sflag:s22], $0x400  }
0x13a: {  	[sflag:s22] =	ssyncset.done $0x0  }
0x13b: {  	[sflag:s22] =	ssyncadd.s32 $0xFFFFFC00  }
0x13c: {  	[spmem:s17], [sflag:s4] =	dma.local [hbm:s31], $0x400  }
0x13d: {  	_ =	swait.ge [sflag:s22], $0x400  }
0x13e: {  	[sflag:s22] =	ssyncset.done $0x0  }
0x13f: {  	[sflag:s22] =	ssyncadd.s32 $0xFFFFFC00  }
0x140: {  	[spmem:s24], [sflag:s4] =	dma.local [hbm:s31], $0x400  }
0x141: {  	_ =	swait.ge [sflag:s22], $0x400  }
0x142: {  	[sflag:s22] =	ssyncset.done $0x0  }
0x143: {  	[sflag:s22] =	ssyncadd.s32 $0xFFFFFC00  }
0x144: {  	s0 =	simm.s32 $0x0;
	s21 =	simm.s32 $0x0;
	[bflag:$0x0] =	sbarrier.arrive $0xFFFF  }
.LBB2_8:
0x145: {  	s1 =	sshll.u32 s0, $0x7  }
0x146: {  	s1 =	sand.u32 $0x3FFFFF80, s1  }
0x147: {  	v19 =	vld [tilespmem:s1+$0xC800];
	_ =	sdelay $0x4  }
0x148: {  	v19 =	vadd.s32 v11, v19  }
0x149: {  	[tilespmem:$0x19A00] =	vst v19  }
0x14a: {  	v19 =	vld [tilespmem:s1+$0xC810];
	_ =	sdelay $0x4  }
0x14b: {  	v19 =	vadd.s32 v11, v19  }
0x14c: {  	[tilespmem:$0x19A10] =	vst v19  }
0x14d: {  	v19 =	vld [tilespmem:s1+$0xC820];
	_ =	sdelay $0x4  }
0x14e: {  	v19 =	vadd.s32 v11, v19  }
0x14f: {  	[tilespmem:$0x19A20] =	vst v19  }
0x150: {  	v19 =	vld [tilespmem:s1+$0xC830];
	_ =	sdelay $0x4  }
0x151: {  	v19 =	vadd.s32 v11, v19  }
0x152: {  	[tilespmem:$0x19A30] =	vst v19  }
0x153: {  	v19 =	vld [tilespmem:s1+$0xC840];
	_ =	sdelay $0x4  }
0x154: {  	v19 =	vadd.s32 v11, v19  }
0x155: {  	[tilespmem:$0x19A40] =	vst v19  }
0x156: {  	v19 =	vld [tilespmem:s1+$0xC850];
	_ =	sdelay $0x4  }
0x157: {  	v19 =	vadd.s32 v11, v19  }
0x158: {  	[tilespmem:$0x19A50] =	vst v19  }
0x159: {  	v19 =	vld [tilespmem:s1+$0xC860];
	_ =	sdelay $0x4  }
0x15a: {  	v19 =	vadd.s32 v11, v19  }
0x15b: {  	[tilespmem:$0x19A60] =	vst v19  }
0x15c: {  	v19 =	vld [tilespmem:s1+$0xC870];
	_ =	sdelay $0x4  }
0x15d: {  	v19 =	vadd.s32 v11, v19  }
0x15e: {  	[tilespmem:$0x19A70] =	vst v19  }
0x15f: {  	[tilespmem:s9], [sflag:$0x1] =	stream.indirect.gather [hbm4b:s25+s23], $0x40, s8, s23, $0xb8;
	[tilespmem:$0x19B30] =	vst v63  }
0x160: {  	s11 =	sadd.s32 s14, s0;
	_ =	swait.ge [sflag:s22], $0x2000  }
0x161: {  	s11 =	sshll.u32 s11, $0x8;
	[sflag:s22] =	ssyncset.done $0x0  }
0x162: {  	s11 =	sadd.s32 s28, s11;
	[sflag:s22] =	ssyncadd.s32 $0xFFFFE000  }
0x163: {  	[tilespmem:s7], [sflag:$0x1] =	stream.linear.gather [hbm4b:s11+s21], $0x800, $0x38;
	[tilespmem:$0x19B30] =	vst v63  }
0x164: {  	_ =	swait.ge [sflag:s22], $0x800  }
0x165: {  	[sflag:s22] =	ssyncset.done $0x0  }
0x166: {  	s1 =	sadd.s32 $0x11900, s1;
	[sflag:s22] =	ssyncadd.s32 $0xFFFFF800  }
0x167: {  	[tilespmem:s10], [sflag:$0x1] =	stream.indirect.gather [spmem:s2], $0x10, s1, s23, $0xb8;
	[tilespmem:$0x19B30] =	vst v63  }
0x168: {  	_ =	swait.ge [sflag:s22], $0x800  }
0x169: {  	[sflag:s22] =	ssyncset.done $0x0  }
0x16a: {  	s11 =	simm.s32 $0x0;
	[sflag:s22] =	ssyncadd.s32 $0xFFFFF800  }
0x16b: {  	v19 =	vld [tilespmem:s11+$0x17200];
	_ =	sdelay $0x4  }
0x16c: {  	v19 =	vadd.f32 $1.000000020e-16, v19;
	_ =	sdelay $0x1  }
0x16d: {  	(erf) = vrcp.f32 v19;
	_ =	sdelay $0x8  }
0x16e: {  	v20 =	vpop (erf)  }
0x16f: {  	v19 =	vmul.f32 v20, v19  }
0x170: {  	v21 =	vld [tilespmem:s11+$0x16A00]  }
0x171: {  	v19 =	vsub.f32 $2.000000000e+00, v19;
	_ =	sdelay $0x1  }
0x172: {  	s29 =	simm.s32 $0x17A20;
	v19 =	vmul.f32 v19, v20  }
0x173: {  	v20 =	vld [tilespmem:s29+$0xFFFFFFE0]  }
0x174: {  	v22 =	vld [tilespmem:s29+$0xFFFFFFF0];
	v19 =	vmul.f32 v19, v21  }
0x175: {  	v63 =	vld [tilespmem:s29+$0x0]  }
0x176: {  	v23 =	vld [tilespmem:s29+$0x10];
	v19 =	vperm.xlane v19, v15;
	_ =	sdelay $0x1  }
0x177: {  	v20 =	vmul.f32 v20, v19  }
0x178: {  	v22 =	vmul.f32 v22, v19  }
0x179: {  	v21 =	vmul.f32 v63, v19;
	[tilespmem:s29+$0xFFFFFFE0] =	vst v20  }
0x17a: {  	v19 =	vmul.f32 v23, v19;
	[tilespmem:s29+$0xFFFFFFF0] =	vst v22  }
0x17b: {  	[tilespmem:s29+$0x0] =	vst v21  }
0x17c: {  	s30 =	simm.s32 $0x80;
	s11 =	simm.s32 $0x10;
	[tilespmem:s29+$0x10] =	vst v19  }
.LBB2_9:
0x17d: {  	p0 =	sne.s32 s30, $0x1FC0;
	v19 =	vld [tilespmem:s11+$0x17200]  }
0x17e: {  	v20 =	vld [tilespmem:s11+$0x16A00];
	_ =	sdelay $0x3  }
0x17f: {  	v19 =	vadd.f32 $1.000000020e-16, v19;
	_ =	sdelay $0x1  }
0x180: {  	(erf) = vrcp.f32 v19;
	_ =	sdelay $0x8  }
0x181: {  	v21 =	vpop (erf)  }
0x182: {  	v19 =	vmul.f32 v21, v19;
	_ =	sdelay $0x1  }
0x183: {  	s29 =	sadd.s32 $0x40, s29;
	v19 =	vsub.f32 $2.000000000e+00, v19  }
0x184: {  	v22 =	vld [tilespmem:s29+$0xFFFFFFF0]  }
0x185: {  	v19 =	vmul.f32 v19, v21;
	v21 =	vld [tilespmem:s29+$0x10]  }
0x186: {  	v23 =	vld [tilespmem:s29+$0xFFFFFFE0]  }
0x187: {  	v19 =	vmul.f32 v19, v20;
	v20 =	vld [tilespmem:s29+$0x0];
	_ =	sdelay $0x1  }
0x188: {  	v19 =	vperm.xlane v19, v15;
	_ =	sdelay $0x1  }
0x189: {  	v23 =	vmul.f32 v23, v19;
	v22 =	vmul.f32 v22, v19  }
.Ltmp3:
0x18a: {  	v20 =	vmul.f32 v20, v19;
	v19 =	vmul.f32 v21, v19;
	(pc) =	sbr.rel @p0 .LBB2_9-.Ltmp3, $4  }
0x18b: {  	[tilespmem:s29+$0xFFFFFFE0] =	vst v23  }
0x18c: {  	[tilespmem:s29+$0xFFFFFFF0] =	vst v22  }
0x18d: {  	[tilespmem:s29+$0x0] =	vst v20  }
0x18e: {  	s11 =	sshra.s32 s30, $0x2;
	s30 =	sadd.s32 $0x40, s30;
	[tilespmem:s29+$0x10] =	vst v19  }
0x18f: {  	v19 =	vld [tilespmem:s11+$0x17200];
	_ =	sdelay $0x4  }
0x190: {  	v19 =	vadd.f32 $1.000000020e-16, v19;
	_ =	sdelay $0x1  }
0x191: {  	(erf) = vrcp.f32 v19;
	_ =	sdelay $0x8  }
0x192: {  	v20 =	vpop (erf)  }
0x193: {  	v19 =	vmul.f32 v20, v19  }
0x194: {  	v21 =	vld [tilespmem:s11+$0x16A00]  }
0x195: {  	v19 =	vsub.f32 $2.000000000e+00, v19;
	_ =	sdelay $0x1  }
0x196: {  	s30 =	sadd.s32 $0x40, s29;
	v19 =	vmul.f32 v19, v20  }
0x197: {  	v20 =	vld [tilespmem:s30+$0xFFFFFFE0]  }
0x198: {  	v22 =	vld [tilespmem:s30+$0xFFFFFFF0];
	v19 =	vmul.f32 v19, v21  }
0x199: {  	v63 =	vld [tilespmem:s30+$0x0]  }
0x19a: {  	v23 =	vld [tilespmem:s30+$0x10];
	v19 =	vperm.xlane v19, v15;
	_ =	sdelay $0x1  }
0x19b: {  	v20 =	vmul.f32 v20, v19  }
0x19c: {  	v22 =	vmul.f32 v22, v19  }
0x19d: {  	v21 =	vmul.f32 v63, v19;
	[tilespmem:s30+$0xFFFFFFE0] =	vst v20  }
0x19e: {  	s0 =	sadd.s32 $0x1, s0;
	v19 =	vmul.f32 v23, v19;
	[tilespmem:s30+$0xFFFFFFF0] =	vst v22  }
0x19f: {  	p0 =	sne.s32 s0, $0xA2;
	[tilespmem:s30+$0x0] =	vst v21  }
.Ltmp4:
0x1a0: {  	[tilespmem:s30+$0x10] =	vst v19;
	(pc) =	sbr.rel @p0 .LBB2_8-.Ltmp4, $4  }
0x1a1: {  	[spmem:s3] =	stream.indirect.scatter.add.f32 [tilespmem:s9], [sflag:$0x1], $0x40, s1, s23, $0xb8;
	[tilespmem:$0x19B30] =	vst v63  }
0x1a2: {  	_ =	swait.ge [sflag:s22], $0x2000  }
0x1a3: {  	[sflag:s22] =	ssyncset.done $0x0  }
0x1a4: {  	[sflag:s22] =	ssyncadd.s32 $0xFFFFE000  }
0x1a5: {  	[bflag:$0x0] =	sbarrier.arrive $0xFFFF  }
0x1a6: {  	s0 =	rddreg [dreg:$0xb]  }
0x1a7: {  	[hbm:s0], [sflag:s4] =	dma.local [spmem:s18], $0x400  }
0x1a8: {  	_ =	swait.ge [sflag:s22], $0x400  }
0x1a9: {  	[sflag:s22] =	ssyncset.done $0x0  }
0x1aa: {  	s11 =	rddreg [dreg:$0xc];
	[sflag:s22] =	ssyncadd.s32 $0xFFFFFC00  }
0x1ab: {  	[hbm:s11], [sflag:s4] =	dma.local [spmem:s19], $0x400  }
0x1ac: {  	_ =	swait.ge [sflag:s22], $0x400  }
0x1ad: {  	[sflag:s22] =	ssyncset.done $0x0  }
0x1ae: {  	s21 =	rddreg [dreg:$0xd];
	[sflag:s22] =	ssyncadd.s32 $0xFFFFFC00  }
0x1af: {  	[hbm:s21], [sflag:s4] =	dma.local [spmem:s26], $0x400  }
0x1b0: {  	_ =	swait.ge [sflag:s22], $0x400  }
0x1b1: {  	[sflag:s22] =	ssyncset.done $0x0  }
0x1b2: {  	s29 =	rddreg [dreg:$0xe];
	[sflag:s22] =	ssyncadd.s32 $0xFFFFFC00  }
0x1b3: {  	[hbm:s29], [sflag:s4] =	dma.local [spmem:s6], $0x400  }
0x1b4: {  	_ =	swait.ge [sflag:s22], $0x400  }
0x1b5: {  	[sflag:s22] =	ssyncset.done $0x0  }
0x1b6: {  	s30 =	rddreg [dreg:$0xf];
	[sflag:s22] =	ssyncadd.s32 $0xFFFFFC00  }
0x1b7: {  	[hbm:s30], [sflag:s4] =	dma.local [spmem:s20], $0x400  }
0x1b8: {  	_ =	swait.ge [sflag:s22], $0x400  }
0x1b9: {  	[sflag:s22] =	ssyncset.done $0x0  }
0x1ba: {  	[sflag:s22] =	ssyncadd.s32 $0xFFFFFC00  }
0x1bb: {  	[bflag:$0x0] =	sbarrier.arrive $0xFFFF  }
0x1bc: {  	[spmem:s13], [sflag:s4] =	dma.local [hbm:s31], $0x400  }
0x1bd: {  	_ =	swait.ge [sflag:s22], $0x400  }
0x1be: {  	[sflag:s22] =	ssyncset.done $0x0  }
0x1bf: {  	[sflag:s22] =	ssyncadd.s32 $0xFFFFFC00  }
0x1c0: {  	[spmem:s15], [sflag:s4] =	dma.local [hbm:s31], $0x400  }
0x1c1: {  	_ =	swait.ge [sflag:s22], $0x400  }
0x1c2: {  	[sflag:s22] =	ssyncset.done $0x0  }
0x1c3: {  	[sflag:s22] =	ssyncadd.s32 $0xFFFFFC00  }
0x1c4: {  	[spmem:s16], [sflag:s4] =	dma.local [hbm:s31], $0x400  }
0x1c5: {  	_ =	swait.ge [sflag:s22], $0x400  }
0x1c6: {  	[sflag:s22] =	ssyncset.done $0x0  }
0x1c7: {  	[sflag:s22] =	ssyncadd.s32 $0xFFFFFC00  }
0x1c8: {  	[spmem:s17], [sflag:s4] =	dma.local [hbm:s31], $0x400  }
0x1c9: {  	_ =	swait.ge [sflag:s22], $0x400  }
0x1ca: {  	[sflag:s22] =	ssyncset.done $0x0  }
0x1cb: {  	[sflag:s22] =	ssyncadd.s32 $0xFFFFFC00  }
0x1cc: {  	[spmem:s24], [sflag:s4] =	dma.local [hbm:s31], $0x400  }
0x1cd: {  	_ =	swait.ge [sflag:s22], $0x400  }
0x1ce: {  	[sflag:s22] =	ssyncset.done $0x0  }
0x1cf: {  	[sflag:s22] =	ssyncadd.s32 $0xFFFFFC00  }
0x1d0: {  	s0 =	simm.s32 $0x0;
	s21 =	simm.s32 $0x0;
	[bflag:$0x0] =	sbarrier.arrive $0xFFFF  }
.LBB2_12:
0x1d1: {  	s1 =	sshll.u32 s0, $0x7  }
0x1d2: {  	s1 =	sand.u32 $0x3FFFFF80, s1  }
0x1d3: {  	v19 =	vld [tilespmem:s1+$0xC800];
	_ =	sdelay $0x4  }
0x1d4: {  	v19 =	vadd.s32 v12, v19  }
0x1d5: {  	[tilespmem:$0x19A00] =	vst v19  }
0x1d6: {  	v19 =	vld [tilespmem:s1+$0xC810];
	_ =	sdelay $0x4  }
0x1d7: {  	v19 =	vadd.s32 v12, v19  }
0x1d8: {  	[tilespmem:$0x19A10] =	vst v19  }
0x1d9: {  	v19 =	vld [tilespmem:s1+$0xC820];
	_ =	sdelay $0x4  }
0x1da: {  	v19 =	vadd.s32 v12, v19  }
0x1db: {  	[tilespmem:$0x19A20] =	vst v19  }
0x1dc: {  	v19 =	vld [tilespmem:s1+$0xC830];
	_ =	sdelay $0x4  }
0x1dd: {  	v19 =	vadd.s32 v12, v19  }
0x1de: {  	[tilespmem:$0x19A30] =	vst v19  }
0x1df: {  	v19 =	vld [tilespmem:s1+$0xC840];
	_ =	sdelay $0x4  }
0x1e0: {  	v19 =	vadd.s32 v12, v19  }
0x1e1: {  	[tilespmem:$0x19A40] =	vst v19  }
0x1e2: {  	v19 =	vld [tilespmem:s1+$0xC850];
	_ =	sdelay $0x4  }
0x1e3: {  	v19 =	vadd.s32 v12, v19  }
0x1e4: {  	[tilespmem:$0x19A50] =	vst v19  }
0x1e5: {  	v19 =	vld [tilespmem:s1+$0xC860];
	_ =	sdelay $0x4  }
0x1e6: {  	v19 =	vadd.s32 v12, v19  }
0x1e7: {  	[tilespmem:$0x19A60] =	vst v19  }
0x1e8: {  	v19 =	vld [tilespmem:s1+$0xC870];
	_ =	sdelay $0x4  }
0x1e9: {  	v19 =	vadd.s32 v12, v19  }
0x1ea: {  	[tilespmem:$0x19A70] =	vst v19  }
0x1eb: {  	[tilespmem:s9], [sflag:$0x1] =	stream.indirect.gather [hbm4b:s25+s23], $0x40, s8, s23, $0xb8;
	[tilespmem:$0x19B30] =	vst v63  }
0x1ec: {  	s11 =	sadd.s32 s14, s0;
	_ =	swait.ge [sflag:s22], $0x2000  }
0x1ed: {  	s11 =	sshll.u32 s11, $0x8;
	[sflag:s22] =	ssyncset.done $0x0  }
0x1ee: {  	s11 =	sadd.s32 s28, s11;
	[sflag:s22] =	ssyncadd.s32 $0xFFFFE000  }
0x1ef: {  	[tilespmem:s7], [sflag:$0x1] =	stream.linear.gather [hbm4b:s11+s21], $0x800, $0x38;
	[tilespmem:$0x19B30] =	vst v63  }
0x1f0: {  	_ =	swait.ge [sflag:s22], $0x800  }
0x1f1: {  	[sflag:s22] =	ssyncset.done $0x0  }
0x1f2: {  	s1 =	sadd.s32 $0x11900, s1;
	[sflag:s22] =	ssyncadd.s32 $0xFFFFF800  }
0x1f3: {  	[tilespmem:s10], [sflag:$0x1] =	stream.indirect.gather [spmem:s2], $0x10, s1, s23, $0xb8;
	[tilespmem:$0x19B30] =	vst v63  }
0x1f4: {  	_ =	swait.ge [sflag:s22], $0x800  }
0x1f5: {  	[sflag:s22] =	ssyncset.done $0x0  }
0x1f6: {  	s11 =	simm.s32 $0x0;
	[sflag:s22] =	ssyncadd.s32 $0xFFFFF800  }
0x1f7: {  	v19 =	vld [tilespmem:s11+$0x17200];
	_ =	sdelay $0x4  }
0x1f8: {  	v19 =	vadd.f32 $1.000000020e-16, v19;
	_ =	sdelay $0x1  }
0x1f9: {  	(erf) = vrcp.f32 v19;
	_ =	sdelay $0x8  }
0x1fa: {  	v20 =	vpop (erf)  }
0x1fb: {  	v19 =	vmul.f32 v20, v19  }
0x1fc: {  	v21 =	vld [tilespmem:s11+$0x16A00]  }
0x1fd: {  	v19 =	vsub.f32 $2.000000000e+00, v19;
	_ =	sdelay $0x1  }
0x1fe: {  	s29 =	simm.s32 $0x17A20;
	v19 =	vmul.f32 v19, v20  }
0x1ff: {  	v20 =	vld [tilespmem:s29+$0xFFFFFFE0]  }
0x200: {  	v22 =	vld [tilespmem:s29+$0xFFFFFFF0];
	v19 =	vmul.f32 v19, v21  }
0x201: {  	v63 =	vld [tilespmem:s29+$0x0]  }
0x202: {  	v23 =	vld [tilespmem:s29+$0x10];
	v19 =	vperm.xlane v19, v17;
	_ =	sdelay $0x1  }
0x203: {  	v20 =	vmul.f32 v20, v19  }
0x204: {  	v22 =	vmul.f32 v22, v19  }
0x205: {  	v21 =	vmul.f32 v63, v19;
	[tilespmem:s29+$0xFFFFFFE0] =	vst v20  }
0x206: {  	v19 =	vmul.f32 v23, v19;
	[tilespmem:s29+$0xFFFFFFF0] =	vst v22  }
0x207: {  	[tilespmem:s29+$0x0] =	vst v21  }
0x208: {  	s30 =	simm.s32 $0x80;
	s11 =	simm.s32 $0x10;
	[tilespmem:s29+$0x10] =	vst v19  }
.LBB2_13:
0x209: {  	p0 =	sne.s32 s30, $0x1FC0;
	v19 =	vld [tilespmem:s11+$0x17200]  }
0x20a: {  	v20 =	vld [tilespmem:s11+$0x16A00];
	_ =	sdelay $0x3  }
0x20b: {  	v19 =	vadd.f32 $1.000000020e-16, v19;
	_ =	sdelay $0x1  }
0x20c: {  	(erf) = vrcp.f32 v19;
	_ =	sdelay $0x8  }
0x20d: {  	v21 =	vpop (erf)  }
0x20e: {  	v19 =	vmul.f32 v21, v19;
	_ =	sdelay $0x1  }
0x20f: {  	s29 =	sadd.s32 $0x40, s29;
	v19 =	vsub.f32 $2.000000000e+00, v19  }
0x210: {  	v22 =	vld [tilespmem:s29+$0xFFFFFFF0]  }
0x211: {  	v19 =	vmul.f32 v19, v21;
	v21 =	vld [tilespmem:s29+$0x10]  }
0x212: {  	v23 =	vld [tilespmem:s29+$0xFFFFFFE0]  }
0x213: {  	v19 =	vmul.f32 v19, v20;
	v20 =	vld [tilespmem:s29+$0x0];
	_ =	sdelay $0x1  }
0x214: {  	v19 =	vperm.xlane v19, v17;
	_ =	sdelay $0x1  }
0x215: {  	v23 =	vmul.f32 v23, v19;
	v22 =	vmul.f32 v22, v19  }
.Ltmp5:
0x216: {  	v20 =	vmul.f32 v20, v19;
	v19 =	vmul.f32 v21, v19;
	(pc) =	sbr.rel @p0 .LBB2_13-.Ltmp5, $4  }
0x217: {  	[tilespmem:s29+$0xFFFFFFE0] =	vst v23  }
0x218: {  	[tilespmem:s29+$0xFFFFFFF0] =	vst v22  }
0x219: {  	[tilespmem:s29+$0x0] =	vst v20  }
0x21a: {  	s11 =	sshra.s32 s30, $0x2;
	s30 =	sadd.s32 $0x40, s30;
	[tilespmem:s29+$0x10] =	vst v19  }
0x21b: {  	v19 =	vld [tilespmem:s11+$0x17200];
	_ =	sdelay $0x4  }
0x21c: {  	v19 =	vadd.f32 $1.000000020e-16, v19;
	_ =	sdelay $0x1  }
0x21d: {  	(erf) = vrcp.f32 v19;
	_ =	sdelay $0x8  }
0x21e: {  	v20 =	vpop (erf)  }
0x21f: {  	v19 =	vmul.f32 v20, v19  }
0x220: {  	v21 =	vld [tilespmem:s11+$0x16A00]  }
0x221: {  	v19 =	vsub.f32 $2.000000000e+00, v19;
	_ =	sdelay $0x1  }
0x222: {  	s30 =	sadd.s32 $0x40, s29;
	v19 =	vmul.f32 v19, v20  }
0x223: {  	v20 =	vld [tilespmem:s30+$0xFFFFFFE0]  }
0x224: {  	v22 =	vld [tilespmem:s30+$0xFFFFFFF0];
	v19 =	vmul.f32 v19, v21  }
0x225: {  	v63 =	vld [tilespmem:s30+$0x0]  }
0x226: {  	v23 =	vld [tilespmem:s30+$0x10];
	v19 =	vperm.xlane v19, v17;
	_ =	sdelay $0x1  }
0x227: {  	v20 =	vmul.f32 v20, v19  }
0x228: {  	v22 =	vmul.f32 v22, v19  }
0x229: {  	v21 =	vmul.f32 v63, v19;
	[tilespmem:s30+$0xFFFFFFE0] =	vst v20  }
0x22a: {  	s0 =	sadd.s32 $0x1, s0;
	v19 =	vmul.f32 v23, v19;
	[tilespmem:s30+$0xFFFFFFF0] =	vst v22  }
0x22b: {  	p0 =	sne.s32 s0, $0xA2;
	[tilespmem:s30+$0x0] =	vst v21  }
.Ltmp6:
0x22c: {  	[tilespmem:s30+$0x10] =	vst v19;
	(pc) =	sbr.rel @p0 .LBB2_12-.Ltmp6, $4  }
0x22d: {  	[spmem:s3] =	stream.indirect.scatter.add.f32 [tilespmem:s9], [sflag:$0x1], $0x40, s1, s23, $0xb8;
	[tilespmem:$0x19B30] =	vst v63  }
0x22e: {  	_ =	swait.ge [sflag:s22], $0x2000  }
0x22f: {  	[sflag:s22] =	ssyncset.done $0x0  }
0x230: {  	[sflag:s22] =	ssyncadd.s32 $0xFFFFE000  }
0x231: {  	[bflag:$0x0] =	sbarrier.arrive $0xFFFF  }
0x232: {  	s0 =	rddreg [dreg:$0x10]  }
0x233: {  	[hbm:s0], [sflag:s4] =	dma.local [spmem:s18], $0x400  }
0x234: {  	_ =	swait.ge [sflag:s22], $0x400  }
0x235: {  	[sflag:s22] =	ssyncset.done $0x0  }
0x236: {  	s11 =	rddreg [dreg:$0x11];
	[sflag:s22] =	ssyncadd.s32 $0xFFFFFC00  }
0x237: {  	[hbm:s11], [sflag:s4] =	dma.local [spmem:s19], $0x400  }
0x238: {  	_ =	swait.ge [sflag:s22], $0x400  }
0x239: {  	[sflag:s22] =	ssyncset.done $0x0  }
0x23a: {  	s21 =	rddreg [dreg:$0x12];
	[sflag:s22] =	ssyncadd.s32 $0xFFFFFC00  }
0x23b: {  	[hbm:s21], [sflag:s4] =	dma.local [spmem:s26], $0x400  }
0x23c: {  	_ =	swait.ge [sflag:s22], $0x400  }
0x23d: {  	[sflag:s22] =	ssyncset.done $0x0  }
0x23e: {  	s29 =	rddreg [dreg:$0x13];
	[sflag:s22] =	ssyncadd.s32 $0xFFFFFC00  }
0x23f: {  	[hbm:s29], [sflag:s4] =	dma.local [spmem:s6], $0x400  }
0x240: {  	_ =	swait.ge [sflag:s22], $0x400  }
0x241: {  	[sflag:s22] =	ssyncset.done $0x0  }
0x242: {  	s30 =	rddreg [dreg:$0x14];
	[sflag:s22] =	ssyncadd.s32 $0xFFFFFC00  }
0x243: {  	[hbm:s30], [sflag:s4] =	dma.local [spmem:s20], $0x400  }
0x244: {  	_ =	swait.ge [sflag:s22], $0x400  }
0x245: {  	[sflag:s22] =	ssyncset.done $0x0  }
0x246: {  	[sflag:s22] =	ssyncadd.s32 $0xFFFFFC00  }
0x247: {  	[bflag:$0x0] =	sbarrier.arrive $0xFFFF  }
0x248: {  	[spmem:s13], [sflag:s4] =	dma.local [hbm:s31], $0x400  }
0x249: {  	_ =	swait.ge [sflag:s22], $0x400  }
0x24a: {  	[sflag:s22] =	ssyncset.done $0x0  }
0x24b: {  	[sflag:s22] =	ssyncadd.s32 $0xFFFFFC00  }
0x24c: {  	[spmem:s15], [sflag:s4] =	dma.local [hbm:s31], $0x400  }
0x24d: {  	_ =	swait.ge [sflag:s22], $0x400  }
0x24e: {  	[sflag:s22] =	ssyncset.done $0x0  }
0x24f: {  	[sflag:s22] =	ssyncadd.s32 $0xFFFFFC00  }
0x250: {  	[spmem:s16], [sflag:s4] =	dma.local [hbm:s31], $0x400  }
0x251: {  	_ =	swait.ge [sflag:s22], $0x400  }
0x252: {  	[sflag:s22] =	ssyncset.done $0x0  }
0x253: {  	[sflag:s22] =	ssyncadd.s32 $0xFFFFFC00  }
0x254: {  	[spmem:s17], [sflag:s4] =	dma.local [hbm:s31], $0x400  }
0x255: {  	_ =	swait.ge [sflag:s22], $0x400  }
0x256: {  	[sflag:s22] =	ssyncset.done $0x0  }
0x257: {  	[sflag:s22] =	ssyncadd.s32 $0xFFFFFC00  }
0x258: {  	[spmem:s24], [sflag:s4] =	dma.local [hbm:s31], $0x400  }
0x259: {  	_ =	swait.ge [sflag:s22], $0x400  }
0x25a: {  	[sflag:s22] =	ssyncset.done $0x0  }
0x25b: {  	[sflag:s22] =	ssyncadd.s32 $0xFFFFFC00  }
0x25c: {  	s0 =	simm.s32 $0x0;
	s13 =	simm.s32 $0x0;
	[bflag:$0x0] =	sbarrier.arrive $0xFFFF  }
.LBB2_16:
0x25d: {  	s1 =	sshll.u32 s0, $0x7  }
0x25e: {  	s1 =	sand.u32 $0x3FFFFF80, s1  }
0x25f: {  	v19 =	vld [tilespmem:s1+$0xC800];
	_ =	sdelay $0x4  }
0x260: {  	v19 =	vadd.s32 v13, v19  }
0x261: {  	[tilespmem:$0x19A00] =	vst v19  }
0x262: {  	v19 =	vld [tilespmem:s1+$0xC810];
	_ =	sdelay $0x4  }
0x263: {  	v19 =	vadd.s32 v13, v19  }
0x264: {  	[tilespmem:$0x19A10] =	vst v19  }
0x265: {  	v19 =	vld [tilespmem:s1+$0xC820];
	_ =	sdelay $0x4  }
0x266: {  	v19 =	vadd.s32 v13, v19  }
0x267: {  	[tilespmem:$0x19A20] =	vst v19  }
0x268: {  	v19 =	vld [tilespmem:s1+$0xC830];
	_ =	sdelay $0x4  }
0x269: {  	v19 =	vadd.s32 v13, v19  }
0x26a: {  	[tilespmem:$0x19A30] =	vst v19  }
0x26b: {  	v19 =	vld [tilespmem:s1+$0xC840];
	_ =	sdelay $0x4  }
0x26c: {  	v19 =	vadd.s32 v13, v19  }
0x26d: {  	[tilespmem:$0x19A40] =	vst v19  }
0x26e: {  	v19 =	vld [tilespmem:s1+$0xC850];
	_ =	sdelay $0x4  }
0x26f: {  	v19 =	vadd.s32 v13, v19  }
0x270: {  	[tilespmem:$0x19A50] =	vst v19  }
0x271: {  	v19 =	vld [tilespmem:s1+$0xC860];
	_ =	sdelay $0x4  }
0x272: {  	v19 =	vadd.s32 v13, v19  }
0x273: {  	[tilespmem:$0x19A60] =	vst v19  }
0x274: {  	v19 =	vld [tilespmem:s1+$0xC870];
	_ =	sdelay $0x4  }
0x275: {  	v19 =	vadd.s32 v13, v19  }
0x276: {  	[tilespmem:$0x19A70] =	vst v19  }
0x277: {  	[tilespmem:s9], [sflag:$0x1] =	stream.indirect.gather [hbm4b:s25+s23], $0x40, s8, s23, $0xb8;
	[tilespmem:$0x19B30] =	vst v63  }
0x278: {  	s11 =	sadd.s32 s14, s0;
	_ =	swait.ge [sflag:s22], $0x2000  }
0x279: {  	s11 =	sshll.u32 s11, $0x8;
	[sflag:s22] =	ssyncset.done $0x0  }
0x27a: {  	s11 =	sadd.s32 s28, s11;
	[sflag:s22] =	ssyncadd.s32 $0xFFFFE000  }
0x27b: {  	[tilespmem:s7], [sflag:$0x1] =	stream.linear.gather [hbm4b:s11+s13], $0x800, $0x38;
	[tilespmem:$0x19B30] =	vst v63  }
0x27c: {  	_ =	swait.ge [sflag:s22], $0x800  }
0x27d: {  	[sflag:s22] =	ssyncset.done $0x0  }
0x27e: {  	s1 =	sadd.s32 $0x11900, s1;
	[sflag:s22] =	ssyncadd.s32 $0xFFFFF800  }
0x27f: {  	[tilespmem:s10], [sflag:$0x1] =	stream.indirect.gather [spmem:s2], $0x10, s1, s23, $0xb8;
	[tilespmem:$0x19B30] =	vst v63  }
0x280: {  	_ =	swait.ge [sflag:s22], $0x800  }
0x281: {  	[sflag:s22] =	ssyncset.done $0x0  }
0x282: {  	s30 =	simm.s32 $0x0;
	[sflag:s22] =	ssyncadd.s32 $0xFFFFF800  }
0x283: {  	v19 =	vld [tilespmem:s30+$0x17200];
	_ =	sdelay $0x4  }
0x284: {  	v19 =	vadd.f32 $1.000000020e-16, v19;
	_ =	sdelay $0x1  }
0x285: {  	(erf) = vrcp.f32 v19;
	_ =	sdelay $0x8  }
0x286: {  	v20 =	vpop (erf)  }
0x287: {  	v19 =	vmul.f32 v20, v19  }
0x288: {  	v21 =	vld [tilespmem:s30+$0x16A00]  }
0x289: {  	v19 =	vsub.f32 $2.000000000e+00, v19;
	_ =	sdelay $0x1  }
0x28a: {  	s15 =	simm.s32 $0x17A20;
	v19 =	vmul.f32 v19, v20  }
0x28b: {  	v20 =	vld [tilespmem:s15+$0xFFFFFFE0]  }
0x28c: {  	v22 =	vld [tilespmem:s15+$0xFFFFFFF0];
	v19 =	vmul.f32 v19, v21  }
0x28d: {  	v63 =	vld [tilespmem:s15+$0x0]  }
0x28e: {  	v23 =	vld [tilespmem:s15+$0x10];
	v19 =	vperm.xlane v19, v18;
	_ =	sdelay $0x1  }
0x28f: {  	v20 =	vmul.f32 v20, v19  }
0x290: {  	v22 =	vmul.f32 v22, v19  }
0x291: {  	v21 =	vmul.f32 v63, v19;
	[tilespmem:s15+$0xFFFFFFE0] =	vst v20  }
0x292: {  	v19 =	vmul.f32 v23, v19;
	[tilespmem:s15+$0xFFFFFFF0] =	vst v22  }
0x293: {  	[tilespmem:s15+$0x0] =	vst v21  }
0x294: {  	s16 =	simm.s32 $0x80;
	s11 =	simm.s32 $0x10;
	[tilespmem:s15+$0x10] =	vst v19  }
.LBB2_17:
0x295: {  	p0 =	sne.s32 s16, $0x1FC0;
	v19 =	vld [tilespmem:s11+$0x17200]  }
0x296: {  	v20 =	vld [tilespmem:s11+$0x16A00];
	_ =	sdelay $0x3  }
0x297: {  	v19 =	vadd.f32 $1.000000020e-16, v19;
	_ =	sdelay $0x1  }
0x298: {  	(erf) = vrcp.f32 v19;
	_ =	sdelay $0x8  }
0x299: {  	v21 =	vpop (erf)  }
0x29a: {  	v19 =	vmul.f32 v21, v19;
	_ =	sdelay $0x1  }
0x29b: {  	s15 =	sadd.s32 $0x40, s15;
	v19 =	vsub.f32 $2.000000000e+00, v19  }
0x29c: {  	v22 =	vld [tilespmem:s15+$0xFFFFFFF0]  }
0x29d: {  	v19 =	vmul.f32 v19, v21;
	v21 =	vld [tilespmem:s15+$0x10]  }
0x29e: {  	v23 =	vld [tilespmem:s15+$0xFFFFFFE0]  }
0x29f: {  	v19 =	vmul.f32 v19, v20;
	v20 =	vld [tilespmem:s15+$0x0];
	_ =	sdelay $0x1  }
0x2a0: {  	v19 =	vperm.xlane v19, v18;
	_ =	sdelay $0x1  }
0x2a1: {  	v23 =	vmul.f32 v23, v19;
	v22 =	vmul.f32 v22, v19  }
.Ltmp7:
0x2a2: {  	v20 =	vmul.f32 v20, v19;
	v19 =	vmul.f32 v21, v19;
	(pc) =	sbr.rel @p0 .LBB2_17-.Ltmp7, $4  }
0x2a3: {  	[tilespmem:s15+$0xFFFFFFE0] =	vst v23  }
0x2a4: {  	[tilespmem:s15+$0xFFFFFFF0] =	vst v22  }
0x2a5: {  	[tilespmem:s15+$0x0] =	vst v20  }
0x2a6: {  	s11 =	sshra.s32 s16, $0x2;
	s16 =	sadd.s32 $0x40, s16;
	[tilespmem:s15+$0x10] =	vst v19  }
0x2a7: {  	v19 =	vld [tilespmem:s11+$0x17200];
	_ =	sdelay $0x4  }
0x2a8: {  	v19 =	vadd.f32 $1.000000020e-16, v19;
	_ =	sdelay $0x1  }
0x2a9: {  	(erf) = vrcp.f32 v19;
	_ =	sdelay $0x8  }
0x2aa: {  	v20 =	vpop (erf)  }
0x2ab: {  	v19 =	vmul.f32 v20, v19  }
0x2ac: {  	v21 =	vld [tilespmem:s11+$0x16A00]  }
0x2ad: {  	v19 =	vsub.f32 $2.000000000e+00, v19;
	_ =	sdelay $0x1  }
0x2ae: {  	s30 =	sadd.s32 $0x40, s15;
	v19 =	vmul.f32 v19, v20  }
0x2af: {  	v20 =	vld [tilespmem:s30+$0xFFFFFFE0]  }
0x2b0: {  	v22 =	vld [tilespmem:s30+$0xFFFFFFF0];
	v19 =	vmul.f32 v19, v21  }
0x2b1: {  	v63 =	vld [tilespmem:s30+$0x0]  }
0x2b2: {  	v23 =	vld [tilespmem:s30+$0x10];
	v19 =	vperm.xlane v19, v18;
	_ =	sdelay $0x1  }
0x2b3: {  	v20 =	vmul.f32 v20, v19  }
0x2b4: {  	v22 =	vmul.f32 v22, v19  }
0x2b5: {  	v21 =	vmul.f32 v63, v19;
	[tilespmem:s30+$0xFFFFFFE0] =	vst v20  }
0x2b6: {  	s0 =	sadd.s32 $0x1, s0;
	v19 =	vmul.f32 v23, v19;
	[tilespmem:s30+$0xFFFFFFF0] =	vst v22  }
0x2b7: {  	p0 =	sne.s32 s0, $0xA2;
	[tilespmem:s30+$0x0] =	vst v21  }
.Ltmp8:
0x2b8: {  	[tilespmem:s30+$0x10] =	vst v19;
	(pc) =	sbr.rel @p0 .LBB2_16-.Ltmp8, $4  }
0x2b9: {  	[spmem:s3] =	stream.indirect.scatter.add.f32 [tilespmem:s9], [sflag:$0x1], $0x40, s1, s23, $0xb8;
	[tilespmem:$0x19B30] =	vst v63  }
0x2ba: {  	_ =	swait.ge [sflag:s22], $0x2000  }
0x2bb: {  	[sflag:s22] =	ssyncset.done $0x0  }
0x2bc: {  	[sflag:s22] =	ssyncadd.s32 $0xFFFFE000  }
0x2bd: {  	[bflag:$0x0] =	sbarrier.arrive $0xFFFF  }
0x2be: {  	s0 =	rddreg [dreg:$0x5]  }
0x2bf: {  	[hbm:s0], [sflag:s4] =	dma.local [spmem:s18], $0x400  }
0x2c0: {  	_ =	swait.ge [sflag:s22], $0x400  }
0x2c1: {  	[sflag:s22] =	ssyncset.done $0x0  }
0x2c2: {  	s21 =	rddreg [dreg:$0x15];
	[sflag:s22] =	ssyncadd.s32 $0xFFFFFC00  }
0x2c3: {  	[hbm:s21], [sflag:s4] =	dma.local [spmem:s19], $0x400  }
0x2c4: {  	_ =	swait.ge [sflag:s22], $0x400  }
0x2c5: {  	[sflag:s22] =	ssyncset.done $0x0  }
0x2c6: {  	s24 =	rddreg [dreg:$0x16];
	[sflag:s22] =	ssyncadd.s32 $0xFFFFFC00  }
0x2c7: {  	[hbm:s24], [sflag:s4] =	dma.local [spmem:s26], $0x400  }
0x2c8: {  	_ =	swait.ge [sflag:s22], $0x400  }
0x2c9: {  	[sflag:s22] =	ssyncset.done $0x0  }
0x2ca: {  	s26 =	rddreg [dreg:$0x17];
	[sflag:s22] =	ssyncadd.s32 $0xFFFFFC00  }
0x2cb: {  	[hbm:s26], [sflag:s4] =	dma.local [spmem:s6], $0x400  }
0x2cc: {  	_ =	swait.ge [sflag:s22], $0x400  }
0x2cd: {  	[sflag:s22] =	ssyncset.done $0x0  }
0x2ce: {  	s29 =	rddreg [dreg:$0x18];
	[sflag:s22] =	ssyncadd.s32 $0xFFFFFC00  }
0x2cf: {  	[hbm:s29], [sflag:s4] =	dma.local [spmem:s20], $0x400  }
0x2d0: {  	_ =	swait.ge [sflag:s22], $0x400  }
0x2d1: {  	s1 =	sld [smem:$0x7F2];
	_ =	sdelay $0x2  }
0x2d2: {  	s30 =	rddreg [dreg:$0x1d];
	s1 =	sadd.s32 $0x1, s1  }
0x2d3: {  	p0 =	sne.s32 s1, s30  }
.Ltmp9:
0x2d4: {  	_ = 	snop;
	(pc) =	sbr.rel @p0 .LBB2_1-.Ltmp9, $3  }
0x2d5: {  	_ =	sdelay $0x1  }
0x2d6: {  	[sflag:s22] =	ssyncset.done $0x0  }
0x2d7: {  	[sflag:s22] =	ssyncadd.s32 $0xFFFFFC00  }
0x2d8: {  	_ =	sfence.sel $0x180000  }
0x2d9: {  	[bflag:$0x0] =	sbarrier.arrive $0xFFFF  }
0x2da: {  	_ =	strace $0x9000004A  }
0x2db: {  	s0 =	stileid.u32;
	[bflag:$0x2] =	sbarrier.arrive $0xFFFF  }
0x2dc: {  	p0 =	sne.s32 s0, $0x0;
	s0 =	rddreg [dreg:$0x4]  }
0x2dd: {  	s0 =	sadd.s32 @!p0 $0x100000, s0  }
0x2de: {  	[sflag:s0] =	ssyncadd.tile.s32 @!p0 $0x1;
	_ =	shalt  }
.Lfunc_end2:
_tile_overlayer_lowered:
.L_overlay_start_2:
0x2df: {  	(tag) =	ssettag $0x2  }
0x2e0: {  	s0 =	rddreg [dreg:$0x0];
	s2 =	stileid.u32  }
0x2e1: {  	s1 =	rddreg [dreg:$0x1];
	p0 =	sne.s32 s2, $0x0  }
0x2e2: {  	s3 =	rddreg [dreg:$0x2];
	[bflag:$0x3] =	sbarrier.arrive $0xFFFF;
	s2 =	simm.s32 @!p0 $0x1C01  }
0x2e3: {  	[timem:s3], [sflag:s2] =	dma.local @!p0 [hbm:s0], s1  }
0x2e4: {  	s0 =	simm.s32 @!p0 $0x1  }
0x2e5: {  	_ =	swait.ge @!p0 [sflag:s0], s1  }
0x2e6: {  	s1 =	ssub.s32 @!p0 $0x0, s1;
	[sflag:s0] =	ssyncset.done @!p0 $0x0  }
0x2e7: {  	[sflag:s0] =	ssyncadd.s32 @!p0 s1  }
0x2e8: {  	[bflag:$0x3] =	sbarrier.arrive $0xFFFF  }
0x2e9: {  	_ =	shalt  }

// kernel: kernel.17.cloned.1.call-start
scs
__scs_entry_jumppad:
0x0: {  	(pc) =	sbr.rel $0x88, $3  }
0x1: {  	(tag) =	ssettag $0x0;
	lr =	simm.s32 $0x1  }
0x2: {  	[smem:$0x3F97] =	sst lr;
	_ =	strace $0xD0000000  }
0x3: {  	_ = 	snop  }
0x4: {  	_ = 	snop  }
0x5: {  	_ = 	snop  }
0x6: {  	_ = 	snop  }
0x7: {  	_ = 	snop  }
__scs_overlays_trampoline_lowered:
0x8: {  	[smem:$0x3FA6] =	sst s0  }
0x9: {  	[smem:$0x3FA7] =	sst s1  }
0xa: {  	[smem:$0x3FA8] =	sst s2  }
0xb: {  	[smem:$0x3FA9] =	sst s3  }
0xc: {  	[smem:$0x3FAA] =	sst s4  }
0xd: {  	[smem:$0x3FAB] =	sst s5  }
0xe: {  	[smem:$0x3FAC] =	sst s6  }
0xf: {  	[smem:$0x3FAD] =	sst s7  }
0x10: {  	[smem:$0x3FAE] =	sst s8  }
0x11: {  	[smem:$0x3FAF] =	sst s9;
	s0 =	simm.s32 @!p0 $0x0  }
0x12: {  	s1 =	sld [smem:$0x3F95];
	s0 =	simm.s32 @p0 $0x1  }
0x13: {  	[smem:$0x3FB0] =	sst s0;
	s0 =	simm.s32 @!p1 $0x0  }
0x14: {  	s2 =	sld [smem:$0x3F94];
	s0 =	simm.s32 @p1 $0x1  }
0x15: {  	[smem:$0x3FB1] =	sst s0;
	s0 =	simm.s32 @!p2 $0x0  }
0x16: {  	s3 =	sld [smem:$0x3FDB];
	s0 =	simm.s32 @p2 $0x1  }
0x17: {  	s4 =	simm.s32 $0x1BF5;
	[smem:$0x3FB3] =	sst s0  }
0x18: {  	s0 =	sld [smem:$0x3F96];
	_ =	swait.ge [sflag:s4], $0x0  }
0x19: {  	s7 =	sld [smem:$0x3F97]  }
0x1a: {  	s8 =	sadd.s32 $0xFFFFE003, lr  }
0x1b: {  	s9 =	sadd.s32 $0xFFFFFEF7, lr;
	s5 =	simm.s32 $0xFFFFFFFF;
	p2 =	slt.u32 s8, $0xFFFFF086  }
0x1c: {  	p1 =	slt.u32 s9, $0xF7A;
	s5 =	simm.s32 @!p2 $0x0  }
0x1d: {  	s5 =	simm.s32 @p1 $0x1;
	p0 =	seq.s32 s7, s2  }
0x1e: {  	s7 =	smul.u32 @!p0 $0xF7A, s2;
	p2 =	seq.s32 @!p0 s5, $0x0  }
0x1f: {  	s9 =	smul.u32 $0xF7A, s1;
	s8 =	simm.s32 @!p0 $0x1BF5;
	p2 =	por !p2, p0  }
0x20: {  	[sflag:s8] =	ssyncset.s32 @!p0 $0xFFFFF086;
	s6 =	sadd.s32 @!p0 s3, s7;
	s7 =	simm.s32 @!p0 $0x108  }
0x21: {  	s3 =	sadd.s32 s3, s9;
	s6 =	sadd.s32 @!p0 $0x88, s6;
	s7 =	simm.s32 @p2 $0x1082  }
0x22: {  	[simem:s7], [sflag:s8] =	dma.local @!p0 [hbm:s6], $0xF7A  }
0x23: {  	s9 =	sor.u32 $0xD0000000, s2;
	s6 =	simm.s32 $0x108;
	_ =	swait.ge @!p0 [sflag:s8], $0x0  }
0x24: {  	s3 =	sadd.s32 $0x88, s3;
	s6 =	simm.s32 @!p1 $0x1082;
	[sflag:s4] =	ssyncset.s32 $0xFFFFF086  }
0x25: {  	[simem:s6], [sflag:s4] =	dma.local [hbm:s3], $0xF7A  }
0x26: {  	[smem:$0x3F97] =	sst s1;
	(tag) =	ssettag s2;
	_ =	strace s9  }
0x27: {  	s1 =	sld [smem:$0x3FA7]  }
0x28: {  	s2 =	sld [smem:$0x3FA8]  }
0x29: {  	s4 =	sld [smem:$0x3FAA]  }
0x2a: {  	p0 =	seq.s32 s5, $0x0;
	s5 =	sld [smem:$0x3FAB]  }
0x2b: {  	s6 =	sld [smem:$0x3FAC]  }
0x2c: {  	s7 =	sld [smem:$0x3FAD]  }
0x2d: {  	s3 =	simm.s32 $0x108;
	s8 =	sld [smem:$0x3FAE]  }
0x2e: {  	s3 =	simm.s32 @!p0 $0x1082;
	s9 =	sld [smem:$0x3FAF]  }
0x2f: {  	lr =	sadd.s32 s0, s3;
	s0 =	sld [smem:$0x3FA6]  }
0x30: {  	s3 =	sld [smem:$0x3FA9]  }
0x31: {  	[smem:$0x3FB2] =	sst s10  }
0x32: {  	s10 =	sld [smem:$0x3FB0];
	_ =	sdelay $0x3  }
0x33: {  	p0 =	seq.s32 s10, $0x1;
	s10 =	sld [smem:$0x3FB2];
	_ =	sdelay $0x3  }
0x34: {  	[smem:$0x3FB2] =	sst s10  }
0x35: {  	s10 =	sld [smem:$0x3FB1];
	_ =	sdelay $0x3  }
0x36: {  	p1 =	seq.s32 s10, $0x1;
	s10 =	sld [smem:$0x3FB2];
	_ =	sdelay $0x3  }
0x37: {  	[smem:$0x3FB2] =	sst s10  }
0x38: {  	s10 =	sld [smem:$0x3FB3]  }
0x39: {  	_ = 	snop;
	(pc) =	sbr.ind lr, $3  }
0x3a: {  	_ = 	snop  }
0x3b: {  	_ = 	snop  }
0x3c: {  	p2 =	seq.s32 s10, $0x1;
	s10 =	sld [smem:$0x3FB2]  }
0x3d: {  	_ =	shalt  }
0x3e: {  	_ =	shalt  }
0x3f: {  	_ =	shalt  }
0x40: {  	_ =	shalt  }
0x41: {  	_ =	shalt  }
0x42: {  	_ =	shalt  }
0x43: {  	_ =	shalt  }
0x44: {  	_ =	shalt  }
0x45: {  	_ =	shalt  }
0x46: {  	_ =	shalt  }
0x47: {  	_ =	shalt  }
0x48: {  	_ =	shalt  }
0x49: {  	_ =	shalt  }
0x4a: {  	_ =	shalt  }
0x4b: {  	_ =	shalt  }
0x4c: {  	_ =	shalt  }
0x4d: {  	_ =	shalt  }
0x4e: {  	_ =	shalt  }
0x4f: {  	_ =	shalt  }
0x50: {  	_ =	shalt  }
0x51: {  	_ =	shalt  }
0x52: {  	_ =	shalt  }
0x53: {  	_ =	shalt  }
0x54: {  	_ =	shalt  }
0x55: {  	_ =	shalt  }
0x56: {  	_ =	shalt  }
0x57: {  	_ =	shalt  }
0x58: {  	_ =	shalt  }
0x59: {  	_ =	shalt  }
0x5a: {  	_ =	shalt  }
0x5b: {  	_ =	shalt  }
0x5c: {  	_ =	shalt  }
0x5d: {  	_ =	shalt  }
0x5e: {  	_ =	shalt  }
0x5f: {  	_ =	shalt  }
0x60: {  	_ =	shalt  }
0x61: {  	_ =	shalt  }
0x62: {  	_ =	shalt  }
0x63: {  	_ =	shalt  }
0x64: {  	_ =	shalt  }
0x65: {  	_ =	shalt  }
0x66: {  	_ =	shalt  }
0x67: {  	_ =	shalt  }
0x68: {  	_ =	shalt  }
0x69: {  	_ =	shalt  }
0x6a: {  	_ =	shalt  }
0x6b: {  	_ =	shalt  }
0x6c: {  	_ =	shalt  }
0x6d: {  	_ =	shalt  }
0x6e: {  	_ =	shalt  }
0x6f: {  	_ =	shalt  }
0x70: {  	_ =	shalt  }
0x71: {  	_ =	shalt  }
0x72: {  	_ =	shalt  }
0x73: {  	_ =	shalt  }
0x74: {  	_ =	shalt  }
0x75: {  	_ =	shalt  }
0x76: {  	_ =	shalt  }
0x77: {  	_ =	shalt  }
0x78: {  	_ =	shalt  }
0x79: {  	_ =	shalt  }
0x7a: {  	_ =	shalt  }
0x7b: {  	_ =	shalt  }
0x7c: {  	_ =	shalt  }
0x7d: {  	_ =	shalt  }
0x7e: {  	_ =	shalt  }
0x7f: {  	_ =	shalt  }
0x80: {  	_ =	shalt  }
0x81: {  	_ =	shalt  }
0x82: {  	_ =	shalt  }
0x83: {  	_ =	shalt  }
0x84: {  	_ =	shalt  }
0x85: {  	_ =	shalt  }
0x86: {  	_ =	shalt  }
0x87: {  	_ =	shalt  }
.Lfunc_end0:
.L_simem_size_0:
called_computation.2_lowered:
.L_overlay_start_0:
0x88: {  	s2 =	sld [smem:$0x3FD9]  }
0x89: {  	s3 =	sld [smem:$0x3FFE];
	_ =	sdelay $0x1  }
0x8a: {  	s1 =	srdreg.scid  }
0x8b: {  	s0 =	sand.u32 $0x1, s1  }
0x8c: {  	s17 =	sshll.u32 s0, $0xA;
	s2 =	sadd.s32 s3, s2  }
0x8d: {  	s2 =	sadd.s32 s2, s17  }
0x8e: {  	[smem:$0x3FBE] =	sst s2  }
0x8f: {  	_ = 	snop  }
0x90: {  	s2 =	sld [smem:$0x3FD0];
	(tm) =	ssettm $0x1  }
0x91: {  	s18 =	sld [smem:$0x3FFB];
	_ =	sdelay $0x3  }
0x92: {  	_ =	strace s18  }
0x93: {  	s3 =	sld [smem:$0x3FFC];
	_ =	sdelay $0x3  }
0x94: {  	_ =	strace s3  }
0x95: {  	s3 =	sld [smem:$0x3FFD];
	_ =	sdelay $0x3  }
0x96: {  	_ =	strace s3  }
0x97: {  	_ =	strace $0x8FFFFFFF  }
0x98: {  	s19 =	sld [smem:$0x3FDB];
	_ =	sdelay $0x1  }
0x99: {  	s4 =	simm.s32 $_scs_section_size  }
0x9a: {  	s5 =	simm.s32 $_size__tile_overlayer_lowered;
	s6 =	simm.s32 $_tile_overlayer_lowered  }
0x9b: {  	s22 =	simm.s32 $0x1BFF;
	s21 =	sshll.u32 s6, $0x1;
	s3 =	sadd.s32 s4, s19  }
0x9c: {  	s7 =	simm.s32 $0x0;
	s20 =	sshll.u32 s5, $0x1;
	s5 =	sadd.s32 s21, s3  }
0x9d: {  	[timem:s7], [sflag:s22] =	dma.local [hbm:s5], s20  }
0x9e: {  	_ =	swait.ge [sflag:s22], s20  }
0x9f: {  	s4 =	ssub.s32 $0x0, s20;
	[sflag:s22] =	ssyncset.done $0x0  }
0xa0: {  	[sflag:s22] =	ssyncadd.s32 s4;
	_ =	sdelay $0x1  }
0xa1: {  	s23 =	simm.s32 $0x1B8B  }
0xa2: {  	_ =	swait.ge [sflag:s23], $0x1  }
0xa3: {  	[sflag:s23] =	ssyncset.done $0x0  }
0xa4: {  	s25 =	simm.s32 $0x1B8E;
	s24 =	sld [smem:$0x3FFE];
	[sflag:s23] =	ssyncadd.s32 $0xFFFFFFFF  }
0xa5: {  	s26 =	simm.s32 $execute0_lowered;
	[smem:$0x3FD2] =	sst s25  }
0xa6: {  	s5 =	sshll.u32 s26, $0x1;
	_ =	strace $0x8000004C;
	[dreg:$0x1] =	wrdreg $0xFFFFFFFF  }
0xa7: {  	s28 =	simm.s32 $_size_execute0_lowered;
	s3 =	sadd.s32 s3, s5;
	[dreg:$0x0] =	wrdreg $0x0  }
0xa8: {  	s5 =	sshll.u32 s28, $0x1;
	[dreg:$0x2] =	wrdreg s3  }
0xa9: {  	[dreg:$0x3] =	wrdreg s5  }
0xaa: {  	[dreg:$0x4] =	wrdreg $0xC0  }
0xab: {  	_ =	task [dreg:s7], $0x5FFFF  }
0xac: {  	[dreg:$0x1] =	wrdreg $0xFFFFFFFF  }
0xad: {  	[dreg:$0x0] =	wrdreg $0x60  }
0xae: {  	[dreg:$0x2] =	wrdreg s24  }
0xaf: {  	[dreg:$0x3] =	wrdreg s2  }
0xb0: {  	[dreg:$0x4] =	wrdreg $0x9  }
0xb1: {  	_ =	task.clear_ibuf [dreg:s7], $0x5FFFF;
	_ =	strace $0x9000004C  }
0xb2: {  	s29 =	simm.s32 $0x9;
	_ =	strace $0x8000004E  }
0xb3: {  	_ =	swait.ge [sflag:s29], $0x1  }
0xb4: {  	[sflag:s29] =	ssyncadd.s32 $0xFFFFFFFF  }
0xb5: {  	_ =	strace $0x9000004E  }
0xb6: {  	_ =	sfence  }
0xb7: {  	s30 =	sld [smem:$0x0];
	_ =	sdelay $0x2  }
0xb8: {  	s31 =	sshll.u32 s1, $0xD;
	s1 =	sshrl.u32 s1, $0x2  }
0xb9: {  	s3 =	sand.u32 $0x4000, s31;
	s1 =	sadd.s32 s1, s30  }
0xba: {  	s0 =	sor.u32 s3, s0;
	s1 =	sshll.u32 s1, $0x11  }
0xbb: {  	s0 =	sor.u32 s1, s0  }
0xbc: {  	s0 =	sadd.s32 $0x8F2B, s0  }
0xbd: {  	[sflag:s0] =	ssyncadd.remote.s32 $0x1  }
0xbe: {  	_ =	sfence.sel $0xFFFF  }
0xbf: {  	[dreg:$0x0] =	wrdreg $0xFFFFFFFF;
	(pc) =	sbr.abs _section_cstart, $3  }
0xc0: {  	[dreg:$0x1] =	wrdreg $0xFFFFFFFF  }
0xc1: {  	_ =	task.clear_ibuf [dreg:s7], $0x2FFFF;
	_ =	strace $0x9FFFFFFF  }
0xc2: {  	(tm) =	ssettm $0x7FFFFFFF  }
0xc3: {  	_ =	shalt  }
tec
execute0_lowered:
.L_overlay_start_1:
0x0: {  	(tag) =	ssettag $0x1  }
0x1: {  	s8 =	rddreg [dreg:$0x0]  }
0x2: {  	s1 =	rddreg [dreg:$0x1]  }
0x3: {  	s0 =	rddreg [dreg:$0x2];
	s2 =	simm.s32 $0x0  }
0x4: {  	s3 =	srdreg.scid;
	s11 =	simm.s32 $0x6900;
	s12 =	simm.s32 $0x1  }
0x5: {  	s15 =	simm.s32 $0x5100;
	[smem:$0x7FF] =	sst s2;
	s5 =	sand.u32 $0x1, s3  }
0x6: {  	s3 =	stileid.u32;
	s4 =	sadd.s32 $0x2800, s8;
	s6 =	sshll.u32 s5, $0x4  }
0x7: {  	s7 =	sadd.s32 $0x14C600, s8;
	s9 =	ssub.s32 $0x2, s5;
	s6 =	sor.u32 s3, s6  }
0x8: {  	_ =	strace $0x8000004D;
	s10 =	sshrl.u32 s9, $0x1;
	s6 =	smul.u32 $0x51, s6  }
0x9: {  	s5 =	sadd.s32 $0x7800, s8;
	s8 =	sadd.s32 $0xC800, s8;
	s9 =	ssub.s32 s9, s10  }
0xa: {  	s10 =	simm.s32 $0x51;
	s9 =	smax.u32 s9, $0x1;
	s13 =	sadd.s32 $0x10, s6  }
0xb: {  	v5 =	vlaneseq.u32;
	s14 =	sadd.s32 $0x20, s6;
	s16 =	sadd.s32 $0x30, s6;
	s17 =	sadd.s32 $0x40, s6  }
0xc: {  	s18 =	sadd.s32 $0x50, s6;
	v0 =	vadd.s32 s6, v5;
	v1 =	vadd.s32 s13, v5;
	v2 =	vadd.s32 s14, v5;
	s13 =	simm.s32 $0x2880;
	s14 =	simm.s32 $0x80  }
0xd: {  	v3 =	vadd.s32 s16, v5;
	v4 =	vadd.s32 s17, v5;
	v5 =	vadd.s32 s18, v5;
	s16 =	simm.s32 $0x5900;
	s17 =	simm.s32 $0x6100;
	s18 =	simm.s32 $0x0  }
.LBB2_1:
0xe: {  	[tilespmem:$0x6900] =	vst v0  }
0xf: {  	[tilespmem:$0x6910] =	vst v1  }
0x10: {  	[tilespmem:$0x6920] =	vst v2  }
0x11: {  	[tilespmem:$0x6930] =	vst v3  }
0x12: {  	[tilespmem:$0x6940] =	vst v4  }
0x13: {  	[tilespmem:$0x6950] =	vst v5  }
0x14: {  	[tilespmem:s2], [sflag:$0x1] =	stream.indirect.gather [hbm4b:s7+s10], $0x80, s11, s10, $0xb8;
	[tilespmem:$0x6980] =	vst v63  }
0x15: {  	_ =	swait.ge [sflag:s12], $0x2880  }
0x16: {  	[sflag:s12] =	ssyncset.done $0x0  }
0x17: {  	[sflag:s12] =	ssyncadd.s32 $0xFFFFD780  }
0x18: {  	[tilespmem:$0x6900] =	vst v0  }
0x19: {  	[tilespmem:$0x6910] =	vst v1  }
0x1a: {  	[tilespmem:$0x6920] =	vst v2  }
0x1b: {  	[tilespmem:$0x6930] =	vst v3  }
0x1c: {  	[tilespmem:$0x6940] =	vst v4  }
0x1d: {  	[tilespmem:$0x6950] =	vst v5  }
0x1e: {  	[tilespmem:s13], [sflag:$0x1] =	stream.indirect.gather [hbm4b:s1+s10], $0x80, s11, s10, $0xb8;
	[tilespmem:$0x6980] =	vst v63  }
0x1f: {  	_ =	swait.ge [sflag:s12], $0x2880  }
0x20: {  	[sflag:s12] =	ssyncset.done $0x0  }
0x21: {  	s19 =	simm.s32 $0x0;
	[sflag:s12] =	ssyncadd.s32 $0xFFFFD780  }
.LBB2_2:
0x22: {  	s20 =	sshll.u32 s19, $0x7  }
0x23: {  	[tilespmem:s15], [sflag:$0x1] =	stream.indirect.gather [hbm4b:s4+s14], $0x10, s20, s14, $0xb8;
	[tilespmem:$0x6980] =	vst v63  }
0x24: {  	_ =	swait.ge [sflag:s12], $0x800  }
0x25: {  	[sflag:s12] =	ssyncset.done $0x0  }
0x26: {  	s20 =	sadd.s32 $0x2880, s20;
	[sflag:s12] =	ssyncadd.s32 $0xFFFFF800  }
0x27: {  	[tilespmem:s16], [sflag:$0x1] =	stream.indirect.gather [hbm4b:s5+s14], $0x10, s20, s14, $0xb8;
	[tilespmem:$0x6980] =	vst v63  }
0x28: {  	_ =	swait.ge [sflag:s12], $0x800  }
0x29: {  	[sflag:s12] =	ssyncset.done $0x0  }
0x2a: {  	s20 =	simm.s32 $0x0;
	[sflag:s12] =	ssyncadd.s32 $0xFFFFF800  }
0x2b: {  	v6 =	vld [tilespmem:s20+$0x5100]  }
0x2c: {  	s21 =	simm.s32 $0x40;
	v7 =	vld [tilespmem:s20+$0x5900]  }
.LBB2_3:
0x2d: {  	_ = 	snop  }
0x2e: {  	p0 =	sne.s32 s21, $0x1FC0  }
.Ltmp0:
0x2f: {  	_ = 	snop;
	(pc) =	sbr.rel @p0 .LBB2_3-.Ltmp0, $4  }
0x30: {  	_ = 	snop  }
0x31: {  	s22 =	sshra.s32 s21, $0x2;
	v8 =	vadd.f32 v7, v6  }
0x32: {  	v6 =	vld [tilespmem:s22+$0x5100]  }
0x33: {  	s21 =	sadd.s32 $0x40, s21;
	v7 =	vld [tilespmem:s22+$0x5900];
	[tilespmem:s20+$0x6100] =	vst v8;
	s20 =	smov.u32 s22  }
0x34: {  	_ =	sdelay $0x3  }
0x35: {  	s21 =	sadd.s32 s6, s19;
	s19 =	sadd.s32 $0x1, s19;
	v6 =	vadd.f32 v7, v6  }
0x36: {  	s21 =	sshll.u32 s21, $0x8;
	p0 =	sne.s32 s19, $0x51  }
.Ltmp1:
0x37: {  	s31 =	sadd.s32 s8, s21;
	[tilespmem:s20+$0x6100] =	vst v6;
	(pc) =	sbr.rel @p0 .LBB2_2-.Ltmp1, $4  }
0x38: {  	[hbm4b:s31+s2] =	stream.linear.scatter [tilespmem:s17], [sflag:$0x1], $0x800, $0x38;
	[tilespmem:$0x6980] =	vst v63  }
0x39: {  	_ =	swait.ge [sflag:s12], $0x800  }
0x3a: {  	[sflag:s12] =	ssyncset.done $0x0  }
0x3b: {  	[sflag:s12] =	ssyncadd.s32 $0xFFFFF800  }
0x3c: {  	s18 =	sadd.s32 $0x1, s18  }
0x3d: {  	p0 =	sne.s32 s18, s9  }
.Ltmp2:
0x3e: {  	_ = 	snop;
	(pc) =	sbr.rel @p0 .LBB2_1-.Ltmp2, $1  }
0x3f: {  	_ =	sdelay $0x3  }
0x40: {  	_ =	sfence.sel $0x180000  }
0x41: {  	[bflag:$0x0] =	sbarrier.arrive $0xFFFF  }
0x42: {  	p0 =	sne.s32 s3, $0x0;
	_ =	strace $0x9000004D  }
0x43: {  	s0 =	sadd.s32 @!p0 $0x100000, s0;
	[bflag:$0x2] =	sbarrier.arrive $0xFFFF  }
0x44: {  	[sflag:s0] =	ssyncadd.tile.s32 @!p0 $0x1;
	_ =	shalt  }
.Lfunc_end2:
_tile_overlayer_lowered:
.L_overlay_start_2:
0x45: {  	(tag) =	ssettag $0x2  }
0x46: {  	s0 =	rddreg [dreg:$0x0];
	s2 =	stileid.u32  }
0x47: {  	s1 =	rddreg [dreg:$0x1];
	p0 =	sne.s32 s2, $0x0  }
0x48: {  	s3 =	rddreg [dreg:$0x2];
	[bflag:$0x3] =	sbarrier.arrive $0xFFFF;
	s2 =	simm.s32 @!p0 $0x1C01  }
0x49: {  	[timem:s3], [sflag:s2] =	dma.local @!p0 [hbm:s0], s1  }
0x4a: {  	s0 =	simm.s32 @!p0 $0x1  }
0x4b: {  	_ =	swait.ge @!p0 [sflag:s0], s1  }
0x4c: {  	s1 =	ssub.s32 @!p0 $0x0, s1;
	[sflag:s0] =	ssyncset.done @!p0 $0x0  }
0x4d: {  	[sflag:s0] =	ssyncadd.s32 @!p0 s1  }
0x4e: {  	[bflag:$0x3] =	sbarrier.arrive $0xFFFF  }
0x4f: {  	_ =	shalt  }

// kernel: kernel.20.cloned.1.call-start
scs
__scs_entry_jumppad:
0x0: {  	(pc) =	sbr.rel $0x88, $3  }
0x1: {  	(tag) =	ssettag $0x0;
	lr =	simm.s32 $0x1  }
0x2: {  	[smem:$0x3F97] =	sst lr;
	_ =	strace $0xD0000000  }
0x3: {  	_ = 	snop  }
0x4: {  	_ = 	snop  }
0x5: {  	_ = 	snop  }
0x6: {  	_ = 	snop  }
0x7: {  	_ = 	snop  }
__scs_overlays_trampoline_lowered:
0x8: {  	[smem:$0x3FA6] =	sst s0  }
0x9: {  	[smem:$0x3FA7] =	sst s1  }
0xa: {  	[smem:$0x3FA8] =	sst s2  }
0xb: {  	[smem:$0x3FA9] =	sst s3  }
0xc: {  	[smem:$0x3FAA] =	sst s4  }
0xd: {  	[smem:$0x3FAB] =	sst s5  }
0xe: {  	[smem:$0x3FAC] =	sst s6  }
0xf: {  	[smem:$0x3FAD] =	sst s7  }
0x10: {  	[smem:$0x3FAE] =	sst s8  }
0x11: {  	[smem:$0x3FAF] =	sst s9;
	s0 =	simm.s32 @!p0 $0x0  }
0x12: {  	s1 =	sld [smem:$0x3F95];
	s0 =	simm.s32 @p0 $0x1  }
0x13: {  	[smem:$0x3FB0] =	sst s0;
	s0 =	simm.s32 @!p1 $0x0  }
0x14: {  	s2 =	sld [smem:$0x3F94];
	s0 =	simm.s32 @p1 $0x1  }
0x15: {  	[smem:$0x3FB1] =	sst s0;
	s0 =	simm.s32 @!p2 $0x0  }
0x16: {  	s3 =	sld [smem:$0x3FDB];
	s0 =	simm.s32 @p2 $0x1  }
0x17: {  	s4 =	simm.s32 $0x1BF5;
	[smem:$0x3FB3] =	sst s0  }
0x18: {  	s0 =	sld [smem:$0x3F96];
	_ =	swait.ge [sflag:s4], $0x0  }
0x19: {  	s7 =	sld [smem:$0x3F97]  }
0x1a: {  	s8 =	sadd.s32 $0xFFFFE003, lr  }
0x1b: {  	s9 =	sadd.s32 $0xFFFFFEF7, lr;
	s5 =	simm.s32 $0xFFFFFFFF;
	p2 =	slt.u32 s8, $0xFFFFF086  }
0x1c: {  	p1 =	slt.u32 s9, $0xF7A;
	s5 =	simm.s32 @!p2 $0x0  }
0x1d: {  	s5 =	simm.s32 @p1 $0x1;
	p0 =	seq.s32 s7, s2  }
0x1e: {  	s7 =	smul.u32 @!p0 $0xF7A, s2;
	p2 =	seq.s32 @!p0 s5, $0x0  }
0x1f: {  	s9 =	smul.u32 $0xF7A, s1;
	s8 =	simm.s32 @!p0 $0x1BF5;
	p2 =	por !p2, p0  }
0x20: {  	[sflag:s8] =	ssyncset.s32 @!p0 $0xFFFFF086;
	s6 =	sadd.s32 @!p0 s3, s7;
	s7 =	simm.s32 @!p0 $0x108  }
0x21: {  	s3 =	sadd.s32 s3, s9;
	s6 =	sadd.s32 @!p0 $0x88, s6;
	s7 =	simm.s32 @p2 $0x1082  }
0x22: {  	[simem:s7], [sflag:s8] =	dma.local @!p0 [hbm:s6], $0xF7A  }
0x23: {  	s9 =	sor.u32 $0xD0000000, s2;
	s6 =	simm.s32 $0x108;
	_ =	swait.ge @!p0 [sflag:s8], $0x0  }
0x24: {  	s3 =	sadd.s32 $0x88, s3;
	s6 =	simm.s32 @!p1 $0x1082;
	[sflag:s4] =	ssyncset.s32 $0xFFFFF086  }
0x25: {  	[simem:s6], [sflag:s4] =	dma.local [hbm:s3], $0xF7A  }
0x26: {  	[smem:$0x3F97] =	sst s1;
	(tag) =	ssettag s2;
	_ =	strace s9  }
0x27: {  	s1 =	sld [smem:$0x3FA7]  }
0x28: {  	s2 =	sld [smem:$0x3FA8]  }
0x29: {  	s4 =	sld [smem:$0x3FAA]  }
0x2a: {  	p0 =	seq.s32 s5, $0x0;
	s5 =	sld [smem:$0x3FAB]  }
0x2b: {  	s6 =	sld [smem:$0x3FAC]  }
0x2c: {  	s7 =	sld [smem:$0x3FAD]  }
0x2d: {  	s3 =	simm.s32 $0x108;
	s8 =	sld [smem:$0x3FAE]  }
0x2e: {  	s3 =	simm.s32 @!p0 $0x1082;
	s9 =	sld [smem:$0x3FAF]  }
0x2f: {  	lr =	sadd.s32 s0, s3;
	s0 =	sld [smem:$0x3FA6]  }
0x30: {  	s3 =	sld [smem:$0x3FA9]  }
0x31: {  	[smem:$0x3FB2] =	sst s10  }
0x32: {  	s10 =	sld [smem:$0x3FB0];
	_ =	sdelay $0x3  }
0x33: {  	p0 =	seq.s32 s10, $0x1;
	s10 =	sld [smem:$0x3FB2];
	_ =	sdelay $0x3  }
0x34: {  	[smem:$0x3FB2] =	sst s10  }
0x35: {  	s10 =	sld [smem:$0x3FB1];
	_ =	sdelay $0x3  }
0x36: {  	p1 =	seq.s32 s10, $0x1;
	s10 =	sld [smem:$0x3FB2];
	_ =	sdelay $0x3  }
0x37: {  	[smem:$0x3FB2] =	sst s10  }
0x38: {  	s10 =	sld [smem:$0x3FB3]  }
0x39: {  	_ = 	snop;
	(pc) =	sbr.ind lr, $3  }
0x3a: {  	_ = 	snop  }
0x3b: {  	_ = 	snop  }
0x3c: {  	p2 =	seq.s32 s10, $0x1;
	s10 =	sld [smem:$0x3FB2]  }
0x3d: {  	_ =	shalt  }
0x3e: {  	_ =	shalt  }
0x3f: {  	_ =	shalt  }
0x40: {  	_ =	shalt  }
0x41: {  	_ =	shalt  }
0x42: {  	_ =	shalt  }
0x43: {  	_ =	shalt  }
0x44: {  	_ =	shalt  }
0x45: {  	_ =	shalt  }
0x46: {  	_ =	shalt  }
0x47: {  	_ =	shalt  }
0x48: {  	_ =	shalt  }
0x49: {  	_ =	shalt  }
0x4a: {  	_ =	shalt  }
0x4b: {  	_ =	shalt  }
0x4c: {  	_ =	shalt  }
0x4d: {  	_ =	shalt  }
0x4e: {  	_ =	shalt  }
0x4f: {  	_ =	shalt  }
0x50: {  	_ =	shalt  }
0x51: {  	_ =	shalt  }
0x52: {  	_ =	shalt  }
0x53: {  	_ =	shalt  }
0x54: {  	_ =	shalt  }
0x55: {  	_ =	shalt  }
0x56: {  	_ =	shalt  }
0x57: {  	_ =	shalt  }
0x58: {  	_ =	shalt  }
0x59: {  	_ =	shalt  }
0x5a: {  	_ =	shalt  }
0x5b: {  	_ =	shalt  }
0x5c: {  	_ =	shalt  }
0x5d: {  	_ =	shalt  }
0x5e: {  	_ =	shalt  }
0x5f: {  	_ =	shalt  }
0x60: {  	_ =	shalt  }
0x61: {  	_ =	shalt  }
0x62: {  	_ =	shalt  }
0x63: {  	_ =	shalt  }
0x64: {  	_ =	shalt  }
0x65: {  	_ =	shalt  }
0x66: {  	_ =	shalt  }
0x67: {  	_ =	shalt  }
0x68: {  	_ =	shalt  }
0x69: {  	_ =	shalt  }
0x6a: {  	_ =	shalt  }
0x6b: {  	_ =	shalt  }
0x6c: {  	_ =	shalt  }
0x6d: {  	_ =	shalt  }
0x6e: {  	_ =	shalt  }
0x6f: {  	_ =	shalt  }
0x70: {  	_ =	shalt  }
0x71: {  	_ =	shalt  }
0x72: {  	_ =	shalt  }
0x73: {  	_ =	shalt  }
0x74: {  	_ =	shalt  }
0x75: {  	_ =	shalt  }
0x76: {  	_ =	shalt  }
0x77: {  	_ =	shalt  }
0x78: {  	_ =	shalt  }
0x79: {  	_ =	shalt  }
0x7a: {  	_ =	shalt  }
0x7b: {  	_ =	shalt  }
0x7c: {  	_ =	shalt  }
0x7d: {  	_ =	shalt  }
0x7e: {  	_ =	shalt  }
0x7f: {  	_ =	shalt  }
0x80: {  	_ =	shalt  }
0x81: {  	_ =	shalt  }
0x82: {  	_ =	shalt  }
0x83: {  	_ =	shalt  }
0x84: {  	_ =	shalt  }
0x85: {  	_ =	shalt  }
0x86: {  	_ =	shalt  }
0x87: {  	_ =	shalt  }
.Lfunc_end0:
.L_simem_size_0:
called_computation.3_lowered:
.L_overlay_start_0:
0x88: {  	s2 =	sld [smem:$0x3FD9]  }
0x89: {  	s3 =	sld [smem:$0x3FFE];
	_ =	sdelay $0x1  }
0x8a: {  	s1 =	srdreg.scid  }
0x8b: {  	s0 =	sand.u32 $0x1, s1  }
0x8c: {  	s17 =	sshll.u32 s0, $0xA;
	s2 =	sadd.s32 s3, s2  }
0x8d: {  	s2 =	sadd.s32 s2, s17  }
0x8e: {  	[smem:$0x3FBE] =	sst s2  }
0x8f: {  	_ = 	snop  }
0x90: {  	s2 =	sld [smem:$0x3FD0];
	(tm) =	ssettm $0x1  }
0x91: {  	s18 =	sld [smem:$0x3FFB];
	_ =	sdelay $0x3  }
0x92: {  	_ =	strace s18  }
0x93: {  	s3 =	sld [smem:$0x3FFC];
	_ =	sdelay $0x3  }
0x94: {  	_ =	strace s3  }
0x95: {  	s3 =	sld [smem:$0x3FFD];
	_ =	sdelay $0x3  }
0x96: {  	_ =	strace s3  }
0x97: {  	_ =	strace $0x8FFFFFFF  }
0x98: {  	s19 =	sld [smem:$0x3FDB];
	_ =	sdelay $0x1  }
0x99: {  	s4 =	simm.s32 $_scs_section_size  }
0x9a: {  	s5 =	simm.s32 $_size__tile_overlayer_lowered;
	s6 =	simm.s32 $_tile_overlayer_lowered  }
0x9b: {  	s22 =	simm.s32 $0x1BFF;
	s21 =	sshll.u32 s6, $0x1;
	s3 =	sadd.s32 s4, s19  }
0x9c: {  	s7 =	simm.s32 $0x0;
	s20 =	sshll.u32 s5, $0x1;
	s5 =	sadd.s32 s21, s3  }
0x9d: {  	[timem:s7], [sflag:s22] =	dma.local [hbm:s5], s20  }
0x9e: {  	_ =	swait.ge [sflag:s22], s20  }
0x9f: {  	s4 =	ssub.s32 $0x0, s20;
	[sflag:s22] =	ssyncset.done $0x0  }
0xa0: {  	[sflag:s22] =	ssyncadd.s32 s4;
	_ =	sdelay $0x1  }
0xa1: {  	s23 =	simm.s32 $0x1B8B  }
0xa2: {  	_ =	swait.ge [sflag:s23], $0x1  }
0xa3: {  	[sflag:s23] =	ssyncset.done $0x0  }
0xa4: {  	s25 =	simm.s32 $0x1B8E;
	s24 =	sld [smem:$0x3FFE];
	[sflag:s23] =	ssyncadd.s32 $0xFFFFFFFF  }
0xa5: {  	s26 =	simm.s32 $execute0_lowered;
	[smem:$0x3FD2] =	sst s25  }
0xa6: {  	s5 =	sshll.u32 s26, $0x1;
	_ =	strace $0x8000004F;
	[dreg:$0x1] =	wrdreg $0xFFFFFFFF  }
0xa7: {  	s28 =	simm.s32 $_size_execute0_lowered;
	s3 =	sadd.s32 s3, s5;
	[dreg:$0x0] =	wrdreg $0x0  }
0xa8: {  	s5 =	sshll.u32 s28, $0x1;
	[dreg:$0x2] =	wrdreg s3  }
0xa9: {  	[dreg:$0x3] =	wrdreg s5  }
0xaa: {  	[dreg:$0x4] =	wrdreg $0xC0  }
0xab: {  	_ =	task [dreg:s7], $0x5FFFF  }
0xac: {  	[dreg:$0x1] =	wrdreg $0xFFFFFFFF  }
0xad: {  	[dreg:$0x0] =	wrdreg $0x60  }
0xae: {  	[dreg:$0x2] =	wrdreg s24  }
0xaf: {  	[dreg:$0x3] =	wrdreg s2  }
0xb0: {  	[dreg:$0x4] =	wrdreg $0x0  }
0xb1: {  	[dreg:$0x5] =	wrdreg $0x28000  }
0xb2: {  	[dreg:$0x6] =	wrdreg $0x9  }
0xb3: {  	_ =	task.clear_ibuf [dreg:s7], $0x7FFFF;
	_ =	strace $0x9000004F  }
0xb4: {  	s29 =	simm.s32 $0x9;
	_ =	strace $0x80000051  }
0xb5: {  	_ =	swait.ge [sflag:s29], $0x1  }
0xb6: {  	[sflag:s29] =	ssyncadd.s32 $0xFFFFFFFF  }
0xb7: {  	_ =	strace $0x90000051  }
0xb8: {  	_ =	sfence  }
0xb9: {  	s30 =	sld [smem:$0x0];
	_ =	sdelay $0x2  }
0xba: {  	s31 =	sshll.u32 s1, $0xD;
	s1 =	sshrl.u32 s1, $0x2  }
0xbb: {  	s3 =	sand.u32 $0x4000, s31;
	s1 =	sadd.s32 s1, s30  }
0xbc: {  	s0 =	sor.u32 s3, s0;
	s1 =	sshll.u32 s1, $0x11  }
0xbd: {  	s0 =	sor.u32 s1, s0  }
0xbe: {  	s0 =	sadd.s32 $0x8F2B, s0  }
0xbf: {  	[sflag:s0] =	ssyncadd.remote.s32 $0x1  }
0xc0: {  	_ =	sfence.sel $0xFFFF  }
0xc1: {  	[dreg:$0x0] =	wrdreg $0xFFFFFFFF;
	(pc) =	sbr.abs _section_cstart, $3  }
0xc2: {  	[dreg:$0x1] =	wrdreg $0xFFFFFFFF  }
0xc3: {  	_ =	task.clear_ibuf [dreg:s7], $0x2FFFF;
	_ =	strace $0x9FFFFFFF  }
0xc4: {  	(tm) =	ssettm $0x7FFFFFFF  }
0xc5: {  	_ =	shalt  }
tec
execute0_lowered:
.L_overlay_start_1:
0x0: {  	(tag) =	ssettag $0x1  }
0x1: {  	s0 =	rddreg [dreg:$0x0]  }
0x2: {  	s1 =	rddreg [dreg:$0x1]  }
0x3: {  	s2 =	rddreg [dreg:$0x2]  }
0x4: {  	s3 =	rddreg [dreg:$0x3];
	s5 =	simm.s32 $0x0;
	s25 =	stileid.u32  }
0x5: {  	s4 =	srdreg.scid;
	[smem:$0x7FF] =	sst s5  }
0x6: {  	s6 =	sadd.s32 $0xAE800, s0;
	s7 =	sadd.s32 $0x2800, s0;
	s8 =	smul.u32 $0xA000, s25  }
0x7: {  	s9 =	sadd.s32 $0x14C600, s0;
	s4 =	sand.u32 $0x1, s4;
	s11 =	smul.u32 $0x280, s25  }
0x8: {  	s10 =	sadd.s32 $0xA4800, s0;
	s14 =	smul.u32 $0x7800, s25;
	s18 =	sshll.u32 s25, $0x6  }
0x9: {  	s22 =	smul.u32 $0x1E000, s25;
	_ =	strace $0x80000050;
	[dreg:$0x5] =	wrdreg s9  }
0xa: {  	s9 =	sadd.s32 $0x2600, s0;
	s12 =	smul.u32 $0x78000, s4;
	s13 =	ssub.s32 $0x2, s4  }
0xb: {  	s0 =	sadd.s32 $0xBD800, s0;
	s4 =	sshll.u32 s4, $0x4;
	s11 =	sadd.s32 $0x80, s11  }
0xc: {  	s15 =	sshrl.u32 s13, $0x1;
	s8 =	sshrl.u32 s8, $0x2;
	s20 =	sadd.s32 $0x4800, s14  }
0xd: {  	s21 =	sadd.s32 $0x6000, s14;
	s4 =	sor.u32 s25, s4;
	s24 =	sshrl.u32 s22, $0x2  }
0xe: {  	s19 =	smul.u32 $0x30, s11;
	s13 =	ssub.s32 s13, s15;
	s28 =	sadd.s32 s12, s14  }
0xf: {  	s11 =	smul.u32 $0xC0, s11;
	s17 =	sadd.s32 s12, s20;
	s15 =	sshrl.u32 s28, $0x3  }
0x10: {  	s17 =	sshrl.u32 s17, $0x3;
	s26 =	smax.u32 s13, $0x1;
	s28 =	sadd.s32 $0xC000, s22  }
0x11: {  	s13 =	sadd.s32 s14, s3;
	s16 =	sadd.s32 s12, s19;
	s15 =	sadd.s32 s0, s15  }
0x12: {  	s17 =	sadd.s32 s0, s17;
	s23 =	sshrl.u32 s11, $0x2;
	[dreg:$0xb] =	wrdreg s26  }
0x13: {  	s31 =	sshrl.u32 s13, $0x3;
	s13 =	simm.s32 $0x80;
	[dreg:$0x6] =	wrdreg s15  }
0x14: {  	s29 =	sshrl.u32 s16, $0x3;
	[dreg:$0x9] =	wrdreg s17;
	s17 =	sor.u32 $0x1C01, s18  }
0x15: {  	s18 =	smul.u32 $0x51, s4;
	s4 =	sadd.s32 s24, s3;
	s15 =	sadd.s32 s0, s29  }
0x16: {  	s29 =	sadd.s32 $0x12000, s22;
	s4 =	sshrl.u32 s4, $0x3;
	[dreg:$0x7] =	wrdreg s15  }
0x17: {  	s15 =	sadd.s32 $0x3000, s14;
	s11 =	sshrl.u32 s29, $0x2;
	s14 =	sadd.s32 s19, s3  }
0x18: {  	[dreg:$0x10] =	wrdreg s4;
	s30 =	sadd.s32 s12, s15;
	s12 =	sadd.s32 s12, s21  }
0x19: {  	s11 =	sadd.s32 s11, s3;
	s15 =	sadd.s32 s15, s3;
	s21 =	sadd.s32 s21, s3  }
0x1a: {  	s16 =	sshrl.u32 s30, $0x3;
	s12 =	sshrl.u32 s12, $0x3;
	s30 =	smul.u32 $0xA200, s25  }
0x1b: {  	s4 =	sshrl.u32 s15, $0x3;
	s16 =	sadd.s32 s0, s16;
	s0 =	sadd.s32 s0, s12  }
0x1c: {  	s12 =	sadd.s32 $0x18000, s22;
	s22 =	sadd.s32 s20, s3;
	[dreg:$0x8] =	wrdreg s16  }
0x1d: {  	[dreg:$0xa] =	wrdreg s0;
	s16 =	sadd.s32 s8, s2;
	s0 =	sadd.s32 s23, s3  }
0x1e: {  	s8 =	sshrl.u32 s28, $0x2;
	s12 =	sshrl.u32 s12, $0x2;
	s20 =	sadd.s32 s30, s7  }
0x1f: {  	s8 =	sadd.s32 s8, s3;
	s12 =	sadd.s32 s12, s3;
	s23 =	sadd.s32 $0x800, s16  }
0x20: {  	s26 =	sadd.s32 $0x1000, s16;
	s28 =	sadd.s32 $0x1800, s16;
	s0 =	sshrl.u32 s0, $0x3  }
0x21: {  	s24 =	sshrl.u32 s23, $0x3;
	s19 =	sshrl.u32 s26, $0x3;
	[dreg:$0x11] =	wrdreg s0  }
0x22: {  	s29 =	sshrl.u32 s28, $0x3;
	s23 =	sshrl.u32 s8, $0x3;
	[dreg:$0xc] =	wrdreg s24  }
0x23: {  	s26 =	sshrl.u32 s12, $0x3;
	s28 =	smul.u32 $0xA2, s25;
	[dreg:$0xd] =	wrdreg s19  }
0x24: {  	s0 =	sshrl.u32 s14, $0x3;
	s8 =	sshrl.u32 s22, $0x3;
	[dreg:$0xe] =	wrdreg s29  }
0x25: {  	s12 =	simm.s32 $0x1;
	s24 =	sadd.s32 $0x2000, s16;
	[dreg:$0x12] =	wrdreg s23  }
0x26: {  	s14 =	simm.s32 $0x16A00;
	[dreg:$0x14] =	wrdreg s26;
	s30 =	sshrl.u32 s24, $0x3  }
0x27: {  	s24 =	sshrl.u32 s11, $0x3;
	s11 =	sshrl.u32 s21, $0x3;
	s29 =	sadd.s32 $0x10, s28  }
0x28: {  	v16 =	vlaneseq.u32;
	s15 =	sadd.s32 $0x30, s28;
	s19 =	sadd.s32 $0x40, s28;
	s21 =	sadd.s32 $0x50, s28  }
0x29: {  	v17 =	vimm.s32 $0x0;
	s22 =	sadd.s32 $0x60, s28;
	s23 =	sadd.s32 $0x70, s28;
	v0 =	vadd.s32 s28, v16;
	[dreg:$0xf] =	wrdreg s30;
	v1 =	vadd.s32 s29, v16  }
0x2a: {  	s25 =	sadd.s32 $0x90, s28;
	s26 =	sadd.s32 $0xA0, s28;
	[dreg:$0x13] =	wrdreg s24;
	v3 =	vadd.s32 s15, v16;
	v4 =	vadd.s32 s19, v16;
	v5 =	vadd.s32 s21, v16  }
0x2b: {  	s30 =	sadd.s32 $0x20, s28;
	s24 =	sadd.s32 $0x80, s28;
	s28 =	sadd.s32 $0x10, s18;
	v6 =	vadd.s32 s22, v16;
	v7 =	vadd.s32 s23, v16;
	v9 =	vadd.s32 s25, v16  }
0x2c: {  	s29 =	sadd.s32 $0x20, s18;
	s19 =	sadd.s32 $0x40, s18;
	s21 =	sadd.s32 $0x50, s18;
	v10 =	vadd.s32 s26, v16;
	v2 =	vadd.s32 s30, v16;
	v8 =	vadd.s32 s24, v16  }
0x2d: {  	s15 =	simm.s32 $0x51;
	s22 =	simm.s32 $0x14A00;
	s30 =	sadd.s32 $0x30, s18;
	v11 =	vadd.s32 s28, v16;
	v12 =	vadd.s32 s29, v16;
	v14 =	vadd.s32 s19, v16  }
0x2e: {  	s23 =	simm.s32 $0x0;
	s19 =	simm.s32 $0x14200;
	v15 =	vadd.s32 s21, v16;
	s21 =	simm.s32 $0x15200;
	v13 =	vadd.s32 s30, v16;
	v16 =	vadd.s32 s18, v16  }
.LBB2_1:
0x2f: {  	s24 =	sshrl.u32 s16, $0x3  }
0x30: {  	[spmem:s24], [sflag:s17] =	dma.local [hbm:s9], $0x100  }
0x31: {  	_ =	swait.ge [sflag:s12], $0x100  }
0x32: {  	[sflag:s12] =	ssyncset.done $0x0  }
0x33: {  	s28 =	rddreg [dreg:$0xc];
	[sflag:s12] =	ssyncadd.s32 $0xFFFFFF00  }
0x34: {  	[spmem:s28], [sflag:s17] =	dma.local [hbm:s9], $0x100  }
0x35: {  	_ =	swait.ge [sflag:s12], $0x100  }
0x36: {  	[sflag:s12] =	ssyncset.done $0x0  }
0x37: {  	s29 =	rddreg [dreg:$0xd];
	[sflag:s12] =	ssyncadd.s32 $0xFFFFFF00  }
0x38: {  	[spmem:s29], [sflag:s17] =	dma.local [hbm:s9], $0x100  }
0x39: {  	_ =	swait.ge [sflag:s12], $0x100  }
0x3a: {  	[sflag:s12] =	ssyncset.done $0x0  }
0x3b: {  	s30 =	rddreg [dreg:$0xe];
	[sflag:s12] =	ssyncadd.s32 $0xFFFFFF00  }
0x3c: {  	[spmem:s30], [sflag:s17] =	dma.local [hbm:s9], $0x100  }
0x3d: {  	_ =	swait.ge [sflag:s12], $0x100  }
0x3e: {  	[sflag:s12] =	ssyncset.done $0x0  }
0x3f: {  	s25 =	rddreg [dreg:$0xf];
	[sflag:s12] =	ssyncadd.s32 $0xFFFFFF00  }
0x40: {  	[spmem:s25], [sflag:s17] =	dma.local [hbm:s9], $0x100  }
0x41: {  	_ =	swait.ge [sflag:s12], $0x100  }
0x42: {  	[sflag:s12] =	ssyncset.done $0x0  }
0x43: {  	s26 =	rddreg [dreg:$0x10];
	[sflag:s12] =	ssyncadd.s32 $0xFFFFFF00  }
0x44: {  	[spmem:s26], [sflag:s17] =	dma.local [hbm:s10], $0x300  }
0x45: {  	_ =	swait.ge [sflag:s12], $0x300  }
0x46: {  	[sflag:s12] =	ssyncset.done $0x0  }
0x47: {  	s28 =	rddreg [dreg:$0x11];
	[sflag:s12] =	ssyncadd.s32 $0xFFFFFD00  }
0x48: {  	[spmem:s28], [sflag:s17] =	dma.local [hbm:s10], $0x300  }
0x49: {  	_ =	swait.ge [sflag:s12], $0x300  }
0x4a: {  	[sflag:s12] =	ssyncset.done $0x0  }
0x4b: {  	s29 =	rddreg [dreg:$0x12];
	[sflag:s12] =	ssyncadd.s32 $0xFFFFFD00  }
0x4c: {  	[spmem:s29], [sflag:s17] =	dma.local [hbm:s10], $0x300  }
0x4d: {  	_ =	swait.ge [sflag:s12], $0x300  }
0x4e: {  	[sflag:s12] =	ssyncset.done $0x0  }
0x4f: {  	s30 =	rddreg [dreg:$0x13];
	[sflag:s12] =	ssyncadd.s32 $0xFFFFFD00  }
0x50: {  	[spmem:s30], [sflag:s17] =	dma.local [hbm:s10], $0x300  }
0x51: {  	_ =	swait.ge [sflag:s12], $0x300  }
0x52: {  	[sflag:s12] =	ssyncset.done $0x0  }
0x53: {  	s25 =	rddreg [dreg:$0x14];
	[sflag:s12] =	ssyncadd.s32 $0xFFFFFD00  }
0x54: {  	[spmem:s25], [sflag:s17] =	dma.local [hbm:s10], $0x300  }
0x55: {  	_ =	swait.ge [sflag:s12], $0x300  }
0x56: {  	[sflag:s12] =	ssyncset.done $0x0  }
0x57: {  	[sflag:s12] =	ssyncadd.s32 $0xFFFFFD00  }
0x58: {  	[tilespmem:$0x16A00] =	vst v0  }
0x59: {  	[tilespmem:$0x16A10] =	vst v1  }
0x5a: {  	[tilespmem:$0x16A20] =	vst v2  }
0x5b: {  	[tilespmem:$0x16A30] =	vst v3  }
0x5c: {  	[tilespmem:$0x16A40] =	vst v4  }
0x5d: {  	[tilespmem:$0x16A50] =	vst v5  }
0x5e: {  	[tilespmem:$0x16A60] =	vst v6  }
0x5f: {  	s24 =	simm.s32 $0xA000;
	[tilespmem:$0x16A70] =	vst v7  }
0x60: {  	[tilespmem:s24], [sflag:$0x1] =	stream.indirect.gather [hbm4b:s1+s13], $0x80, s14, s13, $0xb8;
	[tilespmem:$0x16AB0] =	vst v63  }
0x61: {  	_ =	swait.ge [sflag:s12], $0x4000  }
0x62: {  	[sflag:s12] =	ssyncset.done $0x0  }
0x63: {  	[sflag:s12] =	ssyncadd.s32 $0xFFFFC000  }
0x64: {  	[tilespmem:$0x16A80] =	vst v8  }
0x65: {  	[tilespmem:$0x16A90] =	vst v9  }
0x66: {  	s26 =	simm.s32 $0x16A80;
	s28 =	simm.s32 $0xE000;
	s25 =	simm.s32 $0x22;
	[tilespmem:$0x16AA0] =	vst v10  }
0x67: {  	[tilespmem:s28], [sflag:$0x1] =	stream.indirect.gather [hbm4b:s1+s25], $0x80, s26, s25, $0xb8;
	[tilespmem:$0x16AB0] =	vst v63  }
0x68: {  	_ =	swait.ge [sflag:s12], $0x1100  }
0x69: {  	[sflag:s12] =	ssyncset.done $0x0  }
0x6a: {  	[sflag:s12] =	ssyncadd.s32 $0xFFFFEF00  }
0x6b: {  	[tilespmem:$0x16A00] =	vst v16  }
0x6c: {  	[tilespmem:$0x16A10] =	vst v11  }
0x6d: {  	[tilespmem:$0x16A20] =	vst v12  }
0x6e: {  	[tilespmem:$0x16A30] =	vst v13  }
0x6f: {  	[tilespmem:$0x16A40] =	vst v14  }
0x70: {  	s28 =	simm.s32 $0xF100;
	s26 =	rddreg [dreg:$0x5];
	[tilespmem:$0x16A50] =	vst v15  }
0x71: {  	[tilespmem:s28], [sflag:$0x1] =	stream.indirect.gather [hbm4b:s26+s15], $0x80, s14, s15, $0xb8;
	[tilespmem:$0x16AB0] =	vst v63  }
0x72: {  	_ =	swait.ge [sflag:s12], $0x2880  }
0x73: {  	[sflag:s12] =	ssyncset.done $0x0  }
0x74: {  	[sflag:s12] =	ssyncadd.s32 $0xFFFFD780  }
0x75: {  	[tilespmem:$0x16A00] =	vst v16  }
0x76: {  	[tilespmem:$0x16A10] =	vst v11  }
0x77: {  	[tilespmem:$0x16A20] =	vst v12  }
0x78: {  	[tilespmem:$0x16A30] =	vst v13  }
0x79: {  	[tilespmem:$0x16A40] =	vst v14  }
0x7a: {  	s29 =	simm.s32 $0x11980;
	[tilespmem:$0x16A50] =	vst v15  }
0x7b: {  	[tilespmem:s29], [sflag:$0x1] =	stream.indirect.gather [hbm4b:s1+s15], $0x80, s14, s15, $0xb8;
	[tilespmem:$0x16AB0] =	vst v63  }
0x7c: {  	_ =	swait.ge [sflag:s12], $0x2880  }
0x7d: {  	[sflag:s12] =	ssyncset.done $0x0  }
0x7e: {  	[sflag:s12] =	ssyncadd.s32 $0xFFFFD780  }
0x7f: {  	s30 =	sadd.s32 $0x0, s20;
	[bflag:$0x0] =	sbarrier.arrive $0xFFFF  }
0x80: {  	[tilespmem:s19], [sflag:$0x1] =	stream.linear.gather [hbm4b:s30+s5], $0x800, $0x38;
	[tilespmem:$0x16AB0] =	vst v63  }
0x81: {  	_ =	swait.ge [sflag:s12], $0x800  }
0x82: {  	[sflag:s12] =	ssyncset.done $0x0  }
0x83: {  	[sflag:s12] =	ssyncadd.s32 $0xFFFFF800  }
0x84: {  	[spmem:s2] =	stream.indirect.scatter.add.f32 [tilespmem:s19], [sflag:$0x1], $0x10, s24, s13, $0xb8;
	[tilespmem:$0x16AB0] =	vst v63  }
0x85: {  	s25 =	simm.s32 $0x100;
	_ =	swait.ge [sflag:s12], $0x800  }
0x86: {  	s26 =	simm.s32 $0x200;
	s24 =	simm.s32 $0xA080;
	[sflag:s12] =	ssyncset.done $0x0  }
.LBB2_2:
0x87: {  	s28 =	sadd.s32 s25, s20  }
0x88: {  	[sflag:s12] =	ssyncadd.s32 $0xFFFFF800;
	s25 =	smov.u32 s26;
	s29 =	sadd.s32 $0x100, s26  }
0x89: {  	[tilespmem:s19], [sflag:$0x1] =	stream.linear.gather [hbm4b:s28+s5], $0x800, $0x38;
	[tilespmem:$0x16AB0] =	vst v63  }
0x8a: {  	p0 =	sne.s32 s26, $0xA100;
	_ =	swait.ge [sflag:s12], $0x800  }
.Ltmp0:
0x8b: {  	[sflag:s12] =	ssyncset.done $0x0;
	(pc) =	sbr.rel @p0 .LBB2_2-.Ltmp0, $4  }
0x8c: {  	[sflag:s12] =	ssyncadd.s32 $0xFFFFF800  }
0x8d: {  	[spmem:s2] =	stream.indirect.scatter.add.f32 [tilespmem:s19], [sflag:$0x1], $0x10, s24, s13, $0xb8;
	[tilespmem:$0x16AB0] =	vst v63  }
0x8e: {  	_ =	swait.ge [sflag:s12], $0x800  }
0x8f: {  	s26 =	smov.u32 s29;
	s24 =	sadd.s32 $0x80, s24;
	[sflag:s12] =	ssyncset.done $0x0  }
0x90: {  	s25 =	sadd.s32 s25, s20;
	[sflag:s12] =	ssyncadd.s32 $0xFFFFF800  }
0x91: {  	[tilespmem:s19], [sflag:$0x1] =	stream.linear.gather [hbm4b:s25+s5], $0x800, $0x38;
	[tilespmem:$0x16AB0] =	vst v63  }
0x92: {  	_ =	swait.ge [sflag:s12], $0x800  }
0x93: {  	[sflag:s12] =	ssyncset.done $0x0  }
0x94: {  	[sflag:s12] =	ssyncadd.s32 $0xFFFFF800  }
0x95: {  	[spmem:s2] =	stream.indirect.scatter.add.f32 [tilespmem:s19], [sflag:$0x1], $0x10, s24, s13, $0xb8;
	[tilespmem:$0x16AB0] =	vst v63  }
0x96: {  	_ =	swait.ge [sflag:s12], $0x800  }
0x97: {  	[sflag:s12] =	ssyncset.done $0x0  }
0x98: {  	[sflag:s12] =	ssyncadd.s32 $0xFFFFF800  }
0x99: {  	s25 =	simm.s32 $0x0;
	s24 =	simm.s32 $0x0;
	[bflag:$0x0] =	sbarrier.arrive $0xFFFF  }
.LBB2_4:
0x9a: {  	s26 =	sshll.u32 s25, $0x7  }
0x9b: {  	s28 =	sadd.s32 $0xF100, s26  }
0x9c: {  	[tilespmem:s21], [sflag:$0x1] =	stream.indirect.gather [hbm4b:s6+s13], $0x30, s28, s13, $0xb8;
	[tilespmem:$0x16AB0] =	vst v63  }
0x9d: {  	s28 =	sadd.s32 s18, s25;
	_ =	swait.ge [sflag:s12], $0x1800  }
0x9e: {  	s28 =	sshll.u32 s28, $0x8;
	[sflag:s12] =	ssyncset.done $0x0  }
0x9f: {  	s28 =	sadd.s32 s7, s28;
	[sflag:s12] =	ssyncadd.s32 $0xFFFFE800  }
0xa0: {  	[tilespmem:s19], [sflag:$0x1] =	stream.linear.gather [hbm4b:s28+s24], $0x800, $0x38;
	[tilespmem:$0x16AB0] =	vst v63  }
0xa1: {  	_ =	swait.ge [sflag:s12], $0x800  }
0xa2: {  	[sflag:s12] =	ssyncset.done $0x0  }
0xa3: {  	s26 =	sadd.s32 $0x11980, s26;
	[sflag:s12] =	ssyncadd.s32 $0xFFFFF800  }
0xa4: {  	[tilespmem:s22], [sflag:$0x1] =	stream.indirect.gather [spmem:s2], $0x10, s26, s13, $0xb8;
	[tilespmem:$0x16AB0] =	vst v63  }
0xa5: {  	_ =	swait.ge [sflag:s12], $0x800  }
0xa6: {  	[sflag:s12] =	ssyncset.done $0x0  }
0xa7: {  	s28 =	simm.s32 $0x0;
	[sflag:s12] =	ssyncadd.s32 $0xFFFFF800  }
0xa8: {  	v18 =	vld [tilespmem:s28+$0x14A00];
	_ =	sdelay $0x4  }
0xa9: {  	v18 =	vadd.f32 $1.000000020e-16, v18;
	_ =	sdelay $0x1  }
0xaa: {  	(erf) = vrcp.f32 v18;
	_ =	sdelay $0x8  }
0xab: {  	v19 =	vpop (erf)  }
0xac: {  	v18 =	vmul.f32 v19, v18  }
0xad: {  	v20 =	vld [tilespmem:s28+$0x14200]  }
0xae: {  	v18 =	vsub.f32 $2.000000000e+00, v18;
	_ =	sdelay $0x1  }
0xaf: {  	s28 =	simm.s32 $0x15220;
	v18 =	vmul.f32 v18, v19  }
0xb0: {  	v19 =	vld [tilespmem:s28+$0xFFFFFFE0]  }
0xb1: {  	v21 =	vld [tilespmem:s28+$0xFFFFFFF0];
	v18 =	vmul.f32 v18, v20  }
0xb2: {  	v63 =	vld [tilespmem:s28+$0x0]  }
0xb3: {  	v18 =	vperm.xlane v18, v17;
	_ =	sdelay $0x1  }
0xb4: {  	v19 =	vmul.f32 v19, v18  }
0xb5: {  	v21 =	vmul.f32 v21, v18  }
0xb6: {  	v18 =	vmul.f32 v63, v18;
	[tilespmem:s28+$0xFFFFFFE0] =	vst v19  }
0xb7: {  	[tilespmem:s28+$0xFFFFFFF0] =	vst v21  }
0xb8: {  	s30 =	simm.s32 $0x10;
	s29 =	simm.s32 $0x80;
	[tilespmem:s28+$0x0] =	vst v18  }
.LBB2_5:
0xb9: {  	p0 =	sne.s32 s29, $0x1FC0;
	v18 =	vld [tilespmem:s30+$0x14A00]  }
0xba: {  	v19 =	vld [tilespmem:s30+$0x14200];
	_ =	sdelay $0x3  }
0xbb: {  	v18 =	vadd.f32 $1.000000020e-16, v18;
	_ =	sdelay $0x1  }
0xbc: {  	(erf) = vrcp.f32 v18;
	_ =	sdelay $0x8  }
0xbd: {  	v20 =	vpop (erf)  }
0xbe: {  	v18 =	vmul.f32 v20, v18;
	_ =	sdelay $0x1  }
0xbf: {  	v18 =	vsub.f32 $2.000000000e+00, v18  }
0xc0: {  	s28 =	sadd.s32 $0x30, s28  }
0xc1: {  	v18 =	vmul.f32 v18, v20;
	v20 =	vld [tilespmem:s28+$0xFFFFFFF0]  }
0xc2: {  	v21 =	vld [tilespmem:s28+$0xFFFFFFE0]  }
0xc3: {  	v18 =	vmul.f32 v18, v19;
	v19 =	vld [tilespmem:s28+$0x0];
	_ =	sdelay $0x1  }
0xc4: {  	v18 =	vperm.xlane v18, v17;
	_ =	sdelay $0x1  }
.Ltmp1:
0xc5: {  	v21 =	vmul.f32 v21, v18;
	v20 =	vmul.f32 v20, v18;
	(pc) =	sbr.rel @p0 .LBB2_5-.Ltmp1, $4  }
0xc6: {  	v18 =	vmul.f32 v19, v18  }
0xc7: {  	[tilespmem:s28+$0xFFFFFFE0] =	vst v21  }
0xc8: {  	[tilespmem:s28+$0xFFFFFFF0] =	vst v20  }
0xc9: {  	s30 =	sshra.s32 s29, $0x2;
	s29 =	sadd.s32 $0x40, s29;
	[tilespmem:s28+$0x0] =	vst v18  }
0xca: {  	v18 =	vld [tilespmem:s30+$0x14A00];
	_ =	sdelay $0x4  }
0xcb: {  	v18 =	vadd.f32 $1.000000020e-16, v18;
	_ =	sdelay $0x1  }
0xcc: {  	(erf) = vrcp.f32 v18;
	_ =	sdelay $0x8  }
0xcd: {  	v19 =	vpop (erf)  }
0xce: {  	v18 =	vmul.f32 v19, v18  }
0xcf: {  	v20 =	vld [tilespmem:s30+$0x14200]  }
0xd0: {  	v18 =	vsub.f32 $2.000000000e+00, v18;
	_ =	sdelay $0x1  }
0xd1: {  	s28 =	sadd.s32 $0x30, s28;
	v18 =	vmul.f32 v18, v19  }
0xd2: {  	v19 =	vld [tilespmem:s28+$0xFFFFFFE0]  }
0xd3: {  	v21 =	vld [tilespmem:s28+$0xFFFFFFF0];
	v18 =	vmul.f32 v18, v20  }
0xd4: {  	v63 =	vld [tilespmem:s28+$0x0]  }
0xd5: {  	v18 =	vperm.xlane v18, v17;
	_ =	sdelay $0x1  }
0xd6: {  	v19 =	vmul.f32 v19, v18  }
0xd7: {  	v21 =	vmul.f32 v21, v18  }
0xd8: {  	s25 =	sadd.s32 $0x1, s25;
	v18 =	vmul.f32 v63, v18;
	[tilespmem:s28+$0xFFFFFFE0] =	vst v19  }
0xd9: {  	p0 =	sne.s32 s25, $0x51;
	[tilespmem:s28+$0xFFFFFFF0] =	vst v21  }
.Ltmp2:
0xda: {  	[tilespmem:s28+$0x0] =	vst v18;
	(pc) =	sbr.rel @p0 .LBB2_4-.Ltmp2, $4  }
0xdb: {  	[spmem:s3] =	stream.indirect.scatter.add.f32 [tilespmem:s21], [sflag:$0x1], $0x30, s26, s13, $0xb8;
	[tilespmem:$0x16AB0] =	vst v63  }
0xdc: {  	_ =	swait.ge [sflag:s12], $0x1800  }
0xdd: {  	[sflag:s12] =	ssyncset.done $0x0  }
0xde: {  	[sflag:s12] =	ssyncadd.s32 $0xFFFFE800  }
0xdf: {  	[bflag:$0x0] =	sbarrier.arrive $0xFFFF  }
0xe0: {  	s24 =	rddreg [dreg:$0x6]  }
0xe1: {  	[hbm:s24], [sflag:s17] =	dma.local [spmem:s31], $0x300  }
0xe2: {  	_ =	swait.ge [sflag:s12], $0x300  }
0xe3: {  	[sflag:s12] =	ssyncset.done $0x0  }
0xe4: {  	s25 =	rddreg [dreg:$0x7];
	[sflag:s12] =	ssyncadd.s32 $0xFFFFFD00  }
0xe5: {  	[hbm:s25], [sflag:s17] =	dma.local [spmem:s0], $0x300  }
0xe6: {  	_ =	swait.ge [sflag:s12], $0x300  }
0xe7: {  	[sflag:s12] =	ssyncset.done $0x0  }
0xe8: {  	s26 =	rddreg [dreg:$0x8];
	[sflag:s12] =	ssyncadd.s32 $0xFFFFFD00  }
0xe9: {  	[hbm:s26], [sflag:s17] =	dma.local [spmem:s4], $0x300  }
0xea: {  	_ =	swait.ge [sflag:s12], $0x300  }
0xeb: {  	[sflag:s12] =	ssyncset.done $0x0  }
0xec: {  	s28 =	rddreg [dreg:$0x9];
	[sflag:s12] =	ssyncadd.s32 $0xFFFFFD00  }
0xed: {  	[hbm:s28], [sflag:s17] =	dma.local [spmem:s8], $0x300  }
0xee: {  	_ =	swait.ge [sflag:s12], $0x300  }
0xef: {  	[sflag:s12] =	ssyncset.done $0x0  }
0xf0: {  	s29 =	rddreg [dreg:$0xa];
	[sflag:s12] =	ssyncadd.s32 $0xFFFFFD00  }
0xf1: {  	[hbm:s29], [sflag:s17] =	dma.local [spmem:s11], $0x300  }
0xf2: {  	_ =	swait.ge [sflag:s12], $0x300  }
0xf3: {  	s23 =	sadd.s32 $0x1, s23;
	s30 =	rddreg [dreg:$0xb]  }
0xf4: {  	p0 =	sne.s32 s23, s30  }
.Ltmp3:
0xf5: {  	_ = 	snop;
	(pc) =	sbr.rel @p0 .LBB2_1-.Ltmp3, $3  }
0xf6: {  	_ =	sdelay $0x1  }
0xf7: {  	[sflag:s12] =	ssyncset.done $0x0  }
0xf8: {  	[sflag:s12] =	ssyncadd.s32 $0xFFFFFD00  }
0xf9: {  	_ =	sfence.sel $0x180000  }
0xfa: {  	[bflag:$0x0] =	sbarrier.arrive $0xFFFF  }
0xfb: {  	_ =	strace $0x90000050  }
0xfc: {  	s0 =	stileid.u32;
	[bflag:$0x2] =	sbarrier.arrive $0xFFFF  }
0xfd: {  	p0 =	sne.s32 s0, $0x0;
	s0 =	rddreg [dreg:$0x4]  }
0xfe: {  	s0 =	sadd.s32 @!p0 $0x100000, s0  }
0xff: {  	[sflag:s0] =	ssyncadd.tile.s32 @!p0 $0x1;
	_ =	shalt  }
.Lfunc_end2:
_tile_overlayer_lowered:
.L_overlay_start_2:
0x100: {  	(tag) =	ssettag $0x2  }
0x101: {  	s0 =	rddreg [dreg:$0x0];
	s2 =	stileid.u32  }
0x102: {  	s1 =	rddreg [dreg:$0x1];
	p0 =	sne.s32 s2, $0x0  }
0x103: {  	s3 =	rddreg [dreg:$0x2];
	[bflag:$0x3] =	sbarrier.arrive $0xFFFF;
	s2 =	simm.s32 @!p0 $0x1C01  }
0x104: {  	[timem:s3], [sflag:s2] =	dma.local @!p0 [hbm:s0], s1  }
0x105: {  	s0 =	simm.s32 @!p0 $0x1  }
0x106: {  	_ =	swait.ge @!p0 [sflag:s0], s1  }
0x107: {  	s1 =	ssub.s32 @!p0 $0x0, s1;
	[sflag:s0] =	ssyncset.done @!p0 $0x0  }
0x108: {  	[sflag:s0] =	ssyncadd.s32 @!p0 s1  }
0x109: {  	[bflag:$0x3] =	sbarrier.arrive $0xFFFF  }
0x10a: {  	_ =	shalt  }

</sc_bundles>
